<compile_context>
chip_gen: v7x
topology: tpu7x:2x2x1
jax: 0.10.2.dev20260603
libtpu: 0.0.44.dev20260713+nightly
codegen_flags: <defaults>
</compile_context>

<pallas_src>
import functools

import jax
import jax.numpy as jnp
from jax import lax
from jax.experimental import pallas as pl
from jax.experimental.pallas import tpu as pltpu
from jax.experimental.pallas import tpu_sc as plsc

N_ROWS = 8192
N_COLS = 2048
NUM_WORKERS = 32
ROWS_PER_WORKER = N_ROWS // NUM_WORKERS
CHUNK_ROWS = 8
NUM_CHUNKS = ROWS_PER_WORKER // CHUNK_ROWS
NBUF = 6


def _sc_multiplex(x0, x1, x2, x3, sel_vec):
    mesh = plsc.VectorSubcoreMesh(core_axis_name="c", subcore_axis_name="s")

    @functools.partial(
        pl.kernel,
        mesh=mesh,
        out_type=jax.ShapeDtypeStruct((N_ROWS, N_COLS), jnp.float32),
        scratch_types=[
            pltpu.VMEM((16,), jnp.int32),
        ]
        + [pltpu.VMEM((CHUNK_ROWS, N_COLS), jnp.float32) for _ in range(NBUF)]
        + [pltpu.SemaphoreType.DMA for _ in range(2 * NBUF)],
    )
    def body(x0_h, x1_h, x2_h, x3_h, sel_h, out_h, sel_v, *bufs_and_sems):
        bufs = bufs_and_sems[:NBUF]
        rsem = bufs_and_sems[NBUF : 2 * NBUF]
        wsem = bufs_and_sems[2 * NBUF : 3 * NBUF]
        wid = lax.axis_index("s") * 2 + lax.axis_index("c")
        base = wid * ROWS_PER_WORKER
        pltpu.sync_copy(sel_h, sel_v)
        s = sel_v[...][0]

        def copy_from(src_h):
            D = 3

            def rd_wait(i):
                b = i % NBUF
                pltpu.make_async_copy(
                    src_h.at[pl.ds(base + i * CHUNK_ROWS, CHUNK_ROWS)],
                    bufs[b], rsem[b]).wait()

            def wr_wait(i):
                b = i % NBUF
                pltpu.make_async_copy(
                    bufs[b],
                    out_h.at[pl.ds(base + i * CHUNK_ROWS, CHUNK_ROWS)],
                    wsem[b]).wait()

            for i in range(NUM_CHUNKS + D):
                if i < NUM_CHUNKS:
                    b = i % NBUF
                    if i >= NBUF:
                        wr_wait(i - NBUF)
                    pltpu.async_copy(
                        src_h.at[pl.ds(base + i * CHUNK_ROWS, CHUNK_ROWS)],
                        bufs[b], rsem[b])
                if i >= D:
                    j = i - D
                    bj = j % NBUF
                    rd_wait(j)
                    pltpu.async_copy(
                        bufs[bj],
                        out_h.at[pl.ds(base + j * CHUNK_ROWS, CHUNK_ROWS)],
                        wsem[bj])
            for j in range(NUM_CHUNKS - NBUF, NUM_CHUNKS):
                wr_wait(j)

        for j, src in enumerate((x0_h, x1_h, x2_h, x3_h)):
            @pl.when(s == j)
            def _(src=src):
                copy_from(src)

    return body(x0, x1, x2, x3, sel_vec)


def kernel(x0, x1, x2, x3, sel):
    sel_vec = jnp.full((16,), sel, dtype=jnp.int32)
    return _sc_multiplex(x0, x1, x2, x3, sel_vec)

# --- scband reference (transcript-rebuilt; emitter-appended) ---
"""Pipeline reference for scband-multiplexer-18451179504486 (READ-ONLY COPY).

The authoritative reference and input builder live on the scoring server;
editing this copy changes nothing except your own understanding.
"""

import jax, jax.numpy as jnp
import numpy as np


def setup_inputs(seed: int = 0) -> dict:
    key = jax.random.key(seed)
    ks = jax.random.split(key, 4)
    inp = {}
    for i in range(4):
        inp[f"x{i}"] = jax.random.normal(ks[i], (8192, 2048), dtype=jnp.float32)
    inp["sel"] = 1
    return inp


def reference(x0, x1, x2, x3, sel):
    # Multiplexer: stack all candidate branch outputs, then gather one by
    # the integer selector `sel` (mirrors tf.stack + tf.gather).
    all_inputs = jnp.stack([x0, x1, x2, x3], axis=0)  # [n_inputs, N, d]
    out = jnp.take(all_inputs, sel, axis=0)           # [N, d]
    return out

if __name__ == "__main__":
    import jax
    _d = setup_inputs()
    print(jax.jit(kernel)(*tuple(_d.values())))

</pallas_src>

<mosaic_0001>
#map = affine_map<(d0, d1) -> (0, 0)>
#map1 = affine_map<(d0, d1) -> (0)>
module attributes {stable_mosaic.version = 14 : i64} {
  func.func @body(%arg0: i32, %arg1: i32, %arg2: memref<8192x2048xf32, #tpu.memory_space<hbm>>, %arg3: memref<8192x2048xf32, #tpu.memory_space<hbm>>, %arg4: memref<8192x2048xf32, #tpu.memory_space<hbm>>, %arg5: memref<8192x2048xf32, #tpu.memory_space<hbm>>, %arg6: memref<16xi32, #tpu.memory_space<hbm>>, %arg7: memref<8192x2048xf32, #tpu.memory_space<hbm>>, %arg8: memref<16xi32, #tpu.memory_space<vmem>>, %arg9: memref<8x2048xf32, #tpu.memory_space<vmem>>, %arg10: memref<8x2048xf32, #tpu.memory_space<vmem>>, %arg11: memref<8x2048xf32, #tpu.memory_space<vmem>>, %arg12: memref<8x2048xf32, #tpu.memory_space<vmem>>, %arg13: memref<8x2048xf32, #tpu.memory_space<vmem>>, %arg14: memref<8x2048xf32, #tpu.memory_space<vmem>>, %arg15: memref<!tpu.dma_semaphore, #tpu.memory_space<semaphore_mem>>, %arg16: memref<!tpu.dma_semaphore, #tpu.memory_space<semaphore_mem>>, %arg17: memref<!tpu.dma_semaphore, #tpu.memory_space<semaphore_mem>>, %arg18: memref<!tpu.dma_semaphore, #tpu.memory_space<semaphore_mem>>, %arg19: memref<!tpu.dma_semaphore, #tpu.memory_space<semaphore_mem>>, %arg20: memref<!tpu.dma_semaphore, #tpu.memory_space<semaphore_mem>>, %arg21: memref<!tpu.dma_semaphore, #tpu.memory_space<semaphore_mem>>, %arg22: memref<!tpu.dma_semaphore, #tpu.memory_space<semaphore_mem>>, %arg23: memref<!tpu.dma_semaphore, #tpu.memory_space<semaphore_mem>>, %arg24: memref<!tpu.dma_semaphore, #tpu.memory_space<semaphore_mem>>, %arg25: memref<!tpu.dma_semaphore, #tpu.memory_space<semaphore_mem>>, %arg26: memref<!tpu.dma_semaphore, #tpu.memory_space<semaphore_mem>>) attributes {dimension_semantics = [#tpu.dimension_semantics<core_parallel>, #tpu.dimension_semantics<subcore_parallel>], iteration_bounds = array<i64: 2, 16>, scalar_prefetch = 0 : i64, scratch_operands = 19 : i64, tpu.core_type = #tpu.core_type<sc_vector_subcore>, window_params = [{transform_indices = #map}, {transform_indices = #map}, {transform_indices = #map}, {transform_indices = #map}, {transform_indices = #map1}, {transform_indices = #map}]} {
    %mul3A = arith.constant 2 : i32
    %mul3A_0 = arith.muli %arg1, %mul3A : i32
    %add3A = arith.addi %mul3A_0, %arg0 : i32
    %mul3A_1 = arith.constant 256 : i32
    %mul3A_2 = arith.muli %add3A, %mul3A_1 : i32
    "tpu.region"() ({
      %run_scoped3A = tpu.sem_alloc : memref<!tpu.dma_semaphore, #tpu.memory_space<semaphore_mem>>
      tpu.enqueue_dma source(%arg6 : memref<16xi32, #tpu.memory_space<hbm>>) target(%arg8 : memref<16xi32, #tpu.memory_space<vmem>>) target_semaphore(%run_scoped3A : memref<!tpu.dma_semaphore, #tpu.memory_space<semaphore_mem>>)
      tpu.wait_dma2 semaphore(%run_scoped3A : memref<!tpu.dma_semaphore, #tpu.memory_space<semaphore_mem>>) src(%arg6 : memref<16xi32, #tpu.memory_space<hbm>>) dst(%arg8 : memref<16xi32, #tpu.memory_space<vmem>>)
      tpu.yield
    }) : () -> ()
    %get3A = arith.constant 0 : index
    %get3A_3 = tpu.vector_load %arg8[%get3A] {strides = array<i32>} : memref<16xi32, #tpu.memory_space<vmem>>, vector<16xi32>,
    %get3A_4 = vector.shape_cast %get3A_3 : vector<16xi32> to vector<16xi32>
    %slice3A = vector.extract_strided_slice %get3A_4 {offsets = [0], sizes = [1], strides = [1]} : vector<16xi32> to vector<1xi32>
    %squeeze3A = vector.extract %slice3A[0] : i32 from vector<1xi32>
    %eq3A = arith.constant 0 : i32
    %eq3A_5 = arith.cmpi eq, %squeeze3A, %eq3A : i32
    %convert_element_type3A = arith.extui %eq3A_5 : i1 to i32
    %cond3A = arith.constant 0 : i32
    %cond3A_6 = arith.cmpi ne, %convert_element_type3A, %cond3A : i32
    scf.if %cond3A_6 {
      %add3A_22 = arith.constant 0 : i32
      %add3A_23 = arith.addi %mul3A_2, %add3A_22 : i32
      %dma_start3A = arith.constant 0 : i32
      %dma_start3A_24 = tpu.memref_slice %arg2[%add3A_23, %dma_start3A] : memref<8192x2048xf32, #tpu.memory_space<hbm>> -> memref<8x2048xf32, #tpu.memory_space<hbm>>
      %dma_start3A_25 = arith.constant 0 : i32
      %dma_start3A_26 = tpu.memref_slice %arg2[%add3A_23, %dma_start3A_25] : memref<8192x2048xf32, #tpu.memory_space<hbm>> -> memref<8x2048xf32, #tpu.memory_space<hbm>>
      tpu.enqueue_dma source(%dma_start3A_26 : memref<8x2048xf32, #tpu.memory_space<hbm>>) target(%arg9 : memref<8x2048xf32, #tpu.memory_space<vmem>>) target_semaphore(%arg15 : memref<!tpu.dma_semaphore, #tpu.memory_space<semaphore_mem>>)
      %add3A_27 = arith.constant 8 : i32
      %add3A_28 = arith.addi %mul3A_2, %add3A_27 : i32
      %dma_start3A_29 = arith.constant 0 : i32
      %dma_start3A_30 = tpu.memref_slice %arg2[%add3A_28, %dma_start3A_29] : memref<8192x2048xf32, #tpu.memory_space<hbm>> -> memref<8x2048xf32, #tpu.memory_space<hbm>>
      %dma_start3A_31 = arith.constant 0 : i32
      %dma_start3A_32 = tpu.memref_slice %arg2[%add3A_28, %dma_start3A_31] : memref<8192x2048xf32, #tpu.memory_space<hbm>> -> memref<8x2048xf32, #tpu.memory_space<hbm>>
      tpu.enqueue_dma source(%dma_start3A_32 : memref<8x2048xf32, #tpu.memory_space<hbm>>) target(%arg10 : memref<8x2048xf32, #tpu.memory_space<vmem>>) target_semaphore(%arg16 : memref<!tpu.dma_semaphore, #tpu.memory_space<semaphore_mem>>)
      %add3A_33 = arith.constant 16 : i32
      %add3A_34 = arith.addi %mul3A_2, %add3A_33 : i32
      %dma_start3A_35 = arith.constant 0 : i32
      %dma_start3A_36 = tpu.memref_slice %arg2[%add3A_34, %dma_start3A_35] : memref<8192x2048xf32, #tpu.memory_space<hbm>> -> memref<8x2048xf32, #tpu.memory_space<hbm>>
      %dma_start3A_37 = arith.constant 0 : i32
      %dma_start3A_38 = tpu.memref_slice %arg2[%add3A_34, %dma_start3A_37] : memref<8192x2048xf32, #tpu.memory_space<hbm>> -> memref<8x2048xf32, #tpu.memory_space<hbm>>
      tpu.enqueue_dma source(%dma_start3A_38 : memref<8x2048xf32, #tpu.memory_space<hbm>>) target(%arg11 : memref<8x2048xf32, #tpu.memory_space<vmem>>) target_semaphore(%arg17 : memref<!tpu.dma_semaphore, #tpu.memory_space<semaphore_mem>>)
      %add3A_39 = arith.constant 24 : i32
      %add3A_40 = arith.addi %mul3A_2, %add3A_39 : i32
      %dma_start3A_41 = arith.constant 0 : i32
      %dma_start3A_42 = tpu.memref_slice %arg2[%add3A_40, %dma_start3A_41] : memref<8192x2048xf32, #tpu.memory_space<hbm>> -> memref<8x2048xf32, #tpu.memory_space<hbm>>
      %dma_start3A_43 = arith.constant 0 : i32
      %dma_start3A_44 = tpu.memref_slice %arg2[%add3A_40, %dma_start3A_43] : memref<8192x2048xf32, #tpu.memory_space<hbm>> -> memref<8x2048xf32, #tpu.memory_space<hbm>>
      tpu.enqueue_dma source(%dma_start3A_44 : memref<8x2048xf32, #tpu.memory_space<hbm>>) target(%arg12 : memref<8x2048xf32, #tpu.memory_space<vmem>>) target_semaphore(%arg18 : memref<!tpu.dma_semaphore, #tpu.memory_space<semaphore_mem>>)
      %add3A_45 = arith.constant 0 : i32
      %add3A_46 = arith.addi %mul3A_2, %add3A_45 : i32
      %dma_wait3A = arith.constant 0 : i32
      %dma_wait3A_47 = tpu.memref_slice %arg2[%add3A_46, %dma_wait3A] : memref<8192x2048xf32, #tpu.memory_space<hbm>> -> memref<8x2048xf32, #tpu.memory_space<hbm>>
      %dma_wait3A_48 = arith.constant 0 : i32
      %dma_wait3A_49 = tpu.memref_slice %arg2[%add3A_46, %dma_wait3A_48] : memref<8192x2048xf32, #tpu.memory_space<hbm>> -> memref<8x2048xf32, #tpu.memory_space<hbm>>
      tpu.wait_dma2 semaphore(%arg15 : memref<!tpu.dma_semaphore, #tpu.memory_space<semaphore_mem>>) src(%dma_wait3A_49 : memref<8x2048xf32, #tpu.memory_space<hbm>>) dst(%arg9 : memref<8x2048xf32, #tpu.memory_space<vmem>>)
      %add3A_50 = arith.constant 0 : i32
      %add3A_51 = arith.addi %mul3A_2, %add3A_50 : i32
      %dma_start3A_52 = arith.constant 0 : i32
      %dma_start3A_53 = tpu.memref_slice %arg7[%add3A_51, %dma_start3A_52] : memref<8192x2048xf32, #tpu.memory_space<hbm>> -> memref<8x2048xf32, #tpu.memory_space<hbm>>
      %dma_start3A_54 = arith.constant 0 : i32
      %dma_start3A_55 = tpu.memref_slice %arg7[%add3A_51, %dma_start3A_54] : memref<8192x2048xf32, #tpu.memory_space<hbm>> -> memref<8x2048xf32, #tpu.memory_space<hbm>>
      tpu.enqueue_dma source(%arg9 : memref<8x2048xf32, #tpu.memory_space<vmem>>) target(%dma_start3A_55 : memref<8x2048xf32, #tpu.memory_space<hbm>>) target_semaphore(%arg21 : memref<!tpu.dma_semaphore, #tpu.memory_space<semaphore_mem>>)
      %add3A_56 = arith.constant 32 : i32
      %add3A_57 = arith.addi %mul3A_2, %add3A_56 : i32
      %dma_start3A_58 = arith.constant 0 : i32
      %dma_start3A_59 = tpu.memref_slice %arg2[%add3A_57, %dma_start3A_58] : memref<8192x2048xf32, #tpu.memory_space<hbm>> -> memref<8x2048xf32, #tpu.memory_space<hbm>>
      %dma_start3A_60 = arith.constant 0 : i32
      %dma_start3A_61 = tpu.memref_slice %arg2[%add3A_57, %dma_start3A_60] : memref<8192x2048xf32, #tpu.memory_space<hbm>> -> memref<8x2048xf32, #tpu.memory_space<hbm>>
      tpu.enqueue_dma source(%dma_start3A_61 : memref<8x2048xf32, #tpu.memory_space<hbm>>) target(%arg13 : memref<8x2048xf32, #tpu.memory_space<vmem>>) target_semaphore(%arg19 : memref<!tpu.dma_semaphore, #tpu.memory_space<semaphore_mem>>)
      %add3A_62 = arith.constant 8 : i32
      %add3A_63 = arith.addi %mul3A_2, %add3A_62 : i32
      %dma_wait3A_64 = arith.constant 0 : i32
      %dma_wait3A_65 = tpu.memref_slice %arg2[%add3A_63, %dma_wait3A_64] : memref<8192x2048xf32, #tpu.memory_space<hbm>> -> memref<8x2048xf32, #tpu.memory_space<hbm>>
      %dma_wait3A_66 = arith.constant 0 : i32
      %dma_wait3A_67 = tpu.memref_slice %arg2[%add3A_63, %dma_wait3A_66] : memref<8192x2048xf32, #tpu.memory_space<hbm>> -> memref<8x2048xf32, #tpu.memory_space<hbm>>
      tpu.wait_dma2 semaphore(%arg16 : memref<!tpu.dma_semaphore, #tpu.memory_space<semaphore_mem>>) src(%dma_wait3A_67 : memref<8x2048xf32, #tpu.memory_space<hbm>>) dst(%arg10 : memref<8x2048xf32, #tpu.memory_space<vmem>>)
      %add3A_68 = arith.constant 8 : i32
      %add3A_69 = arith.addi %mul3A_2, %add3A_68 : i32
      %dma_start3A_70 = arith.constant 0 : i32
      %dma_start3A_71 = tpu.memref_slice %arg7[%add3A_69, %dma_start3A_70] : memref<8192x2048xf32, #tpu.memory_space<hbm>> -> memref<8x2048xf32, #tpu.memory_space<hbm>>
      %dma_start3A_72 = arith.constant 0 : i32
      %dma_start3A_73 = tpu.memref_slice %arg7[%add3A_69, %dma_start3A_72] : memref<8192x2048xf32, #tpu.memory_space<hbm>> -> memref<8x2048xf32, #tpu.memory_space<hbm>>
      tpu.enqueue_dma source(%arg10 : memref<8x2048xf32, #tpu.memory_space<vmem>>) target(%dma_start3A_73 : memref<8x2048xf32, #tpu.memory_space<hbm>>) target_semaphore(%arg22 : memref<!tpu.dma_semaphore, #tpu.memory_space<semaphore_mem>>)
      %add3A_74 = arith.constant 40 : i32
      %add3A_75 = arith.addi %mul3A_2, %add3A_74 : i32
      %dma_start3A_76 = arith.constant 0 : i32
      %dma_start3A_77 = tpu.memref_slice %arg2[%add3A_75, %dma_start3A_76] : memref<8192x2048xf32, #tpu.memory_space<hbm>> -> memref<8x2048xf32, #tpu.memory_space<hbm>>
      %dma_start3A_78 = arith.constant 0 : i32
      %dma_start3A_79 = tpu.memref_slice %arg2[%add3A_75, %dma_start3A_78] : memref<8192x2048xf32, #tpu.memory_space<hbm>> -> memref<8x2048xf32, #tpu.memory_space<hbm>>
      tpu.enqueue_dma source(%dma_start3A_79 : memref<8x2048xf32, #tpu.memory_space<hbm>>) target(%arg14 : memref<8x2048xf32, #tpu.memory_space<vmem>>) target_semaphore(%arg20 : memref<!tpu.dma_semaphore, #tpu.memory_space<semaphore_mem>>)
      %add3A_80 = arith.constant 16 : i32
      %add3A_81 = arith.addi %mul3A_2, %add3A_80 : i32
      %dma_wait3A_82 = arith.constant 0 : i32
      %dma_wait3A_83 = tpu.memref_slice %arg2[%add3A_81, %dma_wait3A_82] : memref<8192x2048xf32, #tpu.memory_space<hbm>> -> memref<8x2048xf32, #tpu.memory_space<hbm>>
      %dma_wait3A_84 = arith.constant 0 : i32
      %dma_wait3A_85 = tpu.memref_slice %arg2[%add3A_81, %dma_wait3A_84] : memref<8192x2048xf32, #tpu.memory_space<hbm>> -> memref<8x2048xf32, #tpu.memory_space<hbm>>
      tpu.wait_dma2 semaphore(%arg17 : memref<!tpu.dma_semaphore, #tpu.memory_space<semaphore_mem>>) src(%dma_wait3A_85 : memref<8x2048xf32, #tpu.memory_space<hbm>>) dst(%arg11 : memref<8x2048xf32, #tpu.memory_space<vmem>>)
      %add3A_86 = arith.constant 16 : i32
      %add3A_87 = arith.addi %mul3A_2, %add3A_86 : i32
      %dma_start3A_88 = arith.constant 0 : i32
      %dma_start3A_89 = tpu.memref_slice %arg7[%add3A_87, %dma_start3A_88] : memref<8192x2048xf32, #tpu.memory_space<hbm>> -> memref<8x2048xf32, #tpu.memory_space<hbm>>
      %dma_start3A_90 = arith.constant 0 : i32
      %dma_start3A_91 = tpu.memref_slice %arg7[%add3A_87, %dma_start3A_90] : memref<8192x2048xf32, #tpu.memory_space<hbm>> -> memref<8x2048xf32, #tpu.memory_space<hbm>>
      tpu.enqueue_dma source(%arg11 : memref<8x2048xf32, #tpu.memory_space<vmem>>) target(%dma_start3A_91 : memref<8x2048xf32, #tpu.memory_space<hbm>>) target_semaphore(%arg23 : memref<!tpu.dma_semaphore, #tpu.memory_space<semaphore_mem>>)
      %add3A_92 = arith.constant 0 : i32
      %add3A_93 = arith.addi %mul3A_2, %add3A_92 : i32
      %dma_wait3A_94 = arith.constant 0 : i32
      %dma_wait3A_95 = tpu.memref_slice %arg7[%add3A_93, %dma_wait3A_94] : memref<8192x2048xf32, #tpu.memory_space<hbm>> -> memref<8x2048xf32, #tpu.memory_space<hbm>>
      %dma_wait3A_96 = arith.constant 0 : i32
      %dma_wait3A_97 = tpu.memref_slice %arg7[%add3A_93, %dma_wait3A_96] : memref<8192x2048xf32, #tpu.memory_space<hbm>> -> memref<8x2048xf32, #tpu.memory_space<hbm>>
      tpu.wait_dma2 semaphore(%arg21 : memref<!tpu.dma_semaphore, #tpu.memory_space<semaphore_mem>>) src(%arg9 : memref<8x2048xf32, #tpu.memory_space<vmem>>) dst(%dma_wait3A_97 : memref<8x2048xf32, #tpu.memory_space<hbm>>)
      %add3A_98 = arith.constant 48 : i32
      %add3A_99 = arith.addi %mul3A_2, %add3A_98 : i32
      %dma_start3A_100 = arith.constant 0 : i32
      %dma_start3A_101 = tpu.memref_slice %arg2[%add3A_99, %dma_start3A_100] : memref<8192x2048xf32, #tpu.memory_space<hbm>> -> memref<8x2048xf32, #tpu.memory_space<hbm>>
      %dma_start3A_102 = arith.constant 0 : i32
      %dma_start3A_103 = tpu.memref_slice %arg2[%add3A_99, %dma_start3A_102] : memref<8192x2048xf32, #tpu.memory_space<hbm>> -> memref<8x2048xf32, #tpu.memory_space<hbm>>
      tpu.enqueue_dma source(%dma_start3A_103 : memref<8x2048xf32, #tpu.memory_space<hbm>>) target(%arg9 : memref<8x2048xf32, #tpu.memory_space<vmem>>) target_semaphore(%arg15 : memref<!tpu.dma_semaphore, #tpu.memory_space<semaphore_mem>>)
      %add3A_104 = arith.constant 24 : i32
      %add3A_105 = arith.addi %mul3A_2, %add3A_104 : i32
      %dma_wait3A_106 = arith.constant 0 : i32
      %dma_wait3A_107 = tpu.memref_slice %arg2[%add3A_105, %dma_wait3A_106] : memref<8192x2048xf32, #tpu.memory_space<hbm>> -> memref<8x2048xf32, #tpu.memory_space<hbm>>
      %dma_wait3A_108 = arith.constant 0 : i32
      %dma_wait3A_109 = tpu.memref_slice %arg2[%add3A_105, %dma_wait3A_108] : memref<8192x2048xf32, #tpu.memory_space<hbm>> -> memref<8x2048xf32, #tpu.memory_space<hbm>>
      tpu.wait_dma2 semaphore(%arg18 : memref<!tpu.dma_semaphore, #tpu.memory_space<semaphore_mem>>) src(%dma_wait3A_109 : memref<8x2048xf32, #tpu.memory_space<hbm>>) dst(%arg12 : memref<8x2048xf32, #tpu.memory_space<vmem>>)
      %add3A_110 = arith.constant 24 : i32
      %add3A_111 = arith.addi %mul3A_2, %add3A_110 : i32
      %dma_start3A_112 = arith.constant 0 : i32
      %dma_start3A_113 = tpu.memref_slice %arg7[%add3A_111, %dma_start3A_112] : memref<8192x2048xf32, #tpu.memory_space<hbm>> -> memref<8x2048xf32, #tpu.memory_space<hbm>>
      %dma_start3A_114 = arith.constant 0 : i32
      %dma_start3A_115 = tpu.memref_slice %arg7[%add3A_111, %dma_start3A_114] : memref<8192x2048xf32, #tpu.memory_space<hbm>> -> memref<8x2048xf32, #tpu.memory_space<hbm>>
      tpu.enqueue_dma source(%arg12 : memref<8x2048xf32, #tpu.memory_space<vmem>>) target(%dma_start3A_115 : memref<8x2048xf32, #tpu.memory_space<hbm>>) target_semaphore(%arg24 : memref<!tpu.dma_semaphore, #tpu.memory_space<semaphore_mem>>)
      %add3A_116 = arith.constant 8 : i32
      %add3A_117 = arith.addi %mul3A_2, %add3A_116 : i32
      %dma_wait3A_118 = arith.constant 0 : i32
      %dma_wait3A_119 = tpu.memref_slice %arg7[%add3A_117, %dma_wait3A_118] : memref<8192x2048xf32, #tpu.memory_space<hbm>> -> memref<8x2048xf32, #tpu.memory_space<hbm>>
      %dma_wait3A_120 = arith.constant 0 : i32
      %dma_wait3A_121 = tpu.memref_slice %arg7[%add3A_117, %dma_wait3A_120] : memref<8192x2048xf32, #tpu.memory_space<hbm>> -> memref<8x2048xf32, #tpu.memory_space<hbm>>
      tpu.wait_dma2 semaphore(%arg22 : memref<!tpu.dma_semaphore, #tpu.memory_space<semaphore_mem>>) src(%arg10 : memref<8x2048xf32, #tpu.memory_space<vmem>>) dst(%dma_wait3A_121 : memref<8x2048xf32, #tpu.memory_space<hbm>>)
      %add3A_122 = arith.constant 56 : i32
      %add3A_123 = arith.addi %mul3A_2, %add3A_122 : i32
      %dma_start3A_124 = arith.constant 0 : i32
      %dma_start3A_125 = tpu.memref_slice %arg2[%add3A_123, %dma_start3A_124] : memref<8192x2048xf32, #tpu.memory_space<hbm>> -> memref<8x2048xf32, #tpu.memory_space<hbm>>
      %dma_start3A_126 = arith.constant 0 : i32
      %dma_start3A_127 = tpu.memref_slice %arg2[%add3A_123, %dma_start3A_126] : memref<8192x2048xf32, #tpu.memory_space<hbm>> -> memref<8x2048xf32, #tpu.memory_space<hbm>>
      tpu.enqueue_dma source(%dma_start3A_127 : memref<8x2048xf32, #tpu.memory_space<hbm>>) target(%arg10 : memref<8x2048xf32, #tpu.memory_space<vmem>>) target_semaphore(%arg16 : memref<!tpu.dma_semaphore, #tpu.memory_space<semaphore_mem>>)
      %add3A_128 = arith.constant 32 : i32
      %add3A_129 = arith.addi %mul3A_2, %add3A_128 : i32
      %dma_wait3A_130 = arith.constant 0 : i32
      %dma_wait3A_131 = tpu.memref_slice %arg2[%add3A_129, %dma_wait3A_130] : memref<8192x2048xf32, #tpu.memory_space<hbm>> -> memref<8x2048xf32, #tpu.memory_space<hbm>>
      %dma_wait3A_132 = arith.constant 0 : i32
      %dma_wait3A_133 = tpu.memref_slice %arg2[%add3A_129, %dma_wait3A_132] : memref<8192x2048xf32, #tpu.memory_space<hbm>> -> memref<8x2048xf32, #tpu.memory_space<hbm>>
      tpu.wait_dma2 semaphore(%arg19 : memref<!tpu.dma_semaphore, #tpu.memory_space<semaphore_mem>>) src(%dma_wait3A_133 : memref<8x2048xf32, #tpu.memory_space<hbm>>) dst(%arg13 : memref<8x2048xf32, #tpu.memory_space<vmem>>)
      %add3A_134 = arith.constant 32 : i32
      %add3A_135 = arith.addi %mul3A_2, %add3A_134 : i32
      %dma_start3A_136 = arith.constant 0 : i32
      %dma_start3A_137 = tpu.memref_slice %arg7[%add3A_135, %dma_start3A_136] : memref<8192x2048xf32, #tpu.memory_space<hbm>> -> memref<8x2048xf32, #tpu.memory_space<hbm>>
      %dma_start3A_138 = arith.constant 0 : i32
      %dma_start3A_139 = tpu.memref_slice %arg7[%add3A_135, %dma_start3A_138] : memref<8192x2048xf32, #tpu.memory_space<hbm>> -> memref<8x2048xf32, #tpu.memory_space<hbm>>
      tpu.enqueue_dma source(%arg13 : memref<8x2048xf32, #tpu.memory_space<vmem>>) target(%dma_start3A_139 : memref<8x2048xf32, #tpu.memory_space<hbm>>) target_semaphore(%arg25 : memref<!tpu.dma_semaphore, #tpu.memory_space<semaphore_mem>>)
      %add3A_140 = arith.constant 16 : i32
      %add3A_141 = arith.addi %mul3A_2, %add3A_140 : i32
      %dma_wait3A_142 = arith.constant 0 : i32
      %dma_wait3A_143 = tpu.memref_slice %arg7[%add3A_141, %dma_wait3A_142] : memref<8192x2048xf32, #tpu.memory_space<hbm>> -> memref<8x2048xf32, #tpu.memory_space<hbm>>
      %dma_wait3A_144 = arith.constant 0 : i32
      %dma_wait3A_145 = tpu.memref_slice %arg7[%add3A_141, %dma_wait3A_144] : memref<8192x2048xf32, #tpu.memory_space<hbm>> -> memref<8x2048xf32, #tpu.memory_space<hbm>>
      tpu.wait_dma2 semaphore(%arg23 : memref<!tpu.dma_semaphore, #tpu.memory_space<semaphore_mem>>) src(%arg11 : memref<8x2048xf32, #tpu.memory_space<vmem>>) dst(%dma_wait3A_145 : memref<8x2048xf32, #tpu.memory_space<hbm>>)
      %add3A_146 = arith.constant 64 : i32
      %add3A_147 = arith.addi %mul3A_2, %add3A_146 : i32
      %dma_start3A_148 = arith.constant 0 : i32
      %dma_start3A_149 = tpu.memref_slice %arg2[%add3A_147, %dma_start3A_148] : memref<8192x2048xf32, #tpu.memory_space<hbm>> -> memref<8x2048xf32, #tpu.memory_space<hbm>>
      %dma_start3A_150 = arith.constant 0 : i32
      %dma_start3A_151 = tpu.memref_slice %arg2[%add3A_147, %dma_start3A_150] : memref<8192x2048xf32, #tpu.memory_space<hbm>> -> memref<8x2048xf32, #tpu.memory_space<hbm>>
      tpu.enqueue_dma source(%dma_start3A_151 : memref<8x2048xf32, #tpu.memory_space<hbm>>) target(%arg11 : memref<8x2048xf32, #tpu.memory_space<vmem>>) target_semaphore(%arg17 : memref<!tpu.dma_semaphore, #tpu.memory_space<semaphore_mem>>)
      %add3A_152 = arith.constant 40 : i32
      %add3A_153 = arith.addi %mul3A_2, %add3A_152 : i32
      %dma_wait3A_154 = arith.constant 0 : i32
      %dma_wait3A_155 = tpu.memref_slice %arg2[%add3A_153, %dma_wait3A_154] : memref<8192x2048xf32, #tpu.memory_space<hbm>> -> memref<8x2048xf32, #tpu.memory_space<hbm>>
      %dma_wait3A_156 = arith.constant 0 : i32
      %dma_wait3A_157 = tpu.memref_slice %arg2[%add3A_153, %dma_wait3A_156] : memref<8192x2048xf32, #tpu.memory_space<hbm>> -> memref<8x2048xf32, #tpu.memory_space<hbm>>
      tpu.wait_dma2 semaphore(%arg20 : memref<!tpu.dma_semaphore, #tpu.memory_space<semaphore_mem>>) src(%dma_wait3A_157 : memref<8x2048xf32, #tpu.memory_space<hbm>>) dst(%arg14 : memref<8x2048xf32, #tpu.memory_space<vmem>>)
      %add3A_158 = arith.constant 40 : i32
      %add3A_159 = arith.addi %mul3A_2, %add3A_158 : i32
      %dma_start3A_160 = arith.constant 0 : i32
      %dma_start3A_161 = tpu.memref_slice %arg7[%add3A_159, %dma_start3A_160] : memref<8192x2048xf32, #tpu.memory_space<hbm>> -> memref<8x2048xf32, #tpu.memory_space<hbm>>
      %dma_start3A_162 = arith.constant 0 : i32
      %dma_start3A_163 = tpu.memref_slice %arg7[%add3A_159, %dma_start3A_162] : memref<8192x2048xf32, #tpu.memory_space<hbm>> -> memref<8x2048xf32, #tpu.memory_space<hbm>>
      tpu.enqueue_dma source(%arg14 : memref<8x2048xf32, #tpu.memory_space<vmem>>) target(%dma_start3A_163 : memref<8x2048xf32, #tpu.memory_space<hbm>>) target_semaphore(%arg26 : memref<!tpu.dma_semaphore, #tpu.memory_space<semaphore_mem>>)
      %add3A_164 = arith.constant 24 : i32
      %add3A_165 = arith.addi %mul3A_2, %add3A_164 : i32
      %dma_wait3A_166 = arith.constant 0 : i32
      %dma_wait3A_167 = tpu.memref_slice %arg7[%add3A_165, %dma_wait3A_166] : memref<8192x2048xf32, #tpu.memory_space<hbm>> -> memref<8x2048xf32, #tpu.memory_space<hbm>>
      %dma_wait3A_168 = arith.constant 0 : i32
      %dma_wait3A_169 = tpu.memref_slice %arg7[%add3A_165, %dma_wait3A_168] : memref<8192x2048xf32, #tpu.memory_space<hbm>> -> memref<8x2048xf32, #tpu.memory_space<hbm>>
      tpu.wait_dma2 semaphore(%arg24 : memref<!tpu.dma_semaphore, #tpu.memory_space<semaphore_mem>>) src(%arg12 : memref<8x2048xf32, #tpu.memory_space<vmem>>) dst(%dma_wait3A_169 : memref<8x2048xf32, #tpu.memory_space<hbm>>)
      %add3A_170 = arith.constant 72 : i32
      %add3A_171 = arith.addi %mul3A_2, %add3A_170 : i32
      %dma_start3A_172 = arith.constant 0 : i32
      %dma_start3A_173 = tpu.memref_slice %arg2[%add3A_171, %dma_start3A_172] : memref<8192x2048xf32, #tpu.memory_space<hbm>> -> memref<8x2048xf32, #tpu.memory_space<hbm>>
      %dma_start3A_174 = arith.constant 0 : i32
      %dma_start3A_175 = tpu.memref_slice %arg2[%add3A_171, %dma_start3A_174] : memref<8192x2048xf32, #tpu.memory_space<hbm>> -> memref<8x2048xf32, #tpu.memory_space<hbm>>
      tpu.enqueue_dma source(%dma_start3A_175 : memref<8x2048xf32, #tpu.memory_space<hbm>>) target(%arg12 : memref<8x2048xf32, #tpu.memory_space<vmem>>) target_semaphore(%arg18 : memref<!tpu.dma_semaphore, #tpu.memory_space<semaphore_mem>>)
      %add3A_176 = arith.constant 48 : i32
      %add3A_177 = arith.addi %mul3A_2, %add3A_176 : i32
      %dma_wait3A_178 = arith.constant 0 : i32
      %dma_wait3A_179 = tpu.memref_slice %arg2[%add3A_177, %dma_wait3A_178] : memref<8192x2048xf32, #tpu.memory_space<hbm>> -> memref<8x2048xf32, #tpu.memory_space<hbm>>
      %dma_wait3A_180 = arith.constant 0 : i32
      %dma_wait3A_181 = tpu.memref_slice %arg2[%add3A_177, %dma_wait3A_180] : memref<8192x2048xf32, #tpu.memory_space<hbm>> -> memref<8x2048xf32, #tpu.memory_space<hbm>>
      tpu.wait_dma2 semaphore(%arg15 : memref<!tpu.dma_semaphore, #tpu.memory_space<semaphore_mem>>) src(%dma_wait3A_181 : memref<8x2048xf32, #tpu.memory_space<hbm>>) dst(%arg9 : memref<8x2048xf32, #tpu.memory_space<vmem>>)
      %add3A_182 = arith.constant 48 : i32
      %add3A_183 = arith.addi %mul3A_2, %add3A_182 : i32
      %dma_start3A_184 = arith.constant 0 : i32
      %dma_start3A_185 = tpu.memref_slice %arg7[%add3A_183, %dma_start3A_184] : memref<8192x2048xf32, #tpu.memory_space<hbm>> -> memref<8x2048xf32, #tpu.memory_space<hbm>>
      %dma_start3A_186 = arith.constant 0 : i32
      %dma_start3A_187 = tpu.memref_slice %arg7[%add3A_183, %dma_start3A_186] : memref<8192x2048xf32, #tpu.memory_space<hbm>> -> memref<8x2048xf32, #tpu.memory_space<hbm>>
      tpu.enqueue_dma source(%arg9 : memref<8x2048xf32, #tpu.memory_space<vmem>>) target(%dma_start3A_187 : memref<8x2048xf32, #tpu.memory_space<hbm>>) target_semaphore(%arg21 : memref<!tpu.dma_semaphore, #tpu.memory_space<semaphore_mem>>)
      %add3A_188 = arith.constant 32 : i32
      %add3A_189 = arith.addi %mul3A_2, %add3A_188 : i32
      %dma_wait3A_190 = arith.constant 0 : i32
      %dma_wait3A_191 = tpu.memref_slice %arg7[%add3A_189, %dma_wait3A_190] : memref<8192x2048xf32, #tpu.memory_space<hbm>> -> memref<8x2048xf32, #tpu.memory_space<hbm>>
      %dma_wait3A_192 = arith.constant 0 : i32
      %dma_wait3A_193 = tpu.memref_slice %arg7[%add3A_189, %dma_wait3A_192] : memref<8192x2048xf32, #tpu.memory_space<hbm>> -> memref<8x2048xf32, #tpu.memory_space<hbm>>
      tpu.wait_dma2 semaphore(%arg25 : memref<!tpu.dma_semaphore, #tpu.memory_space<semaphore_mem>>) src(%arg13 : memref<8x2048xf32, #tpu.memory_space<vmem>>) dst(%dma_wait3A_193 : memref<8x2048xf32, #tpu.memory_space<hbm>>)
      %add3A_194 = arith.constant 80 : i32
      %add3A_195 = arith.addi %mul3A_2, %add3A_194 : i32
      %dma_start3A_196 = arith.constant 0 : i32
      %dma_start3A_197 = tpu.memref_slice %arg2[%add3A_195, %dma_start3A_196] : memref<8192x2048xf32, #tpu.memory_space<hbm>> -> memref<8x2048xf32, #tpu.memory_space<hbm>>
      %dma_start3A_198 = arith.constant 0 : i32
      %dma_start3A_199 = tpu.memref_slice %arg2[%add3A_195, %dma_start3A_198] : memref<8192x2048xf32, #tpu.memory_space<hbm>> -> memref<8x2048xf32, #tpu.memory_space<hbm>>
      tpu.enqueue_dma source(%dma_start3A_199 : memref<8x2048xf32, #tpu.memory_space<hbm>>) target(%arg13 : memref<8x2048xf32, #tpu.memory_space<vmem>>) target_semaphore(%arg19 : memref<!tpu.dma_semaphore, #tpu.memory_space<semaphore_mem>>)
      %add3A_200 = arith.constant 56 : i32
      %add3A_201 = arith.addi %mul3A_2, %add3A_200 : i32
      %dma_wait3A_202 = arith.constant 0 : i32
      %dma_wait3A_203 = tpu.memref_slice %arg2[%add3A_201, %dma_wait3A_202] : memref<8192x2048xf32, #tpu.memory_space<hbm>> -> memref<8x2048xf32, #tpu.memory_space<hbm>>
      %dma_wait3A_204 = arith.constant 0 : i32
      %dma_wait3A_205 = tpu.memref_slice %arg2[%add3A_201, %dma_wait3A_204] : memref<8192x2048xf32, #tpu.memory_space<hbm>> -> memref<8x2048xf32, #tpu.memory_space<hbm>>
      tpu.wait_dma2 semaphore(%arg16 : memref<!tpu.dma_semaphore, #tpu.memory_space<semaphore_mem>>) src(%dma_wait3A_205 : memref<8x2048xf32, #tpu.memory_space<hbm>>) dst(%arg10 : memref<8x2048xf32, #tpu.memory_space<vmem>>)
      %add3A_206 = arith.constant 56 : i32
      %add3A_207 = arith.addi %mul3A_2, %add3A_206 : i32
      %dma_start3A_208 = arith.constant 0 : i32
      %dma_start3A_209 = tpu.memref_slice %arg7[%add3A_207, %dma_start3A_208] : memref<8192x2048xf32, #tpu.memory_space<hbm>> -> memref<8x2048xf32, #tpu.memory_space<hbm>>
      %dma_start3A_210 = arith.constant 0 : i32
      %dma_start3A_211 = tpu.memref_slice %arg7[%add3A_207, %dma_start3A_210] : memref<8192x2048xf32, #tpu.memory_space<hbm>> -> memref<8x2048xf32, #tpu.memory_space<hbm>>
      tpu.enqueue_dma source(%arg10 : memref<8x2048xf32, #tpu.memory_space<vmem>>) target(%dma_start3A_211 : memref<8x2048xf32, #tpu.memory_space<hbm>>) target_semaphore(%arg22 : memref<!tpu.dma_semaphore, #tpu.memory_space<semaphore_mem>>)
      %add3A_212 = arith.constant 40 : i32
      %add3A_213 = arith.addi %mul3A_2, %add3A_212 : i32
      %dma_wait3A_214 = arith.constant 0 : i32
      %dma_wait3A_215 = tpu.memref_slice %arg7[%add3A_213, %dma_wait3A_214] : memref<8192x2048xf32, #tpu.memory_space<hbm>> -> memref<8x2048xf32, #tpu.memory_space<hbm>>
      %dma_wait3A_216 = arith.constant 0 : i32
      %dma_wait3A_217 = tpu.memref_slice %arg7[%add3A_213, %dma_wait3A_216] : memref<8192x2048xf32, #tpu.memory_space<hbm>> -> memref<8x2048xf32, #tpu.memory_space<hbm>>
      tpu.wait_dma2 semaphore(%arg26 : memref<!tpu.dma_semaphore, #tpu.memory_space<semaphore_mem>>) src(%arg14 : memref<8x2048xf32, #tpu.memory_space<vmem>>) dst(%dma_wait3A_217 : memref<8x2048xf32, #tpu.memory_space<hbm>>)
      %add3A_218 = arith.constant 88 : i32
      %add3A_219 = arith.addi %mul3A_2, %add3A_218 : i32
      %dma_start3A_220 = arith.constant 0 : i32
      %dma_start3A_221 = tpu.memref_slice %arg2[%add3A_219, %dma_start3A_220] : memref<8192x2048xf32, #tpu.memory_space<hbm>> -> memref<8x2048xf32, #tpu.memory_space<hbm>>
      %dma_start3A_222 = arith.constant 0 : i32
      %dma_start3A_223 = tpu.memref_slice %arg2[%add3A_219, %dma_start3A_222] : memref<8192x2048xf32, #tpu.memory_space<hbm>> -> memref<8x2048xf32, #tpu.memory_space<hbm>>
      tpu.enqueue_dma source(%dma_start3A_223 : memref<8x2048xf32, #tpu.memory_space<hbm>>) target(%arg14 : memref<8x2048xf32, #tpu.memory_space<vmem>>) target_semaphore(%arg20 : memref<!tpu.dma_semaphore, #tpu.memory_space<semaphore_mem>>)
      %add3A_224 = arith.constant 64 : i32
      %add3A_225 = arith.addi %mul3A_2, %add3A_224 : i32
      %dma_wait3A_226 = arith.constant 0 : i32
      %dma_wait3A_227 = tpu.memref_slice %arg2[%add3A_225, %dma_wait3A_226] : memref<8192x2048xf32, #tpu.memory_space<hbm>> -> memref<8x2048xf32, #tpu.memory_space<hbm>>
      %dma_wait3A_228 = arith.constant 0 : i32
      %dma_wait3A_229 = tpu.memref_slice %arg2[%add3A_225, %dma_wait3A_228] : memref<8192x2048xf32, #tpu.memory_space<hbm>> -> memref<8x2048xf32, #tpu.memory_space<hbm>>
      tpu.wait_dma2 semaphore(%arg17 : memref<!tpu.dma_semaphore, #tpu.memory_space<semaphore_mem>>) src(%dma_wait3A_229 : memref<8x2048xf32, #tpu.memory_space<hbm>>) dst(%arg11 : memref<8x2048xf32, #tpu.memory_space<vmem>>)
      %add3A_230 = arith.constant 64 : i32
      %add3A_231 = arith.addi %mul3A_2, %add3A_230 : i32
      %dma_start3A_232 = arith.constant 0 : i32
      %dma_start3A_233 = tpu.memref_slice %arg7[%add3A_231, %dma_start3A_232] : memref<8192x2048xf32, #tpu.memory_space<hbm>> -> memref<8x2048xf32, #tpu.memory_space<hbm>>
      %dma_start3A_234 = arith.constant 0 : i32
      %dma_start3A_235 = tpu.memref_slice %arg7[%add3A_231, %dma_start3A_234] : memref<8192x2048xf32, #tpu.memory_space<hbm>> -> memref<8x2048xf32, #tpu.memory_space<hbm>>
      tpu.enqueue_dma source(%arg11 : memref<8x2048xf32, #tpu.memory_space<vmem>>) target(%dma_start3A_235 : memref<8x2048xf32, #tpu.memory_space<hbm>>) target_semaphore(%arg23 : memref<!tpu.dma_semaphore, #tpu.memory_space<semaphore_mem>>)
      %add3A_236 = arith.constant 48 : i32
      %add3A_237 = arith.addi %mul3A_2, %add3A_236 : i32
      %dma_wait3A_238 = arith.constant 0 : i32
      %dma_wait3A_239 = tpu.memref_slice %arg7[%add3A_237, %dma_wait3A_238] : memref<8192x2048xf32, #tpu.memory_space<hbm>> -> memref<8x2048xf32, #tpu.memory_space<hbm>>
      %dma_wait3A_240 = arith.constant 0 : i32
      %dma_wait3A_241 = tpu.memref_slice %arg7[%add3A_237, %dma_wait3A_240] : memref<8192x2048xf32, #tpu.memory_space<hbm>> -> memref<8x2048xf32, #tpu.memory_space<hbm>>
      tpu.wait_dma2 semaphore(%arg21 : memref<!tpu.dma_semaphore, #tpu.memory_space<semaphore_mem>>) src(%arg9 : memref<8x2048xf32, #tpu.memory_space<vmem>>) dst(%dma_wait3A_241 : memref<8x2048xf32, #tpu.memory_space<hbm>>)
      %add3A_242 = arith.constant 96 : i32
      %add3A_243 = arith.addi %mul3A_2, %add3A_242 : i32
      %dma_start3A_244 = arith.constant 0 : i32
      %dma_start3A_245 = tpu.memref_slice %arg2[%add3A_243, %dma_start3A_244] : memref<8192x2048xf32, #tpu.memory_space<hbm>> -> memref<8x2048xf32, #tpu.memory_space<hbm>>
      %dma_start3A_246 = arith.constant 0 : i32
      %dma_start3A_247 = tpu.memref_slice %arg2[%add3A_243, %dma_start3A_246] : memref<8192x2048xf32, #tpu.memory_space<hbm>> -> memref<8x2048xf32, #tpu.memory_space<hbm>>
      tpu.enqueue_dma source(%dma_start3A_247 : memref<8x2048xf32, #tpu.memory_space<hbm>>) target(%arg9 : memref<8x2048xf32, #tpu.memory_space<vmem>>) target_semaphore(%arg15 : memref<!tpu.dma_semaphore, #tpu.memory_space<semaphore_mem>>)
      %add3A_248 = arith.constant 72 : i32
      %add3A_249 = arith.addi %mul3A_2, %add3A_248 : i32
      %dma_wait3A_250 = arith.constant 0 : i32
      %dma_wait3A_251 = tpu.memref_slice %arg2[%add3A_249, %dma_wait3A_250] : memref<8192x2048xf32, #tpu.memory_space<hbm>> -> memref<8x2048xf32, #tpu.memory_space<hbm>>
      %dma_wait3A_252 = arith.constant 0 : i32
      %dma_wait3A_253 = tpu.memref_slice %arg2[%add3A_249, %dma_wait3A_252] : memref<8192x2048xf32, #tpu.memory_space<hbm>> -> memref<8x2048xf32, #tpu.memory_space<hbm>>
      tpu.wait_dma2 semaphore(%arg18 : memref<!tpu.dma_semaphore, #tpu.memory_space<semaphore_mem>>) src(%dma_wait3A_253 : memref<8x2048xf32, #tpu.memory_space<hbm>>) dst(%arg12 : memref<8x2048xf32, #tpu.memory_space<vmem>>)
      %add3A_254 = arith.constant 72 : i32
      %add3A_255 = arith.addi %mul3A_2, %add3A_254 : i32
      %dma_start3A_256 = arith.constant 0 : i32
      %dma_start3A_257 = tpu.memref_slice %arg7[%add3A_255, %dma_start3A_256] : memref<8192x2048xf32, #tpu.memory_space<hbm>> -> memref<8x2048xf32, #tpu.memory_space<hbm>>
      %dma_start3A_258 = arith.constant 0 : i32
      %dma_start3A_259 = tpu.memref_slice %arg7[%add3A_255, %dma_start3A_258] : memref<8192x2048xf32, #tpu.memory_space<hbm>> -> memref<8x2048xf32, #tpu.memory_space<hbm>>
      tpu.enqueue_dma source(%arg12 : memref<8x2048xf32, #tpu.memory_space<vmem>>) target(%dma_start3A_259 : memref<8x2048xf32, #tpu.memory_space<hbm>>) target_semaphore(%arg24 : memref<!tpu.dma_semaphore, #tpu.memory_space<semaphore_mem>>)
      %add3A_260 = arith.constant 56 : i32
      %add3A_261 = arith.addi %mul3A_2, %add3A_260 : i32
      %dma_wait3A_262 = arith.constant 0 : i32
      %dma_wait3A_263 = tpu.memref_slice %arg7[%add3A_261, %dma_wait3A_262] : memref<8192x2048xf32, #tpu.memory_space<hbm>> -> memref<8x2048xf32, #tpu.memory_space<hbm>>
      %dma_wait3A_264 = arith.constant 0 : i32
      %dma_wait3A_265 = tpu.memref_slice %arg7[%add3A_261, %dma_wait3A_264] : memref<8192x2048xf32, #tpu.memory_space<hbm>> -> memref<8x2048xf32, #tpu.memory_space<hbm>>
      tpu.wait_dma2 semaphore(%arg22 : memref<!tpu.dma_semaphore, #tpu.memory_space<semaphore_mem>>) src(%arg10 : memref<8x2048xf32, #tpu.memory_space<vmem>>) dst(%dma_wait3A_265 : memref<8x2048xf32, #tpu.memory_space<hbm>>)
      %add3A_266 = arith.constant 104 : i32
      %add3A_267 = arith.addi %mul3A_2, %add3A_266 : i32
      %dma_start3A_268 = arith.constant 0 : i32
      %dma_start3A_269 = tpu.memref_slice %arg2[%add3A_267, %dma_start3A_268] : memref<8192x2048xf32, #tpu.memory_space<hbm>> -> memref<8x2048xf32, #tpu.memory_space<hbm>>
      %dma_start3A_270 = arith.constant 0 : i32
      %dma_start3A_271 = tpu.memref_slice %arg2[%add3A_267, %dma_start3A_270] : memref<8192x2048xf32, #tpu.memory_space<hbm>> -> memref<8x2048xf32, #tpu.memory_space<hbm>>
      tpu.enqueue_dma source(%dma_start3A_271 : memref<8x2048xf32, #tpu.memory_space<hbm>>) target(%arg10 : memref<8x2048xf32, #tpu.memory_space<vmem>>) target_semaphore(%arg16 : memref<!tpu.dma_semaphore, #tpu.memory_space<semaphore_mem>>)
      %add3A_272 = arith.constant 80 : i32
      %add3A_273 = arith.addi %mul3A_2, %add3A_272 : i32
      %dma_wait3A_274 = arith.constant 0 : i32
      %dma_wait3A_275 = tpu.memref_slice %arg2[%add3A_273, %dma_wait3A_274] : memref<8192x2048xf32, #tpu.memory_space<hbm>> -> memref<8x2048xf32, #tpu.memory_space<hbm>>
      %dma_wait3A_276 = arith.constant 0 : i32
      %dma_wait3A_277 = tpu.memref_slice %arg2[%add3A_273, %dma_wait3A_276] : memref<8192x2048xf32, #tpu.memory_space<hbm>> -> memref<8x2048xf32, #tpu.memory_space<hbm>>
      tpu.wait_dma2 semaphore(%arg19 : memref<!tpu.dma_semaphore, #tpu.memory_space<semaphore_mem>>) src(%dma_wait3A_277 : memref<8x2048xf32, #tpu.memory_space<hbm>>) dst(%arg13 : memref<8x2048xf32, #tpu.memory_space<vmem>>)
      %add3A_278 = arith.constant 80 : i32
      %add3A_279 = arith.addi %mul3A_2, %add3A_278 : i32
      %dma_start3A_280 = arith.constant 0 : i32
      %dma_start3A_281 = tpu.memref_slice %arg7[%add3A_279, %dma_start3A_280] : memref<8192x2048xf32, #tpu.memory_space<hbm>> -> memref<8x2048xf32, #tpu.memory_space<hbm>>
      %dma_start3A_282 = arith.constant 0 : i32
      %dma_start3A_283 = tpu.memref_slice %arg7[%add3A_279, %dma_start3A_282] : memref<8192x2048xf32, #tpu.memory_space<hbm>> -> memref<8x2048xf32, #tpu.memory_space<hbm>>
      tpu.enqueue_dma source(%arg13 : memref<8x2048xf32, #tpu.memory_space<vmem>>) target(%dma_start3A_283 : memref<8x2048xf32, #tpu.memory_space<hbm>>) target_semaphore(%arg25 : memref<!tpu.dma_semaphore, #tpu.memory_space<semaphore_mem>>)
      %add3A_284 = arith.constant 64 : i32
      %add3A_285 = arith.addi %mul3A_2, %add3A_284 : i32
      %dma_wait3A_286 = arith.constant 0 : i32
      %dma_wait3A_287 = tpu.memref_slice %arg7[%add3A_285, %dma_wait3A_286] : memref<8192x2048xf32, #tpu.memory_space<hbm>> -> memref<8x2048xf32, #tpu.memory_space<hbm>>
      %dma_wait3A_288 = arith.constant 0 : i32
      %dma_wait3A_289 = tpu.memref_slice %arg7[%add3A_285, %dma_wait3A_288] : memref<8192x2048xf32, #tpu.memory_space<hbm>> -> memref<8x2048xf32, #tpu.memory_space<hbm>>
      tpu.wait_dma2 semaphore(%arg23 : memref<!tpu.dma_semaphore, #tpu.memory_space<semaphore_mem>>) src(%arg11 : memref<8x2048xf32, #tpu.memory_space<vmem>>) dst(%dma_wait3A_289 : memref<8x2048xf32, #tpu.memory_space<hbm>>)
      %add3A_290 = arith.constant 112 : i32
      %add3A_291 = arith.addi %mul3A_2, %add3A_290 : i32
      %dma_start3A_292 = arith.constant 0 : i32
      %dma_start3A_293 = tpu.memref_slice %arg2[%add3A_291, %dma_start3A_292] : memref<8192x2048xf32, #tpu.memory_space<hbm>> -> memref<8x2048xf32, #tpu.memory_space<hbm>>
      %dma_start3A_294 = arith.constant 0 : i32
      %dma_start3A_295 = tpu.memref_slice %arg2[%add3A_291, %dma_start3A_294] : memref<8192x2048xf32, #tpu.memory_space<hbm>> -> memref<8x2048xf32, #tpu.memory_space<hbm>>
      tpu.enqueue_dma source(%dma_start3A_295 : memref<8x2048xf32, #tpu.memory_space<hbm>>) target(%arg11 : memref<8x2048xf32, #tpu.memory_space<vmem>>) target_semaphore(%arg17 : memref<!tpu.dma_semaphore, #tpu.memory_space<semaphore_mem>>)
      %add3A_296 = arith.constant 88 : i32
      %add3A_297 = arith.addi %mul3A_2, %add3A_296 : i32
      %dma_wait3A_298 = arith.constant 0 : i32
      %dma_wait3A_299 = tpu.memref_slice %arg2[%add3A_297, %dma_wait3A_298] : memref<8192x2048xf32, #tpu.memory_space<hbm>> -> memref<8x2048xf32, #tpu.memory_space<hbm>>
      %dma_wait3A_300 = arith.constant 0 : i32
      %dma_wait3A_301 = tpu.memref_slice %arg2[%add3A_297, %dma_wait3A_300] : memref<8192x2048xf32, #tpu.memory_space<hbm>> -> memref<8x2048xf32, #tpu.memory_space<hbm>>
      tpu.wait_dma2 semaphore(%arg20 : memref<!tpu.dma_semaphore, #tpu.memory_space<semaphore_mem>>) src(%dma_wait3A_301 : memref<8x2048xf32, #tpu.memory_space<hbm>>) dst(%arg14 : memref<8x2048xf32, #tpu.memory_space<vmem>>)
      %add3A_302 = arith.constant 88 : i32
      %add3A_303 = arith.addi %mul3A_2, %add3A_302 : i32
      %dma_start3A_304 = arith.constant 0 : i32
      %dma_start3A_305 = tpu.memref_slice %arg7[%add3A_303, %dma_start3A_304] : memref<8192x2048xf32, #tpu.memory_space<hbm>> -> memref<8x2048xf32, #tpu.memory_space<hbm>>
      %dma_start3A_306 = arith.constant 0 : i32
      %dma_start3A_307 = tpu.memref_slice %arg7[%add3A_303, %dma_start3A_306] : memref<8192x2048xf32, #tpu.memory_space<hbm>> -> memref<8x2048xf32, #tpu.memory_space<hbm>>
      tpu.enqueue_dma source(%arg14 : memref<8x2048xf32, #tpu.memory_space<vmem>>) target(%dma_start3A_307 : memref<8x2048xf32, #tpu.memory_space<hbm>>) target_semaphore(%arg26 : memref<!tpu.dma_semaphore, #tpu.memory_space<semaphore_mem>>)
      %add3A_308 = arith.constant 72 : i32
      %add3A_309 = arith.addi %mul3A_2, %add3A_308 : i32
      %dma_wait3A_310 = arith.constant 0 : i32
      %dma_wait3A_311 = tpu.memref_slice %arg7[%add3A_309, %dma_wait3A_310] : memref<8192x2048xf32, #tpu.memory_space<hbm>> -> memref<8x2048xf32, #tpu.memory_space<hbm>>
      %dma_wait3A_312 = arith.constant 0 : i32
      %dma_wait3A_313 = tpu.memref_slice %arg7[%add3A_309, %dma_wait3A_312] : memref<8192x2048xf32, #tpu.memory_space<hbm>> -> memref<8x2048xf32, #tpu.memory_space<hbm>>
      tpu.wait_dma2 semaphore(%arg24 : memref<!tpu.dma_semaphore, #tpu.memory_space<semaphore_mem>>) src(%arg12 : memref<8x2048xf32, #tpu.memory_space<vmem>>) dst(%dma_wait3A_313 : memref<8x2048xf32, #tpu.memory_space<hbm>>)
      %add3A_314 = arith.constant 120 : i32
      %add3A_315 = arith.addi %mul3A_2, %add3A_314 : i32
      %dma_start3A_316 = arith.constant 0 : i32
      %dma_start3A_317 = tpu.memref_slice %arg2[%add3A_315, %dma_start3A_316] : memref<8192x2048xf32, #tpu.memory_space<hbm>> -> memref<8x2048xf32, #tpu.memory_space<hbm>>
      %dma_start3A_318 = arith.constant 0 : i32
      %dma_start3A_319 = tpu.memref_slice %arg2[%add3A_315, %dma_start3A_318] : memref<8192x2048xf32, #tpu.memory_space<hbm>> -> memref<8x2048xf32, #tpu.memory_space<hbm>>
      tpu.enqueue_dma source(%dma_start3A_319 : memref<8x2048xf32, #tpu.memory_space<hbm>>) target(%arg12 : memref<8x2048xf32, #tpu.memory_space<vmem>>) target_semaphore(%arg18 : memref<!tpu.dma_semaphore, #tpu.memory_space<semaphore_mem>>)
      %add3A_320 = arith.constant 96 : i32
      %add3A_321 = arith.addi %mul3A_2, %add3A_320 : i32
      %dma_wait3A_322 = arith.constant 0 : i32
      %dma_wait3A_323 = tpu.memref_slice %arg2[%add3A_321, %dma_wait3A_322] : memref<8192x2048xf32, #tpu.memory_space<hbm>> -> memref<8x2048xf32, #tpu.memory_space<hbm>>
      %dma_wait3A_324 = arith.constant 0 : i32
      %dma_wait3A_325 = tpu.memref_slice %arg2[%add3A_321, %dma_wait3A_324] : memref<8192x2048xf32, #tpu.memory_space<hbm>> -> memref<8x2048xf32, #tpu.memory_space<hbm>>
      tpu.wait_dma2 semaphore(%arg15 : memref<!tpu.dma_semaphore, #tpu.memory_space<semaphore_mem>>) src(%dma_wait3A_325 : memref<8x2048xf32, #tpu.memory_space<hbm>>) dst(%arg9 : memref<8x2048xf32, #tpu.memory_space<vmem>>)
      %add3A_326 = arith.constant 96 : i32
      %add3A_327 = arith.addi %mul3A_2, %add3A_326 : i32
      %dma_start3A_328 = arith.constant 0 : i32
      %dma_start3A_329 = tpu.memref_slice %arg7[%add3A_327, %dma_start3A_328] : memref<8192x2048xf32, #tpu.memory_space<hbm>> -> memref<8x2048xf32, #tpu.memory_space<hbm>>
      %dma_start3A_330 = arith.constant 0 : i32
      %dma_start3A_331 = tpu.memref_slice %arg7[%add3A_327, %dma_start3A_330] : memref<8192x2048xf32, #tpu.memory_space<hbm>> -> memref<8x2048xf32, #tpu.memory_space<hbm>>
      tpu.enqueue_dma source(%arg9 : memref<8x2048xf32, #tpu.memory_space<vmem>>) target(%dma_start3A_331 : memref<8x2048xf32, #tpu.memory_space<hbm>>) target_semaphore(%arg21 : memref<!tpu.dma_semaphore, #tpu.memory_space<semaphore_mem>>)
      %add3A_332 = arith.constant 80 : i32
      %add3A_333 = arith.addi %mul3A_2, %add3A_332 : i32
      %dma_wait3A_334 = arith.constant 0 : i32
      %dma_wait3A_335 = tpu.memref_slice %arg7[%add3A_333, %dma_wait3A_334] : memref<8192x2048xf32, #tpu.memory_space<hbm>> -> memref<8x2048xf32, #tpu.memory_space<hbm>>
      %dma_wait3A_336 = arith.constant 0 : i32
      %dma_wait3A_337 = tpu.memref_slice %arg7[%add3A_333, %dma_wait3A_336] : memref<8192x2048xf32, #tpu.memory_space<hbm>> -> memref<8x2048xf32, #tpu.memory_space<hbm>>
      tpu.wait_dma2 semaphore(%arg25 : memref<!tpu.dma_semaphore, #tpu.memory_space<semaphore_mem>>) src(%arg13 : memref<8x2048xf32, #tpu.memory_space<vmem>>) dst(%dma_wait3A_337 : memref<8x2048xf32, #tpu.memory_space<hbm>>)
      %add3A_338 = arith.constant 128 : i32
      %add3A_339 = arith.addi %mul3A_2, %add3A_338 : i32
      %dma_start3A_340 = arith.constant 0 : i32
      %dma_start3A_341 = tpu.memref_slice %arg2[%add3A_339, %dma_start3A_340] : memref<8192x2048xf32, #tpu.memory_space<hbm>> -> memref<8x2048xf32, #tpu.memory_space<hbm>>
      %dma_start3A_342 = arith.constant 0 : i32
      %dma_start3A_343 = tpu.memref_slice %arg2[%add3A_339, %dma_start3A_342] : memref<8192x2048xf32, #tpu.memory_space<hbm>> -> memref<8x2048xf32, #tpu.memory_space<hbm>>
      tpu.enqueue_dma source(%dma_start3A_343 : memref<8x2048xf32, #tpu.memory_space<hbm>>) target(%arg13 : memref<8x2048xf32, #tpu.memory_space<vmem>>) target_semaphore(%arg19 : memref<!tpu.dma_semaphore, #tpu.memory_space<semaphore_mem>>)
      %add3A_344 = arith.constant 104 : i32
      %add3A_345 = arith.addi %mul3A_2, %add3A_344 : i32
      %dma_wait3A_346 = arith.constant 0 : i32
      %dma_wait3A_347 = tpu.memref_slice %arg2[%add3A_345, %dma_wait3A_346] : memref<8192x2048xf32, #tpu.memory_space<hbm>> -> memref<8x2048xf32, #tpu.memory_space<hbm>>
      %dma_wait3A_348 = arith.constant 0 : i32
      %dma_wait3A_349 = tpu.memref_slice %arg2[%add3A_345, %dma_wait3A_348] : memref<8192x2048xf32, #tpu.memory_space<hbm>> -> memref<8x2048xf32, #tpu.memory_space<hbm>>
      tpu.wait_dma2 semaphore(%arg16 : memref<!tpu.dma_semaphore, #tpu.memory_space<semaphore_mem>>) src(%dma_wait3A_349 : memref<8x2048xf32, #tpu.memory_space<hbm>>) dst(%arg10 : memref<8x2048xf32, #tpu.memory_space<vmem>>)
      %add3A_350 = arith.constant 104 : i32
      %add3A_351 = arith.addi %mul3A_2, %add3A_350 : i32
      %dma_start3A_352 = arith.constant 0 : i32
      %dma_start3A_353 = tpu.memref_slice %arg7[%add3A_351, %dma_start3A_352] : memref<8192x2048xf32, #tpu.memory_space<hbm>> -> memref<8x2048xf32, #tpu.memory_space<hbm>>
      %dma_start3A_354 = arith.constant 0 : i32
      %dma_start3A_355 = tpu.memref_slice %arg7[%add3A_351, %dma_start3A_354] : memref<8192x2048xf32, #tpu.memory_space<hbm>> -> memref<8x2048xf32, #tpu.memory_space<hbm>>
      tpu.enqueue_dma source(%arg10 : memref<8x2048xf32, #tpu.memory_space<vmem>>) target(%dma_start3A_355 : memref<8x2048xf32, #tpu.memory_space<hbm>>) target_semaphore(%arg22 : memref<!tpu.dma_semaphore, #tpu.memory_space<semaphore_mem>>)
      %add3A_356 = arith.constant 88 : i32
      %add3A_357 = arith.addi %mul3A_2, %add3A_356 : i32
      %dma_wait3A_358 = arith.constant 0 : i32
      %dma_wait3A_359 = tpu.memref_slice %arg7[%add3A_357, %dma_wait3A_358] : memref<8192x2048xf32, #tpu.memory_space<hbm>> -> memref<8x2048xf32, #tpu.memory_space<hbm>>
      %dma_wait3A_360 = arith.constant 0 : i32
      %dma_wait3A_361 = tpu.memref_slice %arg7[%add3A_357, %dma_wait3A_360] : memref<8192x2048xf32, #tpu.memory_space<hbm>> -> memref<8x2048xf32, #tpu.memory_space<hbm>>
      tpu.wait_dma2 semaphore(%arg26 : memref<!tpu.dma_semaphore, #tpu.memory_space<semaphore_mem>>) src(%arg14 : memref<8x2048xf32, #tpu.memory_space<vmem>>) dst(%dma_wait3A_361 : memref<8x2048xf32, #tpu.memory_space<hbm>>)
      %add3A_362 = arith.constant 136 : i32
      %add3A_363 = arith.addi %mul3A_2, %add3A_362 : i32
      %dma_start3A_364 = arith.constant 0 : i32
      %dma_start3A_365 = tpu.memref_slice %arg2[%add3A_363, %dma_start3A_364] : memref<8192x2048xf32, #tpu.memory_space<hbm>> -> memref<8x2048xf32, #tpu.memory_space<hbm>>
      %dma_start3A_366 = arith.constant 0 : i32
      %dma_start3A_367 = tpu.memref_slice %arg2[%add3A_363, %dma_start3A_366] : memref<8192x2048xf32, #tpu.memory_space<hbm>> -> memref<8x2048xf32, #tpu.memory_space<hbm>>
      tpu.enqueue_dma source(%dma_start3A_367 : memref<8x2048xf32, #tpu.memory_space<hbm>>) target(%arg14 : memref<8x2048xf32, #tpu.memory_space<vmem>>) target_semaphore(%arg20 : memref<!tpu.dma_semaphore, #tpu.memory_space<semaphore_mem>>)
      %add3A_368 = arith.constant 112 : i32
      %add3A_369 = arith.addi %mul3A_2, %add3A_368 : i32
      %dma_wait3A_370 = arith.constant 0 : i32
      %dma_wait3A_371 = tpu.memref_slice %arg2[%add3A_369, %dma_wait3A_370] : memref<8192x2048xf32, #tpu.memory_space<hbm>> -> memref<8x2048xf32, #tpu.memory_space<hbm>>
      %dma_wait3A_372 = arith.constant 0 : i32
      %dma_wait3A_373 = tpu.memref_slice %arg2[%add3A_369, %dma_wait3A_372] : memref<8192x2048xf32, #tpu.memory_space<hbm>> -> memref<8x2048xf32, #tpu.memory_space<hbm>>
      tpu.wait_dma2 semaphore(%arg17 : memref<!tpu.dma_semaphore, #tpu.memory_space<semaphore_mem>>) src(%dma_wait3A_373 : memref<8x2048xf32, #tpu.memory_space<hbm>>) dst(%arg11 : memref<8x2048xf32, #tpu.memory_space<vmem>>)
      %add3A_374 = arith.constant 112 : i32
      %add3A_375 = arith.addi %mul3A_2, %add3A_374 : i32
      %dma_start3A_376 = arith.constant 0 : i32
      %dma_start3A_377 = tpu.memref_slice %arg7[%add3A_375, %dma_start3A_376] : memref<8192x2048xf32, #tpu.memory_space<hbm>> -> memref<8x2048xf32, #tpu.memory_space<hbm>>
      %dma_start3A_378 = arith.constant 0 : i32
      %dma_start3A_379 = tpu.memref_slice %arg7[%add3A_375, %dma_start3A_378] : memref<8192x2048xf32, #tpu.memory_space<hbm>> -> memref<8x2048xf32, #tpu.memory_space<hbm>>
      tpu.enqueue_dma source(%arg11 : memref<8x2048xf32, #tpu.memory_space<vmem>>) target(%dma_start3A_379 : memref<8x2048xf32, #tpu.memory_space<hbm>>) target_semaphore(%arg23 : memref<!tpu.dma_semaphore, #tpu.memory_space<semaphore_mem>>)
      %add3A_380 = arith.constant 96 : i32
      %add3A_381 = arith.addi %mul3A_2, %add3A_380 : i32
      %dma_wait3A_382 = arith.constant 0 : i32
      %dma_wait3A_383 = tpu.memref_slice %arg7[%add3A_381, %dma_wait3A_382] : memref<8192x2048xf32, #tpu.memory_space<hbm>> -> memref<8x2048xf32, #tpu.memory_space<hbm>>
      %dma_wait3A_384 = arith.constant 0 : i32
      %dma_wait3A_385 = tpu.memref_slice %arg7[%add3A_381, %dma_wait3A_384] : memref<8192x2048xf32, #tpu.memory_space<hbm>> -> memref<8x2048xf32, #tpu.memory_space<hbm>>
      tpu.wait_dma2 semaphore(%arg21 : memref<!tpu.dma_semaphore, #tpu.memory_space<semaphore_mem>>) src(%arg9 : memref<8x2048xf32, #tpu.memory_space<vmem>>) dst(%dma_wait3A_385 : memref<8x2048xf32, #tpu.memory_space<hbm>>)
      %add3A_386 = arith.constant 144 : i32
      %add3A_387 = arith.addi %mul3A_2, %add3A_386 : i32
      %dma_start3A_388 = arith.constant 0 : i32
      %dma_start3A_389 = tpu.memref_slice %arg2[%add3A_387, %dma_start3A_388] : memref<8192x2048xf32, #tpu.memory_space<hbm>> -> memref<8x2048xf32, #tpu.memory_space<hbm>>
      %dma_start3A_390 = arith.constant 0 : i32
      %dma_start3A_391 = tpu.memref_slice %arg2[%add3A_387, %dma_start3A_390] : memref<8192x2048xf32, #tpu.memory_space<hbm>> -> memref<8x2048xf32, #tpu.memory_space<hbm>>
      tpu.enqueue_dma source(%dma_start3A_391 : memref<8x2048xf32, #tpu.memory_space<hbm>>) target(%arg9 : memref<8x2048xf32, #tpu.memory_space<vmem>>) target_semaphore(%arg15 : memref<!tpu.dma_semaphore, #tpu.memory_space<semaphore_mem>>)
      %add3A_392 = arith.constant 120 : i32
      %add3A_393 = arith.addi %mul3A_2, %add3A_392 : i32
      %dma_wait3A_394 = arith.constant 0 : i32
      %dma_wait3A_395 = tpu.memref_slice %arg2[%add3A_393, %dma_wait3A_394] : memref<8192x2048xf32, #tpu.memory_space<hbm>> -> memref<8x2048xf32, #tpu.memory_space<hbm>>
      %dma_wait3A_396 = arith.constant 0 : i32
      %dma_wait3A_397 = tpu.memref_slice %arg2[%add3A_393, %dma_wait3A_396] : memref<8192x2048xf32, #tpu.memory_space<hbm>> -> memref<8x2048xf32, #tpu.memory_space<hbm>>
      tpu.wait_dma2 semaphore(%arg18 : memref<!tpu.dma_semaphore, #tpu.memory_space<semaphore_mem>>) src(%dma_wait3A_397 : memref<8x2048xf32, #tpu.memory_space<hbm>>) dst(%arg12 : memref<8x2048xf32, #tpu.memory_space<vmem>>)
      %add3A_398 = arith.constant 120 : i32
      %add3A_399 = arith.addi %mul3A_2, %add3A_398 : i32
      %dma_start3A_400 = arith.constant 0 : i32
      %dma_start3A_401 = tpu.memref_slice %arg7[%add3A_399, %dma_start3A_400] : memref<8192x2048xf32, #tpu.memory_space<hbm>> -> memref<8x2048xf32, #tpu.memory_space<hbm>>
      %dma_start3A_402 = arith.constant 0 : i32
      %dma_start3A_403 = tpu.memref_slice %arg7[%add3A_399, %dma_start3A_402] : memref<8192x2048xf32, #tpu.memory_space<hbm>> -> memref<8x2048xf32, #tpu.memory_space<hbm>>
      tpu.enqueue_dma source(%arg12 : memref<8x2048xf32, #tpu.memory_space<vmem>>) target(%dma_start3A_403 : memref<8x2048xf32, #tpu.memory_space<hbm>>) target_semaphore(%arg24 : memref<!tpu.dma_semaphore, #tpu.memory_space<semaphore_mem>>)
      %add3A_404 = arith.constant 104 : i32
      %add3A_405 = arith.addi %mul3A_2, %add3A_404 : i32
      %dma_wait3A_406 = arith.constant 0 : i32
      %dma_wait3A_407 = tpu.memref_slice %arg7[%add3A_405, %dma_wait3A_406] : memref<8192x2048xf32, #tpu.memory_space<hbm>> -> memref<8x2048xf32, #tpu.memory_space<hbm>>
      %dma_wait3A_408 = arith.constant 0 : i32
      %dma_wait3A_409 = tpu.memref_slice %arg7[%add3A_405, %dma_wait3A_408] : memref<8192x2048xf32, #tpu.memory_space<hbm>> -> memref<8x2048xf32, #tpu.memory_space<hbm>>
      tpu.wait_dma2 semaphore(%arg22 : memref<!tpu.dma_semaphore, #tpu.memory_space<semaphore_mem>>) src(%arg10 : memref<8x2048xf32, #tpu.memory_space<vmem>>) dst(%dma_wait3A_409 : memref<8x2048xf32, #tpu.memory_space<hbm>>)
      %add3A_410 = arith.constant 152 : i32
      %add3A_411 = arith.addi %mul3A_2, %add3A_410 : i32
      %dma_start3A_412 = arith.constant 0 : i32
      %dma_start3A_413 = tpu.memref_slice %arg2[%add3A_411, %dma_start3A_412] : memref<8192x2048xf32, #tpu.memory_space<hbm>> -> memref<8x2048xf32, #tpu.memory_space<hbm>>
      %dma_start3A_414 = arith.constant 0 : i32
      %dma_start3A_415 = tpu.memref_slice %arg2[%add3A_411, %dma_start3A_414] : memref<8192x2048xf32, #tpu.memory_space<hbm>> -> memref<8x2048xf32, #tpu.memory_space<hbm>>
      tpu.enqueue_dma source(%dma_start3A_415 : memref<8x2048xf32, #tpu.memory_space<hbm>>) target(%arg10 : memref<8x2048xf32, #tpu.memory_space<vmem>>) target_semaphore(%arg16 : memref<!tpu.dma_semaphore, #tpu.memory_space<semaphore_mem>>)
      %add3A_416 = arith.constant 128 : i32
      %add3A_417 = arith.addi %mul3A_2, %add3A_416 : i32
      %dma_wait3A_418 = arith.constant 0 : i32
      %dma_wait3A_419 = tpu.memref_slice %arg2[%add3A_417, %dma_wait3A_418] : memref<8192x2048xf32, #tpu.memory_space<hbm>> -> memref<8x2048xf32, #tpu.memory_space<hbm>>
      %dma_wait3A_420 = arith.constant 0 : i32
      %dma_wait3A_421 = tpu.memref_slice %arg2[%add3A_417, %dma_wait3A_420] : memref<8192x2048xf32, #tpu.memory_space<hbm>> -> memref<8x2048xf32, #tpu.memory_space<hbm>>
      tpu.wait_dma2 semaphore(%arg19 : memref<!tpu.dma_semaphore, #tpu.memory_space<semaphore_mem>>) src(%dma_wait3A_421 : memref<8x2048xf32, #tpu.memory_space<hbm>>) dst(%arg13 : memref<8x2048xf32, #tpu.memory_space<vmem>>)
      %add3A_422 = arith.constant 128 : i32
      %add3A_423 = arith.addi %mul3A_2, %add3A_422 : i32
      %dma_start3A_424 = arith.constant 0 : i32
      %dma_start3A_425 = tpu.memref_slice %arg7[%add3A_423, %dma_start3A_424] : memref<8192x2048xf32, #tpu.memory_space<hbm>> -> memref<8x2048xf32, #tpu.memory_space<hbm>>
      %dma_start3A_426 = arith.constant 0 : i32
      %dma_start3A_427 = tpu.memref_slice %arg7[%add3A_423, %dma_start3A_426] : memref<8192x2048xf32, #tpu.memory_space<hbm>> -> memref<8x2048xf32, #tpu.memory_space<hbm>>
      tpu.enqueue_dma source(%arg13 : memref<8x2048xf32, #tpu.memory_space<vmem>>) target(%dma_start3A_427 : memref<8x2048xf32, #tpu.memory_space<hbm>>) target_semaphore(%arg25 : memref<!tpu.dma_semaphore, #tpu.memory_space<semaphore_mem>>)
      %add3A_428 = arith.constant 112 : i32
      %add3A_429 = arith.addi %mul3A_2, %add3A_428 : i32
      %dma_wait3A_430 = arith.constant 0 : i32
      %dma_wait3A_431 = tpu.memref_slice %arg7[%add3A_429, %dma_wait3A_430] : memref<8192x2048xf32, #tpu.memory_space<hbm>> -> memref<8x2048xf32, #tpu.memory_space<hbm>>
      %dma_wait3A_432 = arith.constant 0 : i32
      %dma_wait3A_433 = tpu.memref_slice %arg7[%add3A_429, %dma_wait3A_432] : memref<8192x2048xf32, #tpu.memory_space<hbm>> -> memref<8x2048xf32, #tpu.memory_space<hbm>>
      tpu.wait_dma2 semaphore(%arg23 : memref<!tpu.dma_semaphore, #tpu.memory_space<semaphore_mem>>) src(%arg11 : memref<8x2048xf32, #tpu.memory_space<vmem>>) dst(%dma_wait3A_433 : memref<8x2048xf32, #tpu.memory_space<hbm>>)
      %add3A_434 = arith.constant 160 : i32
      %add3A_435 = arith.addi %mul3A_2, %add3A_434 : i32
      %dma_start3A_436 = arith.constant 0 : i32
      %dma_start3A_437 = tpu.memref_slice %arg2[%add3A_435, %dma_start3A_436] : memref<8192x2048xf32, #tpu.memory_space<hbm>> -> memref<8x2048xf32, #tpu.memory_space<hbm>>
      %dma_start3A_438 = arith.constant 0 : i32
      %dma_start3A_439 = tpu.memref_slice %arg2[%add3A_435, %dma_start3A_438] : memref<8192x2048xf32, #tpu.memory_space<hbm>> -> memref<8x2048xf32, #tpu.memory_space<hbm>>
      tpu.enqueue_dma source(%dma_start3A_439 : memref<8x2048xf32, #tpu.memory_space<hbm>>) target(%arg11 : memref<8x2048xf32, #tpu.memory_space<vmem>>) target_semaphore(%arg17 : memref<!tpu.dma_semaphore, #tpu.memory_space<semaphore_mem>>)
      %add3A_440 = arith.constant 136 : i32
      %add3A_441 = arith.addi %mul3A_2, %add3A_440 : i32
      %dma_wait3A_442 = arith.constant 0 : i32
      %dma_wait3A_443 = tpu.memref_slice %arg2[%add3A_441, %dma_wait3A_442] : memref<8192x2048xf32, #tpu.memory_space<hbm>> -> memref<8x2048xf32, #tpu.memory_space<hbm>>
      %dma_wait3A_444 = arith.constant 0 : i32
      %dma_wait3A_445 = tpu.memref_slice %arg2[%add3A_441, %dma_wait3A_444] : memref<8192x2048xf32, #tpu.memory_space<hbm>> -> memref<8x2048xf32, #tpu.memory_space<hbm>>
      tpu.wait_dma2 semaphore(%arg20 : memref<!tpu.dma_semaphore, #tpu.memory_space<semaphore_mem>>) src(%dma_wait3A_445 : memref<8x2048xf32, #tpu.memory_space<hbm>>) dst(%arg14 : memref<8x2048xf32, #tpu.memory_space<vmem>>)
      %add3A_446 = arith.constant 136 : i32
      %add3A_447 = arith.addi %mul3A_2, %add3A_446 : i32
      %dma_start3A_448 = arith.constant 0 : i32
      %dma_start3A_449 = tpu.memref_slice %arg7[%add3A_447, %dma_start3A_448] : memref<8192x2048xf32, #tpu.memory_space<hbm>> -> memref<8x2048xf32, #tpu.memory_space<hbm>>
      %dma_start3A_450 = arith.constant 0 : i32
      %dma_start3A_451 = tpu.memref_slice %arg7[%add3A_447, %dma_start3A_450] : memref<8192x2048xf32, #tpu.memory_space<hbm>> -> memref<8x2048xf32, #tpu.memory_space<hbm>>
      tpu.enqueue_dma source(%arg14 : memref<8x2048xf32, #tpu.memory_space<vmem>>) target(%dma_start3A_451 : memref<8x2048xf32, #tpu.memory_space<hbm>>) target_semaphore(%arg26 : memref<!tpu.dma_semaphore, #tpu.memory_space<semaphore_mem>>)
      %add3A_452 = arith.constant 120 : i32
      %add3A_453 = arith.addi %mul3A_2, %add3A_452 : i32
      %dma_wait3A_454 = arith.constant 0 : i32
      %dma_wait3A_455 = tpu.memref_slice %arg7[%add3A_453, %dma_wait3A_454] : memref<8192x2048xf32, #tpu.memory_space<hbm>> -> memref<8x2048xf32, #tpu.memory_space<hbm>>
      %dma_wait3A_456 = arith.constant 0 : i32
      %dma_wait3A_457 = tpu.memref_slice %arg7[%add3A_453, %dma_wait3A_456] : memref<8192x2048xf32, #tpu.memory_space<hbm>> -> memref<8x2048xf32, #tpu.memory_space<hbm>>
      tpu.wait_dma2 semaphore(%arg24 : memref<!tpu.dma_semaphore, #tpu.memory_space<semaphore_mem>>) src(%arg12 : memref<8x2048xf32, #tpu.memory_space<vmem>>) dst(%dma_wait3A_457 : memref<8x2048xf32, #tpu.memory_space<hbm>>)
      %add3A_458 = arith.constant 168 : i32
      %add3A_459 = arith.addi %mul3A_2, %add3A_458 : i32
      %dma_start3A_460 = arith.constant 0 : i32
      %dma_start3A_461 = tpu.memref_slice %arg2[%add3A_459, %dma_start3A_460] : memref<8192x2048xf32, #tpu.memory_space<hbm>> -> memref<8x2048xf32, #tpu.memory_space<hbm>>
      %dma_start3A_462 = arith.constant 0 : i32
      %dma_start3A_463 = tpu.memref_slice %arg2[%add3A_459, %dma_start3A_462] : memref<8192x2048xf32, #tpu.memory_space<hbm>> -> memref<8x2048xf32, #tpu.memory_space<hbm>>
      tpu.enqueue_dma source(%dma_start3A_463 : memref<8x2048xf32, #tpu.memory_space<hbm>>) target(%arg12 : memref<8x2048xf32, #tpu.memory_space<vmem>>) target_semaphore(%arg18 : memref<!tpu.dma_semaphore, #tpu.memory_space<semaphore_mem>>)
      %add3A_464 = arith.constant 144 : i32
      %add3A_465 = arith.addi %mul3A_2, %add3A_464 : i32
      %dma_wait3A_466 = arith.constant 0 : i32
      %dma_wait3A_467 = tpu.memref_slice %arg2[%add3A_465, %dma_wait3A_466] : memref<8192x2048xf32, #tpu.memory_space<hbm>> -> memref<8x2048xf32, #tpu.memory_space<hbm>>
      %dma_wait3A_468 = arith.constant 0 : i32
      %dma_wait3A_469 = tpu.memref_slice %arg2[%add3A_465, %dma_wait3A_468] : memref<8192x2048xf32, #tpu.memory_space<hbm>> -> memref<8x2048xf32, #tpu.memory_space<hbm>>
      tpu.wait_dma2 semaphore(%arg15 : memref<!tpu.dma_semaphore, #tpu.memory_space<semaphore_mem>>) src(%dma_wait3A_469 : memref<8x2048xf32, #tpu.memory_space<hbm>>) dst(%arg9 : memref<8x2048xf32, #tpu.memory_space<vmem>>)
      %add3A_470 = arith.constant 144 : i32
      %add3A_471 = arith.addi %mul3A_2, %add3A_470 : i32
      %dma_start3A_472 = arith.constant 0 : i32
      %dma_start3A_473 = tpu.memref_slice %arg7[%add3A_471, %dma_start3A_472] : memref<8192x2048xf32, #tpu.memory_space<hbm>> -> memref<8x2048xf32, #tpu.memory_space<hbm>>
      %dma_start3A_474 = arith.constant 0 : i32
      %dma_start3A_475 = tpu.memref_slice %arg7[%add3A_471, %dma_start3A_474] : memref<8192x2048xf32, #tpu.memory_space<hbm>> -> memref<8x2048xf32, #tpu.memory_space<hbm>>
      tpu.enqueue_dma source(%arg9 : memref<8x2048xf32, #tpu.memory_space<vmem>>) target(%dma_start3A_475 : memref<8x2048xf32, #tpu.memory_space<hbm>>) target_semaphore(%arg21 : memref<!tpu.dma_semaphore, #tpu.memory_space<semaphore_mem>>)
      %add3A_476 = arith.constant 128 : i32
      %add3A_477 = arith.addi %mul3A_2, %add3A_476 : i32
      %dma_wait3A_478 = arith.constant 0 : i32
      %dma_wait3A_479 = tpu.memref_slice %arg7[%add3A_477, %dma_wait3A_478] : memref<8192x2048xf32, #tpu.memory_space<hbm>> -> memref<8x2048xf32, #tpu.memory_space<hbm>>
      %dma_wait3A_480 = arith.constant 0 : i32
      %dma_wait3A_481 = tpu.memref_slice %arg7[%add3A_477, %dma_wait3A_480] : memref<8192x2048xf32, #tpu.memory_space<hbm>> -> memref<8x2048xf32, #tpu.memory_space<hbm>>
      tpu.wait_dma2 semaphore(%arg25 : memref<!tpu.dma_semaphore, #tpu.memory_space<semaphore_mem>>) src(%arg13 : memref<8x2048xf32, #tpu.memory_space<vmem>>) dst(%dma_wait3A_481 : memref<8x2048xf32, #tpu.memory_space<hbm>>)
      %add3A_482 = arith.constant 176 : i32
      %add3A_483 = arith.addi %mul3A_2, %add3A_482 : i32
      %dma_start3A_484 = arith.constant 0 : i32
      %dma_start3A_485 = tpu.memref_slice %arg2[%add3A_483, %dma_start3A_484] : memref<8192x2048xf32, #tpu.memory_space<hbm>> -> memref<8x2048xf32, #tpu.memory_space<hbm>>
      %dma_start3A_486 = arith.constant 0 : i32
      %dma_start3A_487 = tpu.memref_slice %arg2[%add3A_483, %dma_start3A_486] : memref<8192x2048xf32, #tpu.memory_space<hbm>> -> memref<8x2048xf32, #tpu.memory_space<hbm>>
      tpu.enqueue_dma source(%dma_start3A_487 : memref<8x2048xf32, #tpu.memory_space<hbm>>) target(%arg13 : memref<8x2048xf32, #tpu.memory_space<vmem>>) target_semaphore(%arg19 : memref<!tpu.dma_semaphore, #tpu.memory_space<semaphore_mem>>)
      %add3A_488 = arith.constant 152 : i32
      %add3A_489 = arith.addi %mul3A_2, %add3A_488 : i32
      %dma_wait3A_490 = arith.constant 0 : i32
      %dma_wait3A_491 = tpu.memref_slice %arg2[%add3A_489, %dma_wait3A_490] : memref<8192x2048xf32, #tpu.memory_space<hbm>> -> memref<8x2048xf32, #tpu.memory_space<hbm>>
      %dma_wait3A_492 = arith.constant 0 : i32
      %dma_wait3A_493 = tpu.memref_slice %arg2[%add3A_489, %dma_wait3A_492] : memref<8192x2048xf32, #tpu.memory_space<hbm>> -> memref<8x2048xf32, #tpu.memory_space<hbm>>
      tpu.wait_dma2 semaphore(%arg16 : memref<!tpu.dma_semaphore, #tpu.memory_space<semaphore_mem>>) src(%dma_wait3A_493 : memref<8x2048xf32, #tpu.memory_space<hbm>>) dst(%arg10 : memref<8x2048xf32, #tpu.memory_space<vmem>>)
      %add3A_494 = arith.constant 152 : i32
      %add3A_495 = arith.addi %mul3A_2, %add3A_494 : i32
      %dma_start3A_496 = arith.constant 0 : i32
      %dma_start3A_497 = tpu.memref_slice %arg7[%add3A_495, %dma_start3A_496] : memref<8192x2048xf32, #tpu.memory_space<hbm>> -> memref<8x2048xf32, #tpu.memory_space<hbm>>
      %dma_start3A_498 = arith.constant 0 : i32
      %dma_start3A_499 = tpu.memref_slice %arg7[%add3A_495, %dma_start3A_498] : memref<8192x2048xf32, #tpu.memory_space<hbm>> -> memref<8x2048xf32, #tpu.memory_space<hbm>>
      tpu.enqueue_dma source(%arg10 : memref<8x2048xf32, #tpu.memory_space<vmem>>) target(%dma_start3A_499 : memref<8x2048xf32, #tpu.memory_space<hbm>>) target_semaphore(%arg22 : memref<!tpu.dma_semaphore, #tpu.memory_space<semaphore_mem>>)
      %add3A_500 = arith.constant 136 : i32
      %add3A_501 = arith.addi %mul3A_2, %add3A_500 : i32
      %dma_wait3A_502 = arith.constant 0 : i32
      %dma_wait3A_503 = tpu.memref_slice %arg7[%add3A_501, %dma_wait3A_502] : memref<8192x2048xf32, #tpu.memory_space<hbm>> -> memref<8x2048xf32, #tpu.memory_space<hbm>>
      %dma_wait3A_504 = arith.constant 0 : i32
      %dma_wait3A_505 = tpu.memref_slice %arg7[%add3A_501, %dma_wait3A_504] : memref<8192x2048xf32, #tpu.memory_space<hbm>> -> memref<8x2048xf32, #tpu.memory_space<hbm>>
      tpu.wait_dma2 semaphore(%arg26 : memref<!tpu.dma_semaphore, #tpu.memory_space<semaphore_mem>>) src(%arg14 : memref<8x2048xf32, #tpu.memory_space<vmem>>) dst(%dma_wait3A_505 : memref<8x2048xf32, #tpu.memory_space<hbm>>)
      %add3A_506 = arith.constant 184 : i32
      %add3A_507 = arith.addi %mul3A_2, %add3A_506 : i32
      %dma_start3A_508 = arith.constant 0 : i32
      %dma_start3A_509 = tpu.memref_slice %arg2[%add3A_507, %dma_start3A_508] : memref<8192x2048xf32, #tpu.memory_space<hbm>> -> memref<8x2048xf32, #tpu.memory_space<hbm>>
      %dma_start3A_510 = arith.constant 0 : i32
      %dma_start3A_511 = tpu.memref_slice %arg2[%add3A_507, %dma_start3A_510] : memref<8192x2048xf32, #tpu.memory_space<hbm>> -> memref<8x2048xf32, #tpu.memory_space<hbm>>
      tpu.enqueue_dma source(%dma_start3A_511 : memref<8x2048xf32, #tpu.memory_space<hbm>>) target(%arg14 : memref<8x2048xf32, #tpu.memory_space<vmem>>) target_semaphore(%arg20 : memref<!tpu.dma_semaphore, #tpu.memory_space<semaphore_mem>>)
      %add3A_512 = arith.constant 160 : i32
      %add3A_513 = arith.addi %mul3A_2, %add3A_512 : i32
      %dma_wait3A_514 = arith.constant 0 : i32
      %dma_wait3A_515 = tpu.memref_slice %arg2[%add3A_513, %dma_wait3A_514] : memref<8192x2048xf32, #tpu.memory_space<hbm>> -> memref<8x2048xf32, #tpu.memory_space<hbm>>
      %dma_wait3A_516 = arith.constant 0 : i32
      %dma_wait3A_517 = tpu.memref_slice %arg2[%add3A_513, %dma_wait3A_516] : memref<8192x2048xf32, #tpu.memory_space<hbm>> -> memref<8x2048xf32, #tpu.memory_space<hbm>>
      tpu.wait_dma2 semaphore(%arg17 : memref<!tpu.dma_semaphore, #tpu.memory_space<semaphore_mem>>) src(%dma_wait3A_517 : memref<8x2048xf32, #tpu.memory_space<hbm>>) dst(%arg11 : memref<8x2048xf32, #tpu.memory_space<vmem>>)
      %add3A_518 = arith.constant 160 : i32
      %add3A_519 = arith.addi %mul3A_2, %add3A_518 : i32
      %dma_start3A_520 = arith.constant 0 : i32
      %dma_start3A_521 = tpu.memref_slice %arg7[%add3A_519, %dma_start3A_520] : memref<8192x2048xf32, #tpu.memory_space<hbm>> -> memref<8x2048xf32, #tpu.memory_space<hbm>>
      %dma_start3A_522 = arith.constant 0 : i32
      %dma_start3A_523 = tpu.memref_slice %arg7[%add3A_519, %dma_start3A_522] : memref<8192x2048xf32, #tpu.memory_space<hbm>> -> memref<8x2048xf32, #tpu.memory_space<hbm>>
      tpu.enqueue_dma source(%arg11 : memref<8x2048xf32, #tpu.memory_space<vmem>>) target(%dma_start3A_523 : memref<8x2048xf32, #tpu.memory_space<hbm>>) target_semaphore(%arg23 : memref<!tpu.dma_semaphore, #tpu.memory_space<semaphore_mem>>)
      %add3A_524 = arith.constant 144 : i32
      %add3A_525 = arith.addi %mul3A_2, %add3A_524 : i32
      %dma_wait3A_526 = arith.constant 0 : i32
      %dma_wait3A_527 = tpu.memref_slice %arg7[%add3A_525, %dma_wait3A_526] : memref<8192x2048xf32, #tpu.memory_space<hbm>> -> memref<8x2048xf32, #tpu.memory_space<hbm>>
      %dma_wait3A_528 = arith.constant 0 : i32
      %dma_wait3A_529 = tpu.memref_slice %arg7[%add3A_525, %dma_wait3A_528] : memref<8192x2048xf32, #tpu.memory_space<hbm>> -> memref<8x2048xf32, #tpu.memory_space<hbm>>
      tpu.wait_dma2 semaphore(%arg21 : memref<!tpu.dma_semaphore, #tpu.memory_space<semaphore_mem>>) src(%arg9 : memref<8x2048xf32, #tpu.memory_space<vmem>>) dst(%dma_wait3A_529 : memref<8x2048xf32, #tpu.memory_space<hbm>>)
      %add3A_530 = arith.constant 192 : i32
      %add3A_531 = arith.addi %mul3A_2, %add3A_530 : i32
      %dma_start3A_532 = arith.constant 0 : i32
      %dma_start3A_533 = tpu.memref_slice %arg2[%add3A_531, %dma_start3A_532] : memref<8192x2048xf32, #tpu.memory_space<hbm>> -> memref<8x2048xf32, #tpu.memory_space<hbm>>
      %dma_start3A_534 = arith.constant 0 : i32
      %dma_start3A_535 = tpu.memref_slice %arg2[%add3A_531, %dma_start3A_534] : memref<8192x2048xf32, #tpu.memory_space<hbm>> -> memref<8x2048xf32, #tpu.memory_space<hbm>>
      tpu.enqueue_dma source(%dma_start3A_535 : memref<8x2048xf32, #tpu.memory_space<hbm>>) target(%arg9 : memref<8x2048xf32, #tpu.memory_space<vmem>>) target_semaphore(%arg15 : memref<!tpu.dma_semaphore, #tpu.memory_space<semaphore_mem>>)
      %add3A_536 = arith.constant 168 : i32
      %add3A_537 = arith.addi %mul3A_2, %add3A_536 : i32
      %dma_wait3A_538 = arith.constant 0 : i32
      %dma_wait3A_539 = tpu.memref_slice %arg2[%add3A_537, %dma_wait3A_538] : memref<8192x2048xf32, #tpu.memory_space<hbm>> -> memref<8x2048xf32, #tpu.memory_space<hbm>>
      %dma_wait3A_540 = arith.constant 0 : i32
      %dma_wait3A_541 = tpu.memref_slice %arg2[%add3A_537, %dma_wait3A_540] : memref<8192x2048xf32, #tpu.memory_space<hbm>> -> memref<8x2048xf32, #tpu.memory_space<hbm>>
      tpu.wait_dma2 semaphore(%arg18 : memref<!tpu.dma_semaphore, #tpu.memory_space<semaphore_mem>>) src(%dma_wait3A_541 : memref<8x2048xf32, #tpu.memory_space<hbm>>) dst(%arg12 : memref<8x2048xf32, #tpu.memory_space<vmem>>)
      %add3A_542 = arith.constant 168 : i32
      %add3A_543 = arith.addi %mul3A_2, %add3A_542 : i32
      %dma_start3A_544 = arith.constant 0 : i32
      %dma_start3A_545 = tpu.memref_slice %arg7[%add3A_543, %dma_start3A_544] : memref<8192x2048xf32, #tpu.memory_space<hbm>> -> memref<8x2048xf32, #tpu.memory_space<hbm>>
      %dma_start3A_546 = arith.constant 0 : i32
      %dma_start3A_547 = tpu.memref_slice %arg7[%add3A_543, %dma_start3A_546] : memref<8192x2048xf32, #tpu.memory_space<hbm>> -> memref<8x2048xf32, #tpu.memory_space<hbm>>
      tpu.enqueue_dma source(%arg12 : memref<8x2048xf32, #tpu.memory_space<vmem>>) target(%dma_start3A_547 : memref<8x2048xf32, #tpu.memory_space<hbm>>) target_semaphore(%arg24 : memref<!tpu.dma_semaphore, #tpu.memory_space<semaphore_mem>>)
      %add3A_548 = arith.constant 152 : i32
      %add3A_549 = arith.addi %mul3A_2, %add3A_548 : i32
      %dma_wait3A_550 = arith.constant 0 : i32
      %dma_wait3A_551 = tpu.memref_slice %arg7[%add3A_549, %dma_wait3A_550] : memref<8192x2048xf32, #tpu.memory_space<hbm>> -> memref<8x2048xf32, #tpu.memory_space<hbm>>
      %dma_wait3A_552 = arith.constant 0 : i32
      %dma_wait3A_553 = tpu.memref_slice %arg7[%add3A_549, %dma_wait3A_552] : memref<8192x2048xf32, #tpu.memory_space<hbm>> -> memref<8x2048xf32, #tpu.memory_space<hbm>>
      tpu.wait_dma2 semaphore(%arg22 : memref<!tpu.dma_semaphore, #tpu.memory_space<semaphore_mem>>) src(%arg10 : memref<8x2048xf32, #tpu.memory_space<vmem>>) dst(%dma_wait3A_553 : memref<8x2048xf32, #tpu.memory_space<hbm>>)
      %add3A_554 = arith.constant 200 : i32
      %add3A_555 = arith.addi %mul3A_2, %add3A_554 : i32
      %dma_start3A_556 = arith.constant 0 : i32
      %dma_start3A_557 = tpu.memref_slice %arg2[%add3A_555, %dma_start3A_556] : memref<8192x2048xf32, #tpu.memory_space<hbm>> -> memref<8x2048xf32, #tpu.memory_space<hbm>>
      %dma_start3A_558 = arith.constant 0 : i32
      %dma_start3A_559 = tpu.memref_slice %arg2[%add3A_555, %dma_start3A_558] : memref<8192x2048xf32, #tpu.memory_space<hbm>> -> memref<8x2048xf32, #tpu.memory_space<hbm>>
      tpu.enqueue_dma source(%dma_start3A_559 : memref<8x2048xf32, #tpu.memory_space<hbm>>) target(%arg10 : memref<8x2048xf32, #tpu.memory_space<vmem>>) target_semaphore(%arg16 : memref<!tpu.dma_semaphore, #tpu.memory_space<semaphore_mem>>)
      %add3A_560 = arith.constant 176 : i32
      %add3A_561 = arith.addi %mul3A_2, %add3A_560 : i32
      %dma_wait3A_562 = arith.constant 0 : i32
      %dma_wait3A_563 = tpu.memref_slice %arg2[%add3A_561, %dma_wait3A_562] : memref<8192x2048xf32, #tpu.memory_space<hbm>> -> memref<8x2048xf32, #tpu.memory_space<hbm>>
      %dma_wait3A_564 = arith.constant 0 : i32
      %dma_wait3A_565 = tpu.memref_slice %arg2[%add3A_561, %dma_wait3A_564] : memref<8192x2048xf32, #tpu.memory_space<hbm>> -> memref<8x2048xf32, #tpu.memory_space<hbm>>
      tpu.wait_dma2 semaphore(%arg19 : memref<!tpu.dma_semaphore, #tpu.memory_space<semaphore_mem>>) src(%dma_wait3A_565 : memref<8x2048xf32, #tpu.memory_space<hbm>>) dst(%arg13 : memref<8x2048xf32, #tpu.memory_space<vmem>>)
      %add3A_566 = arith.constant 176 : i32
      %add3A_567 = arith.addi %mul3A_2, %add3A_566 : i32
      %dma_start3A_568 = arith.constant 0 : i32
      %dma_start3A_569 = tpu.memref_slice %arg7[%add3A_567, %dma_start3A_568] : memref<8192x2048xf32, #tpu.memory_space<hbm>> -> memref<8x2048xf32, #tpu.memory_space<hbm>>
      %dma_start3A_570 = arith.constant 0 : i32
      %dma_start3A_571 = tpu.memref_slice %arg7[%add3A_567, %dma_start3A_570] : memref<8192x2048xf32, #tpu.memory_space<hbm>> -> memref<8x2048xf32, #tpu.memory_space<hbm>>
      tpu.enqueue_dma source(%arg13 : memref<8x2048xf32, #tpu.memory_space<vmem>>) target(%dma_start3A_571 : memref<8x2048xf32, #tpu.memory_space<hbm>>) target_semaphore(%arg25 : memref<!tpu.dma_semaphore, #tpu.memory_space<semaphore_mem>>)
      %add3A_572 = arith.constant 160 : i32
      %add3A_573 = arith.addi %mul3A_2, %add3A_572 : i32
      %dma_wait3A_574 = arith.constant 0 : i32
      %dma_wait3A_575 = tpu.memref_slice %arg7[%add3A_573, %dma_wait3A_574] : memref<8192x2048xf32, #tpu.memory_space<hbm>> -> memref<8x2048xf32, #tpu.memory_space<hbm>>
      %dma_wait3A_576 = arith.constant 0 : i32
      %dma_wait3A_577 = tpu.memref_slice %arg7[%add3A_573, %dma_wait3A_576] : memref<8192x2048xf32, #tpu.memory_space<hbm>> -> memref<8x2048xf32, #tpu.memory_space<hbm>>
      tpu.wait_dma2 semaphore(%arg23 : memref<!tpu.dma_semaphore, #tpu.memory_space<semaphore_mem>>) src(%arg11 : memref<8x2048xf32, #tpu.memory_space<vmem>>) dst(%dma_wait3A_577 : memref<8x2048xf32, #tpu.memory_space<hbm>>)
      %add3A_578 = arith.constant 208 : i32
      %add3A_579 = arith.addi %mul3A_2, %add3A_578 : i32
      %dma_start3A_580 = arith.constant 0 : i32
      %dma_start3A_581 = tpu.memref_slice %arg2[%add3A_579, %dma_start3A_580] : memref<8192x2048xf32, #tpu.memory_space<hbm>> -> memref<8x2048xf32, #tpu.memory_space<hbm>>
      %dma_start3A_582 = arith.constant 0 : i32
      %dma_start3A_583 = tpu.memref_slice %arg2[%add3A_579, %dma_start3A_582] : memref<8192x2048xf32, #tpu.memory_space<hbm>> -> memref<8x2048xf32, #tpu.memory_space<hbm>>
      tpu.enqueue_dma source(%dma_start3A_583 : memref<8x2048xf32, #tpu.memory_space<hbm>>) target(%arg11 : memref<8x2048xf32, #tpu.memory_space<vmem>>) target_semaphore(%arg17 : memref<!tpu.dma_semaphore, #tpu.memory_space<semaphore_mem>>)
      %add3A_584 = arith.constant 184 : i32
      %add3A_585 = arith.addi %mul3A_2, %add3A_584 : i32
      %dma_wait3A_586 = arith.constant 0 : i32
      %dma_wait3A_587 = tpu.memref_slice %arg2[%add3A_585, %dma_wait3A_586] : memref<8192x2048xf32, #tpu.memory_space<hbm>> -> memref<8x2048xf32, #tpu.memory_space<hbm>>
      %dma_wait3A_588 = arith.constant 0 : i32
      %dma_wait3A_589 = tpu.memref_slice %arg2[%add3A_585, %dma_wait3A_588] : memref<8192x2048xf32, #tpu.memory_space<hbm>> -> memref<8x2048xf32, #tpu.memory_space<hbm>>
      tpu.wait_dma2 semaphore(%arg20 : memref<!tpu.dma_semaphore, #tpu.memory_space<semaphore_mem>>) src(%dma_wait3A_589 : memref<8x2048xf32, #tpu.memory_space<hbm>>) dst(%arg14 : memref<8x2048xf32, #tpu.memory_space<vmem>>)
      %add3A_590 = arith.constant 184 : i32
      %add3A_591 = arith.addi %mul3A_2, %add3A_590 : i32
      %dma_start3A_592 = arith.constant 0 : i32
      %dma_start3A_593 = tpu.memref_slice %arg7[%add3A_591, %dma_start3A_592] : memref<8192x2048xf32, #tpu.memory_space<hbm>> -> memref<8x2048xf32, #tpu.memory_space<hbm>>
      %dma_start3A_594 = arith.constant 0 : i32
      %dma_start3A_595 = tpu.memref_slice %arg7[%add3A_591, %dma_start3A_594] : memref<8192x2048xf32, #tpu.memory_space<hbm>> -> memref<8x2048xf32, #tpu.memory_space<hbm>>
      tpu.enqueue_dma source(%arg14 : memref<8x2048xf32, #tpu.memory_space<vmem>>) target(%dma_start3A_595 : memref<8x2048xf32, #tpu.memory_space<hbm>>) target_semaphore(%arg26 : memref<!tpu.dma_semaphore, #tpu.memory_space<semaphore_mem>>)
      %add3A_596 = arith.constant 168 : i32
      %add3A_597 = arith.addi %mul3A_2, %add3A_596 : i32
      %dma_wait3A_598 = arith.constant 0 : i32
      %dma_wait3A_599 = tpu.memref_slice %arg7[%add3A_597, %dma_wait3A_598] : memref<8192x2048xf32, #tpu.memory_space<hbm>> -> memref<8x2048xf32, #tpu.memory_space<hbm>>
      %dma_wait3A_600 = arith.constant 0 : i32
      %dma_wait3A_601 = tpu.memref_slice %arg7[%add3A_597, %dma_wait3A_600] : memref<8192x2048xf32, #tpu.memory_space<hbm>> -> memref<8x2048xf32, #tpu.memory_space<hbm>>
      tpu.wait_dma2 semaphore(%arg24 : memref<!tpu.dma_semaphore, #tpu.memory_space<semaphore_mem>>) src(%arg12 : memref<8x2048xf32, #tpu.memory_space<vmem>>) dst(%dma_wait3A_601 : memref<8x2048xf32, #tpu.memory_space<hbm>>)
      %add3A_602 = arith.constant 216 : i32
      %add3A_603 = arith.addi %mul3A_2, %add3A_602 : i32
      %dma_start3A_604 = arith.constant 0 : i32
      %dma_start3A_605 = tpu.memref_slice %arg2[%add3A_603, %dma_start3A_604] : memref<8192x2048xf32, #tpu.memory_space<hbm>> -> memref<8x2048xf32, #tpu.memory_space<hbm>>
      %dma_start3A_606 = arith.constant 0 : i32
      %dma_start3A_607 = tpu.memref_slice %arg2[%add3A_603, %dma_start3A_606] : memref<8192x2048xf32, #tpu.memory_space<hbm>> -> memref<8x2048xf32, #tpu.memory_space<hbm>>
      tpu.enqueue_dma source(%dma_start3A_607 : memref<8x2048xf32, #tpu.memory_space<hbm>>) target(%arg12 : memref<8x2048xf32, #tpu.memory_space<vmem>>) target_semaphore(%arg18 : memref<!tpu.dma_semaphore, #tpu.memory_space<semaphore_mem>>)
      %add3A_608 = arith.constant 192 : i32
      %add3A_609 = arith.addi %mul3A_2, %add3A_608 : i32
      %dma_wait3A_610 = arith.constant 0 : i32
      %dma_wait3A_611 = tpu.memref_slice %arg2[%add3A_609, %dma_wait3A_610] : memref<8192x2048xf32, #tpu.memory_space<hbm>> -> memref<8x2048xf32, #tpu.memory_space<hbm>>
      %dma_wait3A_612 = arith.constant 0 : i32
      %dma_wait3A_613 = tpu.memref_slice %arg2[%add3A_609, %dma_wait3A_612] : memref<8192x2048xf32, #tpu.memory_space<hbm>> -> memref<8x2048xf32, #tpu.memory_space<hbm>>
      tpu.wait_dma2 semaphore(%arg15 : memref<!tpu.dma_semaphore, #tpu.memory_space<semaphore_mem>>) src(%dma_wait3A_613 : memref<8x2048xf32, #tpu.memory_space<hbm>>) dst(%arg9 : memref<8x2048xf32, #tpu.memory_space<vmem>>)
      %add3A_614 = arith.constant 192 : i32
      %add3A_615 = arith.addi %mul3A_2, %add3A_614 : i32
      %dma_start3A_616 = arith.constant 0 : i32
      %dma_start3A_617 = tpu.memref_slice %arg7[%add3A_615, %dma_start3A_616] : memref<8192x2048xf32, #tpu.memory_space<hbm>> -> memref<8x2048xf32, #tpu.memory_space<hbm>>
      %dma_start3A_618 = arith.constant 0 : i32
      %dma_start3A_619 = tpu.memref_slice %arg7[%add3A_615, %dma_start3A_618] : memref<8192x2048xf32, #tpu.memory_space<hbm>> -> memref<8x2048xf32, #tpu.memory_space<hbm>>
      tpu.enqueue_dma source(%arg9 : memref<8x2048xf32, #tpu.memory_space<vmem>>) target(%dma_start3A_619 : memref<8x2048xf32, #tpu.memory_space<hbm>>) target_semaphore(%arg21 : memref<!tpu.dma_semaphore, #tpu.memory_space<semaphore_mem>>)
      %add3A_620 = arith.constant 176 : i32
      %add3A_621 = arith.addi %mul3A_2, %add3A_620 : i32
      %dma_wait3A_622 = arith.constant 0 : i32
      %dma_wait3A_623 = tpu.memref_slice %arg7[%add3A_621, %dma_wait3A_622] : memref<8192x2048xf32, #tpu.memory_space<hbm>> -> memref<8x2048xf32, #tpu.memory_space<hbm>>
      %dma_wait3A_624 = arith.constant 0 : i32
      %dma_wait3A_625 = tpu.memref_slice %arg7[%add3A_621, %dma_wait3A_624] : memref<8192x2048xf32, #tpu.memory_space<hbm>> -> memref<8x2048xf32, #tpu.memory_space<hbm>>
      tpu.wait_dma2 semaphore(%arg25 : memref<!tpu.dma_semaphore, #tpu.memory_space<semaphore_mem>>) src(%arg13 : memref<8x2048xf32, #tpu.memory_space<vmem>>) dst(%dma_wait3A_625 : memref<8x2048xf32, #tpu.memory_space<hbm>>)
      %add3A_626 = arith.constant 224 : i32
      %add3A_627 = arith.addi %mul3A_2, %add3A_626 : i32
      %dma_start3A_628 = arith.constant 0 : i32
      %dma_start3A_629 = tpu.memref_slice %arg2[%add3A_627, %dma_start3A_628] : memref<8192x2048xf32, #tpu.memory_space<hbm>> -> memref<8x2048xf32, #tpu.memory_space<hbm>>
      %dma_start3A_630 = arith.constant 0 : i32
      %dma_start3A_631 = tpu.memref_slice %arg2[%add3A_627, %dma_start3A_630] : memref<8192x2048xf32, #tpu.memory_space<hbm>> -> memref<8x2048xf32, #tpu.memory_space<hbm>>
      tpu.enqueue_dma source(%dma_start3A_631 : memref<8x2048xf32, #tpu.memory_space<hbm>>) target(%arg13 : memref<8x2048xf32, #tpu.memory_space<vmem>>) target_semaphore(%arg19 : memref<!tpu.dma_semaphore, #tpu.memory_space<semaphore_mem>>)
      %add3A_632 = arith.constant 200 : i32
      %add3A_633 = arith.addi %mul3A_2, %add3A_632 : i32
      %dma_wait3A_634 = arith.constant 0 : i32
      %dma_wait3A_635 = tpu.memref_slice %arg2[%add3A_633, %dma_wait3A_634] : memref<8192x2048xf32, #tpu.memory_space<hbm>> -> memref<8x2048xf32, #tpu.memory_space<hbm>>
      %dma_wait3A_636 = arith.constant 0 : i32
      %dma_wait3A_637 = tpu.memref_slice %arg2[%add3A_633, %dma_wait3A_636] : memref<8192x2048xf32, #tpu.memory_space<hbm>> -> memref<8x2048xf32, #tpu.memory_space<hbm>>
      tpu.wait_dma2 semaphore(%arg16 : memref<!tpu.dma_semaphore, #tpu.memory_space<semaphore_mem>>) src(%dma_wait3A_637 : memref<8x2048xf32, #tpu.memory_space<hbm>>) dst(%arg10 : memref<8x2048xf32, #tpu.memory_space<vmem>>)
      %add3A_638 = arith.constant 200 : i32
      %add3A_639 = arith.addi %mul3A_2, %add3A_638 : i32
      %dma_start3A_640 = arith.constant 0 : i32
      %dma_start3A_641 = tpu.memref_slice %arg7[%add3A_639, %dma_start3A_640] : memref<8192x2048xf32, #tpu.memory_space<hbm>> -> memref<8x2048xf32, #tpu.memory_space<hbm>>
      %dma_start3A_642 = arith.constant 0 : i32
      %dma_start3A_643 = tpu.memref_slice %arg7[%add3A_639, %dma_start3A_642] : memref<8192x2048xf32, #tpu.memory_space<hbm>> -> memref<8x2048xf32, #tpu.memory_space<hbm>>
      tpu.enqueue_dma source(%arg10 : memref<8x2048xf32, #tpu.memory_space<vmem>>) target(%dma_start3A_643 : memref<8x2048xf32, #tpu.memory_space<hbm>>) target_semaphore(%arg22 : memref<!tpu.dma_semaphore, #tpu.memory_space<semaphore_mem>>)
      %add3A_644 = arith.constant 184 : i32
      %add3A_645 = arith.addi %mul3A_2, %add3A_644 : i32
      %dma_wait3A_646 = arith.constant 0 : i32
      %dma_wait3A_647 = tpu.memref_slice %arg7[%add3A_645, %dma_wait3A_646] : memref<8192x2048xf32, #tpu.memory_space<hbm>> -> memref<8x2048xf32, #tpu.memory_space<hbm>>
      %dma_wait3A_648 = arith.constant 0 : i32
      %dma_wait3A_649 = tpu.memref_slice %arg7[%add3A_645, %dma_wait3A_648] : memref<8192x2048xf32, #tpu.memory_space<hbm>> -> memref<8x2048xf32, #tpu.memory_space<hbm>>
      tpu.wait_dma2 semaphore(%arg26 : memref<!tpu.dma_semaphore, #tpu.memory_space<semaphore_mem>>) src(%arg14 : memref<8x2048xf32, #tpu.memory_space<vmem>>) dst(%dma_wait3A_649 : memref<8x2048xf32, #tpu.memory_space<hbm>>)
      %add3A_650 = arith.constant 232 : i32
      %add3A_651 = arith.addi %mul3A_2, %add3A_650 : i32
      %dma_start3A_652 = arith.constant 0 : i32
      %dma_start3A_653 = tpu.memref_slice %arg2[%add3A_651, %dma_start3A_652] : memref<8192x2048xf32, #tpu.memory_space<hbm>> -> memref<8x2048xf32, #tpu.memory_space<hbm>>
      %dma_start3A_654 = arith.constant 0 : i32
      %dma_start3A_655 = tpu.memref_slice %arg2[%add3A_651, %dma_start3A_654] : memref<8192x2048xf32, #tpu.memory_space<hbm>> -> memref<8x2048xf32, #tpu.memory_space<hbm>>
      tpu.enqueue_dma source(%dma_start3A_655 : memref<8x2048xf32, #tpu.memory_space<hbm>>) target(%arg14 : memref<8x2048xf32, #tpu.memory_space<vmem>>) target_semaphore(%arg20 : memref<!tpu.dma_semaphore, #tpu.memory_space<semaphore_mem>>)
      %add3A_656 = arith.constant 208 : i32
      %add3A_657 = arith.addi %mul3A_2, %add3A_656 : i32
      %dma_wait3A_658 = arith.constant 0 : i32
      %dma_wait3A_659 = tpu.memref_slice %arg2[%add3A_657, %dma_wait3A_658] : memref<8192x2048xf32, #tpu.memory_space<hbm>> -> memref<8x2048xf32, #tpu.memory_space<hbm>>
      %dma_wait3A_660 = arith.constant 0 : i32
      %dma_wait3A_661 = tpu.memref_slice %arg2[%add3A_657, %dma_wait3A_660] : memref<8192x2048xf32, #tpu.memory_space<hbm>> -> memref<8x2048xf32, #tpu.memory_space<hbm>>
      tpu.wait_dma2 semaphore(%arg17 : memref<!tpu.dma_semaphore, #tpu.memory_space<semaphore_mem>>) src(%dma_wait3A_661 : memref<8x2048xf32, #tpu.memory_space<hbm>>) dst(%arg11 : memref<8x2048xf32, #tpu.memory_space<vmem>>)
      %add3A_662 = arith.constant 208 : i32
      %add3A_663 = arith.addi %mul3A_2, %add3A_662 : i32
      %dma_start3A_664 = arith.constant 0 : i32
      %dma_start3A_665 = tpu.memref_slice %arg7[%add3A_663, %dma_start3A_664] : memref<8192x2048xf32, #tpu.memory_space<hbm>> -> memref<8x2048xf32, #tpu.memory_space<hbm>>
      %dma_start3A_666 = arith.constant 0 : i32
      %dma_start3A_667 = tpu.memref_slice %arg7[%add3A_663, %dma_start3A_666] : memref<8192x2048xf32, #tpu.memory_space<hbm>> -> memref<8x2048xf32, #tpu.memory_space<hbm>>
      tpu.enqueue_dma source(%arg11 : memref<8x2048xf32, #tpu.memory_space<vmem>>) target(%dma_start3A_667 : memref<8x2048xf32, #tpu.memory_space<hbm>>) target_semaphore(%arg23 : memref<!tpu.dma_semaphore, #tpu.memory_space<semaphore_mem>>)
      %add3A_668 = arith.constant 192 : i32
      %add3A_669 = arith.addi %mul3A_2, %add3A_668 : i32
      %dma_wait3A_670 = arith.constant 0 : i32
      %dma_wait3A_671 = tpu.memref_slice %arg7[%add3A_669, %dma_wait3A_670] : memref<8192x2048xf32, #tpu.memory_space<hbm>> -> memref<8x2048xf32, #tpu.memory_space<hbm>>
      %dma_wait3A_672 = arith.constant 0 : i32
      %dma_wait3A_673 = tpu.memref_slice %arg7[%add3A_669, %dma_wait3A_672] : memref<8192x2048xf32, #tpu.memory_space<hbm>> -> memref<8x2048xf32, #tpu.memory_space<hbm>>
      tpu.wait_dma2 semaphore(%arg21 : memref<!tpu.dma_semaphore, #tpu.memory_space<semaphore_mem>>) src(%arg9 : memref<8x2048xf32, #tpu.memory_space<vmem>>) dst(%dma_wait3A_673 : memref<8x2048xf32, #tpu.memory_space<hbm>>)
      %add3A_674 = arith.constant 240 : i32
      %add3A_675 = arith.addi %mul3A_2, %add3A_674 : i32
      %dma_start3A_676 = arith.constant 0 : i32
      %dma_start3A_677 = tpu.memref_slice %arg2[%add3A_675, %dma_start3A_676] : memref<8192x2048xf32, #tpu.memory_space<hbm>> -> memref<8x2048xf32, #tpu.memory_space<hbm>>
      %dma_start3A_678 = arith.constant 0 : i32
      %dma_start3A_679 = tpu.memref_slice %arg2[%add3A_675, %dma_start3A_678] : memref<8192x2048xf32, #tpu.memory_space<hbm>> -> memref<8x2048xf32, #tpu.memory_space<hbm>>
      tpu.enqueue_dma source(%dma_start3A_679 : memref<8x2048xf32, #tpu.memory_space<hbm>>) target(%arg9 : memref<8x2048xf32, #tpu.memory_space<vmem>>) target_semaphore(%arg15 : memref<!tpu.dma_semaphore, #tpu.memory_space<semaphore_mem>>)
      %add3A_680 = arith.constant 216 : i32
      %add3A_681 = arith.addi %mul3A_2, %add3A_680 : i32
      %dma_wait3A_682 = arith.constant 0 : i32
      %dma_wait3A_683 = tpu.memref_slice %arg2[%add3A_681, %dma_wait3A_682] : memref<8192x2048xf32, #tpu.memory_space<hbm>> -> memref<8x2048xf32, #tpu.memory_space<hbm>>
      %dma_wait3A_684 = arith.constant 0 : i32
      %dma_wait3A_685 = tpu.memref_slice %arg2[%add3A_681, %dma_wait3A_684] : memref<8192x2048xf32, #tpu.memory_space<hbm>> -> memref<8x2048xf32, #tpu.memory_space<hbm>>
      tpu.wait_dma2 semaphore(%arg18 : memref<!tpu.dma_semaphore, #tpu.memory_space<semaphore_mem>>) src(%dma_wait3A_685 : memref<8x2048xf32, #tpu.memory_space<hbm>>) dst(%arg12 : memref<8x2048xf32, #tpu.memory_space<vmem>>)
      %add3A_686 = arith.constant 216 : i32
      %add3A_687 = arith.addi %mul3A_2, %add3A_686 : i32
      %dma_start3A_688 = arith.constant 0 : i32
      %dma_start3A_689 = tpu.memref_slice %arg7[%add3A_687, %dma_start3A_688] : memref<8192x2048xf32, #tpu.memory_space<hbm>> -> memref<8x2048xf32, #tpu.memory_space<hbm>>
      %dma_start3A_690 = arith.constant 0 : i32
      %dma_start3A_691 = tpu.memref_slice %arg7[%add3A_687, %dma_start3A_690] : memref<8192x2048xf32, #tpu.memory_space<hbm>> -> memref<8x2048xf32, #tpu.memory_space<hbm>>
      tpu.enqueue_dma source(%arg12 : memref<8x2048xf32, #tpu.memory_space<vmem>>) target(%dma_start3A_691 : memref<8x2048xf32, #tpu.memory_space<hbm>>) target_semaphore(%arg24 : memref<!tpu.dma_semaphore, #tpu.memory_space<semaphore_mem>>)
      %add3A_692 = arith.constant 200 : i32
      %add3A_693 = arith.addi %mul3A_2, %add3A_692 : i32
      %dma_wait3A_694 = arith.constant 0 : i32
      %dma_wait3A_695 = tpu.memref_slice %arg7[%add3A_693, %dma_wait3A_694] : memref<8192x2048xf32, #tpu.memory_space<hbm>> -> memref<8x2048xf32, #tpu.memory_space<hbm>>
      %dma_wait3A_696 = arith.constant 0 : i32
      %dma_wait3A_697 = tpu.memref_slice %arg7[%add3A_693, %dma_wait3A_696] : memref<8192x2048xf32, #tpu.memory_space<hbm>> -> memref<8x2048xf32, #tpu.memory_space<hbm>>
      tpu.wait_dma2 semaphore(%arg22 : memref<!tpu.dma_semaphore, #tpu.memory_space<semaphore_mem>>) src(%arg10 : memref<8x2048xf32, #tpu.memory_space<vmem>>) dst(%dma_wait3A_697 : memref<8x2048xf32, #tpu.memory_space<hbm>>)
      %add3A_698 = arith.constant 248 : i32
      %add3A_699 = arith.addi %mul3A_2, %add3A_698 : i32
      %dma_start3A_700 = arith.constant 0 : i32
      %dma_start3A_701 = tpu.memref_slice %arg2[%add3A_699, %dma_start3A_700] : memref<8192x2048xf32, #tpu.memory_space<hbm>> -> memref<8x2048xf32, #tpu.memory_space<hbm>>
      %dma_start3A_702 = arith.constant 0 : i32
      %dma_start3A_703 = tpu.memref_slice %arg2[%add3A_699, %dma_start3A_702] : memref<8192x2048xf32, #tpu.memory_space<hbm>> -> memref<8x2048xf32, #tpu.memory_space<hbm>>
      tpu.enqueue_dma source(%dma_start3A_703 : memref<8x2048xf32, #tpu.memory_space<hbm>>) target(%arg10 : memref<8x2048xf32, #tpu.memory_space<vmem>>) target_semaphore(%arg16 : memref<!tpu.dma_semaphore, #tpu.memory_space<semaphore_mem>>)
      %add3A_704 = arith.constant 224 : i32
      %add3A_705 = arith.addi %mul3A_2, %add3A_704 : i32
      %dma_wait3A_706 = arith.constant 0 : i32
      %dma_wait3A_707 = tpu.memref_slice %arg2[%add3A_705, %dma_wait3A_706] : memref<8192x2048xf32, #tpu.memory_space<hbm>> -> memref<8x2048xf32, #tpu.memory_space<hbm>>
      %dma_wait3A_708 = arith.constant 0 : i32
      %dma_wait3A_709 = tpu.memref_slice %arg2[%add3A_705, %dma_wait3A_708] : memref<8192x2048xf32, #tpu.memory_space<hbm>> -> memref<8x2048xf32, #tpu.memory_space<hbm>>
      tpu.wait_dma2 semaphore(%arg19 : memref<!tpu.dma_semaphore, #tpu.memory_space<semaphore_mem>>) src(%dma_wait3A_709 : memref<8x2048xf32, #tpu.memory_space<hbm>>) dst(%arg13 : memref<8x2048xf32, #tpu.memory_space<vmem>>)
      %add3A_710 = arith.constant 224 : i32
      %add3A_711 = arith.addi %mul3A_2, %add3A_710 : i32
      %dma_start3A_712 = arith.constant 0 : i32
      %dma_start3A_713 = tpu.memref_slice %arg7[%add3A_711, %dma_start3A_712] : memref<8192x2048xf32, #tpu.memory_space<hbm>> -> memref<8x2048xf32, #tpu.memory_space<hbm>>
      %dma_start3A_714 = arith.constant 0 : i32
      %dma_start3A_715 = tpu.memref_slice %arg7[%add3A_711, %dma_start3A_714] : memref<8192x2048xf32, #tpu.memory_space<hbm>> -> memref<8x2048xf32, #tpu.memory_space<hbm>>
      tpu.enqueue_dma source(%arg13 : memref<8x2048xf32, #tpu.memory_space<vmem>>) target(%dma_start3A_715 : memref<8x2048xf32, #tpu.memory_space<hbm>>) target_semaphore(%arg25 : memref<!tpu.dma_semaphore, #tpu.memory_space<semaphore_mem>>)
      %add3A_716 = arith.constant 232 : i32
      %add3A_717 = arith.addi %mul3A_2, %add3A_716 : i32
      %dma_wait3A_718 = arith.constant 0 : i32
      %dma_wait3A_719 = tpu.memref_slice %arg2[%add3A_717, %dma_wait3A_718] : memref<8192x2048xf32, #tpu.memory_space<hbm>> -> memref<8x2048xf32, #tpu.memory_space<hbm>>
      %dma_wait3A_720 = arith.constant 0 : i32
      %dma_wait3A_721 = tpu.memref_slice %arg2[%add3A_717, %dma_wait3A_720] : memref<8192x2048xf32, #tpu.memory_space<hbm>> -> memref<8x2048xf32, #tpu.memory_space<hbm>>
      tpu.wait_dma2 semaphore(%arg20 : memref<!tpu.dma_semaphore, #tpu.memory_space<semaphore_mem>>) src(%dma_wait3A_721 : memref<8x2048xf32, #tpu.memory_space<hbm>>) dst(%arg14 : memref<8x2048xf32, #tpu.memory_space<vmem>>)
      %add3A_722 = arith.constant 232 : i32
      %add3A_723 = arith.addi %mul3A_2, %add3A_722 : i32
      %dma_start3A_724 = arith.constant 0 : i32
      %dma_start3A_725 = tpu.memref_slice %arg7[%add3A_723, %dma_start3A_724] : memref<8192x2048xf32, #tpu.memory_space<hbm>> -> memref<8x2048xf32, #tpu.memory_space<hbm>>
      %dma_start3A_726 = arith.constant 0 : i32
      %dma_start3A_727 = tpu.memref_slice %arg7[%add3A_723, %dma_start3A_726] : memref<8192x2048xf32, #tpu.memory_space<hbm>> -> memref<8x2048xf32, #tpu.memory_space<hbm>>
      tpu.enqueue_dma source(%arg14 : memref<8x2048xf32, #tpu.memory_space<vmem>>) target(%dma_start3A_727 : memref<8x2048xf32, #tpu.memory_space<hbm>>) target_semaphore(%arg26 : memref<!tpu.dma_semaphore, #tpu.memory_space<semaphore_mem>>)
      %add3A_728 = arith.constant 240 : i32
      %add3A_729 = arith.addi %mul3A_2, %add3A_728 : i32
      %dma_wait3A_730 = arith.constant 0 : i32
      %dma_wait3A_731 = tpu.memref_slice %arg2[%add3A_729, %dma_wait3A_730] : memref<8192x2048xf32, #tpu.memory_space<hbm>> -> memref<8x2048xf32, #tpu.memory_space<hbm>>
      %dma_wait3A_732 = arith.constant 0 : i32
      %dma_wait3A_733 = tpu.memref_slice %arg2[%add3A_729, %dma_wait3A_732] : memref<8192x2048xf32, #tpu.memory_space<hbm>> -> memref<8x2048xf32, #tpu.memory_space<hbm>>
      tpu.wait_dma2 semaphore(%arg15 : memref<!tpu.dma_semaphore, #tpu.memory_space<semaphore_mem>>) src(%dma_wait3A_733 : memref<8x2048xf32, #tpu.memory_space<hbm>>) dst(%arg9 : memref<8x2048xf32, #tpu.memory_space<vmem>>)
      %add3A_734 = arith.constant 240 : i32
      %add3A_735 = arith.addi %mul3A_2, %add3A_734 : i32
      %dma_start3A_736 = arith.constant 0 : i32
      %dma_start3A_737 = tpu.memref_slice %arg7[%add3A_735, %dma_start3A_736] : memref<8192x2048xf32, #tpu.memory_space<hbm>> -> memref<8x2048xf32, #tpu.memory_space<hbm>>
      %dma_start3A_738 = arith.constant 0 : i32
      %dma_start3A_739 = tpu.memref_slice %arg7[%add3A_735, %dma_start3A_738] : memref<8192x2048xf32, #tpu.memory_space<hbm>> -> memref<8x2048xf32, #tpu.memory_space<hbm>>
      tpu.enqueue_dma source(%arg9 : memref<8x2048xf32, #tpu.memory_space<vmem>>) target(%dma_start3A_739 : memref<8x2048xf32, #tpu.memory_space<hbm>>) target_semaphore(%arg21 : memref<!tpu.dma_semaphore, #tpu.memory_space<semaphore_mem>>)
      %add3A_740 = arith.constant 248 : i32
      %add3A_741 = arith.addi %mul3A_2, %add3A_740 : i32
      %dma_wait3A_742 = arith.constant 0 : i32
      %dma_wait3A_743 = tpu.memref_slice %arg2[%add3A_741, %dma_wait3A_742] : memref<8192x2048xf32, #tpu.memory_space<hbm>> -> memref<8x2048xf32, #tpu.memory_space<hbm>>
      %dma_wait3A_744 = arith.constant 0 : i32
      %dma_wait3A_745 = tpu.memref_slice %arg2[%add3A_741, %dma_wait3A_744] : memref<8192x2048xf32, #tpu.memory_space<hbm>> -> memref<8x2048xf32, #tpu.memory_space<hbm>>
      tpu.wait_dma2 semaphore(%arg16 : memref<!tpu.dma_semaphore, #tpu.memory_space<semaphore_mem>>) src(%dma_wait3A_745 : memref<8x2048xf32, #tpu.memory_space<hbm>>) dst(%arg10 : memref<8x2048xf32, #tpu.memory_space<vmem>>)
      %add3A_746 = arith.constant 248 : i32
      %add3A_747 = arith.addi %mul3A_2, %add3A_746 : i32
      %dma_start3A_748 = arith.constant 0 : i32
      %dma_start3A_749 = tpu.memref_slice %arg7[%add3A_747, %dma_start3A_748] : memref<8192x2048xf32, #tpu.memory_space<hbm>> -> memref<8x2048xf32, #tpu.memory_space<hbm>>
      %dma_start3A_750 = arith.constant 0 : i32
      %dma_start3A_751 = tpu.memref_slice %arg7[%add3A_747, %dma_start3A_750] : memref<8192x2048xf32, #tpu.memory_space<hbm>> -> memref<8x2048xf32, #tpu.memory_space<hbm>>
      tpu.enqueue_dma source(%arg10 : memref<8x2048xf32, #tpu.memory_space<vmem>>) target(%dma_start3A_751 : memref<8x2048xf32, #tpu.memory_space<hbm>>) target_semaphore(%arg22 : memref<!tpu.dma_semaphore, #tpu.memory_space<semaphore_mem>>)
      %add3A_752 = arith.constant 208 : i32
      %add3A_753 = arith.addi %mul3A_2, %add3A_752 : i32
      %dma_wait3A_754 = arith.constant 0 : i32
      %dma_wait3A_755 = tpu.memref_slice %arg7[%add3A_753, %dma_wait3A_754] : memref<8192x2048xf32, #tpu.memory_space<hbm>> -> memref<8x2048xf32, #tpu.memory_space<hbm>>
      %dma_wait3A_756 = arith.constant 0 : i32
      %dma_wait3A_757 = tpu.memref_slice %arg7[%add3A_753, %dma_wait3A_756] : memref<8192x2048xf32, #tpu.memory_space<hbm>> -> memref<8x2048xf32, #tpu.memory_space<hbm>>
      tpu.wait_dma2 semaphore(%arg23 : memref<!tpu.dma_semaphore, #tpu.memory_space<semaphore_mem>>) src(%arg11 : memref<8x2048xf32, #tpu.memory_space<vmem>>) dst(%dma_wait3A_757 : memref<8x2048xf32, #tpu.memory_space<hbm>>)
      %add3A_758 = arith.constant 216 : i32
      %add3A_759 = arith.addi %mul3A_2, %add3A_758 : i32
      %dma_wait3A_760 = arith.constant 0 : i32
      %dma_wait3A_761 = tpu.memref_slice %arg7[%add3A_759, %dma_wait3A_760] : memref<8192x2048xf32, #tpu.memory_space<hbm>> -> memref<8x2048xf32, #tpu.memory_space<hbm>>
      %dma_wait3A_762 = arith.constant 0 : i32
      %dma_wait3A_763 = tpu.memref_slice %arg7[%add3A_759, %dma_wait3A_762] : memref<8192x2048xf32, #tpu.memory_space<hbm>> -> memref<8x2048xf32, #tpu.memory_space<hbm>>
      tpu.wait_dma2 semaphore(%arg24 : memref<!tpu.dma_semaphore, #tpu.memory_space<semaphore_mem>>) src(%arg12 : memref<8x2048xf32, #tpu.memory_space<vmem>>) dst(%dma_wait3A_763 : memref<8x2048xf32, #tpu.memory_space<hbm>>)
      %add3A_764 = arith.constant 224 : i32
      %add3A_765 = arith.addi %mul3A_2, %add3A_764 : i32
      %dma_wait3A_766 = arith.constant 0 : i32
      %dma_wait3A_767 = tpu.memref_slice %arg7[%add3A_765, %dma_wait3A_766] : memref<8192x2048xf32, #tpu.memory_space<hbm>> -> memref<8x2048xf32, #tpu.memory_space<hbm>>
      %dma_wait3A_768 = arith.constant 0 : i32
      %dma_wait3A_769 = tpu.memref_slice %arg7[%add3A_765, %dma_wait3A_768] : memref<8192x2048xf32, #tpu.memory_space<hbm>> -> memref<8x2048xf32, #tpu.memory_space<hbm>>
      tpu.wait_dma2 semaphore(%arg25 : memref<!tpu.dma_semaphore, #tpu.memory_space<semaphore_mem>>) src(%arg13 : memref<8x2048xf32, #tpu.memory_space<vmem>>) dst(%dma_wait3A_769 : memref<8x2048xf32, #tpu.memory_space<hbm>>)
      %add3A_770 = arith.constant 232 : i32
      %add3A_771 = arith.addi %mul3A_2, %add3A_770 : i32
      %dma_wait3A_772 = arith.constant 0 : i32
      %dma_wait3A_773 = tpu.memref_slice %arg7[%add3A_771, %dma_wait3A_772] : memref<8192x2048xf32, #tpu.memory_space<hbm>> -> memref<8x2048xf32, #tpu.memory_space<hbm>>
      %dma_wait3A_774 = arith.constant 0 : i32
      %dma_wait3A_775 = tpu.memref_slice %arg7[%add3A_771, %dma_wait3A_774] : memref<8192x2048xf32, #tpu.memory_space<hbm>> -> memref<8x2048xf32, #tpu.memory_space<hbm>>
      tpu.wait_dma2 semaphore(%arg26 : memref<!tpu.dma_semaphore, #tpu.memory_space<semaphore_mem>>) src(%arg14 : memref<8x2048xf32, #tpu.memory_space<vmem>>) dst(%dma_wait3A_775 : memref<8x2048xf32, #tpu.memory_space<hbm>>)
      %add3A_776 = arith.constant 240 : i32
      %add3A_777 = arith.addi %mul3A_2, %add3A_776 : i32
      %dma_wait3A_778 = arith.constant 0 : i32
      %dma_wait3A_779 = tpu.memref_slice %arg7[%add3A_777, %dma_wait3A_778] : memref<8192x2048xf32, #tpu.memory_space<hbm>> -> memref<8x2048xf32, #tpu.memory_space<hbm>>
      %dma_wait3A_780 = arith.constant 0 : i32
      %dma_wait3A_781 = tpu.memref_slice %arg7[%add3A_777, %dma_wait3A_780] : memref<8192x2048xf32, #tpu.memory_space<hbm>> -> memref<8x2048xf32, #tpu.memory_space<hbm>>
      tpu.wait_dma2 semaphore(%arg21 : memref<!tpu.dma_semaphore, #tpu.memory_space<semaphore_mem>>) src(%arg9 : memref<8x2048xf32, #tpu.memory_space<vmem>>) dst(%dma_wait3A_781 : memref<8x2048xf32, #tpu.memory_space<hbm>>)
      %add3A_782 = arith.constant 248 : i32
      %add3A_783 = arith.addi %mul3A_2, %add3A_782 : i32
      %dma_wait3A_784 = arith.constant 0 : i32
      %dma_wait3A_785 = tpu.memref_slice %arg7[%add3A_783, %dma_wait3A_784] : memref<8192x2048xf32, #tpu.memory_space<hbm>> -> memref<8x2048xf32, #tpu.memory_space<hbm>>
      %dma_wait3A_786 = arith.constant 0 : i32
      %dma_wait3A_787 = tpu.memref_slice %arg7[%add3A_783, %dma_wait3A_786] : memref<8192x2048xf32, #tpu.memory_space<hbm>> -> memref<8x2048xf32, #tpu.memory_space<hbm>>
      tpu.wait_dma2 semaphore(%arg22 : memref<!tpu.dma_semaphore, #tpu.memory_space<semaphore_mem>>) src(%arg10 : memref<8x2048xf32, #tpu.memory_space<vmem>>) dst(%dma_wait3A_787 : memref<8x2048xf32, #tpu.memory_space<hbm>>)
    } else {
    }
    %eq3A_7 = arith.constant 1 : i32
    %eq3A_8 = arith.cmpi eq, %squeeze3A, %eq3A_7 : i32
    %convert_element_type3A_9 = arith.extui %eq3A_8 : i1 to i32
    %cond3A_10 = arith.constant 0 : i32
    %cond3A_11 = arith.cmpi ne, %convert_element_type3A_9, %cond3A_10 : i32
    scf.if %cond3A_11 {
      %add3A_22 = arith.constant 0 : i32
      %add3A_23 = arith.addi %mul3A_2, %add3A_22 : i32
      %dma_start3A = arith.constant 0 : i32
      %dma_start3A_24 = tpu.memref_slice %arg3[%add3A_23, %dma_start3A] : memref<8192x2048xf32, #tpu.memory_space<hbm>> -> memref<8x2048xf32, #tpu.memory_space<hbm>>
      %dma_start3A_25 = arith.constant 0 : i32
      %dma_start3A_26 = tpu.memref_slice %arg3[%add3A_23, %dma_start3A_25] : memref<8192x2048xf32, #tpu.memory_space<hbm>> -> memref<8x2048xf32, #tpu.memory_space<hbm>>
      tpu.enqueue_dma source(%dma_start3A_26 : memref<8x2048xf32, #tpu.memory_space<hbm>>) target(%arg9 : memref<8x2048xf32, #tpu.memory_space<vmem>>) target_semaphore(%arg15 : memref<!tpu.dma_semaphore, #tpu.memory_space<semaphore_mem>>)
      %add3A_27 = arith.constant 8 : i32
      %add3A_28 = arith.addi %mul3A_2, %add3A_27 : i32
      %dma_start3A_29 = arith.constant 0 : i32
      %dma_start3A_30 = tpu.memref_slice %arg3[%add3A_28, %dma_start3A_29] : memref<8192x2048xf32, #tpu.memory_space<hbm>> -> memref<8x2048xf32, #tpu.memory_space<hbm>>
      %dma_start3A_31 = arith.constant 0 : i32
      %dma_start3A_32 = tpu.memref_slice %arg3[%add3A_28, %dma_start3A_31] : memref<8192x2048xf32, #tpu.memory_space<hbm>> -> memref<8x2048xf32, #tpu.memory_space<hbm>>
      tpu.enqueue_dma source(%dma_start3A_32 : memref<8x2048xf32, #tpu.memory_space<hbm>>) target(%arg10 : memref<8x2048xf32, #tpu.memory_space<vmem>>) target_semaphore(%arg16 : memref<!tpu.dma_semaphore, #tpu.memory_space<semaphore_mem>>)
      %add3A_33 = arith.constant 16 : i32
      %add3A_34 = arith.addi %mul3A_2, %add3A_33 : i32
      %dma_start3A_35 = arith.constant 0 : i32
      %dma_start3A_36 = tpu.memref_slice %arg3[%add3A_34, %dma_start3A_35] : memref<8192x2048xf32, #tpu.memory_space<hbm>> -> memref<8x2048xf32, #tpu.memory_space<hbm>>
      %dma_start3A_37 = arith.constant 0 : i32
      %dma_start3A_38 = tpu.memref_slice %arg3[%add3A_34, %dma_start3A_37] : memref<8192x2048xf32, #tpu.memory_space<hbm>> -> memref<8x2048xf32, #tpu.memory_space<hbm>>
      tpu.enqueue_dma source(%dma_start3A_38 : memref<8x2048xf32, #tpu.memory_space<hbm>>) target(%arg11 : memref<8x2048xf32, #tpu.memory_space<vmem>>) target_semaphore(%arg17 : memref<!tpu.dma_semaphore, #tpu.memory_space<semaphore_mem>>)
      %add3A_39 = arith.constant 24 : i32
      %add3A_40 = arith.addi %mul3A_2, %add3A_39 : i32
      %dma_start3A_41 = arith.constant 0 : i32
      %dma_start3A_42 = tpu.memref_slice %arg3[%add3A_40, %dma_start3A_41] : memref<8192x2048xf32, #tpu.memory_space<hbm>> -> memref<8x2048xf32, #tpu.memory_space<hbm>>
      %dma_start3A_43 = arith.constant 0 : i32
      %dma_start3A_44 = tpu.memref_slice %arg3[%add3A_40, %dma_start3A_43] : memref<8192x2048xf32, #tpu.memory_space<hbm>> -> memref<8x2048xf32, #tpu.memory_space<hbm>>
      tpu.enqueue_dma source(%dma_start3A_44 : memref<8x2048xf32, #tpu.memory_space<hbm>>) target(%arg12 : memref<8x2048xf32, #tpu.memory_space<vmem>>) target_semaphore(%arg18 : memref<!tpu.dma_semaphore, #tpu.memory_space<semaphore_mem>>)
      %add3A_45 = arith.constant 0 : i32
      %add3A_46 = arith.addi %mul3A_2, %add3A_45 : i32
      %dma_wait3A = arith.constant 0 : i32
      %dma_wait3A_47 = tpu.memref_slice %arg3[%add3A_46, %dma_wait3A] : memref<8192x2048xf32, #tpu.memory_space<hbm>> -> memref<8x2048xf32, #tpu.memory_space<hbm>>
      %dma_wait3A_48 = arith.constant 0 : i32
      %dma_wait3A_49 = tpu.memref_slice %arg3[%add3A_46, %dma_wait3A_48] : memref<8192x2048xf32, #tpu.memory_space<hbm>> -> memref<8x2048xf32, #tpu.memory_space<hbm>>
      tpu.wait_dma2 semaphore(%arg15 : memref<!tpu.dma_semaphore, #tpu.memory_space<semaphore_mem>>) src(%dma_wait3A_49 : memref<8x2048xf32, #tpu.memory_space<hbm>>) dst(%arg9 : memref<8x2048xf32, #tpu.memory_space<vmem>>)
      %add3A_50 = arith.constant 0 : i32
      %add3A_51 = arith.addi %mul3A_2, %add3A_50 : i32
      %dma_start3A_52 = arith.constant 0 : i32
      %dma_start3A_53 = tpu.memref_slice %arg7[%add3A_51, %dma_start3A_52] : memref<8192x2048xf32, #tpu.memory_space<hbm>> -> memref<8x2048xf32, #tpu.memory_space<hbm>>
      %dma_start3A_54 = arith.constant 0 : i32
      %dma_start3A_55 = tpu.memref_slice %arg7[%add3A_51, %dma_start3A_54] : memref<8192x2048xf32, #tpu.memory_space<hbm>> -> memref<8x2048xf32, #tpu.memory_space<hbm>>
      tpu.enqueue_dma source(%arg9 : memref<8x2048xf32, #tpu.memory_space<vmem>>) target(%dma_start3A_55 : memref<8x2048xf32, #tpu.memory_space<hbm>>) target_semaphore(%arg21 : memref<!tpu.dma_semaphore, #tpu.memory_space<semaphore_mem>>)
      %add3A_56 = arith.constant 32 : i32
      %add3A_57 = arith.addi %mul3A_2, %add3A_56 : i32
      %dma_start3A_58 = arith.constant 0 : i32
      %dma_start3A_59 = tpu.memref_slice %arg3[%add3A_57, %dma_start3A_58] : memref<8192x2048xf32, #tpu.memory_space<hbm>> -> memref<8x2048xf32, #tpu.memory_space<hbm>>
      %dma_start3A_60 = arith.constant 0 : i32
      %dma_start3A_61 = tpu.memref_slice %arg3[%add3A_57, %dma_start3A_60] : memref<8192x2048xf32, #tpu.memory_space<hbm>> -> memref<8x2048xf32, #tpu.memory_space<hbm>>
      tpu.enqueue_dma source(%dma_start3A_61 : memref<8x2048xf32, #tpu.memory_space<hbm>>) target(%arg13 : memref<8x2048xf32, #tpu.memory_space<vmem>>) target_semaphore(%arg19 : memref<!tpu.dma_semaphore, #tpu.memory_space<semaphore_mem>>)
      %add3A_62 = arith.constant 8 : i32
      %add3A_63 = arith.addi %mul3A_2, %add3A_62 : i32
      %dma_wait3A_64 = arith.constant 0 : i32
      %dma_wait3A_65 = tpu.memref_slice %arg3[%add3A_63, %dma_wait3A_64] : memref<8192x2048xf32, #tpu.memory_space<hbm>> -> memref<8x2048xf32, #tpu.memory_space<hbm>>
      %dma_wait3A_66 = arith.constant 0 : i32
      %dma_wait3A_67 = tpu.memref_slice %arg3[%add3A_63, %dma_wait3A_66] : memref<8192x2048xf32, #tpu.memory_space<hbm>> -> memref<8x2048xf32, #tpu.memory_space<hbm>>
      tpu.wait_dma2 semaphore(%arg16 : memref<!tpu.dma_semaphore, #tpu.memory_space<semaphore_mem>>) src(%dma_wait3A_67 : memref<8x2048xf32, #tpu.memory_space<hbm>>) dst(%arg10 : memref<8x2048xf32, #tpu.memory_space<vmem>>)
      %add3A_68 = arith.constant 8 : i32
      %add3A_69 = arith.addi %mul3A_2, %add3A_68 : i32
      %dma_start3A_70 = arith.constant 0 : i32
      %dma_start3A_71 = tpu.memref_slice %arg7[%add3A_69, %dma_start3A_70] : memref<8192x2048xf32, #tpu.memory_space<hbm>> -> memref<8x2048xf32, #tpu.memory_space<hbm>>
      %dma_start3A_72 = arith.constant 0 : i32
      %dma_start3A_73 = tpu.memref_slice %arg7[%add3A_69, %dma_start3A_72] : memref<8192x2048xf32, #tpu.memory_space<hbm>> -> memref<8x2048xf32, #tpu.memory_space<hbm>>
      tpu.enqueue_dma source(%arg10 : memref<8x2048xf32, #tpu.memory_space<vmem>>) target(%dma_start3A_73 : memref<8x2048xf32, #tpu.memory_space<hbm>>) target_semaphore(%arg22 : memref<!tpu.dma_semaphore, #tpu.memory_space<semaphore_mem>>)
      %add3A_74 = arith.constant 40 : i32
      %add3A_75 = arith.addi %mul3A_2, %add3A_74 : i32
      %dma_start3A_76 = arith.constant 0 : i32
      %dma_start3A_77 = tpu.memref_slice %arg3[%add3A_75, %dma_start3A_76] : memref<8192x2048xf32, #tpu.memory_space<hbm>> -> memref<8x2048xf32, #tpu.memory_space<hbm>>
      %dma_start3A_78 = arith.constant 0 : i32
      %dma_start3A_79 = tpu.memref_slice %arg3[%add3A_75, %dma_start3A_78] : memref<8192x2048xf32, #tpu.memory_space<hbm>> -> memref<8x2048xf32, #tpu.memory_space<hbm>>
      tpu.enqueue_dma source(%dma_start3A_79 : memref<8x2048xf32, #tpu.memory_space<hbm>>) target(%arg14 : memref<8x2048xf32, #tpu.memory_space<vmem>>) target_semaphore(%arg20 : memref<!tpu.dma_semaphore, #tpu.memory_space<semaphore_mem>>)
      %add3A_80 = arith.constant 16 : i32
      %add3A_81 = arith.addi %mul3A_2, %add3A_80 : i32
      %dma_wait3A_82 = arith.constant 0 : i32
      %dma_wait3A_83 = tpu.memref_slice %arg3[%add3A_81, %dma_wait3A_82] : memref<8192x2048xf32, #tpu.memory_space<hbm>> -> memref<8x2048xf32, #tpu.memory_space<hbm>>
      %dma_wait3A_84 = arith.constant 0 : i32
      %dma_wait3A_85 = tpu.memref_slice %arg3[%add3A_81, %dma_wait3A_84] : memref<8192x2048xf32, #tpu.memory_space<hbm>> -> memref<8x2048xf32, #tpu.memory_space<hbm>>
      tpu.wait_dma2 semaphore(%arg17 : memref<!tpu.dma_semaphore, #tpu.memory_space<semaphore_mem>>) src(%dma_wait3A_85 : memref<8x2048xf32, #tpu.memory_space<hbm>>) dst(%arg11 : memref<8x2048xf32, #tpu.memory_space<vmem>>)
      %add3A_86 = arith.constant 16 : i32
      %add3A_87 = arith.addi %mul3A_2, %add3A_86 : i32
      %dma_start3A_88 = arith.constant 0 : i32
      %dma_start3A_89 = tpu.memref_slice %arg7[%add3A_87, %dma_start3A_88] : memref<8192x2048xf32, #tpu.memory_space<hbm>> -> memref<8x2048xf32, #tpu.memory_space<hbm>>
      %dma_start3A_90 = arith.constant 0 : i32
      %dma_start3A_91 = tpu.memref_slice %arg7[%add3A_87, %dma_start3A_90] : memref<8192x2048xf32, #tpu.memory_space<hbm>> -> memref<8x2048xf32, #tpu.memory_space<hbm>>
      tpu.enqueue_dma source(%arg11 : memref<8x2048xf32, #tpu.memory_space<vmem>>) target(%dma_start3A_91 : memref<8x2048xf32, #tpu.memory_space<hbm>>) target_semaphore(%arg23 : memref<!tpu.dma_semaphore, #tpu.memory_space<semaphore_mem>>)
      %add3A_92 = arith.constant 0 : i32
      %add3A_93 = arith.addi %mul3A_2, %add3A_92 : i32
      %dma_wait3A_94 = arith.constant 0 : i32
      %dma_wait3A_95 = tpu.memref_slice %arg7[%add3A_93, %dma_wait3A_94] : memref<8192x2048xf32, #tpu.memory_space<hbm>> -> memref<8x2048xf32, #tpu.memory_space<hbm>>
      %dma_wait3A_96 = arith.constant 0 : i32
      %dma_wait3A_97 = tpu.memref_slice %arg7[%add3A_93, %dma_wait3A_96] : memref<8192x2048xf32, #tpu.memory_space<hbm>> -> memref<8x2048xf32, #tpu.memory_space<hbm>>
      tpu.wait_dma2 semaphore(%arg21 : memref<!tpu.dma_semaphore, #tpu.memory_space<semaphore_mem>>) src(%arg9 : memref<8x2048xf32, #tpu.memory_space<vmem>>) dst(%dma_wait3A_97 : memref<8x2048xf32, #tpu.memory_space<hbm>>)
      %add3A_98 = arith.constant 48 : i32
      %add3A_99 = arith.addi %mul3A_2, %add3A_98 : i32
      %dma_start3A_100 = arith.constant 0 : i32
      %dma_start3A_101 = tpu.memref_slice %arg3[%add3A_99, %dma_start3A_100] : memref<8192x2048xf32, #tpu.memory_space<hbm>> -> memref<8x2048xf32, #tpu.memory_space<hbm>>
      %dma_start3A_102 = arith.constant 0 : i32
      %dma_start3A_103 = tpu.memref_slice %arg3[%add3A_99, %dma_start3A_102] : memref<8192x2048xf32, #tpu.memory_space<hbm>> -> memref<8x2048xf32, #tpu.memory_space<hbm>>
      tpu.enqueue_dma source(%dma_start3A_103 : memref<8x2048xf32, #tpu.memory_space<hbm>>) target(%arg9 : memref<8x2048xf32, #tpu.memory_space<vmem>>) target_semaphore(%arg15 : memref<!tpu.dma_semaphore, #tpu.memory_space<semaphore_mem>>)
      %add3A_104 = arith.constant 24 : i32
      %add3A_105 = arith.addi %mul3A_2, %add3A_104 : i32
      %dma_wait3A_106 = arith.constant 0 : i32
      %dma_wait3A_107 = tpu.memref_slice %arg3[%add3A_105, %dma_wait3A_106] : memref<8192x2048xf32, #tpu.memory_space<hbm>> -> memref<8x2048xf32, #tpu.memory_space<hbm>>
      %dma_wait3A_108 = arith.constant 0 : i32
      %dma_wait3A_109 = tpu.memref_slice %arg3[%add3A_105, %dma_wait3A_108] : memref<8192x2048xf32, #tpu.memory_space<hbm>> -> memref<8x2048xf32, #tpu.memory_space<hbm>>
      tpu.wait_dma2 semaphore(%arg18 : memref<!tpu.dma_semaphore, #tpu.memory_space<semaphore_mem>>) src(%dma_wait3A_109 : memref<8x2048xf32, #tpu.memory_space<hbm>>) dst(%arg12 : memref<8x2048xf32, #tpu.memory_space<vmem>>)
      %add3A_110 = arith.constant 24 : i32
      %add3A_111 = arith.addi %mul3A_2, %add3A_110 : i32
      %dma_start3A_112 = arith.constant 0 : i32
      %dma_start3A_113 = tpu.memref_slice %arg7[%add3A_111, %dma_start3A_112] : memref<8192x2048xf32, #tpu.memory_space<hbm>> -> memref<8x2048xf32, #tpu.memory_space<hbm>>
      %dma_start3A_114 = arith.constant 0 : i32
      %dma_start3A_115 = tpu.memref_slice %arg7[%add3A_111, %dma_start3A_114] : memref<8192x2048xf32, #tpu.memory_space<hbm>> -> memref<8x2048xf32, #tpu.memory_space<hbm>>
      tpu.enqueue_dma source(%arg12 : memref<8x2048xf32, #tpu.memory_space<vmem>>) target(%dma_start3A_115 : memref<8x2048xf32, #tpu.memory_space<hbm>>) target_semaphore(%arg24 : memref<!tpu.dma_semaphore, #tpu.memory_space<semaphore_mem>>)
      %add3A_116 = arith.constant 8 : i32
      %add3A_117 = arith.addi %mul3A_2, %add3A_116 : i32
      %dma_wait3A_118 = arith.constant 0 : i32
      %dma_wait3A_119 = tpu.memref_slice %arg7[%add3A_117, %dma_wait3A_118] : memref<8192x2048xf32, #tpu.memory_space<hbm>> -> memref<8x2048xf32, #tpu.memory_space<hbm>>
      %dma_wait3A_120 = arith.constant 0 : i32
      %dma_wait3A_121 = tpu.memref_slice %arg7[%add3A_117, %dma_wait3A_120] : memref<8192x2048xf32, #tpu.memory_space<hbm>> -> memref<8x2048xf32, #tpu.memory_space<hbm>>
      tpu.wait_dma2 semaphore(%arg22 : memref<!tpu.dma_semaphore, #tpu.memory_space<semaphore_mem>>) src(%arg10 : memref<8x2048xf32, #tpu.memory_space<vmem>>) dst(%dma_wait3A_121 : memref<8x2048xf32, #tpu.memory_space<hbm>>)
      %add3A_122 = arith.constant 56 : i32
      %add3A_123 = arith.addi %mul3A_2, %add3A_122 : i32
      %dma_start3A_124 = arith.constant 0 : i32
      %dma_start3A_125 = tpu.memref_slice %arg3[%add3A_123, %dma_start3A_124] : memref<8192x2048xf32, #tpu.memory_space<hbm>> -> memref<8x2048xf32, #tpu.memory_space<hbm>>
      %dma_start3A_126 = arith.constant 0 : i32
      %dma_start3A_127 = tpu.memref_slice %arg3[%add3A_123, %dma_start3A_126] : memref<8192x2048xf32, #tpu.memory_space<hbm>> -> memref<8x2048xf32, #tpu.memory_space<hbm>>
      tpu.enqueue_dma source(%dma_start3A_127 : memref<8x2048xf32, #tpu.memory_space<hbm>>) target(%arg10 : memref<8x2048xf32, #tpu.memory_space<vmem>>) target_semaphore(%arg16 : memref<!tpu.dma_semaphore, #tpu.memory_space<semaphore_mem>>)
      %add3A_128 = arith.constant 32 : i32
      %add3A_129 = arith.addi %mul3A_2, %add3A_128 : i32
      %dma_wait3A_130 = arith.constant 0 : i32
      %dma_wait3A_131 = tpu.memref_slice %arg3[%add3A_129, %dma_wait3A_130] : memref<8192x2048xf32, #tpu.memory_space<hbm>> -> memref<8x2048xf32, #tpu.memory_space<hbm>>
      %dma_wait3A_132 = arith.constant 0 : i32
      %dma_wait3A_133 = tpu.memref_slice %arg3[%add3A_129, %dma_wait3A_132] : memref<8192x2048xf32, #tpu.memory_space<hbm>> -> memref<8x2048xf32, #tpu.memory_space<hbm>>
      tpu.wait_dma2 semaphore(%arg19 : memref<!tpu.dma_semaphore, #tpu.memory_space<semaphore_mem>>) src(%dma_wait3A_133 : memref<8x2048xf32, #tpu.memory_space<hbm>>) dst(%arg13 : memref<8x2048xf32, #tpu.memory_space<vmem>>)
      %add3A_134 = arith.constant 32 : i32
      %add3A_135 = arith.addi %mul3A_2, %add3A_134 : i32
      %dma_start3A_136 = arith.constant 0 : i32
      %dma_start3A_137 = tpu.memref_slice %arg7[%add3A_135, %dma_start3A_136] : memref<8192x2048xf32, #tpu.memory_space<hbm>> -> memref<8x2048xf32, #tpu.memory_space<hbm>>
      %dma_start3A_138 = arith.constant 0 : i32
      %dma_start3A_139 = tpu.memref_slice %arg7[%add3A_135, %dma_start3A_138] : memref<8192x2048xf32, #tpu.memory_space<hbm>> -> memref<8x2048xf32, #tpu.memory_space<hbm>>
      tpu.enqueue_dma source(%arg13 : memref<8x2048xf32, #tpu.memory_space<vmem>>) target(%dma_start3A_139 : memref<8x2048xf32, #tpu.memory_space<hbm>>) target_semaphore(%arg25 : memref<!tpu.dma_semaphore, #tpu.memory_space<semaphore_mem>>)
      %add3A_140 = arith.constant 16 : i32
      %add3A_141 = arith.addi %mul3A_2, %add3A_140 : i32
      %dma_wait3A_142 = arith.constant 0 : i32
      %dma_wait3A_143 = tpu.memref_slice %arg7[%add3A_141, %dma_wait3A_142] : memref<8192x2048xf32, #tpu.memory_space<hbm>> -> memref<8x2048xf32, #tpu.memory_space<hbm>>
      %dma_wait3A_144 = arith.constant 0 : i32
      %dma_wait3A_145 = tpu.memref_slice %arg7[%add3A_141, %dma_wait3A_144] : memref<8192x2048xf32, #tpu.memory_space<hbm>> -> memref<8x2048xf32, #tpu.memory_space<hbm>>
      tpu.wait_dma2 semaphore(%arg23 : memref<!tpu.dma_semaphore, #tpu.memory_space<semaphore_mem>>) src(%arg11 : memref<8x2048xf32, #tpu.memory_space<vmem>>) dst(%dma_wait3A_145 : memref<8x2048xf32, #tpu.memory_space<hbm>>)
      %add3A_146 = arith.constant 64 : i32
      %add3A_147 = arith.addi %mul3A_2, %add3A_146 : i32
      %dma_start3A_148 = arith.constant 0 : i32
      %dma_start3A_149 = tpu.memref_slice %arg3[%add3A_147, %dma_start3A_148] : memref<8192x2048xf32, #tpu.memory_space<hbm>> -> memref<8x2048xf32, #tpu.memory_space<hbm>>
      %dma_start3A_150 = arith.constant 0 : i32
      %dma_start3A_151 = tpu.memref_slice %arg3[%add3A_147, %dma_start3A_150] : memref<8192x2048xf32, #tpu.memory_space<hbm>> -> memref<8x2048xf32, #tpu.memory_space<hbm>>
      tpu.enqueue_dma source(%dma_start3A_151 : memref<8x2048xf32, #tpu.memory_space<hbm>>) target(%arg11 : memref<8x2048xf32, #tpu.memory_space<vmem>>) target_semaphore(%arg17 : memref<!tpu.dma_semaphore, #tpu.memory_space<semaphore_mem>>)
      %add3A_152 = arith.constant 40 : i32
      %add3A_153 = arith.addi %mul3A_2, %add3A_152 : i32
      %dma_wait3A_154 = arith.constant 0 : i32
      %dma_wait3A_155 = tpu.memref_slice %arg3[%add3A_153, %dma_wait3A_154] : memref<8192x2048xf32, #tpu.memory_space<hbm>> -> memref<8x2048xf32, #tpu.memory_space<hbm>>
      %dma_wait3A_156 = arith.constant 0 : i32
      %dma_wait3A_157 = tpu.memref_slice %arg3[%add3A_153, %dma_wait3A_156] : memref<8192x2048xf32, #tpu.memory_space<hbm>> -> memref<8x2048xf32, #tpu.memory_space<hbm>>
      tpu.wait_dma2 semaphore(%arg20 : memref<!tpu.dma_semaphore, #tpu.memory_space<semaphore_mem>>) src(%dma_wait3A_157 : memref<8x2048xf32, #tpu.memory_space<hbm>>) dst(%arg14 : memref<8x2048xf32, #tpu.memory_space<vmem>>)
      %add3A_158 = arith.constant 40 : i32
      %add3A_159 = arith.addi %mul3A_2, %add3A_158 : i32
      %dma_start3A_160 = arith.constant 0 : i32
      %dma_start3A_161 = tpu.memref_slice %arg7[%add3A_159, %dma_start3A_160] : memref<8192x2048xf32, #tpu.memory_space<hbm>> -> memref<8x2048xf32, #tpu.memory_space<hbm>>
      %dma_start3A_162 = arith.constant 0 : i32
      %dma_start3A_163 = tpu.memref_slice %arg7[%add3A_159, %dma_start3A_162] : memref<8192x2048xf32, #tpu.memory_space<hbm>> -> memref<8x2048xf32, #tpu.memory_space<hbm>>
      tpu.enqueue_dma source(%arg14 : memref<8x2048xf32, #tpu.memory_space<vmem>>) target(%dma_start3A_163 : memref<8x2048xf32, #tpu.memory_space<hbm>>) target_semaphore(%arg26 : memref<!tpu.dma_semaphore, #tpu.memory_space<semaphore_mem>>)
      %add3A_164 = arith.constant 24 : i32
      %add3A_165 = arith.addi %mul3A_2, %add3A_164 : i32
      %dma_wait3A_166 = arith.constant 0 : i32
      %dma_wait3A_167 = tpu.memref_slice %arg7[%add3A_165, %dma_wait3A_166] : memref<8192x2048xf32, #tpu.memory_space<hbm>> -> memref<8x2048xf32, #tpu.memory_space<hbm>>
      %dma_wait3A_168 = arith.constant 0 : i32
      %dma_wait3A_169 = tpu.memref_slice %arg7[%add3A_165, %dma_wait3A_168] : memref<8192x2048xf32, #tpu.memory_space<hbm>> -> memref<8x2048xf32, #tpu.memory_space<hbm>>
      tpu.wait_dma2 semaphore(%arg24 : memref<!tpu.dma_semaphore, #tpu.memory_space<semaphore_mem>>) src(%arg12 : memref<8x2048xf32, #tpu.memory_space<vmem>>) dst(%dma_wait3A_169 : memref<8x2048xf32, #tpu.memory_space<hbm>>)
      %add3A_170 = arith.constant 72 : i32
      %add3A_171 = arith.addi %mul3A_2, %add3A_170 : i32
      %dma_start3A_172 = arith.constant 0 : i32
      %dma_start3A_173 = tpu.memref_slice %arg3[%add3A_171, %dma_start3A_172] : memref<8192x2048xf32, #tpu.memory_space<hbm>> -> memref<8x2048xf32, #tpu.memory_space<hbm>>
      %dma_start3A_174 = arith.constant 0 : i32
      %dma_start3A_175 = tpu.memref_slice %arg3[%add3A_171, %dma_start3A_174] : memref<8192x2048xf32, #tpu.memory_space<hbm>> -> memref<8x2048xf32, #tpu.memory_space<hbm>>
      tpu.enqueue_dma source(%dma_start3A_175 : memref<8x2048xf32, #tpu.memory_space<hbm>>) target(%arg12 : memref<8x2048xf32, #tpu.memory_space<vmem>>) target_semaphore(%arg18 : memref<!tpu.dma_semaphore, #tpu.memory_space<semaphore_mem>>)
      %add3A_176 = arith.constant 48 : i32
      %add3A_177 = arith.addi %mul3A_2, %add3A_176 : i32
      %dma_wait3A_178 = arith.constant 0 : i32
      %dma_wait3A_179 = tpu.memref_slice %arg3[%add3A_177, %dma_wait3A_178] : memref<8192x2048xf32, #tpu.memory_space<hbm>> -> memref<8x2048xf32, #tpu.memory_space<hbm>>
      %dma_wait3A_180 = arith.constant 0 : i32
      %dma_wait3A_181 = tpu.memref_slice %arg3[%add3A_177, %dma_wait3A_180] : memref<8192x2048xf32, #tpu.memory_space<hbm>> -> memref<8x2048xf32, #tpu.memory_space<hbm>>
      tpu.wait_dma2 semaphore(%arg15 : memref<!tpu.dma_semaphore, #tpu.memory_space<semaphore_mem>>) src(%dma_wait3A_181 : memref<8x2048xf32, #tpu.memory_space<hbm>>) dst(%arg9 : memref<8x2048xf32, #tpu.memory_space<vmem>>)
      %add3A_182 = arith.constant 48 : i32
      %add3A_183 = arith.addi %mul3A_2, %add3A_182 : i32
      %dma_start3A_184 = arith.constant 0 : i32
      %dma_start3A_185 = tpu.memref_slice %arg7[%add3A_183, %dma_start3A_184] : memref<8192x2048xf32, #tpu.memory_space<hbm>> -> memref<8x2048xf32, #tpu.memory_space<hbm>>
      %dma_start3A_186 = arith.constant 0 : i32
      %dma_start3A_187 = tpu.memref_slice %arg7[%add3A_183, %dma_start3A_186] : memref<8192x2048xf32, #tpu.memory_space<hbm>> -> memref<8x2048xf32, #tpu.memory_space<hbm>>
      tpu.enqueue_dma source(%arg9 : memref<8x2048xf32, #tpu.memory_space<vmem>>) target(%dma_start3A_187 : memref<8x2048xf32, #tpu.memory_space<hbm>>) target_semaphore(%arg21 : memref<!tpu.dma_semaphore, #tpu.memory_space<semaphore_mem>>)
      %add3A_188 = arith.constant 32 : i32
      %add3A_189 = arith.addi %mul3A_2, %add3A_188 : i32
      %dma_wait3A_190 = arith.constant 0 : i32
      %dma_wait3A_191 = tpu.memref_slice %arg7[%add3A_189, %dma_wait3A_190] : memref<8192x2048xf32, #tpu.memory_space<hbm>> -> memref<8x2048xf32, #tpu.memory_space<hbm>>
      %dma_wait3A_192 = arith.constant 0 : i32
      %dma_wait3A_193 = tpu.memref_slice %arg7[%add3A_189, %dma_wait3A_192] : memref<8192x2048xf32, #tpu.memory_space<hbm>> -> memref<8x2048xf32, #tpu.memory_space<hbm>>
      tpu.wait_dma2 semaphore(%arg25 : memref<!tpu.dma_semaphore, #tpu.memory_space<semaphore_mem>>) src(%arg13 : memref<8x2048xf32, #tpu.memory_space<vmem>>) dst(%dma_wait3A_193 : memref<8x2048xf32, #tpu.memory_space<hbm>>)
      %add3A_194 = arith.constant 80 : i32
      %add3A_195 = arith.addi %mul3A_2, %add3A_194 : i32
      %dma_start3A_196 = arith.constant 0 : i32
      %dma_start3A_197 = tpu.memref_slice %arg3[%add3A_195, %dma_start3A_196] : memref<8192x2048xf32, #tpu.memory_space<hbm>> -> memref<8x2048xf32, #tpu.memory_space<hbm>>
      %dma_start3A_198 = arith.constant 0 : i32
      %dma_start3A_199 = tpu.memref_slice %arg3[%add3A_195, %dma_start3A_198] : memref<8192x2048xf32, #tpu.memory_space<hbm>> -> memref<8x2048xf32, #tpu.memory_space<hbm>>
      tpu.enqueue_dma source(%dma_start3A_199 : memref<8x2048xf32, #tpu.memory_space<hbm>>) target(%arg13 : memref<8x2048xf32, #tpu.memory_space<vmem>>) target_semaphore(%arg19 : memref<!tpu.dma_semaphore, #tpu.memory_space<semaphore_mem>>)
      %add3A_200 = arith.constant 56 : i32
      %add3A_201 = arith.addi %mul3A_2, %add3A_200 : i32
      %dma_wait3A_202 = arith.constant 0 : i32
      %dma_wait3A_203 = tpu.memref_slice %arg3[%add3A_201, %dma_wait3A_202] : memref<8192x2048xf32, #tpu.memory_space<hbm>> -> memref<8x2048xf32, #tpu.memory_space<hbm>>
      %dma_wait3A_204 = arith.constant 0 : i32
      %dma_wait3A_205 = tpu.memref_slice %arg3[%add3A_201, %dma_wait3A_204] : memref<8192x2048xf32, #tpu.memory_space<hbm>> -> memref<8x2048xf32, #tpu.memory_space<hbm>>
      tpu.wait_dma2 semaphore(%arg16 : memref<!tpu.dma_semaphore, #tpu.memory_space<semaphore_mem>>) src(%dma_wait3A_205 : memref<8x2048xf32, #tpu.memory_space<hbm>>) dst(%arg10 : memref<8x2048xf32, #tpu.memory_space<vmem>>)
      %add3A_206 = arith.constant 56 : i32
      %add3A_207 = arith.addi %mul3A_2, %add3A_206 : i32
      %dma_start3A_208 = arith.constant 0 : i32
      %dma_start3A_209 = tpu.memref_slice %arg7[%add3A_207, %dma_start3A_208] : memref<8192x2048xf32, #tpu.memory_space<hbm>> -> memref<8x2048xf32, #tpu.memory_space<hbm>>
      %dma_start3A_210 = arith.constant 0 : i32
      %dma_start3A_211 = tpu.memref_slice %arg7[%add3A_207, %dma_start3A_210] : memref<8192x2048xf32, #tpu.memory_space<hbm>> -> memref<8x2048xf32, #tpu.memory_space<hbm>>
      tpu.enqueue_dma source(%arg10 : memref<8x2048xf32, #tpu.memory_space<vmem>>) target(%dma_start3A_211 : memref<8x2048xf32, #tpu.memory_space<hbm>>) target_semaphore(%arg22 : memref<!tpu.dma_semaphore, #tpu.memory_space<semaphore_mem>>)
      %add3A_212 = arith.constant 40 : i32
      %add3A_213 = arith.addi %mul3A_2, %add3A_212 : i32
      %dma_wait3A_214 = arith.constant 0 : i32
      %dma_wait3A_215 = tpu.memref_slice %arg7[%add3A_213, %dma_wait3A_214] : memref<8192x2048xf32, #tpu.memory_space<hbm>> -> memref<8x2048xf32, #tpu.memory_space<hbm>>
      %dma_wait3A_216 = arith.constant 0 : i32
      %dma_wait3A_217 = tpu.memref_slice %arg7[%add3A_213, %dma_wait3A_216] : memref<8192x2048xf32, #tpu.memory_space<hbm>> -> memref<8x2048xf32, #tpu.memory_space<hbm>>
      tpu.wait_dma2 semaphore(%arg26 : memref<!tpu.dma_semaphore, #tpu.memory_space<semaphore_mem>>) src(%arg14 : memref<8x2048xf32, #tpu.memory_space<vmem>>) dst(%dma_wait3A_217 : memref<8x2048xf32, #tpu.memory_space<hbm>>)
      %add3A_218 = arith.constant 88 : i32
      %add3A_219 = arith.addi %mul3A_2, %add3A_218 : i32
      %dma_start3A_220 = arith.constant 0 : i32
      %dma_start3A_221 = tpu.memref_slice %arg3[%add3A_219, %dma_start3A_220] : memref<8192x2048xf32, #tpu.memory_space<hbm>> -> memref<8x2048xf32, #tpu.memory_space<hbm>>
      %dma_start3A_222 = arith.constant 0 : i32
      %dma_start3A_223 = tpu.memref_slice %arg3[%add3A_219, %dma_start3A_222] : memref<8192x2048xf32, #tpu.memory_space<hbm>> -> memref<8x2048xf32, #tpu.memory_space<hbm>>
      tpu.enqueue_dma source(%dma_start3A_223 : memref<8x2048xf32, #tpu.memory_space<hbm>>) target(%arg14 : memref<8x2048xf32, #tpu.memory_space<vmem>>) target_semaphore(%arg20 : memref<!tpu.dma_semaphore, #tpu.memory_space<semaphore_mem>>)
      %add3A_224 = arith.constant 64 : i32
      %add3A_225 = arith.addi %mul3A_2, %add3A_224 : i32
      %dma_wait3A_226 = arith.constant 0 : i32
      %dma_wait3A_227 = tpu.memref_slice %arg3[%add3A_225, %dma_wait3A_226] : memref<8192x2048xf32, #tpu.memory_space<hbm>> -> memref<8x2048xf32, #tpu.memory_space<hbm>>
      %dma_wait3A_228 = arith.constant 0 : i32
      %dma_wait3A_229 = tpu.memref_slice %arg3[%add3A_225, %dma_wait3A_228] : memref<8192x2048xf32, #tpu.memory_space<hbm>> -> memref<8x2048xf32, #tpu.memory_space<hbm>>
      tpu.wait_dma2 semaphore(%arg17 : memref<!tpu.dma_semaphore, #tpu.memory_space<semaphore_mem>>) src(%dma_wait3A_229 : memref<8x2048xf32, #tpu.memory_space<hbm>>) dst(%arg11 : memref<8x2048xf32, #tpu.memory_space<vmem>>)
      %add3A_230 = arith.constant 64 : i32
      %add3A_231 = arith.addi %mul3A_2, %add3A_230 : i32
      %dma_start3A_232 = arith.constant 0 : i32
      %dma_start3A_233 = tpu.memref_slice %arg7[%add3A_231, %dma_start3A_232] : memref<8192x2048xf32, #tpu.memory_space<hbm>> -> memref<8x2048xf32, #tpu.memory_space<hbm>>
      %dma_start3A_234 = arith.constant 0 : i32
      %dma_start3A_235 = tpu.memref_slice %arg7[%add3A_231, %dma_start3A_234] : memref<8192x2048xf32, #tpu.memory_space<hbm>> -> memref<8x2048xf32, #tpu.memory_space<hbm>>
      tpu.enqueue_dma source(%arg11 : memref<8x2048xf32, #tpu.memory_space<vmem>>) target(%dma_start3A_235 : memref<8x2048xf32, #tpu.memory_space<hbm>>) target_semaphore(%arg23 : memref<!tpu.dma_semaphore, #tpu.memory_space<semaphore_mem>>)
      %add3A_236 = arith.constant 48 : i32
      %add3A_237 = arith.addi %mul3A_2, %add3A_236 : i32
      %dma_wait3A_238 = arith.constant 0 : i32
      %dma_wait3A_239 = tpu.memref_slice %arg7[%add3A_237, %dma_wait3A_238] : memref<8192x2048xf32, #tpu.memory_space<hbm>> -> memref<8x2048xf32, #tpu.memory_space<hbm>>
      %dma_wait3A_240 = arith.constant 0 : i32
      %dma_wait3A_241 = tpu.memref_slice %arg7[%add3A_237, %dma_wait3A_240] : memref<8192x2048xf32, #tpu.memory_space<hbm>> -> memref<8x2048xf32, #tpu.memory_space<hbm>>
      tpu.wait_dma2 semaphore(%arg21 : memref<!tpu.dma_semaphore, #tpu.memory_space<semaphore_mem>>) src(%arg9 : memref<8x2048xf32, #tpu.memory_space<vmem>>) dst(%dma_wait3A_241 : memref<8x2048xf32, #tpu.memory_space<hbm>>)
      %add3A_242 = arith.constant 96 : i32
      %add3A_243 = arith.addi %mul3A_2, %add3A_242 : i32
      %dma_start3A_244 = arith.constant 0 : i32
      %dma_start3A_245 = tpu.memref_slice %arg3[%add3A_243, %dma_start3A_244] : memref<8192x2048xf32, #tpu.memory_space<hbm>> -> memref<8x2048xf32, #tpu.memory_space<hbm>>
      %dma_start3A_246 = arith.constant 0 : i32
      %dma_start3A_247 = tpu.memref_slice %arg3[%add3A_243, %dma_start3A_246] : memref<8192x2048xf32, #tpu.memory_space<hbm>> -> memref<8x2048xf32, #tpu.memory_space<hbm>>
      tpu.enqueue_dma source(%dma_start3A_247 : memref<8x2048xf32, #tpu.memory_space<hbm>>) target(%arg9 : memref<8x2048xf32, #tpu.memory_space<vmem>>) target_semaphore(%arg15 : memref<!tpu.dma_semaphore, #tpu.memory_space<semaphore_mem>>)
      %add3A_248 = arith.constant 72 : i32
      %add3A_249 = arith.addi %mul3A_2, %add3A_248 : i32
      %dma_wait3A_250 = arith.constant 0 : i32
      %dma_wait3A_251 = tpu.memref_slice %arg3[%add3A_249, %dma_wait3A_250] : memref<8192x2048xf32, #tpu.memory_space<hbm>> -> memref<8x2048xf32, #tpu.memory_space<hbm>>
      %dma_wait3A_252 = arith.constant 0 : i32
      %dma_wait3A_253 = tpu.memref_slice %arg3[%add3A_249, %dma_wait3A_252] : memref<8192x2048xf32, #tpu.memory_space<hbm>> -> memref<8x2048xf32, #tpu.memory_space<hbm>>
      tpu.wait_dma2 semaphore(%arg18 : memref<!tpu.dma_semaphore, #tpu.memory_space<semaphore_mem>>) src(%dma_wait3A_253 : memref<8x2048xf32, #tpu.memory_space<hbm>>) dst(%arg12 : memref<8x2048xf32, #tpu.memory_space<vmem>>)
      %add3A_254 = arith.constant 72 : i32
      %add3A_255 = arith.addi %mul3A_2, %add3A_254 : i32
      %dma_start3A_256 = arith.constant 0 : i32
      %dma_start3A_257 = tpu.memref_slice %arg7[%add3A_255, %dma_start3A_256] : memref<8192x2048xf32, #tpu.memory_space<hbm>> -> memref<8x2048xf32, #tpu.memory_space<hbm>>
      %dma_start3A_258 = arith.constant 0 : i32
      %dma_start3A_259 = tpu.memref_slice %arg7[%add3A_255, %dma_start3A_258] : memref<8192x2048xf32, #tpu.memory_space<hbm>> -> memref<8x2048xf32, #tpu.memory_space<hbm>>
      tpu.enqueue_dma source(%arg12 : memref<8x2048xf32, #tpu.memory_space<vmem>>) target(%dma_start3A_259 : memref<8x2048xf32, #tpu.memory_space<hbm>>) target_semaphore(%arg24 : memref<!tpu.dma_semaphore, #tpu.memory_space<semaphore_mem>>)
      %add3A_260 = arith.constant 56 : i32
      %add3A_261 = arith.addi %mul3A_2, %add3A_260 : i32
      %dma_wait3A_262 = arith.constant 0 : i32
      %dma_wait3A_263 = tpu.memref_slice %arg7[%add3A_261, %dma_wait3A_262] : memref<8192x2048xf32, #tpu.memory_space<hbm>> -> memref<8x2048xf32, #tpu.memory_space<hbm>>
      %dma_wait3A_264 = arith.constant 0 : i32
      %dma_wait3A_265 = tpu.memref_slice %arg7[%add3A_261, %dma_wait3A_264] : memref<8192x2048xf32, #tpu.memory_space<hbm>> -> memref<8x2048xf32, #tpu.memory_space<hbm>>
      tpu.wait_dma2 semaphore(%arg22 : memref<!tpu.dma_semaphore, #tpu.memory_space<semaphore_mem>>) src(%arg10 : memref<8x2048xf32, #tpu.memory_space<vmem>>) dst(%dma_wait3A_265 : memref<8x2048xf32, #tpu.memory_space<hbm>>)
      %add3A_266 = arith.constant 104 : i32
      %add3A_267 = arith.addi %mul3A_2, %add3A_266 : i32
      %dma_start3A_268 = arith.constant 0 : i32
      %dma_start3A_269 = tpu.memref_slice %arg3[%add3A_267, %dma_start3A_268] : memref<8192x2048xf32, #tpu.memory_space<hbm>> -> memref<8x2048xf32, #tpu.memory_space<hbm>>
      %dma_start3A_270 = arith.constant 0 : i32
      %dma_start3A_271 = tpu.memref_slice %arg3[%add3A_267, %dma_start3A_270] : memref<8192x2048xf32, #tpu.memory_space<hbm>> -> memref<8x2048xf32, #tpu.memory_space<hbm>>
      tpu.enqueue_dma source(%dma_start3A_271 : memref<8x2048xf32, #tpu.memory_space<hbm>>) target(%arg10 : memref<8x2048xf32, #tpu.memory_space<vmem>>) target_semaphore(%arg16 : memref<!tpu.dma_semaphore, #tpu.memory_space<semaphore_mem>>)
      %add3A_272 = arith.constant 80 : i32
      %add3A_273 = arith.addi %mul3A_2, %add3A_272 : i32
      %dma_wait3A_274 = arith.constant 0 : i32
      %dma_wait3A_275 = tpu.memref_slice %arg3[%add3A_273, %dma_wait3A_274] : memref<8192x2048xf32, #tpu.memory_space<hbm>> -> memref<8x2048xf32, #tpu.memory_space<hbm>>
      %dma_wait3A_276 = arith.constant 0 : i32
      %dma_wait3A_277 = tpu.memref_slice %arg3[%add3A_273, %dma_wait3A_276] : memref<8192x2048xf32, #tpu.memory_space<hbm>> -> memref<8x2048xf32, #tpu.memory_space<hbm>>
      tpu.wait_dma2 semaphore(%arg19 : memref<!tpu.dma_semaphore, #tpu.memory_space<semaphore_mem>>) src(%dma_wait3A_277 : memref<8x2048xf32, #tpu.memory_space<hbm>>) dst(%arg13 : memref<8x2048xf32, #tpu.memory_space<vmem>>)
      %add3A_278 = arith.constant 80 : i32
      %add3A_279 = arith.addi %mul3A_2, %add3A_278 : i32
      %dma_start3A_280 = arith.constant 0 : i32
      %dma_start3A_281 = tpu.memref_slice %arg7[%add3A_279, %dma_start3A_280] : memref<8192x2048xf32, #tpu.memory_space<hbm>> -> memref<8x2048xf32, #tpu.memory_space<hbm>>
      %dma_start3A_282 = arith.constant 0 : i32
      %dma_start3A_283 = tpu.memref_slice %arg7[%add3A_279, %dma_start3A_282] : memref<8192x2048xf32, #tpu.memory_space<hbm>> -> memref<8x2048xf32, #tpu.memory_space<hbm>>
      tpu.enqueue_dma source(%arg13 : memref<8x2048xf32, #tpu.memory_space<vmem>>) target(%dma_start3A_283 : memref<8x2048xf32, #tpu.memory_space<hbm>>) target_semaphore(%arg25 : memref<!tpu.dma_semaphore, #tpu.memory_space<semaphore_mem>>)
      %add3A_284 = arith.constant 64 : i32
      %add3A_285 = arith.addi %mul3A_2, %add3A_284 : i32
      %dma_wait3A_286 = arith.constant 0 : i32
      %dma_wait3A_287 = tpu.memref_slice %arg7[%add3A_285, %dma_wait3A_286] : memref<8192x2048xf32, #tpu.memory_space<hbm>> -> memref<8x2048xf32, #tpu.memory_space<hbm>>
      %dma_wait3A_288 = arith.constant 0 : i32
      %dma_wait3A_289 = tpu.memref_slice %arg7[%add3A_285, %dma_wait3A_288] : memref<8192x2048xf32, #tpu.memory_space<hbm>> -> memref<8x2048xf32, #tpu.memory_space<hbm>>
      tpu.wait_dma2 semaphore(%arg23 : memref<!tpu.dma_semaphore, #tpu.memory_space<semaphore_mem>>) src(%arg11 : memref<8x2048xf32, #tpu.memory_space<vmem>>) dst(%dma_wait3A_289 : memref<8x2048xf32, #tpu.memory_space<hbm>>)
      %add3A_290 = arith.constant 112 : i32
      %add3A_291 = arith.addi %mul3A_2, %add3A_290 : i32
      %dma_start3A_292 = arith.constant 0 : i32
      %dma_start3A_293 = tpu.memref_slice %arg3[%add3A_291, %dma_start3A_292] : memref<8192x2048xf32, #tpu.memory_space<hbm>> -> memref<8x2048xf32, #tpu.memory_space<hbm>>
      %dma_start3A_294 = arith.constant 0 : i32
      %dma_start3A_295 = tpu.memref_slice %arg3[%add3A_291, %dma_start3A_294] : memref<8192x2048xf32, #tpu.memory_space<hbm>> -> memref<8x2048xf32, #tpu.memory_space<hbm>>
      tpu.enqueue_dma source(%dma_start3A_295 : memref<8x2048xf32, #tpu.memory_space<hbm>>) target(%arg11 : memref<8x2048xf32, #tpu.memory_space<vmem>>) target_semaphore(%arg17 : memref<!tpu.dma_semaphore, #tpu.memory_space<semaphore_mem>>)
      %add3A_296 = arith.constant 88 : i32
      %add3A_297 = arith.addi %mul3A_2, %add3A_296 : i32
      %dma_wait3A_298 = arith.constant 0 : i32
      %dma_wait3A_299 = tpu.memref_slice %arg3[%add3A_297, %dma_wait3A_298] : memref<8192x2048xf32, #tpu.memory_space<hbm>> -> memref<8x2048xf32, #tpu.memory_space<hbm>>
      %dma_wait3A_300 = arith.constant 0 : i32
      %dma_wait3A_301 = tpu.memref_slice %arg3[%add3A_297, %dma_wait3A_300] : memref<8192x2048xf32, #tpu.memory_space<hbm>> -> memref<8x2048xf32, #tpu.memory_space<hbm>>
      tpu.wait_dma2 semaphore(%arg20 : memref<!tpu.dma_semaphore, #tpu.memory_space<semaphore_mem>>) src(%dma_wait3A_301 : memref<8x2048xf32, #tpu.memory_space<hbm>>) dst(%arg14 : memref<8x2048xf32, #tpu.memory_space<vmem>>)
      %add3A_302 = arith.constant 88 : i32
      %add3A_303 = arith.addi %mul3A_2, %add3A_302 : i32
      %dma_start3A_304 = arith.constant 0 : i32
      %dma_start3A_305 = tpu.memref_slice %arg7[%add3A_303, %dma_start3A_304] : memref<8192x2048xf32, #tpu.memory_space<hbm>> -> memref<8x2048xf32, #tpu.memory_space<hbm>>
      %dma_start3A_306 = arith.constant 0 : i32
      %dma_start3A_307 = tpu.memref_slice %arg7[%add3A_303, %dma_start3A_306] : memref<8192x2048xf32, #tpu.memory_space<hbm>> -> memref<8x2048xf32, #tpu.memory_space<hbm>>
      tpu.enqueue_dma source(%arg14 : memref<8x2048xf32, #tpu.memory_space<vmem>>) target(%dma_start3A_307 : memref<8x2048xf32, #tpu.memory_space<hbm>>) target_semaphore(%arg26 : memref<!tpu.dma_semaphore, #tpu.memory_space<semaphore_mem>>)
      %add3A_308 = arith.constant 72 : i32
      %add3A_309 = arith.addi %mul3A_2, %add3A_308 : i32
      %dma_wait3A_310 = arith.constant 0 : i32
      %dma_wait3A_311 = tpu.memref_slice %arg7[%add3A_309, %dma_wait3A_310] : memref<8192x2048xf32, #tpu.memory_space<hbm>> -> memref<8x2048xf32, #tpu.memory_space<hbm>>
      %dma_wait3A_312 = arith.constant 0 : i32
      %dma_wait3A_313 = tpu.memref_slice %arg7[%add3A_309, %dma_wait3A_312] : memref<8192x2048xf32, #tpu.memory_space<hbm>> -> memref<8x2048xf32, #tpu.memory_space<hbm>>
      tpu.wait_dma2 semaphore(%arg24 : memref<!tpu.dma_semaphore, #tpu.memory_space<semaphore_mem>>) src(%arg12 : memref<8x2048xf32, #tpu.memory_space<vmem>>) dst(%dma_wait3A_313 : memref<8x2048xf32, #tpu.memory_space<hbm>>)
      %add3A_314 = arith.constant 120 : i32
      %add3A_315 = arith.addi %mul3A_2, %add3A_314 : i32
      %dma_start3A_316 = arith.constant 0 : i32
      %dma_start3A_317 = tpu.memref_slice %arg3[%add3A_315, %dma_start3A_316] : memref<8192x2048xf32, #tpu.memory_space<hbm>> -> memref<8x2048xf32, #tpu.memory_space<hbm>>
      %dma_start3A_318 = arith.constant 0 : i32
      %dma_start3A_319 = tpu.memref_slice %arg3[%add3A_315, %dma_start3A_318] : memref<8192x2048xf32, #tpu.memory_space<hbm>> -> memref<8x2048xf32, #tpu.memory_space<hbm>>
      tpu.enqueue_dma source(%dma_start3A_319 : memref<8x2048xf32, #tpu.memory_space<hbm>>) target(%arg12 : memref<8x2048xf32, #tpu.memory_space<vmem>>) target_semaphore(%arg18 : memref<!tpu.dma_semaphore, #tpu.memory_space<semaphore_mem>>)
      %add3A_320 = arith.constant 96 : i32
      %add3A_321 = arith.addi %mul3A_2, %add3A_320 : i32
      %dma_wait3A_322 = arith.constant 0 : i32
      %dma_wait3A_323 = tpu.memref_slice %arg3[%add3A_321, %dma_wait3A_322] : memref<8192x2048xf32, #tpu.memory_space<hbm>> -> memref<8x2048xf32, #tpu.memory_space<hbm>>
      %dma_wait3A_324 = arith.constant 0 : i32
      %dma_wait3A_325 = tpu.memref_slice %arg3[%add3A_321, %dma_wait3A_324] : memref<8192x2048xf32, #tpu.memory_space<hbm>> -> memref<8x2048xf32, #tpu.memory_space<hbm>>
      tpu.wait_dma2 semaphore(%arg15 : memref<!tpu.dma_semaphore, #tpu.memory_space<semaphore_mem>>) src(%dma_wait3A_325 : memref<8x2048xf32, #tpu.memory_space<hbm>>) dst(%arg9 : memref<8x2048xf32, #tpu.memory_space<vmem>>)
      %add3A_326 = arith.constant 96 : i32
      %add3A_327 = arith.addi %mul3A_2, %add3A_326 : i32
      %dma_start3A_328 = arith.constant 0 : i32
      %dma_start3A_329 = tpu.memref_slice %arg7[%add3A_327, %dma_start3A_328] : memref<8192x2048xf32, #tpu.memory_space<hbm>> -> memref<8x2048xf32, #tpu.memory_space<hbm>>
      %dma_start3A_330 = arith.constant 0 : i32
      %dma_start3A_331 = tpu.memref_slice %arg7[%add3A_327, %dma_start3A_330] : memref<8192x2048xf32, #tpu.memory_space<hbm>> -> memref<8x2048xf32, #tpu.memory_space<hbm>>
      tpu.enqueue_dma source(%arg9 : memref<8x2048xf32, #tpu.memory_space<vmem>>) target(%dma_start3A_331 : memref<8x2048xf32, #tpu.memory_space<hbm>>) target_semaphore(%arg21 : memref<!tpu.dma_semaphore, #tpu.memory_space<semaphore_mem>>)
      %add3A_332 = arith.constant 80 : i32
      %add3A_333 = arith.addi %mul3A_2, %add3A_332 : i32
      %dma_wait3A_334 = arith.constant 0 : i32
      %dma_wait3A_335 = tpu.memref_slice %arg7[%add3A_333, %dma_wait3A_334] : memref<8192x2048xf32, #tpu.memory_space<hbm>> -> memref<8x2048xf32, #tpu.memory_space<hbm>>
      %dma_wait3A_336 = arith.constant 0 : i32
      %dma_wait3A_337 = tpu.memref_slice %arg7[%add3A_333, %dma_wait3A_336] : memref<8192x2048xf32, #tpu.memory_space<hbm>> -> memref<8x2048xf32, #tpu.memory_space<hbm>>
      tpu.wait_dma2 semaphore(%arg25 : memref<!tpu.dma_semaphore, #tpu.memory_space<semaphore_mem>>) src(%arg13 : memref<8x2048xf32, #tpu.memory_space<vmem>>) dst(%dma_wait3A_337 : memref<8x2048xf32, #tpu.memory_space<hbm>>)
      %add3A_338 = arith.constant 128 : i32
      %add3A_339 = arith.addi %mul3A_2, %add3A_338 : i32
      %dma_start3A_340 = arith.constant 0 : i32
      %dma_start3A_341 = tpu.memref_slice %arg3[%add3A_339, %dma_start3A_340] : memref<8192x2048xf32, #tpu.memory_space<hbm>> -> memref<8x2048xf32, #tpu.memory_space<hbm>>
      %dma_start3A_342 = arith.constant 0 : i32
      %dma_start3A_343 = tpu.memref_slice %arg3[%add3A_339, %dma_start3A_342] : memref<8192x2048xf32, #tpu.memory_space<hbm>> -> memref<8x2048xf32, #tpu.memory_space<hbm>>
      tpu.enqueue_dma source(%dma_start3A_343 : memref<8x2048xf32, #tpu.memory_space<hbm>>) target(%arg13 : memref<8x2048xf32, #tpu.memory_space<vmem>>) target_semaphore(%arg19 : memref<!tpu.dma_semaphore, #tpu.memory_space<semaphore_mem>>)
      %add3A_344 = arith.constant 104 : i32
      %add3A_345 = arith.addi %mul3A_2, %add3A_344 : i32
      %dma_wait3A_346 = arith.constant 0 : i32
      %dma_wait3A_347 = tpu.memref_slice %arg3[%add3A_345, %dma_wait3A_346] : memref<8192x2048xf32, #tpu.memory_space<hbm>> -> memref<8x2048xf32, #tpu.memory_space<hbm>>
      %dma_wait3A_348 = arith.constant 0 : i32
      %dma_wait3A_349 = tpu.memref_slice %arg3[%add3A_345, %dma_wait3A_348] : memref<8192x2048xf32, #tpu.memory_space<hbm>> -> memref<8x2048xf32, #tpu.memory_space<hbm>>
      tpu.wait_dma2 semaphore(%arg16 : memref<!tpu.dma_semaphore, #tpu.memory_space<semaphore_mem>>) src(%dma_wait3A_349 : memref<8x2048xf32, #tpu.memory_space<hbm>>) dst(%arg10 : memref<8x2048xf32, #tpu.memory_space<vmem>>)
      %add3A_350 = arith.constant 104 : i32
      %add3A_351 = arith.addi %mul3A_2, %add3A_350 : i32
      %dma_start3A_352 = arith.constant 0 : i32
      %dma_start3A_353 = tpu.memref_slice %arg7[%add3A_351, %dma_start3A_352] : memref<8192x2048xf32, #tpu.memory_space<hbm>> -> memref<8x2048xf32, #tpu.memory_space<hbm>>
      %dma_start3A_354 = arith.constant 0 : i32
      %dma_start3A_355 = tpu.memref_slice %arg7[%add3A_351, %dma_start3A_354] : memref<8192x2048xf32, #tpu.memory_space<hbm>> -> memref<8x2048xf32, #tpu.memory_space<hbm>>
      tpu.enqueue_dma source(%arg10 : memref<8x2048xf32, #tpu.memory_space<vmem>>) target(%dma_start3A_355 : memref<8x2048xf32, #tpu.memory_space<hbm>>) target_semaphore(%arg22 : memref<!tpu.dma_semaphore, #tpu.memory_space<semaphore_mem>>)
      %add3A_356 = arith.constant 88 : i32
      %add3A_357 = arith.addi %mul3A_2, %add3A_356 : i32
      %dma_wait3A_358 = arith.constant 0 : i32
      %dma_wait3A_359 = tpu.memref_slice %arg7[%add3A_357, %dma_wait3A_358] : memref<8192x2048xf32, #tpu.memory_space<hbm>> -> memref<8x2048xf32, #tpu.memory_space<hbm>>
      %dma_wait3A_360 = arith.constant 0 : i32
      %dma_wait3A_361 = tpu.memref_slice %arg7[%add3A_357, %dma_wait3A_360] : memref<8192x2048xf32, #tpu.memory_space<hbm>> -> memref<8x2048xf32, #tpu.memory_space<hbm>>
      tpu.wait_dma2 semaphore(%arg26 : memref<!tpu.dma_semaphore, #tpu.memory_space<semaphore_mem>>) src(%arg14 : memref<8x2048xf32, #tpu.memory_space<vmem>>) dst(%dma_wait3A_361 : memref<8x2048xf32, #tpu.memory_space<hbm>>)
      %add3A_362 = arith.constant 136 : i32
      %add3A_363 = arith.addi %mul3A_2, %add3A_362 : i32
      %dma_start3A_364 = arith.constant 0 : i32
      %dma_start3A_365 = tpu.memref_slice %arg3[%add3A_363, %dma_start3A_364] : memref<8192x2048xf32, #tpu.memory_space<hbm>> -> memref<8x2048xf32, #tpu.memory_space<hbm>>
      %dma_start3A_366 = arith.constant 0 : i32
      %dma_start3A_367 = tpu.memref_slice %arg3[%add3A_363, %dma_start3A_366] : memref<8192x2048xf32, #tpu.memory_space<hbm>> -> memref<8x2048xf32, #tpu.memory_space<hbm>>
      tpu.enqueue_dma source(%dma_start3A_367 : memref<8x2048xf32, #tpu.memory_space<hbm>>) target(%arg14 : memref<8x2048xf32, #tpu.memory_space<vmem>>) target_semaphore(%arg20 : memref<!tpu.dma_semaphore, #tpu.memory_space<semaphore_mem>>)
      %add3A_368 = arith.constant 112 : i32
      %add3A_369 = arith.addi %mul3A_2, %add3A_368 : i32
      %dma_wait3A_370 = arith.constant 0 : i32
      %dma_wait3A_371 = tpu.memref_slice %arg3[%add3A_369, %dma_wait3A_370] : memref<8192x2048xf32, #tpu.memory_space<hbm>> -> memref<8x2048xf32, #tpu.memory_space<hbm>>
      %dma_wait3A_372 = arith.constant 0 : i32
      %dma_wait3A_373 = tpu.memref_slice %arg3[%add3A_369, %dma_wait3A_372] : memref<8192x2048xf32, #tpu.memory_space<hbm>> -> memref<8x2048xf32, #tpu.memory_space<hbm>>
      tpu.wait_dma2 semaphore(%arg17 : memref<!tpu.dma_semaphore, #tpu.memory_space<semaphore_mem>>) src(%dma_wait3A_373 : memref<8x2048xf32, #tpu.memory_space<hbm>>) dst(%arg11 : memref<8x2048xf32, #tpu.memory_space<vmem>>)
      %add3A_374 = arith.constant 112 : i32
      %add3A_375 = arith.addi %mul3A_2, %add3A_374 : i32
      %dma_start3A_376 = arith.constant 0 : i32
      %dma_start3A_377 = tpu.memref_slice %arg7[%add3A_375, %dma_start3A_376] : memref<8192x2048xf32, #tpu.memory_space<hbm>> -> memref<8x2048xf32, #tpu.memory_space<hbm>>
      %dma_start3A_378 = arith.constant 0 : i32
      %dma_start3A_379 = tpu.memref_slice %arg7[%add3A_375, %dma_start3A_378] : memref<8192x2048xf32, #tpu.memory_space<hbm>> -> memref<8x2048xf32, #tpu.memory_space<hbm>>
      tpu.enqueue_dma source(%arg11 : memref<8x2048xf32, #tpu.memory_space<vmem>>) target(%dma_start3A_379 : memref<8x2048xf32, #tpu.memory_space<hbm>>) target_semaphore(%arg23 : memref<!tpu.dma_semaphore, #tpu.memory_space<semaphore_mem>>)
      %add3A_380 = arith.constant 96 : i32
      %add3A_381 = arith.addi %mul3A_2, %add3A_380 : i32
      %dma_wait3A_382 = arith.constant 0 : i32
      %dma_wait3A_383 = tpu.memref_slice %arg7[%add3A_381, %dma_wait3A_382] : memref<8192x2048xf32, #tpu.memory_space<hbm>> -> memref<8x2048xf32, #tpu.memory_space<hbm>>
      %dma_wait3A_384 = arith.constant 0 : i32
      %dma_wait3A_385 = tpu.memref_slice %arg7[%add3A_381, %dma_wait3A_384] : memref<8192x2048xf32, #tpu.memory_space<hbm>> -> memref<8x2048xf32, #tpu.memory_space<hbm>>
      tpu.wait_dma2 semaphore(%arg21 : memref<!tpu.dma_semaphore, #tpu.memory_space<semaphore_mem>>) src(%arg9 : memref<8x2048xf32, #tpu.memory_space<vmem>>) dst(%dma_wait3A_385 : memref<8x2048xf32, #tpu.memory_space<hbm>>)
      %add3A_386 = arith.constant 144 : i32
      %add3A_387 = arith.addi %mul3A_2, %add3A_386 : i32
      %dma_start3A_388 = arith.constant 0 : i32
      %dma_start3A_389 = tpu.memref_slice %arg3[%add3A_387, %dma_start3A_388] : memref<8192x2048xf32, #tpu.memory_space<hbm>> -> memref<8x2048xf32, #tpu.memory_space<hbm>>
      %dma_start3A_390 = arith.constant 0 : i32
      %dma_start3A_391 = tpu.memref_slice %arg3[%add3A_387, %dma_start3A_390] : memref<8192x2048xf32, #tpu.memory_space<hbm>> -> memref<8x2048xf32, #tpu.memory_space<hbm>>
      tpu.enqueue_dma source(%dma_start3A_391 : memref<8x2048xf32, #tpu.memory_space<hbm>>) target(%arg9 : memref<8x2048xf32, #tpu.memory_space<vmem>>) target_semaphore(%arg15 : memref<!tpu.dma_semaphore, #tpu.memory_space<semaphore_mem>>)
      %add3A_392 = arith.constant 120 : i32
      %add3A_393 = arith.addi %mul3A_2, %add3A_392 : i32
      %dma_wait3A_394 = arith.constant 0 : i32
      %dma_wait3A_395 = tpu.memref_slice %arg3[%add3A_393, %dma_wait3A_394] : memref<8192x2048xf32, #tpu.memory_space<hbm>> -> memref<8x2048xf32, #tpu.memory_space<hbm>>
      %dma_wait3A_396 = arith.constant 0 : i32
      %dma_wait3A_397 = tpu.memref_slice %arg3[%add3A_393, %dma_wait3A_396] : memref<8192x2048xf32, #tpu.memory_space<hbm>> -> memref<8x2048xf32, #tpu.memory_space<hbm>>
      tpu.wait_dma2 semaphore(%arg18 : memref<!tpu.dma_semaphore, #tpu.memory_space<semaphore_mem>>) src(%dma_wait3A_397 : memref<8x2048xf32, #tpu.memory_space<hbm>>) dst(%arg12 : memref<8x2048xf32, #tpu.memory_space<vmem>>)
      %add3A_398 = arith.constant 120 : i32
      %add3A_399 = arith.addi %mul3A_2, %add3A_398 : i32
      %dma_start3A_400 = arith.constant 0 : i32
      %dma_start3A_401 = tpu.memref_slice %arg7[%add3A_399, %dma_start3A_400] : memref<8192x2048xf32, #tpu.memory_space<hbm>> -> memref<8x2048xf32, #tpu.memory_space<hbm>>
      %dma_start3A_402 = arith.constant 0 : i32
      %dma_start3A_403 = tpu.memref_slice %arg7[%add3A_399, %dma_start3A_402] : memref<8192x2048xf32, #tpu.memory_space<hbm>> -> memref<8x2048xf32, #tpu.memory_space<hbm>>
      tpu.enqueue_dma source(%arg12 : memref<8x2048xf32, #tpu.memory_space<vmem>>) target(%dma_start3A_403 : memref<8x2048xf32, #tpu.memory_space<hbm>>) target_semaphore(%arg24 : memref<!tpu.dma_semaphore, #tpu.memory_space<semaphore_mem>>)
      %add3A_404 = arith.constant 104 : i32
      %add3A_405 = arith.addi %mul3A_2, %add3A_404 : i32
      %dma_wait3A_406 = arith.constant 0 : i32
      %dma_wait3A_407 = tpu.memref_slice %arg7[%add3A_405, %dma_wait3A_406] : memref<8192x2048xf32, #tpu.memory_space<hbm>> -> memref<8x2048xf32, #tpu.memory_space<hbm>>
      %dma_wait3A_408 = arith.constant 0 : i32
      %dma_wait3A_409 = tpu.memref_slice %arg7[%add3A_405, %dma_wait3A_408] : memref<8192x2048xf32, #tpu.memory_space<hbm>> -> memref<8x2048xf32, #tpu.memory_space<hbm>>
      tpu.wait_dma2 semaphore(%arg22 : memref<!tpu.dma_semaphore, #tpu.memory_space<semaphore_mem>>) src(%arg10 : memref<8x2048xf32, #tpu.memory_space<vmem>>) dst(%dma_wait3A_409 : memref<8x2048xf32, #tpu.memory_space<hbm>>)
      %add3A_410 = arith.constant 152 : i32
      %add3A_411 = arith.addi %mul3A_2, %add3A_410 : i32
      %dma_start3A_412 = arith.constant 0 : i32
      %dma_start3A_413 = tpu.memref_slice %arg3[%add3A_411, %dma_start3A_412] : memref<8192x2048xf32, #tpu.memory_space<hbm>> -> memref<8x2048xf32, #tpu.memory_space<hbm>>
      %dma_start3A_414 = arith.constant 0 : i32
      %dma_start3A_415 = tpu.memref_slice %arg3[%add3A_411, %dma_start3A_414] : memref<8192x2048xf32, #tpu.memory_space<hbm>> -> memref<8x2048xf32, #tpu.memory_space<hbm>>
      tpu.enqueue_dma source(%dma_start3A_415 : memref<8x2048xf32, #tpu.memory_space<hbm>>) target(%arg10 : memref<8x2048xf32, #tpu.memory_space<vmem>>) target_semaphore(%arg16 : memref<!tpu.dma_semaphore, #tpu.memory_space<semaphore_mem>>)
      %add3A_416 = arith.constant 128 : i32
      %add3A_417 = arith.addi %mul3A_2, %add3A_416 : i32
      %dma_wait3A_418 = arith.constant 0 : i32
      %dma_wait3A_419 = tpu.memref_slice %arg3[%add3A_417, %dma_wait3A_418] : memref<8192x2048xf32, #tpu.memory_space<hbm>> -> memref<8x2048xf32, #tpu.memory_space<hbm>>
      %dma_wait3A_420 = arith.constant 0 : i32
      %dma_wait3A_421 = tpu.memref_slice %arg3[%add3A_417, %dma_wait3A_420] : memref<8192x2048xf32, #tpu.memory_space<hbm>> -> memref<8x2048xf32, #tpu.memory_space<hbm>>
      tpu.wait_dma2 semaphore(%arg19 : memref<!tpu.dma_semaphore, #tpu.memory_space<semaphore_mem>>) src(%dma_wait3A_421 : memref<8x2048xf32, #tpu.memory_space<hbm>>) dst(%arg13 : memref<8x2048xf32, #tpu.memory_space<vmem>>)
      %add3A_422 = arith.constant 128 : i32
      %add3A_423 = arith.addi %mul3A_2, %add3A_422 : i32
      %dma_start3A_424 = arith.constant 0 : i32
      %dma_start3A_425 = tpu.memref_slice %arg7[%add3A_423, %dma_start3A_424] : memref<8192x2048xf32, #tpu.memory_space<hbm>> -> memref<8x2048xf32, #tpu.memory_space<hbm>>
      %dma_start3A_426 = arith.constant 0 : i32
      %dma_start3A_427 = tpu.memref_slice %arg7[%add3A_423, %dma_start3A_426] : memref<8192x2048xf32, #tpu.memory_space<hbm>> -> memref<8x2048xf32, #tpu.memory_space<hbm>>
      tpu.enqueue_dma source(%arg13 : memref<8x2048xf32, #tpu.memory_space<vmem>>) target(%dma_start3A_427 : memref<8x2048xf32, #tpu.memory_space<hbm>>) target_semaphore(%arg25 : memref<!tpu.dma_semaphore, #tpu.memory_space<semaphore_mem>>)
      %add3A_428 = arith.constant 112 : i32
      %add3A_429 = arith.addi %mul3A_2, %add3A_428 : i32
      %dma_wait3A_430 = arith.constant 0 : i32
      %dma_wait3A_431 = tpu.memref_slice %arg7[%add3A_429, %dma_wait3A_430] : memref<8192x2048xf32, #tpu.memory_space<hbm>> -> memref<8x2048xf32, #tpu.memory_space<hbm>>
      %dma_wait3A_432 = arith.constant 0 : i32
      %dma_wait3A_433 = tpu.memref_slice %arg7[%add3A_429, %dma_wait3A_432] : memref<8192x2048xf32, #tpu.memory_space<hbm>> -> memref<8x2048xf32, #tpu.memory_space<hbm>>
      tpu.wait_dma2 semaphore(%arg23 : memref<!tpu.dma_semaphore, #tpu.memory_space<semaphore_mem>>) src(%arg11 : memref<8x2048xf32, #tpu.memory_space<vmem>>) dst(%dma_wait3A_433 : memref<8x2048xf32, #tpu.memory_space<hbm>>)
      %add3A_434 = arith.constant 160 : i32
      %add3A_435 = arith.addi %mul3A_2, %add3A_434 : i32
      %dma_start3A_436 = arith.constant 0 : i32
      %dma_start3A_437 = tpu.memref_slice %arg3[%add3A_435, %dma_start3A_436] : memref<8192x2048xf32, #tpu.memory_space<hbm>> -> memref<8x2048xf32, #tpu.memory_space<hbm>>
      %dma_start3A_438 = arith.constant 0 : i32
      %dma_start3A_439 = tpu.memref_slice %arg3[%add3A_435, %dma_start3A_438] : memref<8192x2048xf32, #tpu.memory_space<hbm>> -> memref<8x2048xf32, #tpu.memory_space<hbm>>
      tpu.enqueue_dma source(%dma_start3A_439 : memref<8x2048xf32, #tpu.memory_space<hbm>>) target(%arg11 : memref<8x2048xf32, #tpu.memory_space<vmem>>) target_semaphore(%arg17 : memref<!tpu.dma_semaphore, #tpu.memory_space<semaphore_mem>>)
      %add3A_440 = arith.constant 136 : i32
      %add3A_441 = arith.addi %mul3A_2, %add3A_440 : i32
      %dma_wait3A_442 = arith.constant 0 : i32
      %dma_wait3A_443 = tpu.memref_slice %arg3[%add3A_441, %dma_wait3A_442] : memref<8192x2048xf32, #tpu.memory_space<hbm>> -> memref<8x2048xf32, #tpu.memory_space<hbm>>
      %dma_wait3A_444 = arith.constant 0 : i32
      %dma_wait3A_445 = tpu.memref_slice %arg3[%add3A_441, %dma_wait3A_444] : memref<8192x2048xf32, #tpu.memory_space<hbm>> -> memref<8x2048xf32, #tpu.memory_space<hbm>>
      tpu.wait_dma2 semaphore(%arg20 : memref<!tpu.dma_semaphore, #tpu.memory_space<semaphore_mem>>) src(%dma_wait3A_445 : memref<8x2048xf32, #tpu.memory_space<hbm>>) dst(%arg14 : memref<8x2048xf32, #tpu.memory_space<vmem>>)
      %add3A_446 = arith.constant 136 : i32
      %add3A_447 = arith.addi %mul3A_2, %add3A_446 : i32
      %dma_start3A_448 = arith.constant 0 : i32
      %dma_start3A_449 = tpu.memref_slice %arg7[%add3A_447, %dma_start3A_448] : memref<8192x2048xf32, #tpu.memory_space<hbm>> -> memref<8x2048xf32, #tpu.memory_space<hbm>>
      %dma_start3A_450 = arith.constant 0 : i32
      %dma_start3A_451 = tpu.memref_slice %arg7[%add3A_447, %dma_start3A_450] : memref<8192x2048xf32, #tpu.memory_space<hbm>> -> memref<8x2048xf32, #tpu.memory_space<hbm>>
      tpu.enqueue_dma source(%arg14 : memref<8x2048xf32, #tpu.memory_space<vmem>>) target(%dma_start3A_451 : memref<8x2048xf32, #tpu.memory_space<hbm>>) target_semaphore(%arg26 : memref<!tpu.dma_semaphore, #tpu.memory_space<semaphore_mem>>)
      %add3A_452 = arith.constant 120 : i32
      %add3A_453 = arith.addi %mul3A_2, %add3A_452 : i32
      %dma_wait3A_454 = arith.constant 0 : i32
      %dma_wait3A_455 = tpu.memref_slice %arg7[%add3A_453, %dma_wait3A_454] : memref<8192x2048xf32, #tpu.memory_space<hbm>> -> memref<8x2048xf32, #tpu.memory_space<hbm>>
      %dma_wait3A_456 = arith.constant 0 : i32
      %dma_wait3A_457 = tpu.memref_slice %arg7[%add3A_453, %dma_wait3A_456] : memref<8192x2048xf32, #tpu.memory_space<hbm>> -> memref<8x2048xf32, #tpu.memory_space<hbm>>
      tpu.wait_dma2 semaphore(%arg24 : memref<!tpu.dma_semaphore, #tpu.memory_space<semaphore_mem>>) src(%arg12 : memref<8x2048xf32, #tpu.memory_space<vmem>>) dst(%dma_wait3A_457 : memref<8x2048xf32, #tpu.memory_space<hbm>>)
      %add3A_458 = arith.constant 168 : i32
      %add3A_459 = arith.addi %mul3A_2, %add3A_458 : i32
      %dma_start3A_460 = arith.constant 0 : i32
      %dma_start3A_461 = tpu.memref_slice %arg3[%add3A_459, %dma_start3A_460] : memref<8192x2048xf32, #tpu.memory_space<hbm>> -> memref<8x2048xf32, #tpu.memory_space<hbm>>
      %dma_start3A_462 = arith.constant 0 : i32
      %dma_start3A_463 = tpu.memref_slice %arg3[%add3A_459, %dma_start3A_462] : memref<8192x2048xf32, #tpu.memory_space<hbm>> -> memref<8x2048xf32, #tpu.memory_space<hbm>>
      tpu.enqueue_dma source(%dma_start3A_463 : memref<8x2048xf32, #tpu.memory_space<hbm>>) target(%arg12 : memref<8x2048xf32, #tpu.memory_space<vmem>>) target_semaphore(%arg18 : memref<!tpu.dma_semaphore, #tpu.memory_space<semaphore_mem>>)
      %add3A_464 = arith.constant 144 : i32
      %add3A_465 = arith.addi %mul3A_2, %add3A_464 : i32
      %dma_wait3A_466 = arith.constant 0 : i32
      %dma_wait3A_467 = tpu.memref_slice %arg3[%add3A_465, %dma_wait3A_466] : memref<8192x2048xf32, #tpu.memory_space<hbm>> -> memref<8x2048xf32, #tpu.memory_space<hbm>>
      %dma_wait3A_468 = arith.constant 0 : i32
      %dma_wait3A_469 = tpu.memref_slice %arg3[%add3A_465, %dma_wait3A_468] : memref<8192x2048xf32, #tpu.memory_space<hbm>> -> memref<8x2048xf32, #tpu.memory_space<hbm>>
      tpu.wait_dma2 semaphore(%arg15 : memref<!tpu.dma_semaphore, #tpu.memory_space<semaphore_mem>>) src(%dma_wait3A_469 : memref<8x2048xf32, #tpu.memory_space<hbm>>) dst(%arg9 : memref<8x2048xf32, #tpu.memory_space<vmem>>)
      %add3A_470 = arith.constant 144 : i32
      %add3A_471 = arith.addi %mul3A_2, %add3A_470 : i32
      %dma_start3A_472 = arith.constant 0 : i32
      %dma_start3A_473 = tpu.memref_slice %arg7[%add3A_471, %dma_start3A_472] : memref<8192x2048xf32, #tpu.memory_space<hbm>> -> memref<8x2048xf32, #tpu.memory_space<hbm>>
      %dma_start3A_474 = arith.constant 0 : i32
      %dma_start3A_475 = tpu.memref_slice %arg7[%add3A_471, %dma_start3A_474] : memref<8192x2048xf32, #tpu.memory_space<hbm>> -> memref<8x2048xf32, #tpu.memory_space<hbm>>
      tpu.enqueue_dma source(%arg9 : memref<8x2048xf32, #tpu.memory_space<vmem>>) target(%dma_start3A_475 : memref<8x2048xf32, #tpu.memory_space<hbm>>) target_semaphore(%arg21 : memref<!tpu.dma_semaphore, #tpu.memory_space<semaphore_mem>>)
      %add3A_476 = arith.constant 128 : i32
      %add3A_477 = arith.addi %mul3A_2, %add3A_476 : i32
      %dma_wait3A_478 = arith.constant 0 : i32
      %dma_wait3A_479 = tpu.memref_slice %arg7[%add3A_477, %dma_wait3A_478] : memref<8192x2048xf32, #tpu.memory_space<hbm>> -> memref<8x2048xf32, #tpu.memory_space<hbm>>
      %dma_wait3A_480 = arith.constant 0 : i32
      %dma_wait3A_481 = tpu.memref_slice %arg7[%add3A_477, %dma_wait3A_480] : memref<8192x2048xf32, #tpu.memory_space<hbm>> -> memref<8x2048xf32, #tpu.memory_space<hbm>>
      tpu.wait_dma2 semaphore(%arg25 : memref<!tpu.dma_semaphore, #tpu.memory_space<semaphore_mem>>) src(%arg13 : memref<8x2048xf32, #tpu.memory_space<vmem>>) dst(%dma_wait3A_481 : memref<8x2048xf32, #tpu.memory_space<hbm>>)
      %add3A_482 = arith.constant 176 : i32
      %add3A_483 = arith.addi %mul3A_2, %add3A_482 : i32
      %dma_start3A_484 = arith.constant 0 : i32
      %dma_start3A_485 = tpu.memref_slice %arg3[%add3A_483, %dma_start3A_484] : memref<8192x2048xf32, #tpu.memory_space<hbm>> -> memref<8x2048xf32, #tpu.memory_space<hbm>>
      %dma_start3A_486 = arith.constant 0 : i32
      %dma_start3A_487 = tpu.memref_slice %arg3[%add3A_483, %dma_start3A_486] : memref<8192x2048xf32, #tpu.memory_space<hbm>> -> memref<8x2048xf32, #tpu.memory_space<hbm>>
      tpu.enqueue_dma source(%dma_start3A_487 : memref<8x2048xf32, #tpu.memory_space<hbm>>) target(%arg13 : memref<8x2048xf32, #tpu.memory_space<vmem>>) target_semaphore(%arg19 : memref<!tpu.dma_semaphore, #tpu.memory_space<semaphore_mem>>)
      %add3A_488 = arith.constant 152 : i32
      %add3A_489 = arith.addi %mul3A_2, %add3A_488 : i32
      %dma_wait3A_490 = arith.constant 0 : i32
      %dma_wait3A_491 = tpu.memref_slice %arg3[%add3A_489, %dma_wait3A_490] : memref<8192x2048xf32, #tpu.memory_space<hbm>> -> memref<8x2048xf32, #tpu.memory_space<hbm>>
      %dma_wait3A_492 = arith.constant 0 : i32
      %dma_wait3A_493 = tpu.memref_slice %arg3[%add3A_489, %dma_wait3A_492] : memref<8192x2048xf32, #tpu.memory_space<hbm>> -> memref<8x2048xf32, #tpu.memory_space<hbm>>
      tpu.wait_dma2 semaphore(%arg16 : memref<!tpu.dma_semaphore, #tpu.memory_space<semaphore_mem>>) src(%dma_wait3A_493 : memref<8x2048xf32, #tpu.memory_space<hbm>>) dst(%arg10 : memref<8x2048xf32, #tpu.memory_space<vmem>>)
      %add3A_494 = arith.constant 152 : i32
      %add3A_495 = arith.addi %mul3A_2, %add3A_494 : i32
      %dma_start3A_496 = arith.constant 0 : i32
      %dma_start3A_497 = tpu.memref_slice %arg7[%add3A_495, %dma_start3A_496] : memref<8192x2048xf32, #tpu.memory_space<hbm>> -> memref<8x2048xf32, #tpu.memory_space<hbm>>
      %dma_start3A_498 = arith.constant 0 : i32
      %dma_start3A_499 = tpu.memref_slice %arg7[%add3A_495, %dma_start3A_498] : memref<8192x2048xf32, #tpu.memory_space<hbm>> -> memref<8x2048xf32, #tpu.memory_space<hbm>>
      tpu.enqueue_dma source(%arg10 : memref<8x2048xf32, #tpu.memory_space<vmem>>) target(%dma_start3A_499 : memref<8x2048xf32, #tpu.memory_space<hbm>>) target_semaphore(%arg22 : memref<!tpu.dma_semaphore, #tpu.memory_space<semaphore_mem>>)
      %add3A_500 = arith.constant 136 : i32
      %add3A_501 = arith.addi %mul3A_2, %add3A_500 : i32
      %dma_wait3A_502 = arith.constant 0 : i32
      %dma_wait3A_503 = tpu.memref_slice %arg7[%add3A_501, %dma_wait3A_502] : memref<8192x2048xf32, #tpu.memory_space<hbm>> -> memref<8x2048xf32, #tpu.memory_space<hbm>>
      %dma_wait3A_504 = arith.constant 0 : i32
      %dma_wait3A_505 = tpu.memref_slice %arg7[%add3A_501, %dma_wait3A_504] : memref<8192x2048xf32, #tpu.memory_space<hbm>> -> memref<8x2048xf32, #tpu.memory_space<hbm>>
      tpu.wait_dma2 semaphore(%arg26 : memref<!tpu.dma_semaphore, #tpu.memory_space<semaphore_mem>>) src(%arg14 : memref<8x2048xf32, #tpu.memory_space<vmem>>) dst(%dma_wait3A_505 : memref<8x2048xf32, #tpu.memory_space<hbm>>)
      %add3A_506 = arith.constant 184 : i32
      %add3A_507 = arith.addi %mul3A_2, %add3A_506 : i32
      %dma_start3A_508 = arith.constant 0 : i32
      %dma_start3A_509 = tpu.memref_slice %arg3[%add3A_507, %dma_start3A_508] : memref<8192x2048xf32, #tpu.memory_space<hbm>> -> memref<8x2048xf32, #tpu.memory_space<hbm>>
      %dma_start3A_510 = arith.constant 0 : i32
      %dma_start3A_511 = tpu.memref_slice %arg3[%add3A_507, %dma_start3A_510] : memref<8192x2048xf32, #tpu.memory_space<hbm>> -> memref<8x2048xf32, #tpu.memory_space<hbm>>
      tpu.enqueue_dma source(%dma_start3A_511 : memref<8x2048xf32, #tpu.memory_space<hbm>>) target(%arg14 : memref<8x2048xf32, #tpu.memory_space<vmem>>) target_semaphore(%arg20 : memref<!tpu.dma_semaphore, #tpu.memory_space<semaphore_mem>>)
      %add3A_512 = arith.constant 160 : i32
      %add3A_513 = arith.addi %mul3A_2, %add3A_512 : i32
      %dma_wait3A_514 = arith.constant 0 : i32
      %dma_wait3A_515 = tpu.memref_slice %arg3[%add3A_513, %dma_wait3A_514] : memref<8192x2048xf32, #tpu.memory_space<hbm>> -> memref<8x2048xf32, #tpu.memory_space<hbm>>
      %dma_wait3A_516 = arith.constant 0 : i32
      %dma_wait3A_517 = tpu.memref_slice %arg3[%add3A_513, %dma_wait3A_516] : memref<8192x2048xf32, #tpu.memory_space<hbm>> -> memref<8x2048xf32, #tpu.memory_space<hbm>>
      tpu.wait_dma2 semaphore(%arg17 : memref<!tpu.dma_semaphore, #tpu.memory_space<semaphore_mem>>) src(%dma_wait3A_517 : memref<8x2048xf32, #tpu.memory_space<hbm>>) dst(%arg11 : memref<8x2048xf32, #tpu.memory_space<vmem>>)
      %add3A_518 = arith.constant 160 : i32
      %add3A_519 = arith.addi %mul3A_2, %add3A_518 : i32
      %dma_start3A_520 = arith.constant 0 : i32
      %dma_start3A_521 = tpu.memref_slice %arg7[%add3A_519, %dma_start3A_520] : memref<8192x2048xf32, #tpu.memory_space<hbm>> -> memref<8x2048xf32, #tpu.memory_space<hbm>>
      %dma_start3A_522 = arith.constant 0 : i32
      %dma_start3A_523 = tpu.memref_slice %arg7[%add3A_519, %dma_start3A_522] : memref<8192x2048xf32, #tpu.memory_space<hbm>> -> memref<8x2048xf32, #tpu.memory_space<hbm>>
      tpu.enqueue_dma source(%arg11 : memref<8x2048xf32, #tpu.memory_space<vmem>>) target(%dma_start3A_523 : memref<8x2048xf32, #tpu.memory_space<hbm>>) target_semaphore(%arg23 : memref<!tpu.dma_semaphore, #tpu.memory_space<semaphore_mem>>)
      %add3A_524 = arith.constant 144 : i32
      %add3A_525 = arith.addi %mul3A_2, %add3A_524 : i32
      %dma_wait3A_526 = arith.constant 0 : i32
      %dma_wait3A_527 = tpu.memref_slice %arg7[%add3A_525, %dma_wait3A_526] : memref<8192x2048xf32, #tpu.memory_space<hbm>> -> memref<8x2048xf32, #tpu.memory_space<hbm>>
      %dma_wait3A_528 = arith.constant 0 : i32
      %dma_wait3A_529 = tpu.memref_slice %arg7[%add3A_525, %dma_wait3A_528] : memref<8192x2048xf32, #tpu.memory_space<hbm>> -> memref<8x2048xf32, #tpu.memory_space<hbm>>
      tpu.wait_dma2 semaphore(%arg21 : memref<!tpu.dma_semaphore, #tpu.memory_space<semaphore_mem>>) src(%arg9 : memref<8x2048xf32, #tpu.memory_space<vmem>>) dst(%dma_wait3A_529 : memref<8x2048xf32, #tpu.memory_space<hbm>>)
      %add3A_530 = arith.constant 192 : i32
      %add3A_531 = arith.addi %mul3A_2, %add3A_530 : i32
      %dma_start3A_532 = arith.constant 0 : i32
      %dma_start3A_533 = tpu.memref_slice %arg3[%add3A_531, %dma_start3A_532] : memref<8192x2048xf32, #tpu.memory_space<hbm>> -> memref<8x2048xf32, #tpu.memory_space<hbm>>
      %dma_start3A_534 = arith.constant 0 : i32
      %dma_start3A_535 = tpu.memref_slice %arg3[%add3A_531, %dma_start3A_534] : memref<8192x2048xf32, #tpu.memory_space<hbm>> -> memref<8x2048xf32, #tpu.memory_space<hbm>>
      tpu.enqueue_dma source(%dma_start3A_535 : memref<8x2048xf32, #tpu.memory_space<hbm>>) target(%arg9 : memref<8x2048xf32, #tpu.memory_space<vmem>>) target_semaphore(%arg15 : memref<!tpu.dma_semaphore, #tpu.memory_space<semaphore_mem>>)
      %add3A_536 = arith.constant 168 : i32
      %add3A_537 = arith.addi %mul3A_2, %add3A_536 : i32
      %dma_wait3A_538 = arith.constant 0 : i32
      %dma_wait3A_539 = tpu.memref_slice %arg3[%add3A_537, %dma_wait3A_538] : memref<8192x2048xf32, #tpu.memory_space<hbm>> -> memref<8x2048xf32, #tpu.memory_space<hbm>>
      %dma_wait3A_540 = arith.constant 0 : i32
      %dma_wait3A_541 = tpu.memref_slice %arg3[%add3A_537, %dma_wait3A_540] : memref<8192x2048xf32, #tpu.memory_space<hbm>> -> memref<8x2048xf32, #tpu.memory_space<hbm>>
      tpu.wait_dma2 semaphore(%arg18 : memref<!tpu.dma_semaphore, #tpu.memory_space<semaphore_mem>>) src(%dma_wait3A_541 : memref<8x2048xf32, #tpu.memory_space<hbm>>) dst(%arg12 : memref<8x2048xf32, #tpu.memory_space<vmem>>)
      %add3A_542 = arith.constant 168 : i32
      %add3A_543 = arith.addi %mul3A_2, %add3A_542 : i32
      %dma_start3A_544 = arith.constant 0 : i32
      %dma_start3A_545 = tpu.memref_slice %arg7[%add3A_543, %dma_start3A_544] : memref<8192x2048xf32, #tpu.memory_space<hbm>> -> memref<8x2048xf32, #tpu.memory_space<hbm>>
      %dma_start3A_546 = arith.constant 0 : i32
      %dma_start3A_547 = tpu.memref_slice %arg7[%add3A_543, %dma_start3A_546] : memref<8192x2048xf32, #tpu.memory_space<hbm>> -> memref<8x2048xf32, #tpu.memory_space<hbm>>
      tpu.enqueue_dma source(%arg12 : memref<8x2048xf32, #tpu.memory_space<vmem>>) target(%dma_start3A_547 : memref<8x2048xf32, #tpu.memory_space<hbm>>) target_semaphore(%arg24 : memref<!tpu.dma_semaphore, #tpu.memory_space<semaphore_mem>>)
      %add3A_548 = arith.constant 152 : i32
      %add3A_549 = arith.addi %mul3A_2, %add3A_548 : i32
      %dma_wait3A_550 = arith.constant 0 : i32
      %dma_wait3A_551 = tpu.memref_slice %arg7[%add3A_549, %dma_wait3A_550] : memref<8192x2048xf32, #tpu.memory_space<hbm>> -> memref<8x2048xf32, #tpu.memory_space<hbm>>
      %dma_wait3A_552 = arith.constant 0 : i32
      %dma_wait3A_553 = tpu.memref_slice %arg7[%add3A_549, %dma_wait3A_552] : memref<8192x2048xf32, #tpu.memory_space<hbm>> -> memref<8x2048xf32, #tpu.memory_space<hbm>>
      tpu.wait_dma2 semaphore(%arg22 : memref<!tpu.dma_semaphore, #tpu.memory_space<semaphore_mem>>) src(%arg10 : memref<8x2048xf32, #tpu.memory_space<vmem>>) dst(%dma_wait3A_553 : memref<8x2048xf32, #tpu.memory_space<hbm>>)
      %add3A_554 = arith.constant 200 : i32
      %add3A_555 = arith.addi %mul3A_2, %add3A_554 : i32
      %dma_start3A_556 = arith.constant 0 : i32
      %dma_start3A_557 = tpu.memref_slice %arg3[%add3A_555, %dma_start3A_556] : memref<8192x2048xf32, #tpu.memory_space<hbm>> -> memref<8x2048xf32, #tpu.memory_space<hbm>>
      %dma_start3A_558 = arith.constant 0 : i32
      %dma_start3A_559 = tpu.memref_slice %arg3[%add3A_555, %dma_start3A_558] : memref<8192x2048xf32, #tpu.memory_space<hbm>> -> memref<8x2048xf32, #tpu.memory_space<hbm>>
      tpu.enqueue_dma source(%dma_start3A_559 : memref<8x2048xf32, #tpu.memory_space<hbm>>) target(%arg10 : memref<8x2048xf32, #tpu.memory_space<vmem>>) target_semaphore(%arg16 : memref<!tpu.dma_semaphore, #tpu.memory_space<semaphore_mem>>)
      %add3A_560 = arith.constant 176 : i32
      %add3A_561 = arith.addi %mul3A_2, %add3A_560 : i32
      %dma_wait3A_562 = arith.constant 0 : i32
      %dma_wait3A_563 = tpu.memref_slice %arg3[%add3A_561, %dma_wait3A_562] : memref<8192x2048xf32, #tpu.memory_space<hbm>> -> memref<8x2048xf32, #tpu.memory_space<hbm>>
      %dma_wait3A_564 = arith.constant 0 : i32
      %dma_wait3A_565 = tpu.memref_slice %arg3[%add3A_561, %dma_wait3A_564] : memref<8192x2048xf32, #tpu.memory_space<hbm>> -> memref<8x2048xf32, #tpu.memory_space<hbm>>
      tpu.wait_dma2 semaphore(%arg19 : memref<!tpu.dma_semaphore, #tpu.memory_space<semaphore_mem>>) src(%dma_wait3A_565 : memref<8x2048xf32, #tpu.memory_space<hbm>>) dst(%arg13 : memref<8x2048xf32, #tpu.memory_space<vmem>>)
      %add3A_566 = arith.constant 176 : i32
      %add3A_567 = arith.addi %mul3A_2, %add3A_566 : i32
      %dma_start3A_568 = arith.constant 0 : i32
      %dma_start3A_569 = tpu.memref_slice %arg7[%add3A_567, %dma_start3A_568] : memref<8192x2048xf32, #tpu.memory_space<hbm>> -> memref<8x2048xf32, #tpu.memory_space<hbm>>
      %dma_start3A_570 = arith.constant 0 : i32
      %dma_start3A_571 = tpu.memref_slice %arg7[%add3A_567, %dma_start3A_570] : memref<8192x2048xf32, #tpu.memory_space<hbm>> -> memref<8x2048xf32, #tpu.memory_space<hbm>>
      tpu.enqueue_dma source(%arg13 : memref<8x2048xf32, #tpu.memory_space<vmem>>) target(%dma_start3A_571 : memref<8x2048xf32, #tpu.memory_space<hbm>>) target_semaphore(%arg25 : memref<!tpu.dma_semaphore, #tpu.memory_space<semaphore_mem>>)
      %add3A_572 = arith.constant 160 : i32
      %add3A_573 = arith.addi %mul3A_2, %add3A_572 : i32
      %dma_wait3A_574 = arith.constant 0 : i32
      %dma_wait3A_575 = tpu.memref_slice %arg7[%add3A_573, %dma_wait3A_574] : memref<8192x2048xf32, #tpu.memory_space<hbm>> -> memref<8x2048xf32, #tpu.memory_space<hbm>>
      %dma_wait3A_576 = arith.constant 0 : i32
      %dma_wait3A_577 = tpu.memref_slice %arg7[%add3A_573, %dma_wait3A_576] : memref<8192x2048xf32, #tpu.memory_space<hbm>> -> memref<8x2048xf32, #tpu.memory_space<hbm>>
      tpu.wait_dma2 semaphore(%arg23 : memref<!tpu.dma_semaphore, #tpu.memory_space<semaphore_mem>>) src(%arg11 : memref<8x2048xf32, #tpu.memory_space<vmem>>) dst(%dma_wait3A_577 : memref<8x2048xf32, #tpu.memory_space<hbm>>)
      %add3A_578 = arith.constant 208 : i32
      %add3A_579 = arith.addi %mul3A_2, %add3A_578 : i32
      %dma_start3A_580 = arith.constant 0 : i32
      %dma_start3A_581 = tpu.memref_slice %arg3[%add3A_579, %dma_start3A_580] : memref<8192x2048xf32, #tpu.memory_space<hbm>> -> memref<8x2048xf32, #tpu.memory_space<hbm>>
      %dma_start3A_582 = arith.constant 0 : i32
      %dma_start3A_583 = tpu.memref_slice %arg3[%add3A_579, %dma_start3A_582] : memref<8192x2048xf32, #tpu.memory_space<hbm>> -> memref<8x2048xf32, #tpu.memory_space<hbm>>
      tpu.enqueue_dma source(%dma_start3A_583 : memref<8x2048xf32, #tpu.memory_space<hbm>>) target(%arg11 : memref<8x2048xf32, #tpu.memory_space<vmem>>) target_semaphore(%arg17 : memref<!tpu.dma_semaphore, #tpu.memory_space<semaphore_mem>>)
      %add3A_584 = arith.constant 184 : i32
      %add3A_585 = arith.addi %mul3A_2, %add3A_584 : i32
      %dma_wait3A_586 = arith.constant 0 : i32
      %dma_wait3A_587 = tpu.memref_slice %arg3[%add3A_585, %dma_wait3A_586] : memref<8192x2048xf32, #tpu.memory_space<hbm>> -> memref<8x2048xf32, #tpu.memory_space<hbm>>
      %dma_wait3A_588 = arith.constant 0 : i32
      %dma_wait3A_589 = tpu.memref_slice %arg3[%add3A_585, %dma_wait3A_588] : memref<8192x2048xf32, #tpu.memory_space<hbm>> -> memref<8x2048xf32, #tpu.memory_space<hbm>>
      tpu.wait_dma2 semaphore(%arg20 : memref<!tpu.dma_semaphore, #tpu.memory_space<semaphore_mem>>) src(%dma_wait3A_589 : memref<8x2048xf32, #tpu.memory_space<hbm>>) dst(%arg14 : memref<8x2048xf32, #tpu.memory_space<vmem>>)
      %add3A_590 = arith.constant 184 : i32
      %add3A_591 = arith.addi %mul3A_2, %add3A_590 : i32
      %dma_start3A_592 = arith.constant 0 : i32
      %dma_start3A_593 = tpu.memref_slice %arg7[%add3A_591, %dma_start3A_592] : memref<8192x2048xf32, #tpu.memory_space<hbm>> -> memref<8x2048xf32, #tpu.memory_space<hbm>>
      %dma_start3A_594 = arith.constant 0 : i32
      %dma_start3A_595 = tpu.memref_slice %arg7[%add3A_591, %dma_start3A_594] : memref<8192x2048xf32, #tpu.memory_space<hbm>> -> memref<8x2048xf32, #tpu.memory_space<hbm>>
      tpu.enqueue_dma source(%arg14 : memref<8x2048xf32, #tpu.memory_space<vmem>>) target(%dma_start3A_595 : memref<8x2048xf32, #tpu.memory_space<hbm>>) target_semaphore(%arg26 : memref<!tpu.dma_semaphore, #tpu.memory_space<semaphore_mem>>)
      %add3A_596 = arith.constant 168 : i32
      %add3A_597 = arith.addi %mul3A_2, %add3A_596 : i32
      %dma_wait3A_598 = arith.constant 0 : i32
      %dma_wait3A_599 = tpu.memref_slice %arg7[%add3A_597, %dma_wait3A_598] : memref<8192x2048xf32, #tpu.memory_space<hbm>> -> memref<8x2048xf32, #tpu.memory_space<hbm>>
      %dma_wait3A_600 = arith.constant 0 : i32
      %dma_wait3A_601 = tpu.memref_slice %arg7[%add3A_597, %dma_wait3A_600] : memref<8192x2048xf32, #tpu.memory_space<hbm>> -> memref<8x2048xf32, #tpu.memory_space<hbm>>
      tpu.wait_dma2 semaphore(%arg24 : memref<!tpu.dma_semaphore, #tpu.memory_space<semaphore_mem>>) src(%arg12 : memref<8x2048xf32, #tpu.memory_space<vmem>>) dst(%dma_wait3A_601 : memref<8x2048xf32, #tpu.memory_space<hbm>>)
      %add3A_602 = arith.constant 216 : i32
      %add3A_603 = arith.addi %mul3A_2, %add3A_602 : i32
      %dma_start3A_604 = arith.constant 0 : i32
      %dma_start3A_605 = tpu.memref_slice %arg3[%add3A_603, %dma_start3A_604] : memref<8192x2048xf32, #tpu.memory_space<hbm>> -> memref<8x2048xf32, #tpu.memory_space<hbm>>
      %dma_start3A_606 = arith.constant 0 : i32
      %dma_start3A_607 = tpu.memref_slice %arg3[%add3A_603, %dma_start3A_606] : memref<8192x2048xf32, #tpu.memory_space<hbm>> -> memref<8x2048xf32, #tpu.memory_space<hbm>>
      tpu.enqueue_dma source(%dma_start3A_607 : memref<8x2048xf32, #tpu.memory_space<hbm>>) target(%arg12 : memref<8x2048xf32, #tpu.memory_space<vmem>>) target_semaphore(%arg18 : memref<!tpu.dma_semaphore, #tpu.memory_space<semaphore_mem>>)
      %add3A_608 = arith.constant 192 : i32
      %add3A_609 = arith.addi %mul3A_2, %add3A_608 : i32
      %dma_wait3A_610 = arith.constant 0 : i32
      %dma_wait3A_611 = tpu.memref_slice %arg3[%add3A_609, %dma_wait3A_610] : memref<8192x2048xf32, #tpu.memory_space<hbm>> -> memref<8x2048xf32, #tpu.memory_space<hbm>>
      %dma_wait3A_612 = arith.constant 0 : i32
      %dma_wait3A_613 = tpu.memref_slice %arg3[%add3A_609, %dma_wait3A_612] : memref<8192x2048xf32, #tpu.memory_space<hbm>> -> memref<8x2048xf32, #tpu.memory_space<hbm>>
      tpu.wait_dma2 semaphore(%arg15 : memref<!tpu.dma_semaphore, #tpu.memory_space<semaphore_mem>>) src(%dma_wait3A_613 : memref<8x2048xf32, #tpu.memory_space<hbm>>) dst(%arg9 : memref<8x2048xf32, #tpu.memory_space<vmem>>)
      %add3A_614 = arith.constant 192 : i32
      %add3A_615 = arith.addi %mul3A_2, %add3A_614 : i32
      %dma_start3A_616 = arith.constant 0 : i32
      %dma_start3A_617 = tpu.memref_slice %arg7[%add3A_615, %dma_start3A_616] : memref<8192x2048xf32, #tpu.memory_space<hbm>> -> memref<8x2048xf32, #tpu.memory_space<hbm>>
      %dma_start3A_618 = arith.constant 0 : i32
      %dma_start3A_619 = tpu.memref_slice %arg7[%add3A_615, %dma_start3A_618] : memref<8192x2048xf32, #tpu.memory_space<hbm>> -> memref<8x2048xf32, #tpu.memory_space<hbm>>
      tpu.enqueue_dma source(%arg9 : memref<8x2048xf32, #tpu.memory_space<vmem>>) target(%dma_start3A_619 : memref<8x2048xf32, #tpu.memory_space<hbm>>) target_semaphore(%arg21 : memref<!tpu.dma_semaphore, #tpu.memory_space<semaphore_mem>>)
      %add3A_620 = arith.constant 176 : i32
      %add3A_621 = arith.addi %mul3A_2, %add3A_620 : i32
      %dma_wait3A_622 = arith.constant 0 : i32
      %dma_wait3A_623 = tpu.memref_slice %arg7[%add3A_621, %dma_wait3A_622] : memref<8192x2048xf32, #tpu.memory_space<hbm>> -> memref<8x2048xf32, #tpu.memory_space<hbm>>
      %dma_wait3A_624 = arith.constant 0 : i32
      %dma_wait3A_625 = tpu.memref_slice %arg7[%add3A_621, %dma_wait3A_624] : memref<8192x2048xf32, #tpu.memory_space<hbm>> -> memref<8x2048xf32, #tpu.memory_space<hbm>>
      tpu.wait_dma2 semaphore(%arg25 : memref<!tpu.dma_semaphore, #tpu.memory_space<semaphore_mem>>) src(%arg13 : memref<8x2048xf32, #tpu.memory_space<vmem>>) dst(%dma_wait3A_625 : memref<8x2048xf32, #tpu.memory_space<hbm>>)
      %add3A_626 = arith.constant 224 : i32
      %add3A_627 = arith.addi %mul3A_2, %add3A_626 : i32
      %dma_start3A_628 = arith.constant 0 : i32
      %dma_start3A_629 = tpu.memref_slice %arg3[%add3A_627, %dma_start3A_628] : memref<8192x2048xf32, #tpu.memory_space<hbm>> -> memref<8x2048xf32, #tpu.memory_space<hbm>>
      %dma_start3A_630 = arith.constant 0 : i32
      %dma_start3A_631 = tpu.memref_slice %arg3[%add3A_627, %dma_start3A_630] : memref<8192x2048xf32, #tpu.memory_space<hbm>> -> memref<8x2048xf32, #tpu.memory_space<hbm>>
      tpu.enqueue_dma source(%dma_start3A_631 : memref<8x2048xf32, #tpu.memory_space<hbm>>) target(%arg13 : memref<8x2048xf32, #tpu.memory_space<vmem>>) target_semaphore(%arg19 : memref<!tpu.dma_semaphore, #tpu.memory_space<semaphore_mem>>)
      %add3A_632 = arith.constant 200 : i32
      %add3A_633 = arith.addi %mul3A_2, %add3A_632 : i32
      %dma_wait3A_634 = arith.constant 0 : i32
      %dma_wait3A_635 = tpu.memref_slice %arg3[%add3A_633, %dma_wait3A_634] : memref<8192x2048xf32, #tpu.memory_space<hbm>> -> memref<8x2048xf32, #tpu.memory_space<hbm>>
      %dma_wait3A_636 = arith.constant 0 : i32
      %dma_wait3A_637 = tpu.memref_slice %arg3[%add3A_633, %dma_wait3A_636] : memref<8192x2048xf32, #tpu.memory_space<hbm>> -> memref<8x2048xf32, #tpu.memory_space<hbm>>
      tpu.wait_dma2 semaphore(%arg16 : memref<!tpu.dma_semaphore, #tpu.memory_space<semaphore_mem>>) src(%dma_wait3A_637 : memref<8x2048xf32, #tpu.memory_space<hbm>>) dst(%arg10 : memref<8x2048xf32, #tpu.memory_space<vmem>>)
      %add3A_638 = arith.constant 200 : i32
      %add3A_639 = arith.addi %mul3A_2, %add3A_638 : i32
      %dma_start3A_640 = arith.constant 0 : i32
      %dma_start3A_641 = tpu.memref_slice %arg7[%add3A_639, %dma_start3A_640] : memref<8192x2048xf32, #tpu.memory_space<hbm>> -> memref<8x2048xf32, #tpu.memory_space<hbm>>
      %dma_start3A_642 = arith.constant 0 : i32
      %dma_start3A_643 = tpu.memref_slice %arg7[%add3A_639, %dma_start3A_642] : memref<8192x2048xf32, #tpu.memory_space<hbm>> -> memref<8x2048xf32, #tpu.memory_space<hbm>>
      tpu.enqueue_dma source(%arg10 : memref<8x2048xf32, #tpu.memory_space<vmem>>) target(%dma_start3A_643 : memref<8x2048xf32, #tpu.memory_space<hbm>>) target_semaphore(%arg22 : memref<!tpu.dma_semaphore, #tpu.memory_space<semaphore_mem>>)
      %add3A_644 = arith.constant 184 : i32
      %add3A_645 = arith.addi %mul3A_2, %add3A_644 : i32
      %dma_wait3A_646 = arith.constant 0 : i32
      %dma_wait3A_647 = tpu.memref_slice %arg7[%add3A_645, %dma_wait3A_646] : memref<8192x2048xf32, #tpu.memory_space<hbm>> -> memref<8x2048xf32, #tpu.memory_space<hbm>>
      %dma_wait3A_648 = arith.constant 0 : i32
      %dma_wait3A_649 = tpu.memref_slice %arg7[%add3A_645, %dma_wait3A_648] : memref<8192x2048xf32, #tpu.memory_space<hbm>> -> memref<8x2048xf32, #tpu.memory_space<hbm>>
      tpu.wait_dma2 semaphore(%arg26 : memref<!tpu.dma_semaphore, #tpu.memory_space<semaphore_mem>>) src(%arg14 : memref<8x2048xf32, #tpu.memory_space<vmem>>) dst(%dma_wait3A_649 : memref<8x2048xf32, #tpu.memory_space<hbm>>)
      %add3A_650 = arith.constant 232 : i32
      %add3A_651 = arith.addi %mul3A_2, %add3A_650 : i32
      %dma_start3A_652 = arith.constant 0 : i32
      %dma_start3A_653 = tpu.memref_slice %arg3[%add3A_651, %dma_start3A_652] : memref<8192x2048xf32, #tpu.memory_space<hbm>> -> memref<8x2048xf32, #tpu.memory_space<hbm>>
      %dma_start3A_654 = arith.constant 0 : i32
      %dma_start3A_655 = tpu.memref_slice %arg3[%add3A_651, %dma_start3A_654] : memref<8192x2048xf32, #tpu.memory_space<hbm>> -> memref<8x2048xf32, #tpu.memory_space<hbm>>
      tpu.enqueue_dma source(%dma_start3A_655 : memref<8x2048xf32, #tpu.memory_space<hbm>>) target(%arg14 : memref<8x2048xf32, #tpu.memory_space<vmem>>) target_semaphore(%arg20 : memref<!tpu.dma_semaphore, #tpu.memory_space<semaphore_mem>>)
      %add3A_656 = arith.constant 208 : i32
      %add3A_657 = arith.addi %mul3A_2, %add3A_656 : i32
      %dma_wait3A_658 = arith.constant 0 : i32
      %dma_wait3A_659 = tpu.memref_slice %arg3[%add3A_657, %dma_wait3A_658] : memref<8192x2048xf32, #tpu.memory_space<hbm>> -> memref<8x2048xf32, #tpu.memory_space<hbm>>
      %dma_wait3A_660 = arith.constant 0 : i32
      %dma_wait3A_661 = tpu.memref_slice %arg3[%add3A_657, %dma_wait3A_660] : memref<8192x2048xf32, #tpu.memory_space<hbm>> -> memref<8x2048xf32, #tpu.memory_space<hbm>>
      tpu.wait_dma2 semaphore(%arg17 : memref<!tpu.dma_semaphore, #tpu.memory_space<semaphore_mem>>) src(%dma_wait3A_661 : memref<8x2048xf32, #tpu.memory_space<hbm>>) dst(%arg11 : memref<8x2048xf32, #tpu.memory_space<vmem>>)
      %add3A_662 = arith.constant 208 : i32
      %add3A_663 = arith.addi %mul3A_2, %add3A_662 : i32
      %dma_start3A_664 = arith.constant 0 : i32
      %dma_start3A_665 = tpu.memref_slice %arg7[%add3A_663, %dma_start3A_664] : memref<8192x2048xf32, #tpu.memory_space<hbm>> -> memref<8x2048xf32, #tpu.memory_space<hbm>>
      %dma_start3A_666 = arith.constant 0 : i32
      %dma_start3A_667 = tpu.memref_slice %arg7[%add3A_663, %dma_start3A_666] : memref<8192x2048xf32, #tpu.memory_space<hbm>> -> memref<8x2048xf32, #tpu.memory_space<hbm>>
      tpu.enqueue_dma source(%arg11 : memref<8x2048xf32, #tpu.memory_space<vmem>>) target(%dma_start3A_667 : memref<8x2048xf32, #tpu.memory_space<hbm>>) target_semaphore(%arg23 : memref<!tpu.dma_semaphore, #tpu.memory_space<semaphore_mem>>)
      %add3A_668 = arith.constant 192 : i32
      %add3A_669 = arith.addi %mul3A_2, %add3A_668 : i32
      %dma_wait3A_670 = arith.constant 0 : i32
      %dma_wait3A_671 = tpu.memref_slice %arg7[%add3A_669, %dma_wait3A_670] : memref<8192x2048xf32, #tpu.memory_space<hbm>> -> memref<8x2048xf32, #tpu.memory_space<hbm>>
      %dma_wait3A_672 = arith.constant 0 : i32
      %dma_wait3A_673 = tpu.memref_slice %arg7[%add3A_669, %dma_wait3A_672] : memref<8192x2048xf32, #tpu.memory_space<hbm>> -> memref<8x2048xf32, #tpu.memory_space<hbm>>
      tpu.wait_dma2 semaphore(%arg21 : memref<!tpu.dma_semaphore, #tpu.memory_space<semaphore_mem>>) src(%arg9 : memref<8x2048xf32, #tpu.memory_space<vmem>>) dst(%dma_wait3A_673 : memref<8x2048xf32, #tpu.memory_space<hbm>>)
      %add3A_674 = arith.constant 240 : i32
      %add3A_675 = arith.addi %mul3A_2, %add3A_674 : i32
      %dma_start3A_676 = arith.constant 0 : i32
      %dma_start3A_677 = tpu.memref_slice %arg3[%add3A_675, %dma_start3A_676] : memref<8192x2048xf32, #tpu.memory_space<hbm>> -> memref<8x2048xf32, #tpu.memory_space<hbm>>
      %dma_start3A_678 = arith.constant 0 : i32
      %dma_start3A_679 = tpu.memref_slice %arg3[%add3A_675, %dma_start3A_678] : memref<8192x2048xf32, #tpu.memory_space<hbm>> -> memref<8x2048xf32, #tpu.memory_space<hbm>>
      tpu.enqueue_dma source(%dma_start3A_679 : memref<8x2048xf32, #tpu.memory_space<hbm>>) target(%arg9 : memref<8x2048xf32, #tpu.memory_space<vmem>>) target_semaphore(%arg15 : memref<!tpu.dma_semaphore, #tpu.memory_space<semaphore_mem>>)
      %add3A_680 = arith.constant 216 : i32
      %add3A_681 = arith.addi %mul3A_2, %add3A_680 : i32
      %dma_wait3A_682 = arith.constant 0 : i32
      %dma_wait3A_683 = tpu.memref_slice %arg3[%add3A_681, %dma_wait3A_682] : memref<8192x2048xf32, #tpu.memory_space<hbm>> -> memref<8x2048xf32, #tpu.memory_space<hbm>>
      %dma_wait3A_684 = arith.constant 0 : i32
      %dma_wait3A_685 = tpu.memref_slice %arg3[%add3A_681, %dma_wait3A_684] : memref<8192x2048xf32, #tpu.memory_space<hbm>> -> memref<8x2048xf32, #tpu.memory_space<hbm>>
      tpu.wait_dma2 semaphore(%arg18 : memref<!tpu.dma_semaphore, #tpu.memory_space<semaphore_mem>>) src(%dma_wait3A_685 : memref<8x2048xf32, #tpu.memory_space<hbm>>) dst(%arg12 : memref<8x2048xf32, #tpu.memory_space<vmem>>)
      %add3A_686 = arith.constant 216 : i32
      %add3A_687 = arith.addi %mul3A_2, %add3A_686 : i32
      %dma_start3A_688 = arith.constant 0 : i32
      %dma_start3A_689 = tpu.memref_slice %arg7[%add3A_687, %dma_start3A_688] : memref<8192x2048xf32, #tpu.memory_space<hbm>> -> memref<8x2048xf32, #tpu.memory_space<hbm>>
      %dma_start3A_690 = arith.constant 0 : i32
      %dma_start3A_691 = tpu.memref_slice %arg7[%add3A_687, %dma_start3A_690] : memref<8192x2048xf32, #tpu.memory_space<hbm>> -> memref<8x2048xf32, #tpu.memory_space<hbm>>
      tpu.enqueue_dma source(%arg12 : memref<8x2048xf32, #tpu.memory_space<vmem>>) target(%dma_start3A_691 : memref<8x2048xf32, #tpu.memory_space<hbm>>) target_semaphore(%arg24 : memref<!tpu.dma_semaphore, #tpu.memory_space<semaphore_mem>>)
      %add3A_692 = arith.constant 200 : i32
      %add3A_693 = arith.addi %mul3A_2, %add3A_692 : i32
      %dma_wait3A_694 = arith.constant 0 : i32
      %dma_wait3A_695 = tpu.memref_slice %arg7[%add3A_693, %dma_wait3A_694] : memref<8192x2048xf32, #tpu.memory_space<hbm>> -> memref<8x2048xf32, #tpu.memory_space<hbm>>
      %dma_wait3A_696 = arith.constant 0 : i32
      %dma_wait3A_697 = tpu.memref_slice %arg7[%add3A_693, %dma_wait3A_696] : memref<8192x2048xf32, #tpu.memory_space<hbm>> -> memref<8x2048xf32, #tpu.memory_space<hbm>>
      tpu.wait_dma2 semaphore(%arg22 : memref<!tpu.dma_semaphore, #tpu.memory_space<semaphore_mem>>) src(%arg10 : memref<8x2048xf32, #tpu.memory_space<vmem>>) dst(%dma_wait3A_697 : memref<8x2048xf32, #tpu.memory_space<hbm>>)
      %add3A_698 = arith.constant 248 : i32
      %add3A_699 = arith.addi %mul3A_2, %add3A_698 : i32
      %dma_start3A_700 = arith.constant 0 : i32
      %dma_start3A_701 = tpu.memref_slice %arg3[%add3A_699, %dma_start3A_700] : memref<8192x2048xf32, #tpu.memory_space<hbm>> -> memref<8x2048xf32, #tpu.memory_space<hbm>>
      %dma_start3A_702 = arith.constant 0 : i32
      %dma_start3A_703 = tpu.memref_slice %arg3[%add3A_699, %dma_start3A_702] : memref<8192x2048xf32, #tpu.memory_space<hbm>> -> memref<8x2048xf32, #tpu.memory_space<hbm>>
      tpu.enqueue_dma source(%dma_start3A_703 : memref<8x2048xf32, #tpu.memory_space<hbm>>) target(%arg10 : memref<8x2048xf32, #tpu.memory_space<vmem>>) target_semaphore(%arg16 : memref<!tpu.dma_semaphore, #tpu.memory_space<semaphore_mem>>)
      %add3A_704 = arith.constant 224 : i32
      %add3A_705 = arith.addi %mul3A_2, %add3A_704 : i32
      %dma_wait3A_706 = arith.constant 0 : i32
      %dma_wait3A_707 = tpu.memref_slice %arg3[%add3A_705, %dma_wait3A_706] : memref<8192x2048xf32, #tpu.memory_space<hbm>> -> memref<8x2048xf32, #tpu.memory_space<hbm>>
      %dma_wait3A_708 = arith.constant 0 : i32
      %dma_wait3A_709 = tpu.memref_slice %arg3[%add3A_705, %dma_wait3A_708] : memref<8192x2048xf32, #tpu.memory_space<hbm>> -> memref<8x2048xf32, #tpu.memory_space<hbm>>
      tpu.wait_dma2 semaphore(%arg19 : memref<!tpu.dma_semaphore, #tpu.memory_space<semaphore_mem>>) src(%dma_wait3A_709 : memref<8x2048xf32, #tpu.memory_space<hbm>>) dst(%arg13 : memref<8x2048xf32, #tpu.memory_space<vmem>>)
      %add3A_710 = arith.constant 224 : i32
      %add3A_711 = arith.addi %mul3A_2, %add3A_710 : i32
      %dma_start3A_712 = arith.constant 0 : i32
      %dma_start3A_713 = tpu.memref_slice %arg7[%add3A_711, %dma_start3A_712] : memref<8192x2048xf32, #tpu.memory_space<hbm>> -> memref<8x2048xf32, #tpu.memory_space<hbm>>
      %dma_start3A_714 = arith.constant 0 : i32
      %dma_start3A_715 = tpu.memref_slice %arg7[%add3A_711, %dma_start3A_714] : memref<8192x2048xf32, #tpu.memory_space<hbm>> -> memref<8x2048xf32, #tpu.memory_space<hbm>>
      tpu.enqueue_dma source(%arg13 : memref<8x2048xf32, #tpu.memory_space<vmem>>) target(%dma_start3A_715 : memref<8x2048xf32, #tpu.memory_space<hbm>>) target_semaphore(%arg25 : memref<!tpu.dma_semaphore, #tpu.memory_space<semaphore_mem>>)
      %add3A_716 = arith.constant 232 : i32
      %add3A_717 = arith.addi %mul3A_2, %add3A_716 : i32
      %dma_wait3A_718 = arith.constant 0 : i32
      %dma_wait3A_719 = tpu.memref_slice %arg3[%add3A_717, %dma_wait3A_718] : memref<8192x2048xf32, #tpu.memory_space<hbm>> -> memref<8x2048xf32, #tpu.memory_space<hbm>>
      %dma_wait3A_720 = arith.constant 0 : i32
      %dma_wait3A_721 = tpu.memref_slice %arg3[%add3A_717, %dma_wait3A_720] : memref<8192x2048xf32, #tpu.memory_space<hbm>> -> memref<8x2048xf32, #tpu.memory_space<hbm>>
      tpu.wait_dma2 semaphore(%arg20 : memref<!tpu.dma_semaphore, #tpu.memory_space<semaphore_mem>>) src(%dma_wait3A_721 : memref<8x2048xf32, #tpu.memory_space<hbm>>) dst(%arg14 : memref<8x2048xf32, #tpu.memory_space<vmem>>)
      %add3A_722 = arith.constant 232 : i32
      %add3A_723 = arith.addi %mul3A_2, %add3A_722 : i32
      %dma_start3A_724 = arith.constant 0 : i32
      %dma_start3A_725 = tpu.memref_slice %arg7[%add3A_723, %dma_start3A_724] : memref<8192x2048xf32, #tpu.memory_space<hbm>> -> memref<8x2048xf32, #tpu.memory_space<hbm>>
      %dma_start3A_726 = arith.constant 0 : i32
      %dma_start3A_727 = tpu.memref_slice %arg7[%add3A_723, %dma_start3A_726] : memref<8192x2048xf32, #tpu.memory_space<hbm>> -> memref<8x2048xf32, #tpu.memory_space<hbm>>
      tpu.enqueue_dma source(%arg14 : memref<8x2048xf32, #tpu.memory_space<vmem>>) target(%dma_start3A_727 : memref<8x2048xf32, #tpu.memory_space<hbm>>) target_semaphore(%arg26 : memref<!tpu.dma_semaphore, #tpu.memory_space<semaphore_mem>>)
      %add3A_728 = arith.constant 240 : i32
      %add3A_729 = arith.addi %mul3A_2, %add3A_728 : i32
      %dma_wait3A_730 = arith.constant 0 : i32
      %dma_wait3A_731 = tpu.memref_slice %arg3[%add3A_729, %dma_wait3A_730] : memref<8192x2048xf32, #tpu.memory_space<hbm>> -> memref<8x2048xf32, #tpu.memory_space<hbm>>
      %dma_wait3A_732 = arith.constant 0 : i32
      %dma_wait3A_733 = tpu.memref_slice %arg3[%add3A_729, %dma_wait3A_732] : memref<8192x2048xf32, #tpu.memory_space<hbm>> -> memref<8x2048xf32, #tpu.memory_space<hbm>>
      tpu.wait_dma2 semaphore(%arg15 : memref<!tpu.dma_semaphore, #tpu.memory_space<semaphore_mem>>) src(%dma_wait3A_733 : memref<8x2048xf32, #tpu.memory_space<hbm>>) dst(%arg9 : memref<8x2048xf32, #tpu.memory_space<vmem>>)
      %add3A_734 = arith.constant 240 : i32
      %add3A_735 = arith.addi %mul3A_2, %add3A_734 : i32
      %dma_start3A_736 = arith.constant 0 : i32
      %dma_start3A_737 = tpu.memref_slice %arg7[%add3A_735, %dma_start3A_736] : memref<8192x2048xf32, #tpu.memory_space<hbm>> -> memref<8x2048xf32, #tpu.memory_space<hbm>>
      %dma_start3A_738 = arith.constant 0 : i32
      %dma_start3A_739 = tpu.memref_slice %arg7[%add3A_735, %dma_start3A_738] : memref<8192x2048xf32, #tpu.memory_space<hbm>> -> memref<8x2048xf32, #tpu.memory_space<hbm>>
      tpu.enqueue_dma source(%arg9 : memref<8x2048xf32, #tpu.memory_space<vmem>>) target(%dma_start3A_739 : memref<8x2048xf32, #tpu.memory_space<hbm>>) target_semaphore(%arg21 : memref<!tpu.dma_semaphore, #tpu.memory_space<semaphore_mem>>)
      %add3A_740 = arith.constant 248 : i32
      %add3A_741 = arith.addi %mul3A_2, %add3A_740 : i32
      %dma_wait3A_742 = arith.constant 0 : i32
      %dma_wait3A_743 = tpu.memref_slice %arg3[%add3A_741, %dma_wait3A_742] : memref<8192x2048xf32, #tpu.memory_space<hbm>> -> memref<8x2048xf32, #tpu.memory_space<hbm>>
      %dma_wait3A_744 = arith.constant 0 : i32
      %dma_wait3A_745 = tpu.memref_slice %arg3[%add3A_741, %dma_wait3A_744] : memref<8192x2048xf32, #tpu.memory_space<hbm>> -> memref<8x2048xf32, #tpu.memory_space<hbm>>
      tpu.wait_dma2 semaphore(%arg16 : memref<!tpu.dma_semaphore, #tpu.memory_space<semaphore_mem>>) src(%dma_wait3A_745 : memref<8x2048xf32, #tpu.memory_space<hbm>>) dst(%arg10 : memref<8x2048xf32, #tpu.memory_space<vmem>>)
      %add3A_746 = arith.constant 248 : i32
      %add3A_747 = arith.addi %mul3A_2, %add3A_746 : i32
      %dma_start3A_748 = arith.constant 0 : i32
      %dma_start3A_749 = tpu.memref_slice %arg7[%add3A_747, %dma_start3A_748] : memref<8192x2048xf32, #tpu.memory_space<hbm>> -> memref<8x2048xf32, #tpu.memory_space<hbm>>
      %dma_start3A_750 = arith.constant 0 : i32
      %dma_start3A_751 = tpu.memref_slice %arg7[%add3A_747, %dma_start3A_750] : memref<8192x2048xf32, #tpu.memory_space<hbm>> -> memref<8x2048xf32, #tpu.memory_space<hbm>>
      tpu.enqueue_dma source(%arg10 : memref<8x2048xf32, #tpu.memory_space<vmem>>) target(%dma_start3A_751 : memref<8x2048xf32, #tpu.memory_space<hbm>>) target_semaphore(%arg22 : memref<!tpu.dma_semaphore, #tpu.memory_space<semaphore_mem>>)
      %add3A_752 = arith.constant 208 : i32
      %add3A_753 = arith.addi %mul3A_2, %add3A_752 : i32
      %dma_wait3A_754 = arith.constant 0 : i32
      %dma_wait3A_755 = tpu.memref_slice %arg7[%add3A_753, %dma_wait3A_754] : memref<8192x2048xf32, #tpu.memory_space<hbm>> -> memref<8x2048xf32, #tpu.memory_space<hbm>>
      %dma_wait3A_756 = arith.constant 0 : i32
      %dma_wait3A_757 = tpu.memref_slice %arg7[%add3A_753, %dma_wait3A_756] : memref<8192x2048xf32, #tpu.memory_space<hbm>> -> memref<8x2048xf32, #tpu.memory_space<hbm>>
      tpu.wait_dma2 semaphore(%arg23 : memref<!tpu.dma_semaphore, #tpu.memory_space<semaphore_mem>>) src(%arg11 : memref<8x2048xf32, #tpu.memory_space<vmem>>) dst(%dma_wait3A_757 : memref<8x2048xf32, #tpu.memory_space<hbm>>)
      %add3A_758 = arith.constant 216 : i32
      %add3A_759 = arith.addi %mul3A_2, %add3A_758 : i32
      %dma_wait3A_760 = arith.constant 0 : i32
      %dma_wait3A_761 = tpu.memref_slice %arg7[%add3A_759, %dma_wait3A_760] : memref<8192x2048xf32, #tpu.memory_space<hbm>> -> memref<8x2048xf32, #tpu.memory_space<hbm>>
      %dma_wait3A_762 = arith.constant 0 : i32
      %dma_wait3A_763 = tpu.memref_slice %arg7[%add3A_759, %dma_wait3A_762] : memref<8192x2048xf32, #tpu.memory_space<hbm>> -> memref<8x2048xf32, #tpu.memory_space<hbm>>
      tpu.wait_dma2 semaphore(%arg24 : memref<!tpu.dma_semaphore, #tpu.memory_space<semaphore_mem>>) src(%arg12 : memref<8x2048xf32, #tpu.memory_space<vmem>>) dst(%dma_wait3A_763 : memref<8x2048xf32, #tpu.memory_space<hbm>>)
      %add3A_764 = arith.constant 224 : i32
      %add3A_765 = arith.addi %mul3A_2, %add3A_764 : i32
      %dma_wait3A_766 = arith.constant 0 : i32
      %dma_wait3A_767 = tpu.memref_slice %arg7[%add3A_765, %dma_wait3A_766] : memref<8192x2048xf32, #tpu.memory_space<hbm>> -> memref<8x2048xf32, #tpu.memory_space<hbm>>
      %dma_wait3A_768 = arith.constant 0 : i32
      %dma_wait3A_769 = tpu.memref_slice %arg7[%add3A_765, %dma_wait3A_768] : memref<8192x2048xf32, #tpu.memory_space<hbm>> -> memref<8x2048xf32, #tpu.memory_space<hbm>>
      tpu.wait_dma2 semaphore(%arg25 : memref<!tpu.dma_semaphore, #tpu.memory_space<semaphore_mem>>) src(%arg13 : memref<8x2048xf32, #tpu.memory_space<vmem>>) dst(%dma_wait3A_769 : memref<8x2048xf32, #tpu.memory_space<hbm>>)
      %add3A_770 = arith.constant 232 : i32
      %add3A_771 = arith.addi %mul3A_2, %add3A_770 : i32
      %dma_wait3A_772 = arith.constant 0 : i32
      %dma_wait3A_773 = tpu.memref_slice %arg7[%add3A_771, %dma_wait3A_772] : memref<8192x2048xf32, #tpu.memory_space<hbm>> -> memref<8x2048xf32, #tpu.memory_space<hbm>>
      %dma_wait3A_774 = arith.constant 0 : i32
      %dma_wait3A_775 = tpu.memref_slice %arg7[%add3A_771, %dma_wait3A_774] : memref<8192x2048xf32, #tpu.memory_space<hbm>> -> memref<8x2048xf32, #tpu.memory_space<hbm>>
      tpu.wait_dma2 semaphore(%arg26 : memref<!tpu.dma_semaphore, #tpu.memory_space<semaphore_mem>>) src(%arg14 : memref<8x2048xf32, #tpu.memory_space<vmem>>) dst(%dma_wait3A_775 : memref<8x2048xf32, #tpu.memory_space<hbm>>)
      %add3A_776 = arith.constant 240 : i32
      %add3A_777 = arith.addi %mul3A_2, %add3A_776 : i32
      %dma_wait3A_778 = arith.constant 0 : i32
      %dma_wait3A_779 = tpu.memref_slice %arg7[%add3A_777, %dma_wait3A_778] : memref<8192x2048xf32, #tpu.memory_space<hbm>> -> memref<8x2048xf32, #tpu.memory_space<hbm>>
      %dma_wait3A_780 = arith.constant 0 : i32
      %dma_wait3A_781 = tpu.memref_slice %arg7[%add3A_777, %dma_wait3A_780] : memref<8192x2048xf32, #tpu.memory_space<hbm>> -> memref<8x2048xf32, #tpu.memory_space<hbm>>
      tpu.wait_dma2 semaphore(%arg21 : memref<!tpu.dma_semaphore, #tpu.memory_space<semaphore_mem>>) src(%arg9 : memref<8x2048xf32, #tpu.memory_space<vmem>>) dst(%dma_wait3A_781 : memref<8x2048xf32, #tpu.memory_space<hbm>>)
      %add3A_782 = arith.constant 248 : i32
      %add3A_783 = arith.addi %mul3A_2, %add3A_782 : i32
      %dma_wait3A_784 = arith.constant 0 : i32
      %dma_wait3A_785 = tpu.memref_slice %arg7[%add3A_783, %dma_wait3A_784] : memref<8192x2048xf32, #tpu.memory_space<hbm>> -> memref<8x2048xf32, #tpu.memory_space<hbm>>
      %dma_wait3A_786 = arith.constant 0 : i32
      %dma_wait3A_787 = tpu.memref_slice %arg7[%add3A_783, %dma_wait3A_786] : memref<8192x2048xf32, #tpu.memory_space<hbm>> -> memref<8x2048xf32, #tpu.memory_space<hbm>>
      tpu.wait_dma2 semaphore(%arg22 : memref<!tpu.dma_semaphore, #tpu.memory_space<semaphore_mem>>) src(%arg10 : memref<8x2048xf32, #tpu.memory_space<vmem>>) dst(%dma_wait3A_787 : memref<8x2048xf32, #tpu.memory_space<hbm>>)
    } else {
    }
    %eq3A_12 = arith.constant 2 : i32
    %eq3A_13 = arith.cmpi eq, %squeeze3A, %eq3A_12 : i32
    %convert_element_type3A_14 = arith.extui %eq3A_13 : i1 to i32
    %cond3A_15 = arith.constant 0 : i32
    %cond3A_16 = arith.cmpi ne, %convert_element_type3A_14, %cond3A_15 : i32
    scf.if %cond3A_16 {
      %add3A_22 = arith.constant 0 : i32
      %add3A_23 = arith.addi %mul3A_2, %add3A_22 : i32
      %dma_start3A = arith.constant 0 : i32
      %dma_start3A_24 = tpu.memref_slice %arg4[%add3A_23, %dma_start3A] : memref<8192x2048xf32, #tpu.memory_space<hbm>> -> memref<8x2048xf32, #tpu.memory_space<hbm>>
      %dma_start3A_25 = arith.constant 0 : i32
      %dma_start3A_26 = tpu.memref_slice %arg4[%add3A_23, %dma_start3A_25] : memref<8192x2048xf32, #tpu.memory_space<hbm>> -> memref<8x2048xf32, #tpu.memory_space<hbm>>
      tpu.enqueue_dma source(%dma_start3A_26 : memref<8x2048xf32, #tpu.memory_space<hbm>>) target(%arg9 : memref<8x2048xf32, #tpu.memory_space<vmem>>) target_semaphore(%arg15 : memref<!tpu.dma_semaphore, #tpu.memory_space<semaphore_mem>>)
      %add3A_27 = arith.constant 8 : i32
      %add3A_28 = arith.addi %mul3A_2, %add3A_27 : i32
      %dma_start3A_29 = arith.constant 0 : i32
      %dma_start3A_30 = tpu.memref_slice %arg4[%add3A_28, %dma_start3A_29] : memref<8192x2048xf32, #tpu.memory_space<hbm>> -> memref<8x2048xf32, #tpu.memory_space<hbm>>
      %dma_start3A_31 = arith.constant 0 : i32
      %dma_start3A_32 = tpu.memref_slice %arg4[%add3A_28, %dma_start3A_31] : memref<8192x2048xf32, #tpu.memory_space<hbm>> -> memref<8x2048xf32, #tpu.memory_space<hbm>>
      tpu.enqueue_dma source(%dma_start3A_32 : memref<8x2048xf32, #tpu.memory_space<hbm>>) target(%arg10 : memref<8x2048xf32, #tpu.memory_space<vmem>>) target_semaphore(%arg16 : memref<!tpu.dma_semaphore, #tpu.memory_space<semaphore_mem>>)
      %add3A_33 = arith.constant 16 : i32
      %add3A_34 = arith.addi %mul3A_2, %add3A_33 : i32
      %dma_start3A_35 = arith.constant 0 : i32
      %dma_start3A_36 = tpu.memref_slice %arg4[%add3A_34, %dma_start3A_35] : memref<8192x2048xf32, #tpu.memory_space<hbm>> -> memref<8x2048xf32, #tpu.memory_space<hbm>>
      %dma_start3A_37 = arith.constant 0 : i32
      %dma_start3A_38 = tpu.memref_slice %arg4[%add3A_34, %dma_start3A_37] : memref<8192x2048xf32, #tpu.memory_space<hbm>> -> memref<8x2048xf32, #tpu.memory_space<hbm>>
      tpu.enqueue_dma source(%dma_start3A_38 : memref<8x2048xf32, #tpu.memory_space<hbm>>) target(%arg11 : memref<8x2048xf32, #tpu.memory_space<vmem>>) target_semaphore(%arg17 : memref<!tpu.dma_semaphore, #tpu.memory_space<semaphore_mem>>)
      %add3A_39 = arith.constant 24 : i32
      %add3A_40 = arith.addi %mul3A_2, %add3A_39 : i32
      %dma_start3A_41 = arith.constant 0 : i32
      %dma_start3A_42 = tpu.memref_slice %arg4[%add3A_40, %dma_start3A_41] : memref<8192x2048xf32, #tpu.memory_space<hbm>> -> memref<8x2048xf32, #tpu.memory_space<hbm>>
      %dma_start3A_43 = arith.constant 0 : i32
      %dma_start3A_44 = tpu.memref_slice %arg4[%add3A_40, %dma_start3A_43] : memref<8192x2048xf32, #tpu.memory_space<hbm>> -> memref<8x2048xf32, #tpu.memory_space<hbm>>
      tpu.enqueue_dma source(%dma_start3A_44 : memref<8x2048xf32, #tpu.memory_space<hbm>>) target(%arg12 : memref<8x2048xf32, #tpu.memory_space<vmem>>) target_semaphore(%arg18 : memref<!tpu.dma_semaphore, #tpu.memory_space<semaphore_mem>>)
      %add3A_45 = arith.constant 0 : i32
      %add3A_46 = arith.addi %mul3A_2, %add3A_45 : i32
      %dma_wait3A = arith.constant 0 : i32
      %dma_wait3A_47 = tpu.memref_slice %arg4[%add3A_46, %dma_wait3A] : memref<8192x2048xf32, #tpu.memory_space<hbm>> -> memref<8x2048xf32, #tpu.memory_space<hbm>>
      %dma_wait3A_48 = arith.constant 0 : i32
      %dma_wait3A_49 = tpu.memref_slice %arg4[%add3A_46, %dma_wait3A_48] : memref<8192x2048xf32, #tpu.memory_space<hbm>> -> memref<8x2048xf32, #tpu.memory_space<hbm>>
      tpu.wait_dma2 semaphore(%arg15 : memref<!tpu.dma_semaphore, #tpu.memory_space<semaphore_mem>>) src(%dma_wait3A_49 : memref<8x2048xf32, #tpu.memory_space<hbm>>) dst(%arg9 : memref<8x2048xf32, #tpu.memory_space<vmem>>)
      %add3A_50 = arith.constant 0 : i32
      %add3A_51 = arith.addi %mul3A_2, %add3A_50 : i32
      %dma_start3A_52 = arith.constant 0 : i32
      %dma_start3A_53 = tpu.memref_slice %arg7[%add3A_51, %dma_start3A_52] : memref<8192x2048xf32, #tpu.memory_space<hbm>> -> memref<8x2048xf32, #tpu.memory_space<hbm>>
      %dma_start3A_54 = arith.constant 0 : i32
      %dma_start3A_55 = tpu.memref_slice %arg7[%add3A_51, %dma_start3A_54] : memref<8192x2048xf32, #tpu.memory_space<hbm>> -> memref<8x2048xf32, #tpu.memory_space<hbm>>
      tpu.enqueue_dma source(%arg9 : memref<8x2048xf32, #tpu.memory_space<vmem>>) target(%dma_start3A_55 : memref<8x2048xf32, #tpu.memory_space<hbm>>) target_semaphore(%arg21 : memref<!tpu.dma_semaphore, #tpu.memory_space<semaphore_mem>>)
      %add3A_56 = arith.constant 32 : i32
      %add3A_57 = arith.addi %mul3A_2, %add3A_56 : i32
      %dma_start3A_58 = arith.constant 0 : i32
      %dma_start3A_59 = tpu.memref_slice %arg4[%add3A_57, %dma_start3A_58] : memref<8192x2048xf32, #tpu.memory_space<hbm>> -> memref<8x2048xf32, #tpu.memory_space<hbm>>
      %dma_start3A_60 = arith.constant 0 : i32
      %dma_start3A_61 = tpu.memref_slice %arg4[%add3A_57, %dma_start3A_60] : memref<8192x2048xf32, #tpu.memory_space<hbm>> -> memref<8x2048xf32, #tpu.memory_space<hbm>>
      tpu.enqueue_dma source(%dma_start3A_61 : memref<8x2048xf32, #tpu.memory_space<hbm>>) target(%arg13 : memref<8x2048xf32, #tpu.memory_space<vmem>>) target_semaphore(%arg19 : memref<!tpu.dma_semaphore, #tpu.memory_space<semaphore_mem>>)
      %add3A_62 = arith.constant 8 : i32
      %add3A_63 = arith.addi %mul3A_2, %add3A_62 : i32
      %dma_wait3A_64 = arith.constant 0 : i32
      %dma_wait3A_65 = tpu.memref_slice %arg4[%add3A_63, %dma_wait3A_64] : memref<8192x2048xf32, #tpu.memory_space<hbm>> -> memref<8x2048xf32, #tpu.memory_space<hbm>>
      %dma_wait3A_66 = arith.constant 0 : i32
      %dma_wait3A_67 = tpu.memref_slice %arg4[%add3A_63, %dma_wait3A_66] : memref<8192x2048xf32, #tpu.memory_space<hbm>> -> memref<8x2048xf32, #tpu.memory_space<hbm>>
      tpu.wait_dma2 semaphore(%arg16 : memref<!tpu.dma_semaphore, #tpu.memory_space<semaphore_mem>>) src(%dma_wait3A_67 : memref<8x2048xf32, #tpu.memory_space<hbm>>) dst(%arg10 : memref<8x2048xf32, #tpu.memory_space<vmem>>)
      %add3A_68 = arith.constant 8 : i32
      %add3A_69 = arith.addi %mul3A_2, %add3A_68 : i32
      %dma_start3A_70 = arith.constant 0 : i32
      %dma_start3A_71 = tpu.memref_slice %arg7[%add3A_69, %dma_start3A_70] : memref<8192x2048xf32, #tpu.memory_space<hbm>> -> memref<8x2048xf32, #tpu.memory_space<hbm>>
      %dma_start3A_72 = arith.constant 0 : i32
      %dma_start3A_73 = tpu.memref_slice %arg7[%add3A_69, %dma_start3A_72] : memref<8192x2048xf32, #tpu.memory_space<hbm>> -> memref<8x2048xf32, #tpu.memory_space<hbm>>
      tpu.enqueue_dma source(%arg10 : memref<8x2048xf32, #tpu.memory_space<vmem>>) target(%dma_start3A_73 : memref<8x2048xf32, #tpu.memory_space<hbm>>) target_semaphore(%arg22 : memref<!tpu.dma_semaphore, #tpu.memory_space<semaphore_mem>>)
      %add3A_74 = arith.constant 40 : i32
      %add3A_75 = arith.addi %mul3A_2, %add3A_74 : i32
      %dma_start3A_76 = arith.constant 0 : i32
      %dma_start3A_77 = tpu.memref_slice %arg4[%add3A_75, %dma_start3A_76] : memref<8192x2048xf32, #tpu.memory_space<hbm>> -> memref<8x2048xf32, #tpu.memory_space<hbm>>
      %dma_start3A_78 = arith.constant 0 : i32
      %dma_start3A_79 = tpu.memref_slice %arg4[%add3A_75, %dma_start3A_78] : memref<8192x2048xf32, #tpu.memory_space<hbm>> -> memref<8x2048xf32, #tpu.memory_space<hbm>>
      tpu.enqueue_dma source(%dma_start3A_79 : memref<8x2048xf32, #tpu.memory_space<hbm>>) target(%arg14 : memref<8x2048xf32, #tpu.memory_space<vmem>>) target_semaphore(%arg20 : memref<!tpu.dma_semaphore, #tpu.memory_space<semaphore_mem>>)
      %add3A_80 = arith.constant 16 : i32
      %add3A_81 = arith.addi %mul3A_2, %add3A_80 : i32
      %dma_wait3A_82 = arith.constant 0 : i32
      %dma_wait3A_83 = tpu.memref_slice %arg4[%add3A_81, %dma_wait3A_82] : memref<8192x2048xf32, #tpu.memory_space<hbm>> -> memref<8x2048xf32, #tpu.memory_space<hbm>>
      %dma_wait3A_84 = arith.constant 0 : i32
      %dma_wait3A_85 = tpu.memref_slice %arg4[%add3A_81, %dma_wait3A_84] : memref<8192x2048xf32, #tpu.memory_space<hbm>> -> memref<8x2048xf32, #tpu.memory_space<hbm>>
      tpu.wait_dma2 semaphore(%arg17 : memref<!tpu.dma_semaphore, #tpu.memory_space<semaphore_mem>>) src(%dma_wait3A_85 : memref<8x2048xf32, #tpu.memory_space<hbm>>) dst(%arg11 : memref<8x2048xf32, #tpu.memory_space<vmem>>)
      %add3A_86 = arith.constant 16 : i32
      %add3A_87 = arith.addi %mul3A_2, %add3A_86 : i32
      %dma_start3A_88 = arith.constant 0 : i32
      %dma_start3A_89 = tpu.memref_slice %arg7[%add3A_87, %dma_start3A_88] : memref<8192x2048xf32, #tpu.memory_space<hbm>> -> memref<8x2048xf32, #tpu.memory_space<hbm>>
      %dma_start3A_90 = arith.constant 0 : i32
      %dma_start3A_91 = tpu.memref_slice %arg7[%add3A_87, %dma_start3A_90] : memref<8192x2048xf32, #tpu.memory_space<hbm>> -> memref<8x2048xf32, #tpu.memory_space<hbm>>
      tpu.enqueue_dma source(%arg11 : memref<8x2048xf32, #tpu.memory_space<vmem>>) target(%dma_start3A_91 : memref<8x2048xf32, #tpu.memory_space<hbm>>) target_semaphore(%arg23 : memref<!tpu.dma_semaphore, #tpu.memory_space<semaphore_mem>>)
      %add3A_92 = arith.constant 0 : i32
      %add3A_93 = arith.addi %mul3A_2, %add3A_92 : i32
      %dma_wait3A_94 = arith.constant 0 : i32
      %dma_wait3A_95 = tpu.memref_slice %arg7[%add3A_93, %dma_wait3A_94] : memref<8192x2048xf32, #tpu.memory_space<hbm>> -> memref<8x2048xf32, #tpu.memory_space<hbm>>
      %dma_wait3A_96 = arith.constant 0 : i32
      %dma_wait3A_97 = tpu.memref_slice %arg7[%add3A_93, %dma_wait3A_96] : memref<8192x2048xf32, #tpu.memory_space<hbm>> -> memref<8x2048xf32, #tpu.memory_space<hbm>>
      tpu.wait_dma2 semaphore(%arg21 : memref<!tpu.dma_semaphore, #tpu.memory_space<semaphore_mem>>) src(%arg9 : memref<8x2048xf32, #tpu.memory_space<vmem>>) dst(%dma_wait3A_97 : memref<8x2048xf32, #tpu.memory_space<hbm>>)
      %add3A_98 = arith.constant 48 : i32
      %add3A_99 = arith.addi %mul3A_2, %add3A_98 : i32
      %dma_start3A_100 = arith.constant 0 : i32
      %dma_start3A_101 = tpu.memref_slice %arg4[%add3A_99, %dma_start3A_100] : memref<8192x2048xf32, #tpu.memory_space<hbm>> -> memref<8x2048xf32, #tpu.memory_space<hbm>>
      %dma_start3A_102 = arith.constant 0 : i32
      %dma_start3A_103 = tpu.memref_slice %arg4[%add3A_99, %dma_start3A_102] : memref<8192x2048xf32, #tpu.memory_space<hbm>> -> memref<8x2048xf32, #tpu.memory_space<hbm>>
      tpu.enqueue_dma source(%dma_start3A_103 : memref<8x2048xf32, #tpu.memory_space<hbm>>) target(%arg9 : memref<8x2048xf32, #tpu.memory_space<vmem>>) target_semaphore(%arg15 : memref<!tpu.dma_semaphore, #tpu.memory_space<semaphore_mem>>)
      %add3A_104 = arith.constant 24 : i32
      %add3A_105 = arith.addi %mul3A_2, %add3A_104 : i32
      %dma_wait3A_106 = arith.constant 0 : i32
      %dma_wait3A_107 = tpu.memref_slice %arg4[%add3A_105, %dma_wait3A_106] : memref<8192x2048xf32, #tpu.memory_space<hbm>> -> memref<8x2048xf32, #tpu.memory_space<hbm>>
      %dma_wait3A_108 = arith.constant 0 : i32
      %dma_wait3A_109 = tpu.memref_slice %arg4[%add3A_105, %dma_wait3A_108] : memref<8192x2048xf32, #tpu.memory_space<hbm>> -> memref<8x2048xf32, #tpu.memory_space<hbm>>
      tpu.wait_dma2 semaphore(%arg18 : memref<!tpu.dma_semaphore, #tpu.memory_space<semaphore_mem>>) src(%dma_wait3A_109 : memref<8x2048xf32, #tpu.memory_space<hbm>>) dst(%arg12 : memref<8x2048xf32, #tpu.memory_space<vmem>>)
      %add3A_110 = arith.constant 24 : i32
      %add3A_111 = arith.addi %mul3A_2, %add3A_110 : i32
      %dma_start3A_112 = arith.constant 0 : i32
      %dma_start3A_113 = tpu.memref_slice %arg7[%add3A_111, %dma_start3A_112] : memref<8192x2048xf32, #tpu.memory_space<hbm>> -> memref<8x2048xf32, #tpu.memory_space<hbm>>
      %dma_start3A_114 = arith.constant 0 : i32
      %dma_start3A_115 = tpu.memref_slice %arg7[%add3A_111, %dma_start3A_114] : memref<8192x2048xf32, #tpu.memory_space<hbm>> -> memref<8x2048xf32, #tpu.memory_space<hbm>>
      tpu.enqueue_dma source(%arg12 : memref<8x2048xf32, #tpu.memory_space<vmem>>) target(%dma_start3A_115 : memref<8x2048xf32, #tpu.memory_space<hbm>>) target_semaphore(%arg24 : memref<!tpu.dma_semaphore, #tpu.memory_space<semaphore_mem>>)
      %add3A_116 = arith.constant 8 : i32
      %add3A_117 = arith.addi %mul3A_2, %add3A_116 : i32
      %dma_wait3A_118 = arith.constant 0 : i32
      %dma_wait3A_119 = tpu.memref_slice %arg7[%add3A_117, %dma_wait3A_118] : memref<8192x2048xf32, #tpu.memory_space<hbm>> -> memref<8x2048xf32, #tpu.memory_space<hbm>>
      %dma_wait3A_120 = arith.constant 0 : i32
      %dma_wait3A_121 = tpu.memref_slice %arg7[%add3A_117, %dma_wait3A_120] : memref<8192x2048xf32, #tpu.memory_space<hbm>> -> memref<8x2048xf32, #tpu.memory_space<hbm>>
      tpu.wait_dma2 semaphore(%arg22 : memref<!tpu.dma_semaphore, #tpu.memory_space<semaphore_mem>>) src(%arg10 : memref<8x2048xf32, #tpu.memory_space<vmem>>) dst(%dma_wait3A_121 : memref<8x2048xf32, #tpu.memory_space<hbm>>)
      %add3A_122 = arith.constant 56 : i32
      %add3A_123 = arith.addi %mul3A_2, %add3A_122 : i32
      %dma_start3A_124 = arith.constant 0 : i32
      %dma_start3A_125 = tpu.memref_slice %arg4[%add3A_123, %dma_start3A_124] : memref<8192x2048xf32, #tpu.memory_space<hbm>> -> memref<8x2048xf32, #tpu.memory_space<hbm>>
      %dma_start3A_126 = arith.constant 0 : i32
      %dma_start3A_127 = tpu.memref_slice %arg4[%add3A_123, %dma_start3A_126] : memref<8192x2048xf32, #tpu.memory_space<hbm>> -> memref<8x2048xf32, #tpu.memory_space<hbm>>
      tpu.enqueue_dma source(%dma_start3A_127 : memref<8x2048xf32, #tpu.memory_space<hbm>>) target(%arg10 : memref<8x2048xf32, #tpu.memory_space<vmem>>) target_semaphore(%arg16 : memref<!tpu.dma_semaphore, #tpu.memory_space<semaphore_mem>>)
      %add3A_128 = arith.constant 32 : i32
      %add3A_129 = arith.addi %mul3A_2, %add3A_128 : i32
      %dma_wait3A_130 = arith.constant 0 : i32
      %dma_wait3A_131 = tpu.memref_slice %arg4[%add3A_129, %dma_wait3A_130] : memref<8192x2048xf32, #tpu.memory_space<hbm>> -> memref<8x2048xf32, #tpu.memory_space<hbm>>
      %dma_wait3A_132 = arith.constant 0 : i32
      %dma_wait3A_133 = tpu.memref_slice %arg4[%add3A_129, %dma_wait3A_132] : memref<8192x2048xf32, #tpu.memory_space<hbm>> -> memref<8x2048xf32, #tpu.memory_space<hbm>>
      tpu.wait_dma2 semaphore(%arg19 : memref<!tpu.dma_semaphore, #tpu.memory_space<semaphore_mem>>) src(%dma_wait3A_133 : memref<8x2048xf32, #tpu.memory_space<hbm>>) dst(%arg13 : memref<8x2048xf32, #tpu.memory_space<vmem>>)
      %add3A_134 = arith.constant 32 : i32
      %add3A_135 = arith.addi %mul3A_2, %add3A_134 : i32
      %dma_start3A_136 = arith.constant 0 : i32
      %dma_start3A_137 = tpu.memref_slice %arg7[%add3A_135, %dma_start3A_136] : memref<8192x2048xf32, #tpu.memory_space<hbm>> -> memref<8x2048xf32, #tpu.memory_space<hbm>>
      %dma_start3A_138 = arith.constant 0 : i32
      %dma_start3A_139 = tpu.memref_slice %arg7[%add3A_135, %dma_start3A_138] : memref<8192x2048xf32, #tpu.memory_space<hbm>> -> memref<8x2048xf32, #tpu.memory_space<hbm>>
      tpu.enqueue_dma source(%arg13 : memref<8x2048xf32, #tpu.memory_space<vmem>>) target(%dma_start3A_139 : memref<8x2048xf32, #tpu.memory_space<hbm>>) target_semaphore(%arg25 : memref<!tpu.dma_semaphore, #tpu.memory_space<semaphore_mem>>)
      %add3A_140 = arith.constant 16 : i32
      %add3A_141 = arith.addi %mul3A_2, %add3A_140 : i32
      %dma_wait3A_142 = arith.constant 0 : i32
      %dma_wait3A_143 = tpu.memref_slice %arg7[%add3A_141, %dma_wait3A_142] : memref<8192x2048xf32, #tpu.memory_space<hbm>> -> memref<8x2048xf32, #tpu.memory_space<hbm>>
      %dma_wait3A_144 = arith.constant 0 : i32
      %dma_wait3A_145 = tpu.memref_slice %arg7[%add3A_141, %dma_wait3A_144] : memref<8192x2048xf32, #tpu.memory_space<hbm>> -> memref<8x2048xf32, #tpu.memory_space<hbm>>
      tpu.wait_dma2 semaphore(%arg23 : memref<!tpu.dma_semaphore, #tpu.memory_space<semaphore_mem>>) src(%arg11 : memref<8x2048xf32, #tpu.memory_space<vmem>>) dst(%dma_wait3A_145 : memref<8x2048xf32, #tpu.memory_space<hbm>>)
      %add3A_146 = arith.constant 64 : i32
      %add3A_147 = arith.addi %mul3A_2, %add3A_146 : i32
      %dma_start3A_148 = arith.constant 0 : i32
      %dma_start3A_149 = tpu.memref_slice %arg4[%add3A_147, %dma_start3A_148] : memref<8192x2048xf32, #tpu.memory_space<hbm>> -> memref<8x2048xf32, #tpu.memory_space<hbm>>
      %dma_start3A_150 = arith.constant 0 : i32
      %dma_start3A_151 = tpu.memref_slice %arg4[%add3A_147, %dma_start3A_150] : memref<8192x2048xf32, #tpu.memory_space<hbm>> -> memref<8x2048xf32, #tpu.memory_space<hbm>>
      tpu.enqueue_dma source(%dma_start3A_151 : memref<8x2048xf32, #tpu.memory_space<hbm>>) target(%arg11 : memref<8x2048xf32, #tpu.memory_space<vmem>>) target_semaphore(%arg17 : memref<!tpu.dma_semaphore, #tpu.memory_space<semaphore_mem>>)
      %add3A_152 = arith.constant 40 : i32
      %add3A_153 = arith.addi %mul3A_2, %add3A_152 : i32
      %dma_wait3A_154 = arith.constant 0 : i32
      %dma_wait3A_155 = tpu.memref_slice %arg4[%add3A_153, %dma_wait3A_154] : memref<8192x2048xf32, #tpu.memory_space<hbm>> -> memref<8x2048xf32, #tpu.memory_space<hbm>>
      %dma_wait3A_156 = arith.constant 0 : i32
      %dma_wait3A_157 = tpu.memref_slice %arg4[%add3A_153, %dma_wait3A_156] : memref<8192x2048xf32, #tpu.memory_space<hbm>> -> memref<8x2048xf32, #tpu.memory_space<hbm>>
      tpu.wait_dma2 semaphore(%arg20 : memref<!tpu.dma_semaphore, #tpu.memory_space<semaphore_mem>>) src(%dma_wait3A_157 : memref<8x2048xf32, #tpu.memory_space<hbm>>) dst(%arg14 : memref<8x2048xf32, #tpu.memory_space<vmem>>)
      %add3A_158 = arith.constant 40 : i32
      %add3A_159 = arith.addi %mul3A_2, %add3A_158 : i32
      %dma_start3A_160 = arith.constant 0 : i32
      %dma_start3A_161 = tpu.memref_slice %arg7[%add3A_159, %dma_start3A_160] : memref<8192x2048xf32, #tpu.memory_space<hbm>> -> memref<8x2048xf32, #tpu.memory_space<hbm>>
      %dma_start3A_162 = arith.constant 0 : i32
      %dma_start3A_163 = tpu.memref_slice %arg7[%add3A_159, %dma_start3A_162] : memref<8192x2048xf32, #tpu.memory_space<hbm>> -> memref<8x2048xf32, #tpu.memory_space<hbm>>
      tpu.enqueue_dma source(%arg14 : memref<8x2048xf32, #tpu.memory_space<vmem>>) target(%dma_start3A_163 : memref<8x2048xf32, #tpu.memory_space<hbm>>) target_semaphore(%arg26 : memref<!tpu.dma_semaphore, #tpu.memory_space<semaphore_mem>>)
      %add3A_164 = arith.constant 24 : i32
      %add3A_165 = arith.addi %mul3A_2, %add3A_164 : i32
      %dma_wait3A_166 = arith.constant 0 : i32
      %dma_wait3A_167 = tpu.memref_slice %arg7[%add3A_165, %dma_wait3A_166] : memref<8192x2048xf32, #tpu.memory_space<hbm>> -> memref<8x2048xf32, #tpu.memory_space<hbm>>
      %dma_wait3A_168 = arith.constant 0 : i32
      %dma_wait3A_169 = tpu.memref_slice %arg7[%add3A_165, %dma_wait3A_168] : memref<8192x2048xf32, #tpu.memory_space<hbm>> -> memref<8x2048xf32, #tpu.memory_space<hbm>>
      tpu.wait_dma2 semaphore(%arg24 : memref<!tpu.dma_semaphore, #tpu.memory_space<semaphore_mem>>) src(%arg12 : memref<8x2048xf32, #tpu.memory_space<vmem>>) dst(%dma_wait3A_169 : memref<8x2048xf32, #tpu.memory_space<hbm>>)
      %add3A_170 = arith.constant 72 : i32
      %add3A_171 = arith.addi %mul3A_2, %add3A_170 : i32
      %dma_start3A_172 = arith.constant 0 : i32
      %dma_start3A_173 = tpu.memref_slice %arg4[%add3A_171, %dma_start3A_172] : memref<8192x2048xf32, #tpu.memory_space<hbm>> -> memref<8x2048xf32, #tpu.memory_space<hbm>>
      %dma_start3A_174 = arith.constant 0 : i32
      %dma_start3A_175 = tpu.memref_slice %arg4[%add3A_171, %dma_start3A_174] : memref<8192x2048xf32, #tpu.memory_space<hbm>> -> memref<8x2048xf32, #tpu.memory_space<hbm>>
      tpu.enqueue_dma source(%dma_start3A_175 : memref<8x2048xf32, #tpu.memory_space<hbm>>) target(%arg12 : memref<8x2048xf32, #tpu.memory_space<vmem>>) target_semaphore(%arg18 : memref<!tpu.dma_semaphore, #tpu.memory_space<semaphore_mem>>)
      %add3A_176 = arith.constant 48 : i32
      %add3A_177 = arith.addi %mul3A_2, %add3A_176 : i32
      %dma_wait3A_178 = arith.constant 0 : i32
      %dma_wait3A_179 = tpu.memref_slice %arg4[%add3A_177, %dma_wait3A_178] : memref<8192x2048xf32, #tpu.memory_space<hbm>> -> memref<8x2048xf32, #tpu.memory_space<hbm>>
      %dma_wait3A_180 = arith.constant 0 : i32
      %dma_wait3A_181 = tpu.memref_slice %arg4[%add3A_177, %dma_wait3A_180] : memref<8192x2048xf32, #tpu.memory_space<hbm>> -> memref<8x2048xf32, #tpu.memory_space<hbm>>
      tpu.wait_dma2 semaphore(%arg15 : memref<!tpu.dma_semaphore, #tpu.memory_space<semaphore_mem>>) src(%dma_wait3A_181 : memref<8x2048xf32, #tpu.memory_space<hbm>>) dst(%arg9 : memref<8x2048xf32, #tpu.memory_space<vmem>>)
      %add3A_182 = arith.constant 48 : i32
      %add3A_183 = arith.addi %mul3A_2, %add3A_182 : i32
      %dma_start3A_184 = arith.constant 0 : i32
      %dma_start3A_185 = tpu.memref_slice %arg7[%add3A_183, %dma_start3A_184] : memref<8192x2048xf32, #tpu.memory_space<hbm>> -> memref<8x2048xf32, #tpu.memory_space<hbm>>
      %dma_start3A_186 = arith.constant 0 : i32
      %dma_start3A_187 = tpu.memref_slice %arg7[%add3A_183, %dma_start3A_186] : memref<8192x2048xf32, #tpu.memory_space<hbm>> -> memref<8x2048xf32, #tpu.memory_space<hbm>>
      tpu.enqueue_dma source(%arg9 : memref<8x2048xf32, #tpu.memory_space<vmem>>) target(%dma_start3A_187 : memref<8x2048xf32, #tpu.memory_space<hbm>>) target_semaphore(%arg21 : memref<!tpu.dma_semaphore, #tpu.memory_space<semaphore_mem>>)
      %add3A_188 = arith.constant 32 : i32
      %add3A_189 = arith.addi %mul3A_2, %add3A_188 : i32
      %dma_wait3A_190 = arith.constant 0 : i32
      %dma_wait3A_191 = tpu.memref_slice %arg7[%add3A_189, %dma_wait3A_190] : memref<8192x2048xf32, #tpu.memory_space<hbm>> -> memref<8x2048xf32, #tpu.memory_space<hbm>>
      %dma_wait3A_192 = arith.constant 0 : i32
      %dma_wait3A_193 = tpu.memref_slice %arg7[%add3A_189, %dma_wait3A_192] : memref<8192x2048xf32, #tpu.memory_space<hbm>> -> memref<8x2048xf32, #tpu.memory_space<hbm>>
      tpu.wait_dma2 semaphore(%arg25 : memref<!tpu.dma_semaphore, #tpu.memory_space<semaphore_mem>>) src(%arg13 : memref<8x2048xf32, #tpu.memory_space<vmem>>) dst(%dma_wait3A_193 : memref<8x2048xf32, #tpu.memory_space<hbm>>)
      %add3A_194 = arith.constant 80 : i32
      %add3A_195 = arith.addi %mul3A_2, %add3A_194 : i32
      %dma_start3A_196 = arith.constant 0 : i32
      %dma_start3A_197 = tpu.memref_slice %arg4[%add3A_195, %dma_start3A_196] : memref<8192x2048xf32, #tpu.memory_space<hbm>> -> memref<8x2048xf32, #tpu.memory_space<hbm>>
      %dma_start3A_198 = arith.constant 0 : i32
      %dma_start3A_199 = tpu.memref_slice %arg4[%add3A_195, %dma_start3A_198] : memref<8192x2048xf32, #tpu.memory_space<hbm>> -> memref<8x2048xf32, #tpu.memory_space<hbm>>
      tpu.enqueue_dma source(%dma_start3A_199 : memref<8x2048xf32, #tpu.memory_space<hbm>>) target(%arg13 : memref<8x2048xf32, #tpu.memory_space<vmem>>) target_semaphore(%arg19 : memref<!tpu.dma_semaphore, #tpu.memory_space<semaphore_mem>>)
      %add3A_200 = arith.constant 56 : i32
      %add3A_201 = arith.addi %mul3A_2, %add3A_200 : i32
      %dma_wait3A_202 = arith.constant 0 : i32
      %dma_wait3A_203 = tpu.memref_slice %arg4[%add3A_201, %dma_wait3A_202] : memref<8192x2048xf32, #tpu.memory_space<hbm>> -> memref<8x2048xf32, #tpu.memory_space<hbm>>
      %dma_wait3A_204 = arith.constant 0 : i32
      %dma_wait3A_205 = tpu.memref_slice %arg4[%add3A_201, %dma_wait3A_204] : memref<8192x2048xf32, #tpu.memory_space<hbm>> -> memref<8x2048xf32, #tpu.memory_space<hbm>>
      tpu.wait_dma2 semaphore(%arg16 : memref<!tpu.dma_semaphore, #tpu.memory_space<semaphore_mem>>) src(%dma_wait3A_205 : memref<8x2048xf32, #tpu.memory_space<hbm>>) dst(%arg10 : memref<8x2048xf32, #tpu.memory_space<vmem>>)
      %add3A_206 = arith.constant 56 : i32
      %add3A_207 = arith.addi %mul3A_2, %add3A_206 : i32
      %dma_start3A_208 = arith.constant 0 : i32
      %dma_start3A_209 = tpu.memref_slice %arg7[%add3A_207, %dma_start3A_208] : memref<8192x2048xf32, #tpu.memory_space<hbm>> -> memref<8x2048xf32, #tpu.memory_space<hbm>>
      %dma_start3A_210 = arith.constant 0 : i32
      %dma_start3A_211 = tpu.memref_slice %arg7[%add3A_207, %dma_start3A_210] : memref<8192x2048xf32, #tpu.memory_space<hbm>> -> memref<8x2048xf32, #tpu.memory_space<hbm>>
      tpu.enqueue_dma source(%arg10 : memref<8x2048xf32, #tpu.memory_space<vmem>>) target(%dma_start3A_211 : memref<8x2048xf32, #tpu.memory_space<hbm>>) target_semaphore(%arg22 : memref<!tpu.dma_semaphore, #tpu.memory_space<semaphore_mem>>)
      %add3A_212 = arith.constant 40 : i32
      %add3A_213 = arith.addi %mul3A_2, %add3A_212 : i32
      %dma_wait3A_214 = arith.constant 0 : i32
      %dma_wait3A_215 = tpu.memref_slice %arg7[%add3A_213, %dma_wait3A_214] : memref<8192x2048xf32, #tpu.memory_space<hbm>> -> memref<8x2048xf32, #tpu.memory_space<hbm>>
      %dma_wait3A_216 = arith.constant 0 : i32
      %dma_wait3A_217 = tpu.memref_slice %arg7[%add3A_213, %dma_wait3A_216] : memref<8192x2048xf32, #tpu.memory_space<hbm>> -> memref<8x2048xf32, #tpu.memory_space<hbm>>
      tpu.wait_dma2 semaphore(%arg26 : memref<!tpu.dma_semaphore, #tpu.memory_space<semaphore_mem>>) src(%arg14 : memref<8x2048xf32, #tpu.memory_space<vmem>>) dst(%dma_wait3A_217 : memref<8x2048xf32, #tpu.memory_space<hbm>>)
      %add3A_218 = arith.constant 88 : i32
      %add3A_219 = arith.addi %mul3A_2, %add3A_218 : i32
      %dma_start3A_220 = arith.constant 0 : i32
      %dma_start3A_221 = tpu.memref_slice %arg4[%add3A_219, %dma_start3A_220] : memref<8192x2048xf32, #tpu.memory_space<hbm>> -> memref<8x2048xf32, #tpu.memory_space<hbm>>
      %dma_start3A_222 = arith.constant 0 : i32
      %dma_start3A_223 = tpu.memref_slice %arg4[%add3A_219, %dma_start3A_222] : memref<8192x2048xf32, #tpu.memory_space<hbm>> -> memref<8x2048xf32, #tpu.memory_space<hbm>>
      tpu.enqueue_dma source(%dma_start3A_223 : memref<8x2048xf32, #tpu.memory_space<hbm>>) target(%arg14 : memref<8x2048xf32, #tpu.memory_space<vmem>>) target_semaphore(%arg20 : memref<!tpu.dma_semaphore, #tpu.memory_space<semaphore_mem>>)
      %add3A_224 = arith.constant 64 : i32
      %add3A_225 = arith.addi %mul3A_2, %add3A_224 : i32
      %dma_wait3A_226 = arith.constant 0 : i32
      %dma_wait3A_227 = tpu.memref_slice %arg4[%add3A_225, %dma_wait3A_226] : memref<8192x2048xf32, #tpu.memory_space<hbm>> -> memref<8x2048xf32, #tpu.memory_space<hbm>>
      %dma_wait3A_228 = arith.constant 0 : i32
      %dma_wait3A_229 = tpu.memref_slice %arg4[%add3A_225, %dma_wait3A_228] : memref<8192x2048xf32, #tpu.memory_space<hbm>> -> memref<8x2048xf32, #tpu.memory_space<hbm>>
      tpu.wait_dma2 semaphore(%arg17 : memref<!tpu.dma_semaphore, #tpu.memory_space<semaphore_mem>>) src(%dma_wait3A_229 : memref<8x2048xf32, #tpu.memory_space<hbm>>) dst(%arg11 : memref<8x2048xf32, #tpu.memory_space<vmem>>)
      %add3A_230 = arith.constant 64 : i32
      %add3A_231 = arith.addi %mul3A_2, %add3A_230 : i32
      %dma_start3A_232 = arith.constant 0 : i32
      %dma_start3A_233 = tpu.memref_slice %arg7[%add3A_231, %dma_start3A_232] : memref<8192x2048xf32, #tpu.memory_space<hbm>> -> memref<8x2048xf32, #tpu.memory_space<hbm>>
      %dma_start3A_234 = arith.constant 0 : i32
      %dma_start3A_235 = tpu.memref_slice %arg7[%add3A_231, %dma_start3A_234] : memref<8192x2048xf32, #tpu.memory_space<hbm>> -> memref<8x2048xf32, #tpu.memory_space<hbm>>
      tpu.enqueue_dma source(%arg11 : memref<8x2048xf32, #tpu.memory_space<vmem>>) target(%dma_start3A_235 : memref<8x2048xf32, #tpu.memory_space<hbm>>) target_semaphore(%arg23 : memref<!tpu.dma_semaphore, #tpu.memory_space<semaphore_mem>>)
      %add3A_236 = arith.constant 48 : i32
      %add3A_237 = arith.addi %mul3A_2, %add3A_236 : i32
      %dma_wait3A_238 = arith.constant 0 : i32
      %dma_wait3A_239 = tpu.memref_slice %arg7[%add3A_237, %dma_wait3A_238] : memref<8192x2048xf32, #tpu.memory_space<hbm>> -> memref<8x2048xf32, #tpu.memory_space<hbm>>
      %dma_wait3A_240 = arith.constant 0 : i32
      %dma_wait3A_241 = tpu.memref_slice %arg7[%add3A_237, %dma_wait3A_240] : memref<8192x2048xf32, #tpu.memory_space<hbm>> -> memref<8x2048xf32, #tpu.memory_space<hbm>>
      tpu.wait_dma2 semaphore(%arg21 : memref<!tpu.dma_semaphore, #tpu.memory_space<semaphore_mem>>) src(%arg9 : memref<8x2048xf32, #tpu.memory_space<vmem>>) dst(%dma_wait3A_241 : memref<8x2048xf32, #tpu.memory_space<hbm>>)
      %add3A_242 = arith.constant 96 : i32
      %add3A_243 = arith.addi %mul3A_2, %add3A_242 : i32
      %dma_start3A_244 = arith.constant 0 : i32
      %dma_start3A_245 = tpu.memref_slice %arg4[%add3A_243, %dma_start3A_244] : memref<8192x2048xf32, #tpu.memory_space<hbm>> -> memref<8x2048xf32, #tpu.memory_space<hbm>>
      %dma_start3A_246 = arith.constant 0 : i32
      %dma_start3A_247 = tpu.memref_slice %arg4[%add3A_243, %dma_start3A_246] : memref<8192x2048xf32, #tpu.memory_space<hbm>> -> memref<8x2048xf32, #tpu.memory_space<hbm>>
      tpu.enqueue_dma source(%dma_start3A_247 : memref<8x2048xf32, #tpu.memory_space<hbm>>) target(%arg9 : memref<8x2048xf32, #tpu.memory_space<vmem>>) target_semaphore(%arg15 : memref<!tpu.dma_semaphore, #tpu.memory_space<semaphore_mem>>)
      %add3A_248 = arith.constant 72 : i32
      %add3A_249 = arith.addi %mul3A_2, %add3A_248 : i32
      %dma_wait3A_250 = arith.constant 0 : i32
      %dma_wait3A_251 = tpu.memref_slice %arg4[%add3A_249, %dma_wait3A_250] : memref<8192x2048xf32, #tpu.memory_space<hbm>> -> memref<8x2048xf32, #tpu.memory_space<hbm>>
      %dma_wait3A_252 = arith.constant 0 : i32
      %dma_wait3A_253 = tpu.memref_slice %arg4[%add3A_249, %dma_wait3A_252] : memref<8192x2048xf32, #tpu.memory_space<hbm>> -> memref<8x2048xf32, #tpu.memory_space<hbm>>
      tpu.wait_dma2 semaphore(%arg18 : memref<!tpu.dma_semaphore, #tpu.memory_space<semaphore_mem>>) src(%dma_wait3A_253 : memref<8x2048xf32, #tpu.memory_space<hbm>>) dst(%arg12 : memref<8x2048xf32, #tpu.memory_space<vmem>>)
      %add3A_254 = arith.constant 72 : i32
      %add3A_255 = arith.addi %mul3A_2, %add3A_254 : i32
      %dma_start3A_256 = arith.constant 0 : i32
      %dma_start3A_257 = tpu.memref_slice %arg7[%add3A_255, %dma_start3A_256] : memref<8192x2048xf32, #tpu.memory_space<hbm>> -> memref<8x2048xf32, #tpu.memory_space<hbm>>
      %dma_start3A_258 = arith.constant 0 : i32
      %dma_start3A_259 = tpu.memref_slice %arg7[%add3A_255, %dma_start3A_258] : memref<8192x2048xf32, #tpu.memory_space<hbm>> -> memref<8x2048xf32, #tpu.memory_space<hbm>>
      tpu.enqueue_dma source(%arg12 : memref<8x2048xf32, #tpu.memory_space<vmem>>) target(%dma_start3A_259 : memref<8x2048xf32, #tpu.memory_space<hbm>>) target_semaphore(%arg24 : memref<!tpu.dma_semaphore, #tpu.memory_space<semaphore_mem>>)
      %add3A_260 = arith.constant 56 : i32
      %add3A_261 = arith.addi %mul3A_2, %add3A_260 : i32
      %dma_wait3A_262 = arith.constant 0 : i32
      %dma_wait3A_263 = tpu.memref_slice %arg7[%add3A_261, %dma_wait3A_262] : memref<8192x2048xf32, #tpu.memory_space<hbm>> -> memref<8x2048xf32, #tpu.memory_space<hbm>>
      %dma_wait3A_264 = arith.constant 0 : i32
      %dma_wait3A_265 = tpu.memref_slice %arg7[%add3A_261, %dma_wait3A_264] : memref<8192x2048xf32, #tpu.memory_space<hbm>> -> memref<8x2048xf32, #tpu.memory_space<hbm>>
      tpu.wait_dma2 semaphore(%arg22 : memref<!tpu.dma_semaphore, #tpu.memory_space<semaphore_mem>>) src(%arg10 : memref<8x2048xf32, #tpu.memory_space<vmem>>) dst(%dma_wait3A_265 : memref<8x2048xf32, #tpu.memory_space<hbm>>)
      %add3A_266 = arith.constant 104 : i32
      %add3A_267 = arith.addi %mul3A_2, %add3A_266 : i32
      %dma_start3A_268 = arith.constant 0 : i32
      %dma_start3A_269 = tpu.memref_slice %arg4[%add3A_267, %dma_start3A_268] : memref<8192x2048xf32, #tpu.memory_space<hbm>> -> memref<8x2048xf32, #tpu.memory_space<hbm>>
      %dma_start3A_270 = arith.constant 0 : i32
      %dma_start3A_271 = tpu.memref_slice %arg4[%add3A_267, %dma_start3A_270] : memref<8192x2048xf32, #tpu.memory_space<hbm>> -> memref<8x2048xf32, #tpu.memory_space<hbm>>
      tpu.enqueue_dma source(%dma_start3A_271 : memref<8x2048xf32, #tpu.memory_space<hbm>>) target(%arg10 : memref<8x2048xf32, #tpu.memory_space<vmem>>) target_semaphore(%arg16 : memref<!tpu.dma_semaphore, #tpu.memory_space<semaphore_mem>>)
      %add3A_272 = arith.constant 80 : i32
      %add3A_273 = arith.addi %mul3A_2, %add3A_272 : i32
      %dma_wait3A_274 = arith.constant 0 : i32
      %dma_wait3A_275 = tpu.memref_slice %arg4[%add3A_273, %dma_wait3A_274] : memref<8192x2048xf32, #tpu.memory_space<hbm>> -> memref<8x2048xf32, #tpu.memory_space<hbm>>
      %dma_wait3A_276 = arith.constant 0 : i32
      %dma_wait3A_277 = tpu.memref_slice %arg4[%add3A_273, %dma_wait3A_276] : memref<8192x2048xf32, #tpu.memory_space<hbm>> -> memref<8x2048xf32, #tpu.memory_space<hbm>>
      tpu.wait_dma2 semaphore(%arg19 : memref<!tpu.dma_semaphore, #tpu.memory_space<semaphore_mem>>) src(%dma_wait3A_277 : memref<8x2048xf32, #tpu.memory_space<hbm>>) dst(%arg13 : memref<8x2048xf32, #tpu.memory_space<vmem>>)
      %add3A_278 = arith.constant 80 : i32
      %add3A_279 = arith.addi %mul3A_2, %add3A_278 : i32
      %dma_start3A_280 = arith.constant 0 : i32
      %dma_start3A_281 = tpu.memref_slice %arg7[%add3A_279, %dma_start3A_280] : memref<8192x2048xf32, #tpu.memory_space<hbm>> -> memref<8x2048xf32, #tpu.memory_space<hbm>>
      %dma_start3A_282 = arith.constant 0 : i32
      %dma_start3A_283 = tpu.memref_slice %arg7[%add3A_279, %dma_start3A_282] : memref<8192x2048xf32, #tpu.memory_space<hbm>> -> memref<8x2048xf32, #tpu.memory_space<hbm>>
      tpu.enqueue_dma source(%arg13 : memref<8x2048xf32, #tpu.memory_space<vmem>>) target(%dma_start3A_283 : memref<8x2048xf32, #tpu.memory_space<hbm>>) target_semaphore(%arg25 : memref<!tpu.dma_semaphore, #tpu.memory_space<semaphore_mem>>)
      %add3A_284 = arith.constant 64 : i32
      %add3A_285 = arith.addi %mul3A_2, %add3A_284 : i32
      %dma_wait3A_286 = arith.constant 0 : i32
      %dma_wait3A_287 = tpu.memref_slice %arg7[%add3A_285, %dma_wait3A_286] : memref<8192x2048xf32, #tpu.memory_space<hbm>> -> memref<8x2048xf32, #tpu.memory_space<hbm>>
      %dma_wait3A_288 = arith.constant 0 : i32
      %dma_wait3A_289 = tpu.memref_slice %arg7[%add3A_285, %dma_wait3A_288] : memref<8192x2048xf32, #tpu.memory_space<hbm>> -> memref<8x2048xf32, #tpu.memory_space<hbm>>
      tpu.wait_dma2 semaphore(%arg23 : memref<!tpu.dma_semaphore, #tpu.memory_space<semaphore_mem>>) src(%arg11 : memref<8x2048xf32, #tpu.memory_space<vmem>>) dst(%dma_wait3A_289 : memref<8x2048xf32, #tpu.memory_space<hbm>>)
      %add3A_290 = arith.constant 112 : i32
      %add3A_291 = arith.addi %mul3A_2, %add3A_290 : i32
      %dma_start3A_292 = arith.constant 0 : i32
      %dma_start3A_293 = tpu.memref_slice %arg4[%add3A_291, %dma_start3A_292] : memref<8192x2048xf32, #tpu.memory_space<hbm>> -> memref<8x2048xf32, #tpu.memory_space<hbm>>
      %dma_start3A_294 = arith.constant 0 : i32
      %dma_start3A_295 = tpu.memref_slice %arg4[%add3A_291, %dma_start3A_294] : memref<8192x2048xf32, #tpu.memory_space<hbm>> -> memref<8x2048xf32, #tpu.memory_space<hbm>>
      tpu.enqueue_dma source(%dma_start3A_295 : memref<8x2048xf32, #tpu.memory_space<hbm>>) target(%arg11 : memref<8x2048xf32, #tpu.memory_space<vmem>>) target_semaphore(%arg17 : memref<!tpu.dma_semaphore, #tpu.memory_space<semaphore_mem>>)
      %add3A_296 = arith.constant 88 : i32
      %add3A_297 = arith.addi %mul3A_2, %add3A_296 : i32
      %dma_wait3A_298 = arith.constant 0 : i32
      %dma_wait3A_299 = tpu.memref_slice %arg4[%add3A_297, %dma_wait3A_298] : memref<8192x2048xf32, #tpu.memory_space<hbm>> -> memref<8x2048xf32, #tpu.memory_space<hbm>>
      %dma_wait3A_300 = arith.constant 0 : i32
      %dma_wait3A_301 = tpu.memref_slice %arg4[%add3A_297, %dma_wait3A_300] : memref<8192x2048xf32, #tpu.memory_space<hbm>> -> memref<8x2048xf32, #tpu.memory_space<hbm>>
      tpu.wait_dma2 semaphore(%arg20 : memref<!tpu.dma_semaphore, #tpu.memory_space<semaphore_mem>>) src(%dma_wait3A_301 : memref<8x2048xf32, #tpu.memory_space<hbm>>) dst(%arg14 : memref<8x2048xf32, #tpu.memory_space<vmem>>)
      %add3A_302 = arith.constant 88 : i32
      %add3A_303 = arith.addi %mul3A_2, %add3A_302 : i32
      %dma_start3A_304 = arith.constant 0 : i32
      %dma_start3A_305 = tpu.memref_slice %arg7[%add3A_303, %dma_start3A_304] : memref<8192x2048xf32, #tpu.memory_space<hbm>> -> memref<8x2048xf32, #tpu.memory_space<hbm>>
      %dma_start3A_306 = arith.constant 0 : i32
      %dma_start3A_307 = tpu.memref_slice %arg7[%add3A_303, %dma_start3A_306] : memref<8192x2048xf32, #tpu.memory_space<hbm>> -> memref<8x2048xf32, #tpu.memory_space<hbm>>
      tpu.enqueue_dma source(%arg14 : memref<8x2048xf32, #tpu.memory_space<vmem>>) target(%dma_start3A_307 : memref<8x2048xf32, #tpu.memory_space<hbm>>) target_semaphore(%arg26 : memref<!tpu.dma_semaphore, #tpu.memory_space<semaphore_mem>>)
      %add3A_308 = arith.constant 72 : i32
      %add3A_309 = arith.addi %mul3A_2, %add3A_308 : i32
      %dma_wait3A_310 = arith.constant 0 : i32
      %dma_wait3A_311 = tpu.memref_slice %arg7[%add3A_309, %dma_wait3A_310] : memref<8192x2048xf32, #tpu.memory_space<hbm>> -> memref<8x2048xf32, #tpu.memory_space<hbm>>
      %dma_wait3A_312 = arith.constant 0 : i32
      %dma_wait3A_313 = tpu.memref_slice %arg7[%add3A_309, %dma_wait3A_312] : memref<8192x2048xf32, #tpu.memory_space<hbm>> -> memref<8x2048xf32, #tpu.memory_space<hbm>>
      tpu.wait_dma2 semaphore(%arg24 : memref<!tpu.dma_semaphore, #tpu.memory_space<semaphore_mem>>) src(%arg12 : memref<8x2048xf32, #tpu.memory_space<vmem>>) dst(%dma_wait3A_313 : memref<8x2048xf32, #tpu.memory_space<hbm>>)
      %add3A_314 = arith.constant 120 : i32
      %add3A_315 = arith.addi %mul3A_2, %add3A_314 : i32
      %dma_start3A_316 = arith.constant 0 : i32
      %dma_start3A_317 = tpu.memref_slice %arg4[%add3A_315, %dma_start3A_316] : memref<8192x2048xf32, #tpu.memory_space<hbm>> -> memref<8x2048xf32, #tpu.memory_space<hbm>>
      %dma_start3A_318 = arith.constant 0 : i32
      %dma_start3A_319 = tpu.memref_slice %arg4[%add3A_315, %dma_start3A_318] : memref<8192x2048xf32, #tpu.memory_space<hbm>> -> memref<8x2048xf32, #tpu.memory_space<hbm>>
      tpu.enqueue_dma source(%dma_start3A_319 : memref<8x2048xf32, #tpu.memory_space<hbm>>) target(%arg12 : memref<8x2048xf32, #tpu.memory_space<vmem>>) target_semaphore(%arg18 : memref<!tpu.dma_semaphore, #tpu.memory_space<semaphore_mem>>)
      %add3A_320 = arith.constant 96 : i32
      %add3A_321 = arith.addi %mul3A_2, %add3A_320 : i32
      %dma_wait3A_322 = arith.constant 0 : i32
      %dma_wait3A_323 = tpu.memref_slice %arg4[%add3A_321, %dma_wait3A_322] : memref<8192x2048xf32, #tpu.memory_space<hbm>> -> memref<8x2048xf32, #tpu.memory_space<hbm>>
      %dma_wait3A_324 = arith.constant 0 : i32
      %dma_wait3A_325 = tpu.memref_slice %arg4[%add3A_321, %dma_wait3A_324] : memref<8192x2048xf32, #tpu.memory_space<hbm>> -> memref<8x2048xf32, #tpu.memory_space<hbm>>
      tpu.wait_dma2 semaphore(%arg15 : memref<!tpu.dma_semaphore, #tpu.memory_space<semaphore_mem>>) src(%dma_wait3A_325 : memref<8x2048xf32, #tpu.memory_space<hbm>>) dst(%arg9 : memref<8x2048xf32, #tpu.memory_space<vmem>>)
      %add3A_326 = arith.constant 96 : i32
      %add3A_327 = arith.addi %mul3A_2, %add3A_326 : i32
      %dma_start3A_328 = arith.constant 0 : i32
      %dma_start3A_329 = tpu.memref_slice %arg7[%add3A_327, %dma_start3A_328] : memref<8192x2048xf32, #tpu.memory_space<hbm>> -> memref<8x2048xf32, #tpu.memory_space<hbm>>
      %dma_start3A_330 = arith.constant 0 : i32
      %dma_start3A_331 = tpu.memref_slice %arg7[%add3A_327, %dma_start3A_330] : memref<8192x2048xf32, #tpu.memory_space<hbm>> -> memref<8x2048xf32, #tpu.memory_space<hbm>>
      tpu.enqueue_dma source(%arg9 : memref<8x2048xf32, #tpu.memory_space<vmem>>) target(%dma_start3A_331 : memref<8x2048xf32, #tpu.memory_space<hbm>>) target_semaphore(%arg21 : memref<!tpu.dma_semaphore, #tpu.memory_space<semaphore_mem>>)
      %add3A_332 = arith.constant 80 : i32
      %add3A_333 = arith.addi %mul3A_2, %add3A_332 : i32
      %dma_wait3A_334 = arith.constant 0 : i32
      %dma_wait3A_335 = tpu.memref_slice %arg7[%add3A_333, %dma_wait3A_334] : memref<8192x2048xf32, #tpu.memory_space<hbm>> -> memref<8x2048xf32, #tpu.memory_space<hbm>>
      %dma_wait3A_336 = arith.constant 0 : i32
      %dma_wait3A_337 = tpu.memref_slice %arg7[%add3A_333, %dma_wait3A_336] : memref<8192x2048xf32, #tpu.memory_space<hbm>> -> memref<8x2048xf32, #tpu.memory_space<hbm>>
      tpu.wait_dma2 semaphore(%arg25 : memref<!tpu.dma_semaphore, #tpu.memory_space<semaphore_mem>>) src(%arg13 : memref<8x2048xf32, #tpu.memory_space<vmem>>) dst(%dma_wait3A_337 : memref<8x2048xf32, #tpu.memory_space<hbm>>)
      %add3A_338 = arith.constant 128 : i32
      %add3A_339 = arith.addi %mul3A_2, %add3A_338 : i32
      %dma_start3A_340 = arith.constant 0 : i32
      %dma_start3A_341 = tpu.memref_slice %arg4[%add3A_339, %dma_start3A_340] : memref<8192x2048xf32, #tpu.memory_space<hbm>> -> memref<8x2048xf32, #tpu.memory_space<hbm>>
      %dma_start3A_342 = arith.constant 0 : i32
      %dma_start3A_343 = tpu.memref_slice %arg4[%add3A_339, %dma_start3A_342] : memref<8192x2048xf32, #tpu.memory_space<hbm>> -> memref<8x2048xf32, #tpu.memory_space<hbm>>
      tpu.enqueue_dma source(%dma_start3A_343 : memref<8x2048xf32, #tpu.memory_space<hbm>>) target(%arg13 : memref<8x2048xf32, #tpu.memory_space<vmem>>) target_semaphore(%arg19 : memref<!tpu.dma_semaphore, #tpu.memory_space<semaphore_mem>>)
      %add3A_344 = arith.constant 104 : i32
      %add3A_345 = arith.addi %mul3A_2, %add3A_344 : i32
      %dma_wait3A_346 = arith.constant 0 : i32
      %dma_wait3A_347 = tpu.memref_slice %arg4[%add3A_345, %dma_wait3A_346] : memref<8192x2048xf32, #tpu.memory_space<hbm>> -> memref<8x2048xf32, #tpu.memory_space<hbm>>
      %dma_wait3A_348 = arith.constant 0 : i32
      %dma_wait3A_349 = tpu.memref_slice %arg4[%add3A_345, %dma_wait3A_348] : memref<8192x2048xf32, #tpu.memory_space<hbm>> -> memref<8x2048xf32, #tpu.memory_space<hbm>>
      tpu.wait_dma2 semaphore(%arg16 : memref<!tpu.dma_semaphore, #tpu.memory_space<semaphore_mem>>) src(%dma_wait3A_349 : memref<8x2048xf32, #tpu.memory_space<hbm>>) dst(%arg10 : memref<8x2048xf32, #tpu.memory_space<vmem>>)
      %add3A_350 = arith.constant 104 : i32
      %add3A_351 = arith.addi %mul3A_2, %add3A_350 : i32
      %dma_start3A_352 = arith.constant 0 : i32
      %dma_start3A_353 = tpu.memref_slice %arg7[%add3A_351, %dma_start3A_352] : memref<8192x2048xf32, #tpu.memory_space<hbm>> -> memref<8x2048xf32, #tpu.memory_space<hbm>>
      %dma_start3A_354 = arith.constant 0 : i32
      %dma_start3A_355 = tpu.memref_slice %arg7[%add3A_351, %dma_start3A_354] : memref<8192x2048xf32, #tpu.memory_space<hbm>> -> memref<8x2048xf32, #tpu.memory_space<hbm>>
      tpu.enqueue_dma source(%arg10 : memref<8x2048xf32, #tpu.memory_space<vmem>>) target(%dma_start3A_355 : memref<8x2048xf32, #tpu.memory_space<hbm>>) target_semaphore(%arg22 : memref<!tpu.dma_semaphore, #tpu.memory_space<semaphore_mem>>)
      %add3A_356 = arith.constant 88 : i32
      %add3A_357 = arith.addi %mul3A_2, %add3A_356 : i32
      %dma_wait3A_358 = arith.constant 0 : i32
      %dma_wait3A_359 = tpu.memref_slice %arg7[%add3A_357, %dma_wait3A_358] : memref<8192x2048xf32, #tpu.memory_space<hbm>> -> memref<8x2048xf32, #tpu.memory_space<hbm>>
      %dma_wait3A_360 = arith.constant 0 : i32
      %dma_wait3A_361 = tpu.memref_slice %arg7[%add3A_357, %dma_wait3A_360] : memref<8192x2048xf32, #tpu.memory_space<hbm>> -> memref<8x2048xf32, #tpu.memory_space<hbm>>
      tpu.wait_dma2 semaphore(%arg26 : memref<!tpu.dma_semaphore, #tpu.memory_space<semaphore_mem>>) src(%arg14 : memref<8x2048xf32, #tpu.memory_space<vmem>>) dst(%dma_wait3A_361 : memref<8x2048xf32, #tpu.memory_space<hbm>>)
      %add3A_362 = arith.constant 136 : i32
      %add3A_363 = arith.addi %mul3A_2, %add3A_362 : i32
      %dma_start3A_364 = arith.constant 0 : i32
      %dma_start3A_365 = tpu.memref_slice %arg4[%add3A_363, %dma_start3A_364] : memref<8192x2048xf32, #tpu.memory_space<hbm>> -> memref<8x2048xf32, #tpu.memory_space<hbm>>
      %dma_start3A_366 = arith.constant 0 : i32
      %dma_start3A_367 = tpu.memref_slice %arg4[%add3A_363, %dma_start3A_366] : memref<8192x2048xf32, #tpu.memory_space<hbm>> -> memref<8x2048xf32, #tpu.memory_space<hbm>>
      tpu.enqueue_dma source(%dma_start3A_367 : memref<8x2048xf32, #tpu.memory_space<hbm>>) target(%arg14 : memref<8x2048xf32, #tpu.memory_space<vmem>>) target_semaphore(%arg20 : memref<!tpu.dma_semaphore, #tpu.memory_space<semaphore_mem>>)
      %add3A_368 = arith.constant 112 : i32
      %add3A_369 = arith.addi %mul3A_2, %add3A_368 : i32
      %dma_wait3A_370 = arith.constant 0 : i32
      %dma_wait3A_371 = tpu.memref_slice %arg4[%add3A_369, %dma_wait3A_370] : memref<8192x2048xf32, #tpu.memory_space<hbm>> -> memref<8x2048xf32, #tpu.memory_space<hbm>>
      %dma_wait3A_372 = arith.constant 0 : i32
      %dma_wait3A_373 = tpu.memref_slice %arg4[%add3A_369, %dma_wait3A_372] : memref<8192x2048xf32, #tpu.memory_space<hbm>> -> memref<8x2048xf32, #tpu.memory_space<hbm>>
      tpu.wait_dma2 semaphore(%arg17 : memref<!tpu.dma_semaphore, #tpu.memory_space<semaphore_mem>>) src(%dma_wait3A_373 : memref<8x2048xf32, #tpu.memory_space<hbm>>) dst(%arg11 : memref<8x2048xf32, #tpu.memory_space<vmem>>)
      %add3A_374 = arith.constant 112 : i32
      %add3A_375 = arith.addi %mul3A_2, %add3A_374 : i32
      %dma_start3A_376 = arith.constant 0 : i32
      %dma_start3A_377 = tpu.memref_slice %arg7[%add3A_375, %dma_start3A_376] : memref<8192x2048xf32, #tpu.memory_space<hbm>> -> memref<8x2048xf32, #tpu.memory_space<hbm>>
      %dma_start3A_378 = arith.constant 0 : i32
      %dma_start3A_379 = tpu.memref_slice %arg7[%add3A_375, %dma_start3A_378] : memref<8192x2048xf32, #tpu.memory_space<hbm>> -> memref<8x2048xf32, #tpu.memory_space<hbm>>
      tpu.enqueue_dma source(%arg11 : memref<8x2048xf32, #tpu.memory_space<vmem>>) target(%dma_start3A_379 : memref<8x2048xf32, #tpu.memory_space<hbm>>) target_semaphore(%arg23 : memref<!tpu.dma_semaphore, #tpu.memory_space<semaphore_mem>>)
      %add3A_380 = arith.constant 96 : i32
      %add3A_381 = arith.addi %mul3A_2, %add3A_380 : i32
      %dma_wait3A_382 = arith.constant 0 : i32
      %dma_wait3A_383 = tpu.memref_slice %arg7[%add3A_381, %dma_wait3A_382] : memref<8192x2048xf32, #tpu.memory_space<hbm>> -> memref<8x2048xf32, #tpu.memory_space<hbm>>
      %dma_wait3A_384 = arith.constant 0 : i32
      %dma_wait3A_385 = tpu.memref_slice %arg7[%add3A_381, %dma_wait3A_384] : memref<8192x2048xf32, #tpu.memory_space<hbm>> -> memref<8x2048xf32, #tpu.memory_space<hbm>>
      tpu.wait_dma2 semaphore(%arg21 : memref<!tpu.dma_semaphore, #tpu.memory_space<semaphore_mem>>) src(%arg9 : memref<8x2048xf32, #tpu.memory_space<vmem>>) dst(%dma_wait3A_385 : memref<8x2048xf32, #tpu.memory_space<hbm>>)
      %add3A_386 = arith.constant 144 : i32
      %add3A_387 = arith.addi %mul3A_2, %add3A_386 : i32
      %dma_start3A_388 = arith.constant 0 : i32
      %dma_start3A_389 = tpu.memref_slice %arg4[%add3A_387, %dma_start3A_388] : memref<8192x2048xf32, #tpu.memory_space<hbm>> -> memref<8x2048xf32, #tpu.memory_space<hbm>>
      %dma_start3A_390 = arith.constant 0 : i32
      %dma_start3A_391 = tpu.memref_slice %arg4[%add3A_387, %dma_start3A_390] : memref<8192x2048xf32, #tpu.memory_space<hbm>> -> memref<8x2048xf32, #tpu.memory_space<hbm>>
      tpu.enqueue_dma source(%dma_start3A_391 : memref<8x2048xf32, #tpu.memory_space<hbm>>) target(%arg9 : memref<8x2048xf32, #tpu.memory_space<vmem>>) target_semaphore(%arg15 : memref<!tpu.dma_semaphore, #tpu.memory_space<semaphore_mem>>)
      %add3A_392 = arith.constant 120 : i32
      %add3A_393 = arith.addi %mul3A_2, %add3A_392 : i32
      %dma_wait3A_394 = arith.constant 0 : i32
      %dma_wait3A_395 = tpu.memref_slice %arg4[%add3A_393, %dma_wait3A_394] : memref<8192x2048xf32, #tpu.memory_space<hbm>> -> memref<8x2048xf32, #tpu.memory_space<hbm>>
      %dma_wait3A_396 = arith.constant 0 : i32
      %dma_wait3A_397 = tpu.memref_slice %arg4[%add3A_393, %dma_wait3A_396] : memref<8192x2048xf32, #tpu.memory_space<hbm>> -> memref<8x2048xf32, #tpu.memory_space<hbm>>
      tpu.wait_dma2 semaphore(%arg18 : memref<!tpu.dma_semaphore, #tpu.memory_space<semaphore_mem>>) src(%dma_wait3A_397 : memref<8x2048xf32, #tpu.memory_space<hbm>>) dst(%arg12 : memref<8x2048xf32, #tpu.memory_space<vmem>>)
      %add3A_398 = arith.constant 120 : i32
      %add3A_399 = arith.addi %mul3A_2, %add3A_398 : i32
      %dma_start3A_400 = arith.constant 0 : i32
      %dma_start3A_401 = tpu.memref_slice %arg7[%add3A_399, %dma_start3A_400] : memref<8192x2048xf32, #tpu.memory_space<hbm>> -> memref<8x2048xf32, #tpu.memory_space<hbm>>
      %dma_start3A_402 = arith.constant 0 : i32
      %dma_start3A_403 = tpu.memref_slice %arg7[%add3A_399, %dma_start3A_402] : memref<8192x2048xf32, #tpu.memory_space<hbm>> -> memref<8x2048xf32, #tpu.memory_space<hbm>>
      tpu.enqueue_dma source(%arg12 : memref<8x2048xf32, #tpu.memory_space<vmem>>) target(%dma_start3A_403 : memref<8x2048xf32, #tpu.memory_space<hbm>>) target_semaphore(%arg24 : memref<!tpu.dma_semaphore, #tpu.memory_space<semaphore_mem>>)
      %add3A_404 = arith.constant 104 : i32
      %add3A_405 = arith.addi %mul3A_2, %add3A_404 : i32
      %dma_wait3A_406 = arith.constant 0 : i32
      %dma_wait3A_407 = tpu.memref_slice %arg7[%add3A_405, %dma_wait3A_406] : memref<8192x2048xf32, #tpu.memory_space<hbm>> -> memref<8x2048xf32, #tpu.memory_space<hbm>>
      %dma_wait3A_408 = arith.constant 0 : i32
      %dma_wait3A_409 = tpu.memref_slice %arg7[%add3A_405, %dma_wait3A_408] : memref<8192x2048xf32, #tpu.memory_space<hbm>> -> memref<8x2048xf32, #tpu.memory_space<hbm>>
      tpu.wait_dma2 semaphore(%arg22 : memref<!tpu.dma_semaphore, #tpu.memory_space<semaphore_mem>>) src(%arg10 : memref<8x2048xf32, #tpu.memory_space<vmem>>) dst(%dma_wait3A_409 : memref<8x2048xf32, #tpu.memory_space<hbm>>)
      %add3A_410 = arith.constant 152 : i32
      %add3A_411 = arith.addi %mul3A_2, %add3A_410 : i32
      %dma_start3A_412 = arith.constant 0 : i32
      %dma_start3A_413 = tpu.memref_slice %arg4[%add3A_411, %dma_start3A_412] : memref<8192x2048xf32, #tpu.memory_space<hbm>> -> memref<8x2048xf32, #tpu.memory_space<hbm>>
      %dma_start3A_414 = arith.constant 0 : i32
      %dma_start3A_415 = tpu.memref_slice %arg4[%add3A_411, %dma_start3A_414] : memref<8192x2048xf32, #tpu.memory_space<hbm>> -> memref<8x2048xf32, #tpu.memory_space<hbm>>
      tpu.enqueue_dma source(%dma_start3A_415 : memref<8x2048xf32, #tpu.memory_space<hbm>>) target(%arg10 : memref<8x2048xf32, #tpu.memory_space<vmem>>) target_semaphore(%arg16 : memref<!tpu.dma_semaphore, #tpu.memory_space<semaphore_mem>>)
      %add3A_416 = arith.constant 128 : i32
      %add3A_417 = arith.addi %mul3A_2, %add3A_416 : i32
      %dma_wait3A_418 = arith.constant 0 : i32
      %dma_wait3A_419 = tpu.memref_slice %arg4[%add3A_417, %dma_wait3A_418] : memref<8192x2048xf32, #tpu.memory_space<hbm>> -> memref<8x2048xf32, #tpu.memory_space<hbm>>
      %dma_wait3A_420 = arith.constant 0 : i32
      %dma_wait3A_421 = tpu.memref_slice %arg4[%add3A_417, %dma_wait3A_420] : memref<8192x2048xf32, #tpu.memory_space<hbm>> -> memref<8x2048xf32, #tpu.memory_space<hbm>>
      tpu.wait_dma2 semaphore(%arg19 : memref<!tpu.dma_semaphore, #tpu.memory_space<semaphore_mem>>) src(%dma_wait3A_421 : memref<8x2048xf32, #tpu.memory_space<hbm>>) dst(%arg13 : memref<8x2048xf32, #tpu.memory_space<vmem>>)
      %add3A_422 = arith.constant 128 : i32
      %add3A_423 = arith.addi %mul3A_2, %add3A_422 : i32
      %dma_start3A_424 = arith.constant 0 : i32
      %dma_start3A_425 = tpu.memref_slice %arg7[%add3A_423, %dma_start3A_424] : memref<8192x2048xf32, #tpu.memory_space<hbm>> -> memref<8x2048xf32, #tpu.memory_space<hbm>>
      %dma_start3A_426 = arith.constant 0 : i32
      %dma_start3A_427 = tpu.memref_slice %arg7[%add3A_423, %dma_start3A_426] : memref<8192x2048xf32, #tpu.memory_space<hbm>> -> memref<8x2048xf32, #tpu.memory_space<hbm>>
      tpu.enqueue_dma source(%arg13 : memref<8x2048xf32, #tpu.memory_space<vmem>>) target(%dma_start3A_427 : memref<8x2048xf32, #tpu.memory_space<hbm>>) target_semaphore(%arg25 : memref<!tpu.dma_semaphore, #tpu.memory_space<semaphore_mem>>)
      %add3A_428 = arith.constant 112 : i32
      %add3A_429 = arith.addi %mul3A_2, %add3A_428 : i32
      %dma_wait3A_430 = arith.constant 0 : i32
      %dma_wait3A_431 = tpu.memref_slice %arg7[%add3A_429, %dma_wait3A_430] : memref<8192x2048xf32, #tpu.memory_space<hbm>> -> memref<8x2048xf32, #tpu.memory_space<hbm>>
      %dma_wait3A_432 = arith.constant 0 : i32
      %dma_wait3A_433 = tpu.memref_slice %arg7[%add3A_429, %dma_wait3A_432] : memref<8192x2048xf32, #tpu.memory_space<hbm>> -> memref<8x2048xf32, #tpu.memory_space<hbm>>
      tpu.wait_dma2 semaphore(%arg23 : memref<!tpu.dma_semaphore, #tpu.memory_space<semaphore_mem>>) src(%arg11 : memref<8x2048xf32, #tpu.memory_space<vmem>>) dst(%dma_wait3A_433 : memref<8x2048xf32, #tpu.memory_space<hbm>>)
      %add3A_434 = arith.constant 160 : i32
      %add3A_435 = arith.addi %mul3A_2, %add3A_434 : i32
      %dma_start3A_436 = arith.constant 0 : i32
      %dma_start3A_437 = tpu.memref_slice %arg4[%add3A_435, %dma_start3A_436] : memref<8192x2048xf32, #tpu.memory_space<hbm>> -> memref<8x2048xf32, #tpu.memory_space<hbm>>
      %dma_start3A_438 = arith.constant 0 : i32
      %dma_start3A_439 = tpu.memref_slice %arg4[%add3A_435, %dma_start3A_438] : memref<8192x2048xf32, #tpu.memory_space<hbm>> -> memref<8x2048xf32, #tpu.memory_space<hbm>>
      tpu.enqueue_dma source(%dma_start3A_439 : memref<8x2048xf32, #tpu.memory_space<hbm>>) target(%arg11 : memref<8x2048xf32, #tpu.memory_space<vmem>>) target_semaphore(%arg17 : memref<!tpu.dma_semaphore, #tpu.memory_space<semaphore_mem>>)
      %add3A_440 = arith.constant 136 : i32
      %add3A_441 = arith.addi %mul3A_2, %add3A_440 : i32
      %dma_wait3A_442 = arith.constant 0 : i32
      %dma_wait3A_443 = tpu.memref_slice %arg4[%add3A_441, %dma_wait3A_442] : memref<8192x2048xf32, #tpu.memory_space<hbm>> -> memref<8x2048xf32, #tpu.memory_space<hbm>>
      %dma_wait3A_444 = arith.constant 0 : i32
      %dma_wait3A_445 = tpu.memref_slice %arg4[%add3A_441, %dma_wait3A_444] : memref<8192x2048xf32, #tpu.memory_space<hbm>> -> memref<8x2048xf32, #tpu.memory_space<hbm>>
      tpu.wait_dma2 semaphore(%arg20 : memref<!tpu.dma_semaphore, #tpu.memory_space<semaphore_mem>>) src(%dma_wait3A_445 : memref<8x2048xf32, #tpu.memory_space<hbm>>) dst(%arg14 : memref<8x2048xf32, #tpu.memory_space<vmem>>)
      %add3A_446 = arith.constant 136 : i32
      %add3A_447 = arith.addi %mul3A_2, %add3A_446 : i32
      %dma_start3A_448 = arith.constant 0 : i32
      %dma_start3A_449 = tpu.memref_slice %arg7[%add3A_447, %dma_start3A_448] : memref<8192x2048xf32, #tpu.memory_space<hbm>> -> memref<8x2048xf32, #tpu.memory_space<hbm>>
      %dma_start3A_450 = arith.constant 0 : i32
      %dma_start3A_451 = tpu.memref_slice %arg7[%add3A_447, %dma_start3A_450] : memref<8192x2048xf32, #tpu.memory_space<hbm>> -> memref<8x2048xf32, #tpu.memory_space<hbm>>
      tpu.enqueue_dma source(%arg14 : memref<8x2048xf32, #tpu.memory_space<vmem>>) target(%dma_start3A_451 : memref<8x2048xf32, #tpu.memory_space<hbm>>) target_semaphore(%arg26 : memref<!tpu.dma_semaphore, #tpu.memory_space<semaphore_mem>>)
      %add3A_452 = arith.constant 120 : i32
      %add3A_453 = arith.addi %mul3A_2, %add3A_452 : i32
      %dma_wait3A_454 = arith.constant 0 : i32
      %dma_wait3A_455 = tpu.memref_slice %arg7[%add3A_453, %dma_wait3A_454] : memref<8192x2048xf32, #tpu.memory_space<hbm>> -> memref<8x2048xf32, #tpu.memory_space<hbm>>
      %dma_wait3A_456 = arith.constant 0 : i32
      %dma_wait3A_457 = tpu.memref_slice %arg7[%add3A_453, %dma_wait3A_456] : memref<8192x2048xf32, #tpu.memory_space<hbm>> -> memref<8x2048xf32, #tpu.memory_space<hbm>>
      tpu.wait_dma2 semaphore(%arg24 : memref<!tpu.dma_semaphore, #tpu.memory_space<semaphore_mem>>) src(%arg12 : memref<8x2048xf32, #tpu.memory_space<vmem>>) dst(%dma_wait3A_457 : memref<8x2048xf32, #tpu.memory_space<hbm>>)
      %add3A_458 = arith.constant 168 : i32
      %add3A_459 = arith.addi %mul3A_2, %add3A_458 : i32
      %dma_start3A_460 = arith.constant 0 : i32
      %dma_start3A_461 = tpu.memref_slice %arg4[%add3A_459, %dma_start3A_460] : memref<8192x2048xf32, #tpu.memory_space<hbm>> -> memref<8x2048xf32, #tpu.memory_space<hbm>>
      %dma_start3A_462 = arith.constant 0 : i32
      %dma_start3A_463 = tpu.memref_slice %arg4[%add3A_459, %dma_start3A_462] : memref<8192x2048xf32, #tpu.memory_space<hbm>> -> memref<8x2048xf32, #tpu.memory_space<hbm>>
      tpu.enqueue_dma source(%dma_start3A_463 : memref<8x2048xf32, #tpu.memory_space<hbm>>) target(%arg12 : memref<8x2048xf32, #tpu.memory_space<vmem>>) target_semaphore(%arg18 : memref<!tpu.dma_semaphore, #tpu.memory_space<semaphore_mem>>)
      %add3A_464 = arith.constant 144 : i32
      %add3A_465 = arith.addi %mul3A_2, %add3A_464 : i32
      %dma_wait3A_466 = arith.constant 0 : i32
      %dma_wait3A_467 = tpu.memref_slice %arg4[%add3A_465, %dma_wait3A_466] : memref<8192x2048xf32, #tpu.memory_space<hbm>> -> memref<8x2048xf32, #tpu.memory_space<hbm>>
      %dma_wait3A_468 = arith.constant 0 : i32
      %dma_wait3A_469 = tpu.memref_slice %arg4[%add3A_465, %dma_wait3A_468] : memref<8192x2048xf32, #tpu.memory_space<hbm>> -> memref<8x2048xf32, #tpu.memory_space<hbm>>
      tpu.wait_dma2 semaphore(%arg15 : memref<!tpu.dma_semaphore, #tpu.memory_space<semaphore_mem>>) src(%dma_wait3A_469 : memref<8x2048xf32, #tpu.memory_space<hbm>>) dst(%arg9 : memref<8x2048xf32, #tpu.memory_space<vmem>>)
      %add3A_470 = arith.constant 144 : i32
      %add3A_471 = arith.addi %mul3A_2, %add3A_470 : i32
      %dma_start3A_472 = arith.constant 0 : i32
      %dma_start3A_473 = tpu.memref_slice %arg7[%add3A_471, %dma_start3A_472] : memref<8192x2048xf32, #tpu.memory_space<hbm>> -> memref<8x2048xf32, #tpu.memory_space<hbm>>
      %dma_start3A_474 = arith.constant 0 : i32
      %dma_start3A_475 = tpu.memref_slice %arg7[%add3A_471, %dma_start3A_474] : memref<8192x2048xf32, #tpu.memory_space<hbm>> -> memref<8x2048xf32, #tpu.memory_space<hbm>>
      tpu.enqueue_dma source(%arg9 : memref<8x2048xf32, #tpu.memory_space<vmem>>) target(%dma_start3A_475 : memref<8x2048xf32, #tpu.memory_space<hbm>>) target_semaphore(%arg21 : memref<!tpu.dma_semaphore, #tpu.memory_space<semaphore_mem>>)
      %add3A_476 = arith.constant 128 : i32
      %add3A_477 = arith.addi %mul3A_2, %add3A_476 : i32
      %dma_wait3A_478 = arith.constant 0 : i32
      %dma_wait3A_479 = tpu.memref_slice %arg7[%add3A_477, %dma_wait3A_478] : memref<8192x2048xf32, #tpu.memory_space<hbm>> -> memref<8x2048xf32, #tpu.memory_space<hbm>>
      %dma_wait3A_480 = arith.constant 0 : i32
      %dma_wait3A_481 = tpu.memref_slice %arg7[%add3A_477, %dma_wait3A_480] : memref<8192x2048xf32, #tpu.memory_space<hbm>> -> memref<8x2048xf32, #tpu.memory_space<hbm>>
      tpu.wait_dma2 semaphore(%arg25 : memref<!tpu.dma_semaphore, #tpu.memory_space<semaphore_mem>>) src(%arg13 : memref<8x2048xf32, #tpu.memory_space<vmem>>) dst(%dma_wait3A_481 : memref<8x2048xf32, #tpu.memory_space<hbm>>)
      %add3A_482 = arith.constant 176 : i32
      %add3A_483 = arith.addi %mul3A_2, %add3A_482 : i32
      %dma_start3A_484 = arith.constant 0 : i32
      %dma_start3A_485 = tpu.memref_slice %arg4[%add3A_483, %dma_start3A_484] : memref<8192x2048xf32, #tpu.memory_space<hbm>> -> memref<8x2048xf32, #tpu.memory_space<hbm>>
      %dma_start3A_486 = arith.constant 0 : i32
      %dma_start3A_487 = tpu.memref_slice %arg4[%add3A_483, %dma_start3A_486] : memref<8192x2048xf32, #tpu.memory_space<hbm>> -> memref<8x2048xf32, #tpu.memory_space<hbm>>
      tpu.enqueue_dma source(%dma_start3A_487 : memref<8x2048xf32, #tpu.memory_space<hbm>>) target(%arg13 : memref<8x2048xf32, #tpu.memory_space<vmem>>) target_semaphore(%arg19 : memref<!tpu.dma_semaphore, #tpu.memory_space<semaphore_mem>>)
      %add3A_488 = arith.constant 152 : i32
      %add3A_489 = arith.addi %mul3A_2, %add3A_488 : i32
      %dma_wait3A_490 = arith.constant 0 : i32
      %dma_wait3A_491 = tpu.memref_slice %arg4[%add3A_489, %dma_wait3A_490] : memref<8192x2048xf32, #tpu.memory_space<hbm>> -> memref<8x2048xf32, #tpu.memory_space<hbm>>
      %dma_wait3A_492 = arith.constant 0 : i32
      %dma_wait3A_493 = tpu.memref_slice %arg4[%add3A_489, %dma_wait3A_492] : memref<8192x2048xf32, #tpu.memory_space<hbm>> -> memref<8x2048xf32, #tpu.memory_space<hbm>>
      tpu.wait_dma2 semaphore(%arg16 : memref<!tpu.dma_semaphore, #tpu.memory_space<semaphore_mem>>) src(%dma_wait3A_493 : memref<8x2048xf32, #tpu.memory_space<hbm>>) dst(%arg10 : memref<8x2048xf32, #tpu.memory_space<vmem>>)
      %add3A_494 = arith.constant 152 : i32
      %add3A_495 = arith.addi %mul3A_2, %add3A_494 : i32
      %dma_start3A_496 = arith.constant 0 : i32
      %dma_start3A_497 = tpu.memref_slice %arg7[%add3A_495, %dma_start3A_496] : memref<8192x2048xf32, #tpu.memory_space<hbm>> -> memref<8x2048xf32, #tpu.memory_space<hbm>>
      %dma_start3A_498 = arith.constant 0 : i32
      %dma_start3A_499 = tpu.memref_slice %arg7[%add3A_495, %dma_start3A_498] : memref<8192x2048xf32, #tpu.memory_space<hbm>> -> memref<8x2048xf32, #tpu.memory_space<hbm>>
      tpu.enqueue_dma source(%arg10 : memref<8x2048xf32, #tpu.memory_space<vmem>>) target(%dma_start3A_499 : memref<8x2048xf32, #tpu.memory_space<hbm>>) target_semaphore(%arg22 : memref<!tpu.dma_semaphore, #tpu.memory_space<semaphore_mem>>)
      %add3A_500 = arith.constant 136 : i32
      %add3A_501 = arith.addi %mul3A_2, %add3A_500 : i32
      %dma_wait3A_502 = arith.constant 0 : i32
      %dma_wait3A_503 = tpu.memref_slice %arg7[%add3A_501, %dma_wait3A_502] : memref<8192x2048xf32, #tpu.memory_space<hbm>> -> memref<8x2048xf32, #tpu.memory_space<hbm>>
      %dma_wait3A_504 = arith.constant 0 : i32
      %dma_wait3A_505 = tpu.memref_slice %arg7[%add3A_501, %dma_wait3A_504] : memref<8192x2048xf32, #tpu.memory_space<hbm>> -> memref<8x2048xf32, #tpu.memory_space<hbm>>
      tpu.wait_dma2 semaphore(%arg26 : memref<!tpu.dma_semaphore, #tpu.memory_space<semaphore_mem>>) src(%arg14 : memref<8x2048xf32, #tpu.memory_space<vmem>>) dst(%dma_wait3A_505 : memref<8x2048xf32, #tpu.memory_space<hbm>>)
      %add3A_506 = arith.constant 184 : i32
      %add3A_507 = arith.addi %mul3A_2, %add3A_506 : i32
      %dma_start3A_508 = arith.constant 0 : i32
      %dma_start3A_509 = tpu.memref_slice %arg4[%add3A_507, %dma_start3A_508] : memref<8192x2048xf32, #tpu.memory_space<hbm>> -> memref<8x2048xf32, #tpu.memory_space<hbm>>
      %dma_start3A_510 = arith.constant 0 : i32
      %dma_start3A_511 = tpu.memref_slice %arg4[%add3A_507, %dma_start3A_510] : memref<8192x2048xf32, #tpu.memory_space<hbm>> -> memref<8x2048xf32, #tpu.memory_space<hbm>>
      tpu.enqueue_dma source(%dma_start3A_511 : memref<8x2048xf32, #tpu.memory_space<hbm>>) target(%arg14 : memref<8x2048xf32, #tpu.memory_space<vmem>>) target_semaphore(%arg20 : memref<!tpu.dma_semaphore, #tpu.memory_space<semaphore_mem>>)
      %add3A_512 = arith.constant 160 : i32
      %add3A_513 = arith.addi %mul3A_2, %add3A_512 : i32
      %dma_wait3A_514 = arith.constant 0 : i32
      %dma_wait3A_515 = tpu.memref_slice %arg4[%add3A_513, %dma_wait3A_514] : memref<8192x2048xf32, #tpu.memory_space<hbm>> -> memref<8x2048xf32, #tpu.memory_space<hbm>>
      %dma_wait3A_516 = arith.constant 0 : i32
      %dma_wait3A_517 = tpu.memref_slice %arg4[%add3A_513, %dma_wait3A_516] : memref<8192x2048xf32, #tpu.memory_space<hbm>> -> memref<8x2048xf32, #tpu.memory_space<hbm>>
      tpu.wait_dma2 semaphore(%arg17 : memref<!tpu.dma_semaphore, #tpu.memory_space<semaphore_mem>>) src(%dma_wait3A_517 : memref<8x2048xf32, #tpu.memory_space<hbm>>) dst(%arg11 : memref<8x2048xf32, #tpu.memory_space<vmem>>)
      %add3A_518 = arith.constant 160 : i32
      %add3A_519 = arith.addi %mul3A_2, %add3A_518 : i32
      %dma_start3A_520 = arith.constant 0 : i32
      %dma_start3A_521 = tpu.memref_slice %arg7[%add3A_519, %dma_start3A_520] : memref<8192x2048xf32, #tpu.memory_space<hbm>> -> memref<8x2048xf32, #tpu.memory_space<hbm>>
      %dma_start3A_522 = arith.constant 0 : i32
      %dma_start3A_523 = tpu.memref_slice %arg7[%add3A_519, %dma_start3A_522] : memref<8192x2048xf32, #tpu.memory_space<hbm>> -> memref<8x2048xf32, #tpu.memory_space<hbm>>
      tpu.enqueue_dma source(%arg11 : memref<8x2048xf32, #tpu.memory_space<vmem>>) target(%dma_start3A_523 : memref<8x2048xf32, #tpu.memory_space<hbm>>) target_semaphore(%arg23 : memref<!tpu.dma_semaphore, #tpu.memory_space<semaphore_mem>>)
      %add3A_524 = arith.constant 144 : i32
      %add3A_525 = arith.addi %mul3A_2, %add3A_524 : i32
      %dma_wait3A_526 = arith.constant 0 : i32
      %dma_wait3A_527 = tpu.memref_slice %arg7[%add3A_525, %dma_wait3A_526] : memref<8192x2048xf32, #tpu.memory_space<hbm>> -> memref<8x2048xf32, #tpu.memory_space<hbm>>
      %dma_wait3A_528 = arith.constant 0 : i32
      %dma_wait3A_529 = tpu.memref_slice %arg7[%add3A_525, %dma_wait3A_528] : memref<8192x2048xf32, #tpu.memory_space<hbm>> -> memref<8x2048xf32, #tpu.memory_space<hbm>>
      tpu.wait_dma2 semaphore(%arg21 : memref<!tpu.dma_semaphore, #tpu.memory_space<semaphore_mem>>) src(%arg9 : memref<8x2048xf32, #tpu.memory_space<vmem>>) dst(%dma_wait3A_529 : memref<8x2048xf32, #tpu.memory_space<hbm>>)
      %add3A_530 = arith.constant 192 : i32
      %add3A_531 = arith.addi %mul3A_2, %add3A_530 : i32
      %dma_start3A_532 = arith.constant 0 : i32
      %dma_start3A_533 = tpu.memref_slice %arg4[%add3A_531, %dma_start3A_532] : memref<8192x2048xf32, #tpu.memory_space<hbm>> -> memref<8x2048xf32, #tpu.memory_space<hbm>>
      %dma_start3A_534 = arith.constant 0 : i32
      %dma_start3A_535 = tpu.memref_slice %arg4[%add3A_531, %dma_start3A_534] : memref<8192x2048xf32, #tpu.memory_space<hbm>> -> memref<8x2048xf32, #tpu.memory_space<hbm>>
      tpu.enqueue_dma source(%dma_start3A_535 : memref<8x2048xf32, #tpu.memory_space<hbm>>) target(%arg9 : memref<8x2048xf32, #tpu.memory_space<vmem>>) target_semaphore(%arg15 : memref<!tpu.dma_semaphore, #tpu.memory_space<semaphore_mem>>)
      %add3A_536 = arith.constant 168 : i32
      %add3A_537 = arith.addi %mul3A_2, %add3A_536 : i32
      %dma_wait3A_538 = arith.constant 0 : i32
      %dma_wait3A_539 = tpu.memref_slice %arg4[%add3A_537, %dma_wait3A_538] : memref<8192x2048xf32, #tpu.memory_space<hbm>> -> memref<8x2048xf32, #tpu.memory_space<hbm>>
      %dma_wait3A_540 = arith.constant 0 : i32
      %dma_wait3A_541 = tpu.memref_slice %arg4[%add3A_537, %dma_wait3A_540] : memref<8192x2048xf32, #tpu.memory_space<hbm>> -> memref<8x2048xf32, #tpu.memory_space<hbm>>
      tpu.wait_dma2 semaphore(%arg18 : memref<!tpu.dma_semaphore, #tpu.memory_space<semaphore_mem>>) src(%dma_wait3A_541 : memref<8x2048xf32, #tpu.memory_space<hbm>>) dst(%arg12 : memref<8x2048xf32, #tpu.memory_space<vmem>>)
      %add3A_542 = arith.constant 168 : i32
      %add3A_543 = arith.addi %mul3A_2, %add3A_542 : i32
      %dma_start3A_544 = arith.constant 0 : i32
      %dma_start3A_545 = tpu.memref_slice %arg7[%add3A_543, %dma_start3A_544] : memref<8192x2048xf32, #tpu.memory_space<hbm>> -> memref<8x2048xf32, #tpu.memory_space<hbm>>
      %dma_start3A_546 = arith.constant 0 : i32
      %dma_start3A_547 = tpu.memref_slice %arg7[%add3A_543, %dma_start3A_546] : memref<8192x2048xf32, #tpu.memory_space<hbm>> -> memref<8x2048xf32, #tpu.memory_space<hbm>>
      tpu.enqueue_dma source(%arg12 : memref<8x2048xf32, #tpu.memory_space<vmem>>) target(%dma_start3A_547 : memref<8x2048xf32, #tpu.memory_space<hbm>>) target_semaphore(%arg24 : memref<!tpu.dma_semaphore, #tpu.memory_space<semaphore_mem>>)
      %add3A_548 = arith.constant 152 : i32
      %add3A_549 = arith.addi %mul3A_2, %add3A_548 : i32
      %dma_wait3A_550 = arith.constant 0 : i32
      %dma_wait3A_551 = tpu.memref_slice %arg7[%add3A_549, %dma_wait3A_550] : memref<8192x2048xf32, #tpu.memory_space<hbm>> -> memref<8x2048xf32, #tpu.memory_space<hbm>>
      %dma_wait3A_552 = arith.constant 0 : i32
      %dma_wait3A_553 = tpu.memref_slice %arg7[%add3A_549, %dma_wait3A_552] : memref<8192x2048xf32, #tpu.memory_space<hbm>> -> memref<8x2048xf32, #tpu.memory_space<hbm>>
      tpu.wait_dma2 semaphore(%arg22 : memref<!tpu.dma_semaphore, #tpu.memory_space<semaphore_mem>>) src(%arg10 : memref<8x2048xf32, #tpu.memory_space<vmem>>) dst(%dma_wait3A_553 : memref<8x2048xf32, #tpu.memory_space<hbm>>)
      %add3A_554 = arith.constant 200 : i32
      %add3A_555 = arith.addi %mul3A_2, %add3A_554 : i32
      %dma_start3A_556 = arith.constant 0 : i32
      %dma_start3A_557 = tpu.memref_slice %arg4[%add3A_555, %dma_start3A_556] : memref<8192x2048xf32, #tpu.memory_space<hbm>> -> memref<8x2048xf32, #tpu.memory_space<hbm>>
      %dma_start3A_558 = arith.constant 0 : i32
      %dma_start3A_559 = tpu.memref_slice %arg4[%add3A_555, %dma_start3A_558] : memref<8192x2048xf32, #tpu.memory_space<hbm>> -> memref<8x2048xf32, #tpu.memory_space<hbm>>
      tpu.enqueue_dma source(%dma_start3A_559 : memref<8x2048xf32, #tpu.memory_space<hbm>>) target(%arg10 : memref<8x2048xf32, #tpu.memory_space<vmem>>) target_semaphore(%arg16 : memref<!tpu.dma_semaphore, #tpu.memory_space<semaphore_mem>>)
      %add3A_560 = arith.constant 176 : i32
      %add3A_561 = arith.addi %mul3A_2, %add3A_560 : i32
      %dma_wait3A_562 = arith.constant 0 : i32
      %dma_wait3A_563 = tpu.memref_slice %arg4[%add3A_561, %dma_wait3A_562] : memref<8192x2048xf32, #tpu.memory_space<hbm>> -> memref<8x2048xf32, #tpu.memory_space<hbm>>
      %dma_wait3A_564 = arith.constant 0 : i32
      %dma_wait3A_565 = tpu.memref_slice %arg4[%add3A_561, %dma_wait3A_564] : memref<8192x2048xf32, #tpu.memory_space<hbm>> -> memref<8x2048xf32, #tpu.memory_space<hbm>>
      tpu.wait_dma2 semaphore(%arg19 : memref<!tpu.dma_semaphore, #tpu.memory_space<semaphore_mem>>) src(%dma_wait3A_565 : memref<8x2048xf32, #tpu.memory_space<hbm>>) dst(%arg13 : memref<8x2048xf32, #tpu.memory_space<vmem>>)
      %add3A_566 = arith.constant 176 : i32
      %add3A_567 = arith.addi %mul3A_2, %add3A_566 : i32
      %dma_start3A_568 = arith.constant 0 : i32
      %dma_start3A_569 = tpu.memref_slice %arg7[%add3A_567, %dma_start3A_568] : memref<8192x2048xf32, #tpu.memory_space<hbm>> -> memref<8x2048xf32, #tpu.memory_space<hbm>>
      %dma_start3A_570 = arith.constant 0 : i32
      %dma_start3A_571 = tpu.memref_slice %arg7[%add3A_567, %dma_start3A_570] : memref<8192x2048xf32, #tpu.memory_space<hbm>> -> memref<8x2048xf32, #tpu.memory_space<hbm>>
      tpu.enqueue_dma source(%arg13 : memref<8x2048xf32, #tpu.memory_space<vmem>>) target(%dma_start3A_571 : memref<8x2048xf32, #tpu.memory_space<hbm>>) target_semaphore(%arg25 : memref<!tpu.dma_semaphore, #tpu.memory_space<semaphore_mem>>)
      %add3A_572 = arith.constant 160 : i32
      %add3A_573 = arith.addi %mul3A_2, %add3A_572 : i32
      %dma_wait3A_574 = arith.constant 0 : i32
      %dma_wait3A_575 = tpu.memref_slice %arg7[%add3A_573, %dma_wait3A_574] : memref<8192x2048xf32, #tpu.memory_space<hbm>> -> memref<8x2048xf32, #tpu.memory_space<hbm>>
      %dma_wait3A_576 = arith.constant 0 : i32
      %dma_wait3A_577 = tpu.memref_slice %arg7[%add3A_573, %dma_wait3A_576] : memref<8192x2048xf32, #tpu.memory_space<hbm>> -> memref<8x2048xf32, #tpu.memory_space<hbm>>
      tpu.wait_dma2 semaphore(%arg23 : memref<!tpu.dma_semaphore, #tpu.memory_space<semaphore_mem>>) src(%arg11 : memref<8x2048xf32, #tpu.memory_space<vmem>>) dst(%dma_wait3A_577 : memref<8x2048xf32, #tpu.memory_space<hbm>>)
      %add3A_578 = arith.constant 208 : i32
      %add3A_579 = arith.addi %mul3A_2, %add3A_578 : i32
      %dma_start3A_580 = arith.constant 0 : i32
      %dma_start3A_581 = tpu.memref_slice %arg4[%add3A_579, %dma_start3A_580] : memref<8192x2048xf32, #tpu.memory_space<hbm>> -> memref<8x2048xf32, #tpu.memory_space<hbm>>
      %dma_start3A_582 = arith.constant 0 : i32
      %dma_start3A_583 = tpu.memref_slice %arg4[%add3A_579, %dma_start3A_582] : memref<8192x2048xf32, #tpu.memory_space<hbm>> -> memref<8x2048xf32, #tpu.memory_space<hbm>>
      tpu.enqueue_dma source(%dma_start3A_583 : memref<8x2048xf32, #tpu.memory_space<hbm>>) target(%arg11 : memref<8x2048xf32, #tpu.memory_space<vmem>>) target_semaphore(%arg17 : memref<!tpu.dma_semaphore, #tpu.memory_space<semaphore_mem>>)
      %add3A_584 = arith.constant 184 : i32
      %add3A_585 = arith.addi %mul3A_2, %add3A_584 : i32
      %dma_wait3A_586 = arith.constant 0 : i32
      %dma_wait3A_587 = tpu.memref_slice %arg4[%add3A_585, %dma_wait3A_586] : memref<8192x2048xf32, #tpu.memory_space<hbm>> -> memref<8x2048xf32, #tpu.memory_space<hbm>>
      %dma_wait3A_588 = arith.constant 0 : i32
      %dma_wait3A_589 = tpu.memref_slice %arg4[%add3A_585, %dma_wait3A_588] : memref<8192x2048xf32, #tpu.memory_space<hbm>> -> memref<8x2048xf32, #tpu.memory_space<hbm>>
      tpu.wait_dma2 semaphore(%arg20 : memref<!tpu.dma_semaphore, #tpu.memory_space<semaphore_mem>>) src(%dma_wait3A_589 : memref<8x2048xf32, #tpu.memory_space<hbm>>) dst(%arg14 : memref<8x2048xf32, #tpu.memory_space<vmem>>)
      %add3A_590 = arith.constant 184 : i32
      %add3A_591 = arith.addi %mul3A_2, %add3A_590 : i32
      %dma_start3A_592 = arith.constant 0 : i32
      %dma_start3A_593 = tpu.memref_slice %arg7[%add3A_591, %dma_start3A_592] : memref<8192x2048xf32, #tpu.memory_space<hbm>> -> memref<8x2048xf32, #tpu.memory_space<hbm>>
      %dma_start3A_594 = arith.constant 0 : i32
      %dma_start3A_595 = tpu.memref_slice %arg7[%add3A_591, %dma_start3A_594] : memref<8192x2048xf32, #tpu.memory_space<hbm>> -> memref<8x2048xf32, #tpu.memory_space<hbm>>
      tpu.enqueue_dma source(%arg14 : memref<8x2048xf32, #tpu.memory_space<vmem>>) target(%dma_start3A_595 : memref<8x2048xf32, #tpu.memory_space<hbm>>) target_semaphore(%arg26 : memref<!tpu.dma_semaphore, #tpu.memory_space<semaphore_mem>>)
      %add3A_596 = arith.constant 168 : i32
      %add3A_597 = arith.addi %mul3A_2, %add3A_596 : i32
      %dma_wait3A_598 = arith.constant 0 : i32
      %dma_wait3A_599 = tpu.memref_slice %arg7[%add3A_597, %dma_wait3A_598] : memref<8192x2048xf32, #tpu.memory_space<hbm>> -> memref<8x2048xf32, #tpu.memory_space<hbm>>
      %dma_wait3A_600 = arith.constant 0 : i32
      %dma_wait3A_601 = tpu.memref_slice %arg7[%add3A_597, %dma_wait3A_600] : memref<8192x2048xf32, #tpu.memory_space<hbm>> -> memref<8x2048xf32, #tpu.memory_space<hbm>>
      tpu.wait_dma2 semaphore(%arg24 : memref<!tpu.dma_semaphore, #tpu.memory_space<semaphore_mem>>) src(%arg12 : memref<8x2048xf32, #tpu.memory_space<vmem>>) dst(%dma_wait3A_601 : memref<8x2048xf32, #tpu.memory_space<hbm>>)
      %add3A_602 = arith.constant 216 : i32
      %add3A_603 = arith.addi %mul3A_2, %add3A_602 : i32
      %dma_start3A_604 = arith.constant 0 : i32
      %dma_start3A_605 = tpu.memref_slice %arg4[%add3A_603, %dma_start3A_604] : memref<8192x2048xf32, #tpu.memory_space<hbm>> -> memref<8x2048xf32, #tpu.memory_space<hbm>>
      %dma_start3A_606 = arith.constant 0 : i32
      %dma_start3A_607 = tpu.memref_slice %arg4[%add3A_603, %dma_start3A_606] : memref<8192x2048xf32, #tpu.memory_space<hbm>> -> memref<8x2048xf32, #tpu.memory_space<hbm>>
      tpu.enqueue_dma source(%dma_start3A_607 : memref<8x2048xf32, #tpu.memory_space<hbm>>) target(%arg12 : memref<8x2048xf32, #tpu.memory_space<vmem>>) target_semaphore(%arg18 : memref<!tpu.dma_semaphore, #tpu.memory_space<semaphore_mem>>)
      %add3A_608 = arith.constant 192 : i32
      %add3A_609 = arith.addi %mul3A_2, %add3A_608 : i32
      %dma_wait3A_610 = arith.constant 0 : i32
      %dma_wait3A_611 = tpu.memref_slice %arg4[%add3A_609, %dma_wait3A_610] : memref<8192x2048xf32, #tpu.memory_space<hbm>> -> memref<8x2048xf32, #tpu.memory_space<hbm>>
      %dma_wait3A_612 = arith.constant 0 : i32
      %dma_wait3A_613 = tpu.memref_slice %arg4[%add3A_609, %dma_wait3A_612] : memref<8192x2048xf32, #tpu.memory_space<hbm>> -> memref<8x2048xf32, #tpu.memory_space<hbm>>
      tpu.wait_dma2 semaphore(%arg15 : memref<!tpu.dma_semaphore, #tpu.memory_space<semaphore_mem>>) src(%dma_wait3A_613 : memref<8x2048xf32, #tpu.memory_space<hbm>>) dst(%arg9 : memref<8x2048xf32, #tpu.memory_space<vmem>>)
      %add3A_614 = arith.constant 192 : i32
      %add3A_615 = arith.addi %mul3A_2, %add3A_614 : i32
      %dma_start3A_616 = arith.constant 0 : i32
      %dma_start3A_617 = tpu.memref_slice %arg7[%add3A_615, %dma_start3A_616] : memref<8192x2048xf32, #tpu.memory_space<hbm>> -> memref<8x2048xf32, #tpu.memory_space<hbm>>
      %dma_start3A_618 = arith.constant 0 : i32
      %dma_start3A_619 = tpu.memref_slice %arg7[%add3A_615, %dma_start3A_618] : memref<8192x2048xf32, #tpu.memory_space<hbm>> -> memref<8x2048xf32, #tpu.memory_space<hbm>>
      tpu.enqueue_dma source(%arg9 : memref<8x2048xf32, #tpu.memory_space<vmem>>) target(%dma_start3A_619 : memref<8x2048xf32, #tpu.memory_space<hbm>>) target_semaphore(%arg21 : memref<!tpu.dma_semaphore, #tpu.memory_space<semaphore_mem>>)
      %add3A_620 = arith.constant 176 : i32
      %add3A_621 = arith.addi %mul3A_2, %add3A_620 : i32
      %dma_wait3A_622 = arith.constant 0 : i32
      %dma_wait3A_623 = tpu.memref_slice %arg7[%add3A_621, %dma_wait3A_622] : memref<8192x2048xf32, #tpu.memory_space<hbm>> -> memref<8x2048xf32, #tpu.memory_space<hbm>>
      %dma_wait3A_624 = arith.constant 0 : i32
      %dma_wait3A_625 = tpu.memref_slice %arg7[%add3A_621, %dma_wait3A_624] : memref<8192x2048xf32, #tpu.memory_space<hbm>> -> memref<8x2048xf32, #tpu.memory_space<hbm>>
      tpu.wait_dma2 semaphore(%arg25 : memref<!tpu.dma_semaphore, #tpu.memory_space<semaphore_mem>>) src(%arg13 : memref<8x2048xf32, #tpu.memory_space<vmem>>) dst(%dma_wait3A_625 : memref<8x2048xf32, #tpu.memory_space<hbm>>)
      %add3A_626 = arith.constant 224 : i32
      %add3A_627 = arith.addi %mul3A_2, %add3A_626 : i32
      %dma_start3A_628 = arith.constant 0 : i32
      %dma_start3A_629 = tpu.memref_slice %arg4[%add3A_627, %dma_start3A_628] : memref<8192x2048xf32, #tpu.memory_space<hbm>> -> memref<8x2048xf32, #tpu.memory_space<hbm>>
      %dma_start3A_630 = arith.constant 0 : i32
      %dma_start3A_631 = tpu.memref_slice %arg4[%add3A_627, %dma_start3A_630] : memref<8192x2048xf32, #tpu.memory_space<hbm>> -> memref<8x2048xf32, #tpu.memory_space<hbm>>
      tpu.enqueue_dma source(%dma_start3A_631 : memref<8x2048xf32, #tpu.memory_space<hbm>>) target(%arg13 : memref<8x2048xf32, #tpu.memory_space<vmem>>) target_semaphore(%arg19 : memref<!tpu.dma_semaphore, #tpu.memory_space<semaphore_mem>>)
      %add3A_632 = arith.constant 200 : i32
      %add3A_633 = arith.addi %mul3A_2, %add3A_632 : i32
      %dma_wait3A_634 = arith.constant 0 : i32
      %dma_wait3A_635 = tpu.memref_slice %arg4[%add3A_633, %dma_wait3A_634] : memref<8192x2048xf32, #tpu.memory_space<hbm>> -> memref<8x2048xf32, #tpu.memory_space<hbm>>
      %dma_wait3A_636 = arith.constant 0 : i32
      %dma_wait3A_637 = tpu.memref_slice %arg4[%add3A_633, %dma_wait3A_636] : memref<8192x2048xf32, #tpu.memory_space<hbm>> -> memref<8x2048xf32, #tpu.memory_space<hbm>>
      tpu.wait_dma2 semaphore(%arg16 : memref<!tpu.dma_semaphore, #tpu.memory_space<semaphore_mem>>) src(%dma_wait3A_637 : memref<8x2048xf32, #tpu.memory_space<hbm>>) dst(%arg10 : memref<8x2048xf32, #tpu.memory_space<vmem>>)
      %add3A_638 = arith.constant 200 : i32
      %add3A_639 = arith.addi %mul3A_2, %add3A_638 : i32
      %dma_start3A_640 = arith.constant 0 : i32
      %dma_start3A_641 = tpu.memref_slice %arg7[%add3A_639, %dma_start3A_640] : memref<8192x2048xf32, #tpu.memory_space<hbm>> -> memref<8x2048xf32, #tpu.memory_space<hbm>>
      %dma_start3A_642 = arith.constant 0 : i32
      %dma_start3A_643 = tpu.memref_slice %arg7[%add3A_639, %dma_start3A_642] : memref<8192x2048xf32, #tpu.memory_space<hbm>> -> memref<8x2048xf32, #tpu.memory_space<hbm>>
      tpu.enqueue_dma source(%arg10 : memref<8x2048xf32, #tpu.memory_space<vmem>>) target(%dma_start3A_643 : memref<8x2048xf32, #tpu.memory_space<hbm>>) target_semaphore(%arg22 : memref<!tpu.dma_semaphore, #tpu.memory_space<semaphore_mem>>)
      %add3A_644 = arith.constant 184 : i32
      %add3A_645 = arith.addi %mul3A_2, %add3A_644 : i32
      %dma_wait3A_646 = arith.constant 0 : i32
      %dma_wait3A_647 = tpu.memref_slice %arg7[%add3A_645, %dma_wait3A_646] : memref<8192x2048xf32, #tpu.memory_space<hbm>> -> memref<8x2048xf32, #tpu.memory_space<hbm>>
      %dma_wait3A_648 = arith.constant 0 : i32
      %dma_wait3A_649 = tpu.memref_slice %arg7[%add3A_645, %dma_wait3A_648] : memref<8192x2048xf32, #tpu.memory_space<hbm>> -> memref<8x2048xf32, #tpu.memory_space<hbm>>
      tpu.wait_dma2 semaphore(%arg26 : memref<!tpu.dma_semaphore, #tpu.memory_space<semaphore_mem>>) src(%arg14 : memref<8x2048xf32, #tpu.memory_space<vmem>>) dst(%dma_wait3A_649 : memref<8x2048xf32, #tpu.memory_space<hbm>>)
      %add3A_650 = arith.constant 232 : i32
      %add3A_651 = arith.addi %mul3A_2, %add3A_650 : i32
      %dma_start3A_652 = arith.constant 0 : i32
      %dma_start3A_653 = tpu.memref_slice %arg4[%add3A_651, %dma_start3A_652] : memref<8192x2048xf32, #tpu.memory_space<hbm>> -> memref<8x2048xf32, #tpu.memory_space<hbm>>
      %dma_start3A_654 = arith.constant 0 : i32
      %dma_start3A_655 = tpu.memref_slice %arg4[%add3A_651, %dma_start3A_654] : memref<8192x2048xf32, #tpu.memory_space<hbm>> -> memref<8x2048xf32, #tpu.memory_space<hbm>>
      tpu.enqueue_dma source(%dma_start3A_655 : memref<8x2048xf32, #tpu.memory_space<hbm>>) target(%arg14 : memref<8x2048xf32, #tpu.memory_space<vmem>>) target_semaphore(%arg20 : memref<!tpu.dma_semaphore, #tpu.memory_space<semaphore_mem>>)
      %add3A_656 = arith.constant 208 : i32
      %add3A_657 = arith.addi %mul3A_2, %add3A_656 : i32
      %dma_wait3A_658 = arith.constant 0 : i32
      %dma_wait3A_659 = tpu.memref_slice %arg4[%add3A_657, %dma_wait3A_658] : memref<8192x2048xf32, #tpu.memory_space<hbm>> -> memref<8x2048xf32, #tpu.memory_space<hbm>>
      %dma_wait3A_660 = arith.constant 0 : i32
      %dma_wait3A_661 = tpu.memref_slice %arg4[%add3A_657, %dma_wait3A_660] : memref<8192x2048xf32, #tpu.memory_space<hbm>> -> memref<8x2048xf32, #tpu.memory_space<hbm>>
      tpu.wait_dma2 semaphore(%arg17 : memref<!tpu.dma_semaphore, #tpu.memory_space<semaphore_mem>>) src(%dma_wait3A_661 : memref<8x2048xf32, #tpu.memory_space<hbm>>) dst(%arg11 : memref<8x2048xf32, #tpu.memory_space<vmem>>)
      %add3A_662 = arith.constant 208 : i32
      %add3A_663 = arith.addi %mul3A_2, %add3A_662 : i32
      %dma_start3A_664 = arith.constant 0 : i32
      %dma_start3A_665 = tpu.memref_slice %arg7[%add3A_663, %dma_start3A_664] : memref<8192x2048xf32, #tpu.memory_space<hbm>> -> memref<8x2048xf32, #tpu.memory_space<hbm>>
      %dma_start3A_666 = arith.constant 0 : i32
      %dma_start3A_667 = tpu.memref_slice %arg7[%add3A_663, %dma_start3A_666] : memref<8192x2048xf32, #tpu.memory_space<hbm>> -> memref<8x2048xf32, #tpu.memory_space<hbm>>
      tpu.enqueue_dma source(%arg11 : memref<8x2048xf32, #tpu.memory_space<vmem>>) target(%dma_start3A_667 : memref<8x2048xf32, #tpu.memory_space<hbm>>) target_semaphore(%arg23 : memref<!tpu.dma_semaphore, #tpu.memory_space<semaphore_mem>>)
      %add3A_668 = arith.constant 192 : i32
      %add3A_669 = arith.addi %mul3A_2, %add3A_668 : i32
      %dma_wait3A_670 = arith.constant 0 : i32
      %dma_wait3A_671 = tpu.memref_slice %arg7[%add3A_669, %dma_wait3A_670] : memref<8192x2048xf32, #tpu.memory_space<hbm>> -> memref<8x2048xf32, #tpu.memory_space<hbm>>
      %dma_wait3A_672 = arith.constant 0 : i32
      %dma_wait3A_673 = tpu.memref_slice %arg7[%add3A_669, %dma_wait3A_672] : memref<8192x2048xf32, #tpu.memory_space<hbm>> -> memref<8x2048xf32, #tpu.memory_space<hbm>>
      tpu.wait_dma2 semaphore(%arg21 : memref<!tpu.dma_semaphore, #tpu.memory_space<semaphore_mem>>) src(%arg9 : memref<8x2048xf32, #tpu.memory_space<vmem>>) dst(%dma_wait3A_673 : memref<8x2048xf32, #tpu.memory_space<hbm>>)
      %add3A_674 = arith.constant 240 : i32
      %add3A_675 = arith.addi %mul3A_2, %add3A_674 : i32
      %dma_start3A_676 = arith.constant 0 : i32
      %dma_start3A_677 = tpu.memref_slice %arg4[%add3A_675, %dma_start3A_676] : memref<8192x2048xf32, #tpu.memory_space<hbm>> -> memref<8x2048xf32, #tpu.memory_space<hbm>>
      %dma_start3A_678 = arith.constant 0 : i32
      %dma_start3A_679 = tpu.memref_slice %arg4[%add3A_675, %dma_start3A_678] : memref<8192x2048xf32, #tpu.memory_space<hbm>> -> memref<8x2048xf32, #tpu.memory_space<hbm>>
      tpu.enqueue_dma source(%dma_start3A_679 : memref<8x2048xf32, #tpu.memory_space<hbm>>) target(%arg9 : memref<8x2048xf32, #tpu.memory_space<vmem>>) target_semaphore(%arg15 : memref<!tpu.dma_semaphore, #tpu.memory_space<semaphore_mem>>)
      %add3A_680 = arith.constant 216 : i32
      %add3A_681 = arith.addi %mul3A_2, %add3A_680 : i32
      %dma_wait3A_682 = arith.constant 0 : i32
      %dma_wait3A_683 = tpu.memref_slice %arg4[%add3A_681, %dma_wait3A_682] : memref<8192x2048xf32, #tpu.memory_space<hbm>> -> memref<8x2048xf32, #tpu.memory_space<hbm>>
      %dma_wait3A_684 = arith.constant 0 : i32
      %dma_wait3A_685 = tpu.memref_slice %arg4[%add3A_681, %dma_wait3A_684] : memref<8192x2048xf32, #tpu.memory_space<hbm>> -> memref<8x2048xf32, #tpu.memory_space<hbm>>
      tpu.wait_dma2 semaphore(%arg18 : memref<!tpu.dma_semaphore, #tpu.memory_space<semaphore_mem>>) src(%dma_wait3A_685 : memref<8x2048xf32, #tpu.memory_space<hbm>>) dst(%arg12 : memref<8x2048xf32, #tpu.memory_space<vmem>>)
      %add3A_686 = arith.constant 216 : i32
      %add3A_687 = arith.addi %mul3A_2, %add3A_686 : i32
      %dma_start3A_688 = arith.constant 0 : i32
      %dma_start3A_689 = tpu.memref_slice %arg7[%add3A_687, %dma_start3A_688] : memref<8192x2048xf32, #tpu.memory_space<hbm>> -> memref<8x2048xf32, #tpu.memory_space<hbm>>
      %dma_start3A_690 = arith.constant 0 : i32
      %dma_start3A_691 = tpu.memref_slice %arg7[%add3A_687, %dma_start3A_690] : memref<8192x2048xf32, #tpu.memory_space<hbm>> -> memref<8x2048xf32, #tpu.memory_space<hbm>>
      tpu.enqueue_dma source(%arg12 : memref<8x2048xf32, #tpu.memory_space<vmem>>) target(%dma_start3A_691 : memref<8x2048xf32, #tpu.memory_space<hbm>>) target_semaphore(%arg24 : memref<!tpu.dma_semaphore, #tpu.memory_space<semaphore_mem>>)
      %add3A_692 = arith.constant 200 : i32
      %add3A_693 = arith.addi %mul3A_2, %add3A_692 : i32
      %dma_wait3A_694 = arith.constant 0 : i32
      %dma_wait3A_695 = tpu.memref_slice %arg7[%add3A_693, %dma_wait3A_694] : memref<8192x2048xf32, #tpu.memory_space<hbm>> -> memref<8x2048xf32, #tpu.memory_space<hbm>>
      %dma_wait3A_696 = arith.constant 0 : i32
      %dma_wait3A_697 = tpu.memref_slice %arg7[%add3A_693, %dma_wait3A_696] : memref<8192x2048xf32, #tpu.memory_space<hbm>> -> memref<8x2048xf32, #tpu.memory_space<hbm>>
      tpu.wait_dma2 semaphore(%arg22 : memref<!tpu.dma_semaphore, #tpu.memory_space<semaphore_mem>>) src(%arg10 : memref<8x2048xf32, #tpu.memory_space<vmem>>) dst(%dma_wait3A_697 : memref<8x2048xf32, #tpu.memory_space<hbm>>)
      %add3A_698 = arith.constant 248 : i32
      %add3A_699 = arith.addi %mul3A_2, %add3A_698 : i32
      %dma_start3A_700 = arith.constant 0 : i32
      %dma_start3A_701 = tpu.memref_slice %arg4[%add3A_699, %dma_start3A_700] : memref<8192x2048xf32, #tpu.memory_space<hbm>> -> memref<8x2048xf32, #tpu.memory_space<hbm>>
      %dma_start3A_702 = arith.constant 0 : i32
      %dma_start3A_703 = tpu.memref_slice %arg4[%add3A_699, %dma_start3A_702] : memref<8192x2048xf32, #tpu.memory_space<hbm>> -> memref<8x2048xf32, #tpu.memory_space<hbm>>
      tpu.enqueue_dma source(%dma_start3A_703 : memref<8x2048xf32, #tpu.memory_space<hbm>>) target(%arg10 : memref<8x2048xf32, #tpu.memory_space<vmem>>) target_semaphore(%arg16 : memref<!tpu.dma_semaphore, #tpu.memory_space<semaphore_mem>>)
      %add3A_704 = arith.constant 224 : i32
      %add3A_705 = arith.addi %mul3A_2, %add3A_704 : i32
      %dma_wait3A_706 = arith.constant 0 : i32
      %dma_wait3A_707 = tpu.memref_slice %arg4[%add3A_705, %dma_wait3A_706] : memref<8192x2048xf32, #tpu.memory_space<hbm>> -> memref<8x2048xf32, #tpu.memory_space<hbm>>
      %dma_wait3A_708 = arith.constant 0 : i32
      %dma_wait3A_709 = tpu.memref_slice %arg4[%add3A_705, %dma_wait3A_708] : memref<8192x2048xf32, #tpu.memory_space<hbm>> -> memref<8x2048xf32, #tpu.memory_space<hbm>>
      tpu.wait_dma2 semaphore(%arg19 : memref<!tpu.dma_semaphore, #tpu.memory_space<semaphore_mem>>) src(%dma_wait3A_709 : memref<8x2048xf32, #tpu.memory_space<hbm>>) dst(%arg13 : memref<8x2048xf32, #tpu.memory_space<vmem>>)
      %add3A_710 = arith.constant 224 : i32
      %add3A_711 = arith.addi %mul3A_2, %add3A_710 : i32
      %dma_start3A_712 = arith.constant 0 : i32
      %dma_start3A_713 = tpu.memref_slice %arg7[%add3A_711, %dma_start3A_712] : memref<8192x2048xf32, #tpu.memory_space<hbm>> -> memref<8x2048xf32, #tpu.memory_space<hbm>>
      %dma_start3A_714 = arith.constant 0 : i32
      %dma_start3A_715 = tpu.memref_slice %arg7[%add3A_711, %dma_start3A_714] : memref<8192x2048xf32, #tpu.memory_space<hbm>> -> memref<8x2048xf32, #tpu.memory_space<hbm>>
      tpu.enqueue_dma source(%arg13 : memref<8x2048xf32, #tpu.memory_space<vmem>>) target(%dma_start3A_715 : memref<8x2048xf32, #tpu.memory_space<hbm>>) target_semaphore(%arg25 : memref<!tpu.dma_semaphore, #tpu.memory_space<semaphore_mem>>)
      %add3A_716 = arith.constant 232 : i32
      %add3A_717 = arith.addi %mul3A_2, %add3A_716 : i32
      %dma_wait3A_718 = arith.constant 0 : i32
      %dma_wait3A_719 = tpu.memref_slice %arg4[%add3A_717, %dma_wait3A_718] : memref<8192x2048xf32, #tpu.memory_space<hbm>> -> memref<8x2048xf32, #tpu.memory_space<hbm>>
      %dma_wait3A_720 = arith.constant 0 : i32
      %dma_wait3A_721 = tpu.memref_slice %arg4[%add3A_717, %dma_wait3A_720] : memref<8192x2048xf32, #tpu.memory_space<hbm>> -> memref<8x2048xf32, #tpu.memory_space<hbm>>
      tpu.wait_dma2 semaphore(%arg20 : memref<!tpu.dma_semaphore, #tpu.memory_space<semaphore_mem>>) src(%dma_wait3A_721 : memref<8x2048xf32, #tpu.memory_space<hbm>>) dst(%arg14 : memref<8x2048xf32, #tpu.memory_space<vmem>>)
      %add3A_722 = arith.constant 232 : i32
      %add3A_723 = arith.addi %mul3A_2, %add3A_722 : i32
      %dma_start3A_724 = arith.constant 0 : i32
      %dma_start3A_725 = tpu.memref_slice %arg7[%add3A_723, %dma_start3A_724] : memref<8192x2048xf32, #tpu.memory_space<hbm>> -> memref<8x2048xf32, #tpu.memory_space<hbm>>
      %dma_start3A_726 = arith.constant 0 : i32
      %dma_start3A_727 = tpu.memref_slice %arg7[%add3A_723, %dma_start3A_726] : memref<8192x2048xf32, #tpu.memory_space<hbm>> -> memref<8x2048xf32, #tpu.memory_space<hbm>>
      tpu.enqueue_dma source(%arg14 : memref<8x2048xf32, #tpu.memory_space<vmem>>) target(%dma_start3A_727 : memref<8x2048xf32, #tpu.memory_space<hbm>>) target_semaphore(%arg26 : memref<!tpu.dma_semaphore, #tpu.memory_space<semaphore_mem>>)
      %add3A_728 = arith.constant 240 : i32
      %add3A_729 = arith.addi %mul3A_2, %add3A_728 : i32
      %dma_wait3A_730 = arith.constant 0 : i32
      %dma_wait3A_731 = tpu.memref_slice %arg4[%add3A_729, %dma_wait3A_730] : memref<8192x2048xf32, #tpu.memory_space<hbm>> -> memref<8x2048xf32, #tpu.memory_space<hbm>>
      %dma_wait3A_732 = arith.constant 0 : i32
      %dma_wait3A_733 = tpu.memref_slice %arg4[%add3A_729, %dma_wait3A_732] : memref<8192x2048xf32, #tpu.memory_space<hbm>> -> memref<8x2048xf32, #tpu.memory_space<hbm>>
      tpu.wait_dma2 semaphore(%arg15 : memref<!tpu.dma_semaphore, #tpu.memory_space<semaphore_mem>>) src(%dma_wait3A_733 : memref<8x2048xf32, #tpu.memory_space<hbm>>) dst(%arg9 : memref<8x2048xf32, #tpu.memory_space<vmem>>)
      %add3A_734 = arith.constant 240 : i32
      %add3A_735 = arith.addi %mul3A_2, %add3A_734 : i32
      %dma_start3A_736 = arith.constant 0 : i32
      %dma_start3A_737 = tpu.memref_slice %arg7[%add3A_735, %dma_start3A_736] : memref<8192x2048xf32, #tpu.memory_space<hbm>> -> memref<8x2048xf32, #tpu.memory_space<hbm>>
      %dma_start3A_738 = arith.constant 0 : i32
      %dma_start3A_739 = tpu.memref_slice %arg7[%add3A_735, %dma_start3A_738] : memref<8192x2048xf32, #tpu.memory_space<hbm>> -> memref<8x2048xf32, #tpu.memory_space<hbm>>
      tpu.enqueue_dma source(%arg9 : memref<8x2048xf32, #tpu.memory_space<vmem>>) target(%dma_start3A_739 : memref<8x2048xf32, #tpu.memory_space<hbm>>) target_semaphore(%arg21 : memref<!tpu.dma_semaphore, #tpu.memory_space<semaphore_mem>>)
      %add3A_740 = arith.constant 248 : i32
      %add3A_741 = arith.addi %mul3A_2, %add3A_740 : i32
      %dma_wait3A_742 = arith.constant 0 : i32
      %dma_wait3A_743 = tpu.memref_slice %arg4[%add3A_741, %dma_wait3A_742] : memref<8192x2048xf32, #tpu.memory_space<hbm>> -> memref<8x2048xf32, #tpu.memory_space<hbm>>
      %dma_wait3A_744 = arith.constant 0 : i32
      %dma_wait3A_745 = tpu.memref_slice %arg4[%add3A_741, %dma_wait3A_744] : memref<8192x2048xf32, #tpu.memory_space<hbm>> -> memref<8x2048xf32, #tpu.memory_space<hbm>>
      tpu.wait_dma2 semaphore(%arg16 : memref<!tpu.dma_semaphore, #tpu.memory_space<semaphore_mem>>) src(%dma_wait3A_745 : memref<8x2048xf32, #tpu.memory_space<hbm>>) dst(%arg10 : memref<8x2048xf32, #tpu.memory_space<vmem>>)
      %add3A_746 = arith.constant 248 : i32
      %add3A_747 = arith.addi %mul3A_2, %add3A_746 : i32
      %dma_start3A_748 = arith.constant 0 : i32
      %dma_start3A_749 = tpu.memref_slice %arg7[%add3A_747, %dma_start3A_748] : memref<8192x2048xf32, #tpu.memory_space<hbm>> -> memref<8x2048xf32, #tpu.memory_space<hbm>>
      %dma_start3A_750 = arith.constant 0 : i32
      %dma_start3A_751 = tpu.memref_slice %arg7[%add3A_747, %dma_start3A_750] : memref<8192x2048xf32, #tpu.memory_space<hbm>> -> memref<8x2048xf32, #tpu.memory_space<hbm>>
      tpu.enqueue_dma source(%arg10 : memref<8x2048xf32, #tpu.memory_space<vmem>>) target(%dma_start3A_751 : memref<8x2048xf32, #tpu.memory_space<hbm>>) target_semaphore(%arg22 : memref<!tpu.dma_semaphore, #tpu.memory_space<semaphore_mem>>)
      %add3A_752 = arith.constant 208 : i32
      %add3A_753 = arith.addi %mul3A_2, %add3A_752 : i32
      %dma_wait3A_754 = arith.constant 0 : i32
      %dma_wait3A_755 = tpu.memref_slice %arg7[%add3A_753, %dma_wait3A_754] : memref<8192x2048xf32, #tpu.memory_space<hbm>> -> memref<8x2048xf32, #tpu.memory_space<hbm>>
      %dma_wait3A_756 = arith.constant 0 : i32
      %dma_wait3A_757 = tpu.memref_slice %arg7[%add3A_753, %dma_wait3A_756] : memref<8192x2048xf32, #tpu.memory_space<hbm>> -> memref<8x2048xf32, #tpu.memory_space<hbm>>
      tpu.wait_dma2 semaphore(%arg23 : memref<!tpu.dma_semaphore, #tpu.memory_space<semaphore_mem>>) src(%arg11 : memref<8x2048xf32, #tpu.memory_space<vmem>>) dst(%dma_wait3A_757 : memref<8x2048xf32, #tpu.memory_space<hbm>>)
      %add3A_758 = arith.constant 216 : i32
      %add3A_759 = arith.addi %mul3A_2, %add3A_758 : i32
      %dma_wait3A_760 = arith.constant 0 : i32
      %dma_wait3A_761 = tpu.memref_slice %arg7[%add3A_759, %dma_wait3A_760] : memref<8192x2048xf32, #tpu.memory_space<hbm>> -> memref<8x2048xf32, #tpu.memory_space<hbm>>
      %dma_wait3A_762 = arith.constant 0 : i32
      %dma_wait3A_763 = tpu.memref_slice %arg7[%add3A_759, %dma_wait3A_762] : memref<8192x2048xf32, #tpu.memory_space<hbm>> -> memref<8x2048xf32, #tpu.memory_space<hbm>>
      tpu.wait_dma2 semaphore(%arg24 : memref<!tpu.dma_semaphore, #tpu.memory_space<semaphore_mem>>) src(%arg12 : memref<8x2048xf32, #tpu.memory_space<vmem>>) dst(%dma_wait3A_763 : memref<8x2048xf32, #tpu.memory_space<hbm>>)
      %add3A_764 = arith.constant 224 : i32
      %add3A_765 = arith.addi %mul3A_2, %add3A_764 : i32
      %dma_wait3A_766 = arith.constant 0 : i32
      %dma_wait3A_767 = tpu.memref_slice %arg7[%add3A_765, %dma_wait3A_766] : memref<8192x2048xf32, #tpu.memory_space<hbm>> -> memref<8x2048xf32, #tpu.memory_space<hbm>>
      %dma_wait3A_768 = arith.constant 0 : i32
      %dma_wait3A_769 = tpu.memref_slice %arg7[%add3A_765, %dma_wait3A_768] : memref<8192x2048xf32, #tpu.memory_space<hbm>> -> memref<8x2048xf32, #tpu.memory_space<hbm>>
      tpu.wait_dma2 semaphore(%arg25 : memref<!tpu.dma_semaphore, #tpu.memory_space<semaphore_mem>>) src(%arg13 : memref<8x2048xf32, #tpu.memory_space<vmem>>) dst(%dma_wait3A_769 : memref<8x2048xf32, #tpu.memory_space<hbm>>)
      %add3A_770 = arith.constant 232 : i32
      %add3A_771 = arith.addi %mul3A_2, %add3A_770 : i32
      %dma_wait3A_772 = arith.constant 0 : i32
      %dma_wait3A_773 = tpu.memref_slice %arg7[%add3A_771, %dma_wait3A_772] : memref<8192x2048xf32, #tpu.memory_space<hbm>> -> memref<8x2048xf32, #tpu.memory_space<hbm>>
      %dma_wait3A_774 = arith.constant 0 : i32
      %dma_wait3A_775 = tpu.memref_slice %arg7[%add3A_771, %dma_wait3A_774] : memref<8192x2048xf32, #tpu.memory_space<hbm>> -> memref<8x2048xf32, #tpu.memory_space<hbm>>
      tpu.wait_dma2 semaphore(%arg26 : memref<!tpu.dma_semaphore, #tpu.memory_space<semaphore_mem>>) src(%arg14 : memref<8x2048xf32, #tpu.memory_space<vmem>>) dst(%dma_wait3A_775 : memref<8x2048xf32, #tpu.memory_space<hbm>>)
      %add3A_776 = arith.constant 240 : i32
      %add3A_777 = arith.addi %mul3A_2, %add3A_776 : i32
      %dma_wait3A_778 = arith.constant 0 : i32
      %dma_wait3A_779 = tpu.memref_slice %arg7[%add3A_777, %dma_wait3A_778] : memref<8192x2048xf32, #tpu.memory_space<hbm>> -> memref<8x2048xf32, #tpu.memory_space<hbm>>
      %dma_wait3A_780 = arith.constant 0 : i32
      %dma_wait3A_781 = tpu.memref_slice %arg7[%add3A_777, %dma_wait3A_780] : memref<8192x2048xf32, #tpu.memory_space<hbm>> -> memref<8x2048xf32, #tpu.memory_space<hbm>>
      tpu.wait_dma2 semaphore(%arg21 : memref<!tpu.dma_semaphore, #tpu.memory_space<semaphore_mem>>) src(%arg9 : memref<8x2048xf32, #tpu.memory_space<vmem>>) dst(%dma_wait3A_781 : memref<8x2048xf32, #tpu.memory_space<hbm>>)
      %add3A_782 = arith.constant 248 : i32
      %add3A_783 = arith.addi %mul3A_2, %add3A_782 : i32
      %dma_wait3A_784 = arith.constant 0 : i32
      %dma_wait3A_785 = tpu.memref_slice %arg7[%add3A_783, %dma_wait3A_784] : memref<8192x2048xf32, #tpu.memory_space<hbm>> -> memref<8x2048xf32, #tpu.memory_space<hbm>>
      %dma_wait3A_786 = arith.constant 0 : i32
      %dma_wait3A_787 = tpu.memref_slice %arg7[%add3A_783, %dma_wait3A_786] : memref<8192x2048xf32, #tpu.memory_space<hbm>> -> memref<8x2048xf32, #tpu.memory_space<hbm>>
      tpu.wait_dma2 semaphore(%arg22 : memref<!tpu.dma_semaphore, #tpu.memory_space<semaphore_mem>>) src(%arg10 : memref<8x2048xf32, #tpu.memory_space<vmem>>) dst(%dma_wait3A_787 : memref<8x2048xf32, #tpu.memory_space<hbm>>)
    } else {
    }
    %eq3A_17 = arith.constant 3 : i32
    %eq3A_18 = arith.cmpi eq, %squeeze3A, %eq3A_17 : i32
    %convert_element_type3A_19 = arith.extui %eq3A_18 : i1 to i32
    %cond3A_20 = arith.constant 0 : i32
    %cond3A_21 = arith.cmpi ne, %convert_element_type3A_19, %cond3A_20 : i32
    scf.if %cond3A_21 {
      %add3A_22 = arith.constant 0 : i32
      %add3A_23 = arith.addi %mul3A_2, %add3A_22 : i32
      %dma_start3A = arith.constant 0 : i32
      %dma_start3A_24 = tpu.memref_slice %arg5[%add3A_23, %dma_start3A] : memref<8192x2048xf32, #tpu.memory_space<hbm>> -> memref<8x2048xf32, #tpu.memory_space<hbm>>
      %dma_start3A_25 = arith.constant 0 : i32
      %dma_start3A_26 = tpu.memref_slice %arg5[%add3A_23, %dma_start3A_25] : memref<8192x2048xf32, #tpu.memory_space<hbm>> -> memref<8x2048xf32, #tpu.memory_space<hbm>>
      tpu.enqueue_dma source(%dma_start3A_26 : memref<8x2048xf32, #tpu.memory_space<hbm>>) target(%arg9 : memref<8x2048xf32, #tpu.memory_space<vmem>>) target_semaphore(%arg15 : memref<!tpu.dma_semaphore, #tpu.memory_space<semaphore_mem>>)
      %add3A_27 = arith.constant 8 : i32
      %add3A_28 = arith.addi %mul3A_2, %add3A_27 : i32
      %dma_start3A_29 = arith.constant 0 : i32
      %dma_start3A_30 = tpu.memref_slice %arg5[%add3A_28, %dma_start3A_29] : memref<8192x2048xf32, #tpu.memory_space<hbm>> -> memref<8x2048xf32, #tpu.memory_space<hbm>>
      %dma_start3A_31 = arith.constant 0 : i32
      %dma_start3A_32 = tpu.memref_slice %arg5[%add3A_28, %dma_start3A_31] : memref<8192x2048xf32, #tpu.memory_space<hbm>> -> memref<8x2048xf32, #tpu.memory_space<hbm>>
      tpu.enqueue_dma source(%dma_start3A_32 : memref<8x2048xf32, #tpu.memory_space<hbm>>) target(%arg10 : memref<8x2048xf32, #tpu.memory_space<vmem>>) target_semaphore(%arg16 : memref<!tpu.dma_semaphore, #tpu.memory_space<semaphore_mem>>)
      %add3A_33 = arith.constant 16 : i32
      %add3A_34 = arith.addi %mul3A_2, %add3A_33 : i32
      %dma_start3A_35 = arith.constant 0 : i32
      %dma_start3A_36 = tpu.memref_slice %arg5[%add3A_34, %dma_start3A_35] : memref<8192x2048xf32, #tpu.memory_space<hbm>> -> memref<8x2048xf32, #tpu.memory_space<hbm>>
      %dma_start3A_37 = arith.constant 0 : i32
      %dma_start3A_38 = tpu.memref_slice %arg5[%add3A_34, %dma_start3A_37] : memref<8192x2048xf32, #tpu.memory_space<hbm>> -> memref<8x2048xf32, #tpu.memory_space<hbm>>
      tpu.enqueue_dma source(%dma_start3A_38 : memref<8x2048xf32, #tpu.memory_space<hbm>>) target(%arg11 : memref<8x2048xf32, #tpu.memory_space<vmem>>) target_semaphore(%arg17 : memref<!tpu.dma_semaphore, #tpu.memory_space<semaphore_mem>>)
      %add3A_39 = arith.constant 24 : i32
      %add3A_40 = arith.addi %mul3A_2, %add3A_39 : i32
      %dma_start3A_41 = arith.constant 0 : i32
      %dma_start3A_42 = tpu.memref_slice %arg5[%add3A_40, %dma_start3A_41] : memref<8192x2048xf32, #tpu.memory_space<hbm>> -> memref<8x2048xf32, #tpu.memory_space<hbm>>
      %dma_start3A_43 = arith.constant 0 : i32
      %dma_start3A_44 = tpu.memref_slice %arg5[%add3A_40, %dma_start3A_43] : memref<8192x2048xf32, #tpu.memory_space<hbm>> -> memref<8x2048xf32, #tpu.memory_space<hbm>>
      tpu.enqueue_dma source(%dma_start3A_44 : memref<8x2048xf32, #tpu.memory_space<hbm>>) target(%arg12 : memref<8x2048xf32, #tpu.memory_space<vmem>>) target_semaphore(%arg18 : memref<!tpu.dma_semaphore, #tpu.memory_space<semaphore_mem>>)
      %add3A_45 = arith.constant 0 : i32
      %add3A_46 = arith.addi %mul3A_2, %add3A_45 : i32
      %dma_wait3A = arith.constant 0 : i32
      %dma_wait3A_47 = tpu.memref_slice %arg5[%add3A_46, %dma_wait3A] : memref<8192x2048xf32, #tpu.memory_space<hbm>> -> memref<8x2048xf32, #tpu.memory_space<hbm>>
      %dma_wait3A_48 = arith.constant 0 : i32
      %dma_wait3A_49 = tpu.memref_slice %arg5[%add3A_46, %dma_wait3A_48] : memref<8192x2048xf32, #tpu.memory_space<hbm>> -> memref<8x2048xf32, #tpu.memory_space<hbm>>
      tpu.wait_dma2 semaphore(%arg15 : memref<!tpu.dma_semaphore, #tpu.memory_space<semaphore_mem>>) src(%dma_wait3A_49 : memref<8x2048xf32, #tpu.memory_space<hbm>>) dst(%arg9 : memref<8x2048xf32, #tpu.memory_space<vmem>>)
      %add3A_50 = arith.constant 0 : i32
      %add3A_51 = arith.addi %mul3A_2, %add3A_50 : i32
      %dma_start3A_52 = arith.constant 0 : i32
      %dma_start3A_53 = tpu.memref_slice %arg7[%add3A_51, %dma_start3A_52] : memref<8192x2048xf32, #tpu.memory_space<hbm>> -> memref<8x2048xf32, #tpu.memory_space<hbm>>
      %dma_start3A_54 = arith.constant 0 : i32
      %dma_start3A_55 = tpu.memref_slice %arg7[%add3A_51, %dma_start3A_54] : memref<8192x2048xf32, #tpu.memory_space<hbm>> -> memref<8x2048xf32, #tpu.memory_space<hbm>>
      tpu.enqueue_dma source(%arg9 : memref<8x2048xf32, #tpu.memory_space<vmem>>) target(%dma_start3A_55 : memref<8x2048xf32, #tpu.memory_space<hbm>>) target_semaphore(%arg21 : memref<!tpu.dma_semaphore, #tpu.memory_space<semaphore_mem>>)
      %add3A_56 = arith.constant 32 : i32
      %add3A_57 = arith.addi %mul3A_2, %add3A_56 : i32
      %dma_start3A_58 = arith.constant 0 : i32
      %dma_start3A_59 = tpu.memref_slice %arg5[%add3A_57, %dma_start3A_58] : memref<8192x2048xf32, #tpu.memory_space<hbm>> -> memref<8x2048xf32, #tpu.memory_space<hbm>>
      %dma_start3A_60 = arith.constant 0 : i32
      %dma_start3A_61 = tpu.memref_slice %arg5[%add3A_57, %dma_start3A_60] : memref<8192x2048xf32, #tpu.memory_space<hbm>> -> memref<8x2048xf32, #tpu.memory_space<hbm>>
      tpu.enqueue_dma source(%dma_start3A_61 : memref<8x2048xf32, #tpu.memory_space<hbm>>) target(%arg13 : memref<8x2048xf32, #tpu.memory_space<vmem>>) target_semaphore(%arg19 : memref<!tpu.dma_semaphore, #tpu.memory_space<semaphore_mem>>)
      %add3A_62 = arith.constant 8 : i32
      %add3A_63 = arith.addi %mul3A_2, %add3A_62 : i32
      %dma_wait3A_64 = arith.constant 0 : i32
      %dma_wait3A_65 = tpu.memref_slice %arg5[%add3A_63, %dma_wait3A_64] : memref<8192x2048xf32, #tpu.memory_space<hbm>> -> memref<8x2048xf32, #tpu.memory_space<hbm>>
      %dma_wait3A_66 = arith.constant 0 : i32
      %dma_wait3A_67 = tpu.memref_slice %arg5[%add3A_63, %dma_wait3A_66] : memref<8192x2048xf32, #tpu.memory_space<hbm>> -> memref<8x2048xf32, #tpu.memory_space<hbm>>
      tpu.wait_dma2 semaphore(%arg16 : memref<!tpu.dma_semaphore, #tpu.memory_space<semaphore_mem>>) src(%dma_wait3A_67 : memref<8x2048xf32, #tpu.memory_space<hbm>>) dst(%arg10 : memref<8x2048xf32, #tpu.memory_space<vmem>>)
      %add3A_68 = arith.constant 8 : i32
      %add3A_69 = arith.addi %mul3A_2, %add3A_68 : i32
      %dma_start3A_70 = arith.constant 0 : i32
      %dma_start3A_71 = tpu.memref_slice %arg7[%add3A_69, %dma_start3A_70] : memref<8192x2048xf32, #tpu.memory_space<hbm>> -> memref<8x2048xf32, #tpu.memory_space<hbm>>
      %dma_start3A_72 = arith.constant 0 : i32
      %dma_start3A_73 = tpu.memref_slice %arg7[%add3A_69, %dma_start3A_72] : memref<8192x2048xf32, #tpu.memory_space<hbm>> -> memref<8x2048xf32, #tpu.memory_space<hbm>>
      tpu.enqueue_dma source(%arg10 : memref<8x2048xf32, #tpu.memory_space<vmem>>) target(%dma_start3A_73 : memref<8x2048xf32, #tpu.memory_space<hbm>>) target_semaphore(%arg22 : memref<!tpu.dma_semaphore, #tpu.memory_space<semaphore_mem>>)
      %add3A_74 = arith.constant 40 : i32
      %add3A_75 = arith.addi %mul3A_2, %add3A_74 : i32
      %dma_start3A_76 = arith.constant 0 : i32
      %dma_start3A_77 = tpu.memref_slice %arg5[%add3A_75, %dma_start3A_76] : memref<8192x2048xf32, #tpu.memory_space<hbm>> -> memref<8x2048xf32, #tpu.memory_space<hbm>>
      %dma_start3A_78 = arith.constant 0 : i32
      %dma_start3A_79 = tpu.memref_slice %arg5[%add3A_75, %dma_start3A_78] : memref<8192x2048xf32, #tpu.memory_space<hbm>> -> memref<8x2048xf32, #tpu.memory_space<hbm>>
      tpu.enqueue_dma source(%dma_start3A_79 : memref<8x2048xf32, #tpu.memory_space<hbm>>) target(%arg14 : memref<8x2048xf32, #tpu.memory_space<vmem>>) target_semaphore(%arg20 : memref<!tpu.dma_semaphore, #tpu.memory_space<semaphore_mem>>)
      %add3A_80 = arith.constant 16 : i32
      %add3A_81 = arith.addi %mul3A_2, %add3A_80 : i32
      %dma_wait3A_82 = arith.constant 0 : i32
      %dma_wait3A_83 = tpu.memref_slice %arg5[%add3A_81, %dma_wait3A_82] : memref<8192x2048xf32, #tpu.memory_space<hbm>> -> memref<8x2048xf32, #tpu.memory_space<hbm>>
      %dma_wait3A_84 = arith.constant 0 : i32
      %dma_wait3A_85 = tpu.memref_slice %arg5[%add3A_81, %dma_wait3A_84] : memref<8192x2048xf32, #tpu.memory_space<hbm>> -> memref<8x2048xf32, #tpu.memory_space<hbm>>
      tpu.wait_dma2 semaphore(%arg17 : memref<!tpu.dma_semaphore, #tpu.memory_space<semaphore_mem>>) src(%dma_wait3A_85 : memref<8x2048xf32, #tpu.memory_space<hbm>>) dst(%arg11 : memref<8x2048xf32, #tpu.memory_space<vmem>>)
      %add3A_86 = arith.constant 16 : i32
      %add3A_87 = arith.addi %mul3A_2, %add3A_86 : i32
      %dma_start3A_88 = arith.constant 0 : i32
      %dma_start3A_89 = tpu.memref_slice %arg7[%add3A_87, %dma_start3A_88] : memref<8192x2048xf32, #tpu.memory_space<hbm>> -> memref<8x2048xf32, #tpu.memory_space<hbm>>
      %dma_start3A_90 = arith.constant 0 : i32
      %dma_start3A_91 = tpu.memref_slice %arg7[%add3A_87, %dma_start3A_90] : memref<8192x2048xf32, #tpu.memory_space<hbm>> -> memref<8x2048xf32, #tpu.memory_space<hbm>>
      tpu.enqueue_dma source(%arg11 : memref<8x2048xf32, #tpu.memory_space<vmem>>) target(%dma_start3A_91 : memref<8x2048xf32, #tpu.memory_space<hbm>>) target_semaphore(%arg23 : memref<!tpu.dma_semaphore, #tpu.memory_space<semaphore_mem>>)
      %add3A_92 = arith.constant 0 : i32
      %add3A_93 = arith.addi %mul3A_2, %add3A_92 : i32
      %dma_wait3A_94 = arith.constant 0 : i32
      %dma_wait3A_95 = tpu.memref_slice %arg7[%add3A_93, %dma_wait3A_94] : memref<8192x2048xf32, #tpu.memory_space<hbm>> -> memref<8x2048xf32, #tpu.memory_space<hbm>>
      %dma_wait3A_96 = arith.constant 0 : i32
      %dma_wait3A_97 = tpu.memref_slice %arg7[%add3A_93, %dma_wait3A_96] : memref<8192x2048xf32, #tpu.memory_space<hbm>> -> memref<8x2048xf32, #tpu.memory_space<hbm>>
      tpu.wait_dma2 semaphore(%arg21 : memref<!tpu.dma_semaphore, #tpu.memory_space<semaphore_mem>>) src(%arg9 : memref<8x2048xf32, #tpu.memory_space<vmem>>) dst(%dma_wait3A_97 : memref<8x2048xf32, #tpu.memory_space<hbm>>)
      %add3A_98 = arith.constant 48 : i32
      %add3A_99 = arith.addi %mul3A_2, %add3A_98 : i32
      %dma_start3A_100 = arith.constant 0 : i32
      %dma_start3A_101 = tpu.memref_slice %arg5[%add3A_99, %dma_start3A_100] : memref<8192x2048xf32, #tpu.memory_space<hbm>> -> memref<8x2048xf32, #tpu.memory_space<hbm>>
      %dma_start3A_102 = arith.constant 0 : i32
      %dma_start3A_103 = tpu.memref_slice %arg5[%add3A_99, %dma_start3A_102] : memref<8192x2048xf32, #tpu.memory_space<hbm>> -> memref<8x2048xf32, #tpu.memory_space<hbm>>
      tpu.enqueue_dma source(%dma_start3A_103 : memref<8x2048xf32, #tpu.memory_space<hbm>>) target(%arg9 : memref<8x2048xf32, #tpu.memory_space<vmem>>) target_semaphore(%arg15 : memref<!tpu.dma_semaphore, #tpu.memory_space<semaphore_mem>>)
      %add3A_104 = arith.constant 24 : i32
      %add3A_105 = arith.addi %mul3A_2, %add3A_104 : i32
      %dma_wait3A_106 = arith.constant 0 : i32
      %dma_wait3A_107 = tpu.memref_slice %arg5[%add3A_105, %dma_wait3A_106] : memref<8192x2048xf32, #tpu.memory_space<hbm>> -> memref<8x2048xf32, #tpu.memory_space<hbm>>
      %dma_wait3A_108 = arith.constant 0 : i32
      %dma_wait3A_109 = tpu.memref_slice %arg5[%add3A_105, %dma_wait3A_108] : memref<8192x2048xf32, #tpu.memory_space<hbm>> -> memref<8x2048xf32, #tpu.memory_space<hbm>>
      tpu.wait_dma2 semaphore(%arg18 : memref<!tpu.dma_semaphore, #tpu.memory_space<semaphore_mem>>) src(%dma_wait3A_109 : memref<8x2048xf32, #tpu.memory_space<hbm>>) dst(%arg12 : memref<8x2048xf32, #tpu.memory_space<vmem>>)
      %add3A_110 = arith.constant 24 : i32
      %add3A_111 = arith.addi %mul3A_2, %add3A_110 : i32
      %dma_start3A_112 = arith.constant 0 : i32
      %dma_start3A_113 = tpu.memref_slice %arg7[%add3A_111, %dma_start3A_112] : memref<8192x2048xf32, #tpu.memory_space<hbm>> -> memref<8x2048xf32, #tpu.memory_space<hbm>>
      %dma_start3A_114 = arith.constant 0 : i32
      %dma_start3A_115 = tpu.memref_slice %arg7[%add3A_111, %dma_start3A_114] : memref<8192x2048xf32, #tpu.memory_space<hbm>> -> memref<8x2048xf32, #tpu.memory_space<hbm>>
      tpu.enqueue_dma source(%arg12 : memref<8x2048xf32, #tpu.memory_space<vmem>>) target(%dma_start3A_115 : memref<8x2048xf32, #tpu.memory_space<hbm>>) target_semaphore(%arg24 : memref<!tpu.dma_semaphore, #tpu.memory_space<semaphore_mem>>)
      %add3A_116 = arith.constant 8 : i32
      %add3A_117 = arith.addi %mul3A_2, %add3A_116 : i32
      %dma_wait3A_118 = arith.constant 0 : i32
      %dma_wait3A_119 = tpu.memref_slice %arg7[%add3A_117, %dma_wait3A_118] : memref<8192x2048xf32, #tpu.memory_space<hbm>> -> memref<8x2048xf32, #tpu.memory_space<hbm>>
      %dma_wait3A_120 = arith.constant 0 : i32
      %dma_wait3A_121 = tpu.memref_slice %arg7[%add3A_117, %dma_wait3A_120] : memref<8192x2048xf32, #tpu.memory_space<hbm>> -> memref<8x2048xf32, #tpu.memory_space<hbm>>
      tpu.wait_dma2 semaphore(%arg22 : memref<!tpu.dma_semaphore, #tpu.memory_space<semaphore_mem>>) src(%arg10 : memref<8x2048xf32, #tpu.memory_space<vmem>>) dst(%dma_wait3A_121 : memref<8x2048xf32, #tpu.memory_space<hbm>>)
      %add3A_122 = arith.constant 56 : i32
      %add3A_123 = arith.addi %mul3A_2, %add3A_122 : i32
      %dma_start3A_124 = arith.constant 0 : i32
      %dma_start3A_125 = tpu.memref_slice %arg5[%add3A_123, %dma_start3A_124] : memref<8192x2048xf32, #tpu.memory_space<hbm>> -> memref<8x2048xf32, #tpu.memory_space<hbm>>
      %dma_start3A_126 = arith.constant 0 : i32
      %dma_start3A_127 = tpu.memref_slice %arg5[%add3A_123, %dma_start3A_126] : memref<8192x2048xf32, #tpu.memory_space<hbm>> -> memref<8x2048xf32, #tpu.memory_space<hbm>>
      tpu.enqueue_dma source(%dma_start3A_127 : memref<8x2048xf32, #tpu.memory_space<hbm>>) target(%arg10 : memref<8x2048xf32, #tpu.memory_space<vmem>>) target_semaphore(%arg16 : memref<!tpu.dma_semaphore, #tpu.memory_space<semaphore_mem>>)
      %add3A_128 = arith.constant 32 : i32
      %add3A_129 = arith.addi %mul3A_2, %add3A_128 : i32
      %dma_wait3A_130 = arith.constant 0 : i32
      %dma_wait3A_131 = tpu.memref_slice %arg5[%add3A_129, %dma_wait3A_130] : memref<8192x2048xf32, #tpu.memory_space<hbm>> -> memref<8x2048xf32, #tpu.memory_space<hbm>>
      %dma_wait3A_132 = arith.constant 0 : i32
      %dma_wait3A_133 = tpu.memref_slice %arg5[%add3A_129, %dma_wait3A_132] : memref<8192x2048xf32, #tpu.memory_space<hbm>> -> memref<8x2048xf32, #tpu.memory_space<hbm>>
      tpu.wait_dma2 semaphore(%arg19 : memref<!tpu.dma_semaphore, #tpu.memory_space<semaphore_mem>>) src(%dma_wait3A_133 : memref<8x2048xf32, #tpu.memory_space<hbm>>) dst(%arg13 : memref<8x2048xf32, #tpu.memory_space<vmem>>)
      %add3A_134 = arith.constant 32 : i32
      %add3A_135 = arith.addi %mul3A_2, %add3A_134 : i32
      %dma_start3A_136 = arith.constant 0 : i32
      %dma_start3A_137 = tpu.memref_slice %arg7[%add3A_135, %dma_start3A_136] : memref<8192x2048xf32, #tpu.memory_space<hbm>> -> memref<8x2048xf32, #tpu.memory_space<hbm>>
      %dma_start3A_138 = arith.constant 0 : i32
      %dma_start3A_139 = tpu.memref_slice %arg7[%add3A_135, %dma_start3A_138] : memref<8192x2048xf32, #tpu.memory_space<hbm>> -> memref<8x2048xf32, #tpu.memory_space<hbm>>
      tpu.enqueue_dma source(%arg13 : memref<8x2048xf32, #tpu.memory_space<vmem>>) target(%dma_start3A_139 : memref<8x2048xf32, #tpu.memory_space<hbm>>) target_semaphore(%arg25 : memref<!tpu.dma_semaphore, #tpu.memory_space<semaphore_mem>>)
      %add3A_140 = arith.constant 16 : i32
      %add3A_141 = arith.addi %mul3A_2, %add3A_140 : i32
      %dma_wait3A_142 = arith.constant 0 : i32
      %dma_wait3A_143 = tpu.memref_slice %arg7[%add3A_141, %dma_wait3A_142] : memref<8192x2048xf32, #tpu.memory_space<hbm>> -> memref<8x2048xf32, #tpu.memory_space<hbm>>
      %dma_wait3A_144 = arith.constant 0 : i32
      %dma_wait3A_145 = tpu.memref_slice %arg7[%add3A_141, %dma_wait3A_144] : memref<8192x2048xf32, #tpu.memory_space<hbm>> -> memref<8x2048xf32, #tpu.memory_space<hbm>>
      tpu.wait_dma2 semaphore(%arg23 : memref<!tpu.dma_semaphore, #tpu.memory_space<semaphore_mem>>) src(%arg11 : memref<8x2048xf32, #tpu.memory_space<vmem>>) dst(%dma_wait3A_145 : memref<8x2048xf32, #tpu.memory_space<hbm>>)
      %add3A_146 = arith.constant 64 : i32
      %add3A_147 = arith.addi %mul3A_2, %add3A_146 : i32
      %dma_start3A_148 = arith.constant 0 : i32
      %dma_start3A_149 = tpu.memref_slice %arg5[%add3A_147, %dma_start3A_148] : memref<8192x2048xf32, #tpu.memory_space<hbm>> -> memref<8x2048xf32, #tpu.memory_space<hbm>>
      %dma_start3A_150 = arith.constant 0 : i32
      %dma_start3A_151 = tpu.memref_slice %arg5[%add3A_147, %dma_start3A_150] : memref<8192x2048xf32, #tpu.memory_space<hbm>> -> memref<8x2048xf32, #tpu.memory_space<hbm>>
      tpu.enqueue_dma source(%dma_start3A_151 : memref<8x2048xf32, #tpu.memory_space<hbm>>) target(%arg11 : memref<8x2048xf32, #tpu.memory_space<vmem>>) target_semaphore(%arg17 : memref<!tpu.dma_semaphore, #tpu.memory_space<semaphore_mem>>)
      %add3A_152 = arith.constant 40 : i32
      %add3A_153 = arith.addi %mul3A_2, %add3A_152 : i32
      %dma_wait3A_154 = arith.constant 0 : i32
      %dma_wait3A_155 = tpu.memref_slice %arg5[%add3A_153, %dma_wait3A_154] : memref<8192x2048xf32, #tpu.memory_space<hbm>> -> memref<8x2048xf32, #tpu.memory_space<hbm>>
      %dma_wait3A_156 = arith.constant 0 : i32
      %dma_wait3A_157 = tpu.memref_slice %arg5[%add3A_153, %dma_wait3A_156] : memref<8192x2048xf32, #tpu.memory_space<hbm>> -> memref<8x2048xf32, #tpu.memory_space<hbm>>
      tpu.wait_dma2 semaphore(%arg20 : memref<!tpu.dma_semaphore, #tpu.memory_space<semaphore_mem>>) src(%dma_wait3A_157 : memref<8x2048xf32, #tpu.memory_space<hbm>>) dst(%arg14 : memref<8x2048xf32, #tpu.memory_space<vmem>>)
      %add3A_158 = arith.constant 40 : i32
      %add3A_159 = arith.addi %mul3A_2, %add3A_158 : i32
      %dma_start3A_160 = arith.constant 0 : i32
      %dma_start3A_161 = tpu.memref_slice %arg7[%add3A_159, %dma_start3A_160] : memref<8192x2048xf32, #tpu.memory_space<hbm>> -> memref<8x2048xf32, #tpu.memory_space<hbm>>
      %dma_start3A_162 = arith.constant 0 : i32
      %dma_start3A_163 = tpu.memref_slice %arg7[%add3A_159, %dma_start3A_162] : memref<8192x2048xf32, #tpu.memory_space<hbm>> -> memref<8x2048xf32, #tpu.memory_space<hbm>>
      tpu.enqueue_dma source(%arg14 : memref<8x2048xf32, #tpu.memory_space<vmem>>) target(%dma_start3A_163 : memref<8x2048xf32, #tpu.memory_space<hbm>>) target_semaphore(%arg26 : memref<!tpu.dma_semaphore, #tpu.memory_space<semaphore_mem>>)
      %add3A_164 = arith.constant 24 : i32
      %add3A_165 = arith.addi %mul3A_2, %add3A_164 : i32
      %dma_wait3A_166 = arith.constant 0 : i32
      %dma_wait3A_167 = tpu.memref_slice %arg7[%add3A_165, %dma_wait3A_166] : memref<8192x2048xf32, #tpu.memory_space<hbm>> -> memref<8x2048xf32, #tpu.memory_space<hbm>>
      %dma_wait3A_168 = arith.constant 0 : i32
      %dma_wait3A_169 = tpu.memref_slice %arg7[%add3A_165, %dma_wait3A_168] : memref<8192x2048xf32, #tpu.memory_space<hbm>> -> memref<8x2048xf32, #tpu.memory_space<hbm>>
      tpu.wait_dma2 semaphore(%arg24 : memref<!tpu.dma_semaphore, #tpu.memory_space<semaphore_mem>>) src(%arg12 : memref<8x2048xf32, #tpu.memory_space<vmem>>) dst(%dma_wait3A_169 : memref<8x2048xf32, #tpu.memory_space<hbm>>)
      %add3A_170 = arith.constant 72 : i32
      %add3A_171 = arith.addi %mul3A_2, %add3A_170 : i32
      %dma_start3A_172 = arith.constant 0 : i32
      %dma_start3A_173 = tpu.memref_slice %arg5[%add3A_171, %dma_start3A_172] : memref<8192x2048xf32, #tpu.memory_space<hbm>> -> memref<8x2048xf32, #tpu.memory_space<hbm>>
      %dma_start3A_174 = arith.constant 0 : i32
      %dma_start3A_175 = tpu.memref_slice %arg5[%add3A_171, %dma_start3A_174] : memref<8192x2048xf32, #tpu.memory_space<hbm>> -> memref<8x2048xf32, #tpu.memory_space<hbm>>
      tpu.enqueue_dma source(%dma_start3A_175 : memref<8x2048xf32, #tpu.memory_space<hbm>>) target(%arg12 : memref<8x2048xf32, #tpu.memory_space<vmem>>) target_semaphore(%arg18 : memref<!tpu.dma_semaphore, #tpu.memory_space<semaphore_mem>>)
      %add3A_176 = arith.constant 48 : i32
      %add3A_177 = arith.addi %mul3A_2, %add3A_176 : i32
      %dma_wait3A_178 = arith.constant 0 : i32
      %dma_wait3A_179 = tpu.memref_slice %arg5[%add3A_177, %dma_wait3A_178] : memref<8192x2048xf32, #tpu.memory_space<hbm>> -> memref<8x2048xf32, #tpu.memory_space<hbm>>
      %dma_wait3A_180 = arith.constant 0 : i32
      %dma_wait3A_181 = tpu.memref_slice %arg5[%add3A_177, %dma_wait3A_180] : memref<8192x2048xf32, #tpu.memory_space<hbm>> -> memref<8x2048xf32, #tpu.memory_space<hbm>>
      tpu.wait_dma2 semaphore(%arg15 : memref<!tpu.dma_semaphore, #tpu.memory_space<semaphore_mem>>) src(%dma_wait3A_181 : memref<8x2048xf32, #tpu.memory_space<hbm>>) dst(%arg9 : memref<8x2048xf32, #tpu.memory_space<vmem>>)
      %add3A_182 = arith.constant 48 : i32
      %add3A_183 = arith.addi %mul3A_2, %add3A_182 : i32
      %dma_start3A_184 = arith.constant 0 : i32
      %dma_start3A_185 = tpu.memref_slice %arg7[%add3A_183, %dma_start3A_184] : memref<8192x2048xf32, #tpu.memory_space<hbm>> -> memref<8x2048xf32, #tpu.memory_space<hbm>>
      %dma_start3A_186 = arith.constant 0 : i32
      %dma_start3A_187 = tpu.memref_slice %arg7[%add3A_183, %dma_start3A_186] : memref<8192x2048xf32, #tpu.memory_space<hbm>> -> memref<8x2048xf32, #tpu.memory_space<hbm>>
      tpu.enqueue_dma source(%arg9 : memref<8x2048xf32, #tpu.memory_space<vmem>>) target(%dma_start3A_187 : memref<8x2048xf32, #tpu.memory_space<hbm>>) target_semaphore(%arg21 : memref<!tpu.dma_semaphore, #tpu.memory_space<semaphore_mem>>)
      %add3A_188 = arith.constant 32 : i32
      %add3A_189 = arith.addi %mul3A_2, %add3A_188 : i32
      %dma_wait3A_190 = arith.constant 0 : i32
      %dma_wait3A_191 = tpu.memref_slice %arg7[%add3A_189, %dma_wait3A_190] : memref<8192x2048xf32, #tpu.memory_space<hbm>> -> memref<8x2048xf32, #tpu.memory_space<hbm>>
      %dma_wait3A_192 = arith.constant 0 : i32
      %dma_wait3A_193 = tpu.memref_slice %arg7[%add3A_189, %dma_wait3A_192] : memref<8192x2048xf32, #tpu.memory_space<hbm>> -> memref<8x2048xf32, #tpu.memory_space<hbm>>
      tpu.wait_dma2 semaphore(%arg25 : memref<!tpu.dma_semaphore, #tpu.memory_space<semaphore_mem>>) src(%arg13 : memref<8x2048xf32, #tpu.memory_space<vmem>>) dst(%dma_wait3A_193 : memref<8x2048xf32, #tpu.memory_space<hbm>>)
      %add3A_194 = arith.constant 80 : i32
      %add3A_195 = arith.addi %mul3A_2, %add3A_194 : i32
      %dma_start3A_196 = arith.constant 0 : i32
      %dma_start3A_197 = tpu.memref_slice %arg5[%add3A_195, %dma_start3A_196] : memref<8192x2048xf32, #tpu.memory_space<hbm>> -> memref<8x2048xf32, #tpu.memory_space<hbm>>
      %dma_start3A_198 = arith.constant 0 : i32
      %dma_start3A_199 = tpu.memref_slice %arg5[%add3A_195, %dma_start3A_198] : memref<8192x2048xf32, #tpu.memory_space<hbm>> -> memref<8x2048xf32, #tpu.memory_space<hbm>>
      tpu.enqueue_dma source(%dma_start3A_199 : memref<8x2048xf32, #tpu.memory_space<hbm>>) target(%arg13 : memref<8x2048xf32, #tpu.memory_space<vmem>>) target_semaphore(%arg19 : memref<!tpu.dma_semaphore, #tpu.memory_space<semaphore_mem>>)
      %add3A_200 = arith.constant 56 : i32
      %add3A_201 = arith.addi %mul3A_2, %add3A_200 : i32
      %dma_wait3A_202 = arith.constant 0 : i32
      %dma_wait3A_203 = tpu.memref_slice %arg5[%add3A_201, %dma_wait3A_202] : memref<8192x2048xf32, #tpu.memory_space<hbm>> -> memref<8x2048xf32, #tpu.memory_space<hbm>>
      %dma_wait3A_204 = arith.constant 0 : i32
      %dma_wait3A_205 = tpu.memref_slice %arg5[%add3A_201, %dma_wait3A_204] : memref<8192x2048xf32, #tpu.memory_space<hbm>> -> memref<8x2048xf32, #tpu.memory_space<hbm>>
      tpu.wait_dma2 semaphore(%arg16 : memref<!tpu.dma_semaphore, #tpu.memory_space<semaphore_mem>>) src(%dma_wait3A_205 : memref<8x2048xf32, #tpu.memory_space<hbm>>) dst(%arg10 : memref<8x2048xf32, #tpu.memory_space<vmem>>)
      %add3A_206 = arith.constant 56 : i32
      %add3A_207 = arith.addi %mul3A_2, %add3A_206 : i32
      %dma_start3A_208 = arith.constant 0 : i32
      %dma_start3A_209 = tpu.memref_slice %arg7[%add3A_207, %dma_start3A_208] : memref<8192x2048xf32, #tpu.memory_space<hbm>> -> memref<8x2048xf32, #tpu.memory_space<hbm>>
      %dma_start3A_210 = arith.constant 0 : i32
      %dma_start3A_211 = tpu.memref_slice %arg7[%add3A_207, %dma_start3A_210] : memref<8192x2048xf32, #tpu.memory_space<hbm>> -> memref<8x2048xf32, #tpu.memory_space<hbm>>
      tpu.enqueue_dma source(%arg10 : memref<8x2048xf32, #tpu.memory_space<vmem>>) target(%dma_start3A_211 : memref<8x2048xf32, #tpu.memory_space<hbm>>) target_semaphore(%arg22 : memref<!tpu.dma_semaphore, #tpu.memory_space<semaphore_mem>>)
      %add3A_212 = arith.constant 40 : i32
      %add3A_213 = arith.addi %mul3A_2, %add3A_212 : i32
      %dma_wait3A_214 = arith.constant 0 : i32
      %dma_wait3A_215 = tpu.memref_slice %arg7[%add3A_213, %dma_wait3A_214] : memref<8192x2048xf32, #tpu.memory_space<hbm>> -> memref<8x2048xf32, #tpu.memory_space<hbm>>
      %dma_wait3A_216 = arith.constant 0 : i32
      %dma_wait3A_217 = tpu.memref_slice %arg7[%add3A_213, %dma_wait3A_216] : memref<8192x2048xf32, #tpu.memory_space<hbm>> -> memref<8x2048xf32, #tpu.memory_space<hbm>>
      tpu.wait_dma2 semaphore(%arg26 : memref<!tpu.dma_semaphore, #tpu.memory_space<semaphore_mem>>) src(%arg14 : memref<8x2048xf32, #tpu.memory_space<vmem>>) dst(%dma_wait3A_217 : memref<8x2048xf32, #tpu.memory_space<hbm>>)
      %add3A_218 = arith.constant 88 : i32
      %add3A_219 = arith.addi %mul3A_2, %add3A_218 : i32
      %dma_start3A_220 = arith.constant 0 : i32
      %dma_start3A_221 = tpu.memref_slice %arg5[%add3A_219, %dma_start3A_220] : memref<8192x2048xf32, #tpu.memory_space<hbm>> -> memref<8x2048xf32, #tpu.memory_space<hbm>>
      %dma_start3A_222 = arith.constant 0 : i32
      %dma_start3A_223 = tpu.memref_slice %arg5[%add3A_219, %dma_start3A_222] : memref<8192x2048xf32, #tpu.memory_space<hbm>> -> memref<8x2048xf32, #tpu.memory_space<hbm>>
      tpu.enqueue_dma source(%dma_start3A_223 : memref<8x2048xf32, #tpu.memory_space<hbm>>) target(%arg14 : memref<8x2048xf32, #tpu.memory_space<vmem>>) target_semaphore(%arg20 : memref<!tpu.dma_semaphore, #tpu.memory_space<semaphore_mem>>)
      %add3A_224 = arith.constant 64 : i32
      %add3A_225 = arith.addi %mul3A_2, %add3A_224 : i32
      %dma_wait3A_226 = arith.constant 0 : i32
      %dma_wait3A_227 = tpu.memref_slice %arg5[%add3A_225, %dma_wait3A_226] : memref<8192x2048xf32, #tpu.memory_space<hbm>> -> memref<8x2048xf32, #tpu.memory_space<hbm>>
      %dma_wait3A_228 = arith.constant 0 : i32
      %dma_wait3A_229 = tpu.memref_slice %arg5[%add3A_225, %dma_wait3A_228] : memref<8192x2048xf32, #tpu.memory_space<hbm>> -> memref<8x2048xf32, #tpu.memory_space<hbm>>
      tpu.wait_dma2 semaphore(%arg17 : memref<!tpu.dma_semaphore, #tpu.memory_space<semaphore_mem>>) src(%dma_wait3A_229 : memref<8x2048xf32, #tpu.memory_space<hbm>>) dst(%arg11 : memref<8x2048xf32, #tpu.memory_space<vmem>>)
      %add3A_230 = arith.constant 64 : i32
      %add3A_231 = arith.addi %mul3A_2, %add3A_230 : i32
      %dma_start3A_232 = arith.constant 0 : i32
      %dma_start3A_233 = tpu.memref_slice %arg7[%add3A_231, %dma_start3A_232] : memref<8192x2048xf32, #tpu.memory_space<hbm>> -> memref<8x2048xf32, #tpu.memory_space<hbm>>
      %dma_start3A_234 = arith.constant 0 : i32
      %dma_start3A_235 = tpu.memref_slice %arg7[%add3A_231, %dma_start3A_234] : memref<8192x2048xf32, #tpu.memory_space<hbm>> -> memref<8x2048xf32, #tpu.memory_space<hbm>>
      tpu.enqueue_dma source(%arg11 : memref<8x2048xf32, #tpu.memory_space<vmem>>) target(%dma_start3A_235 : memref<8x2048xf32, #tpu.memory_space<hbm>>) target_semaphore(%arg23 : memref<!tpu.dma_semaphore, #tpu.memory_space<semaphore_mem>>)
      %add3A_236 = arith.constant 48 : i32
      %add3A_237 = arith.addi %mul3A_2, %add3A_236 : i32
      %dma_wait3A_238 = arith.constant 0 : i32
      %dma_wait3A_239 = tpu.memref_slice %arg7[%add3A_237, %dma_wait3A_238] : memref<8192x2048xf32, #tpu.memory_space<hbm>> -> memref<8x2048xf32, #tpu.memory_space<hbm>>
      %dma_wait3A_240 = arith.constant 0 : i32
      %dma_wait3A_241 = tpu.memref_slice %arg7[%add3A_237, %dma_wait3A_240] : memref<8192x2048xf32, #tpu.memory_space<hbm>> -> memref<8x2048xf32, #tpu.memory_space<hbm>>
      tpu.wait_dma2 semaphore(%arg21 : memref<!tpu.dma_semaphore, #tpu.memory_space<semaphore_mem>>) src(%arg9 : memref<8x2048xf32, #tpu.memory_space<vmem>>) dst(%dma_wait3A_241 : memref<8x2048xf32, #tpu.memory_space<hbm>>)
      %add3A_242 = arith.constant 96 : i32
      %add3A_243 = arith.addi %mul3A_2, %add3A_242 : i32
      %dma_start3A_244 = arith.constant 0 : i32
      %dma_start3A_245 = tpu.memref_slice %arg5[%add3A_243, %dma_start3A_244] : memref<8192x2048xf32, #tpu.memory_space<hbm>> -> memref<8x2048xf32, #tpu.memory_space<hbm>>
      %dma_start3A_246 = arith.constant 0 : i32
      %dma_start3A_247 = tpu.memref_slice %arg5[%add3A_243, %dma_start3A_246] : memref<8192x2048xf32, #tpu.memory_space<hbm>> -> memref<8x2048xf32, #tpu.memory_space<hbm>>
      tpu.enqueue_dma source(%dma_start3A_247 : memref<8x2048xf32, #tpu.memory_space<hbm>>) target(%arg9 : memref<8x2048xf32, #tpu.memory_space<vmem>>) target_semaphore(%arg15 : memref<!tpu.dma_semaphore, #tpu.memory_space<semaphore_mem>>)
      %add3A_248 = arith.constant 72 : i32
      %add3A_249 = arith.addi %mul3A_2, %add3A_248 : i32
      %dma_wait3A_250 = arith.constant 0 : i32
      %dma_wait3A_251 = tpu.memref_slice %arg5[%add3A_249, %dma_wait3A_250] : memref<8192x2048xf32, #tpu.memory_space<hbm>> -> memref<8x2048xf32, #tpu.memory_space<hbm>>
      %dma_wait3A_252 = arith.constant 0 : i32
      %dma_wait3A_253 = tpu.memref_slice %arg5[%add3A_249, %dma_wait3A_252] : memref<8192x2048xf32, #tpu.memory_space<hbm>> -> memref<8x2048xf32, #tpu.memory_space<hbm>>
      tpu.wait_dma2 semaphore(%arg18 : memref<!tpu.dma_semaphore, #tpu.memory_space<semaphore_mem>>) src(%dma_wait3A_253 : memref<8x2048xf32, #tpu.memory_space<hbm>>) dst(%arg12 : memref<8x2048xf32, #tpu.memory_space<vmem>>)
      %add3A_254 = arith.constant 72 : i32
      %add3A_255 = arith.addi %mul3A_2, %add3A_254 : i32
      %dma_start3A_256 = arith.constant 0 : i32
      %dma_start3A_257 = tpu.memref_slice %arg7[%add3A_255, %dma_start3A_256] : memref<8192x2048xf32, #tpu.memory_space<hbm>> -> memref<8x2048xf32, #tpu.memory_space<hbm>>
      %dma_start3A_258 = arith.constant 0 : i32
      %dma_start3A_259 = tpu.memref_slice %arg7[%add3A_255, %dma_start3A_258] : memref<8192x2048xf32, #tpu.memory_space<hbm>> -> memref<8x2048xf32, #tpu.memory_space<hbm>>
      tpu.enqueue_dma source(%arg12 : memref<8x2048xf32, #tpu.memory_space<vmem>>) target(%dma_start3A_259 : memref<8x2048xf32, #tpu.memory_space<hbm>>) target_semaphore(%arg24 : memref<!tpu.dma_semaphore, #tpu.memory_space<semaphore_mem>>)
      %add3A_260 = arith.constant 56 : i32
      %add3A_261 = arith.addi %mul3A_2, %add3A_260 : i32
      %dma_wait3A_262 = arith.constant 0 : i32
      %dma_wait3A_263 = tpu.memref_slice %arg7[%add3A_261, %dma_wait3A_262] : memref<8192x2048xf32, #tpu.memory_space<hbm>> -> memref<8x2048xf32, #tpu.memory_space<hbm>>
      %dma_wait3A_264 = arith.constant 0 : i32
      %dma_wait3A_265 = tpu.memref_slice %arg7[%add3A_261, %dma_wait3A_264] : memref<8192x2048xf32, #tpu.memory_space<hbm>> -> memref<8x2048xf32, #tpu.memory_space<hbm>>
      tpu.wait_dma2 semaphore(%arg22 : memref<!tpu.dma_semaphore, #tpu.memory_space<semaphore_mem>>) src(%arg10 : memref<8x2048xf32, #tpu.memory_space<vmem>>) dst(%dma_wait3A_265 : memref<8x2048xf32, #tpu.memory_space<hbm>>)
      %add3A_266 = arith.constant 104 : i32
      %add3A_267 = arith.addi %mul3A_2, %add3A_266 : i32
      %dma_start3A_268 = arith.constant 0 : i32
      %dma_start3A_269 = tpu.memref_slice %arg5[%add3A_267, %dma_start3A_268] : memref<8192x2048xf32, #tpu.memory_space<hbm>> -> memref<8x2048xf32, #tpu.memory_space<hbm>>
      %dma_start3A_270 = arith.constant 0 : i32
      %dma_start3A_271 = tpu.memref_slice %arg5[%add3A_267, %dma_start3A_270] : memref<8192x2048xf32, #tpu.memory_space<hbm>> -> memref<8x2048xf32, #tpu.memory_space<hbm>>
      tpu.enqueue_dma source(%dma_start3A_271 : memref<8x2048xf32, #tpu.memory_space<hbm>>) target(%arg10 : memref<8x2048xf32, #tpu.memory_space<vmem>>) target_semaphore(%arg16 : memref<!tpu.dma_semaphore, #tpu.memory_space<semaphore_mem>>)
      %add3A_272 = arith.constant 80 : i32
      %add3A_273 = arith.addi %mul3A_2, %add3A_272 : i32
      %dma_wait3A_274 = arith.constant 0 : i32
      %dma_wait3A_275 = tpu.memref_slice %arg5[%add3A_273, %dma_wait3A_274] : memref<8192x2048xf32, #tpu.memory_space<hbm>> -> memref<8x2048xf32, #tpu.memory_space<hbm>>
      %dma_wait3A_276 = arith.constant 0 : i32
      %dma_wait3A_277 = tpu.memref_slice %arg5[%add3A_273, %dma_wait3A_276] : memref<8192x2048xf32, #tpu.memory_space<hbm>> -> memref<8x2048xf32, #tpu.memory_space<hbm>>
      tpu.wait_dma2 semaphore(%arg19 : memref<!tpu.dma_semaphore, #tpu.memory_space<semaphore_mem>>) src(%dma_wait3A_277 : memref<8x2048xf32, #tpu.memory_space<hbm>>) dst(%arg13 : memref<8x2048xf32, #tpu.memory_space<vmem>>)
      %add3A_278 = arith.constant 80 : i32
      %add3A_279 = arith.addi %mul3A_2, %add3A_278 : i32
      %dma_start3A_280 = arith.constant 0 : i32
      %dma_start3A_281 = tpu.memref_slice %arg7[%add3A_279, %dma_start3A_280] : memref<8192x2048xf32, #tpu.memory_space<hbm>> -> memref<8x2048xf32, #tpu.memory_space<hbm>>
      %dma_start3A_282 = arith.constant 0 : i32
      %dma_start3A_283 = tpu.memref_slice %arg7[%add3A_279, %dma_start3A_282] : memref<8192x2048xf32, #tpu.memory_space<hbm>> -> memref<8x2048xf32, #tpu.memory_space<hbm>>
      tpu.enqueue_dma source(%arg13 : memref<8x2048xf32, #tpu.memory_space<vmem>>) target(%dma_start3A_283 : memref<8x2048xf32, #tpu.memory_space<hbm>>) target_semaphore(%arg25 : memref<!tpu.dma_semaphore, #tpu.memory_space<semaphore_mem>>)
      %add3A_284 = arith.constant 64 : i32
      %add3A_285 = arith.addi %mul3A_2, %add3A_284 : i32
      %dma_wait3A_286 = arith.constant 0 : i32
      %dma_wait3A_287 = tpu.memref_slice %arg7[%add3A_285, %dma_wait3A_286] : memref<8192x2048xf32, #tpu.memory_space<hbm>> -> memref<8x2048xf32, #tpu.memory_space<hbm>>
      %dma_wait3A_288 = arith.constant 0 : i32
      %dma_wait3A_289 = tpu.memref_slice %arg7[%add3A_285, %dma_wait3A_288] : memref<8192x2048xf32, #tpu.memory_space<hbm>> -> memref<8x2048xf32, #tpu.memory_space<hbm>>
      tpu.wait_dma2 semaphore(%arg23 : memref<!tpu.dma_semaphore, #tpu.memory_space<semaphore_mem>>) src(%arg11 : memref<8x2048xf32, #tpu.memory_space<vmem>>) dst(%dma_wait3A_289 : memref<8x2048xf32, #tpu.memory_space<hbm>>)
      %add3A_290 = arith.constant 112 : i32
      %add3A_291 = arith.addi %mul3A_2, %add3A_290 : i32
      %dma_start3A_292 = arith.constant 0 : i32
      %dma_start3A_293 = tpu.memref_slice %arg5[%add3A_291, %dma_start3A_292] : memref<8192x2048xf32, #tpu.memory_space<hbm>> -> memref<8x2048xf32, #tpu.memory_space<hbm>>
      %dma_start3A_294 = arith.constant 0 : i32
      %dma_start3A_295 = tpu.memref_slice %arg5[%add3A_291, %dma_start3A_294] : memref<8192x2048xf32, #tpu.memory_space<hbm>> -> memref<8x2048xf32, #tpu.memory_space<hbm>>
      tpu.enqueue_dma source(%dma_start3A_295 : memref<8x2048xf32, #tpu.memory_space<hbm>>) target(%arg11 : memref<8x2048xf32, #tpu.memory_space<vmem>>) target_semaphore(%arg17 : memref<!tpu.dma_semaphore, #tpu.memory_space<semaphore_mem>>)
      %add3A_296 = arith.constant 88 : i32
      %add3A_297 = arith.addi %mul3A_2, %add3A_296 : i32
      %dma_wait3A_298 = arith.constant 0 : i32
      %dma_wait3A_299 = tpu.memref_slice %arg5[%add3A_297, %dma_wait3A_298] : memref<8192x2048xf32, #tpu.memory_space<hbm>> -> memref<8x2048xf32, #tpu.memory_space<hbm>>
      %dma_wait3A_300 = arith.constant 0 : i32
      %dma_wait3A_301 = tpu.memref_slice %arg5[%add3A_297, %dma_wait3A_300] : memref<8192x2048xf32, #tpu.memory_space<hbm>> -> memref<8x2048xf32, #tpu.memory_space<hbm>>
      tpu.wait_dma2 semaphore(%arg20 : memref<!tpu.dma_semaphore, #tpu.memory_space<semaphore_mem>>) src(%dma_wait3A_301 : memref<8x2048xf32, #tpu.memory_space<hbm>>) dst(%arg14 : memref<8x2048xf32, #tpu.memory_space<vmem>>)
      %add3A_302 = arith.constant 88 : i32
      %add3A_303 = arith.addi %mul3A_2, %add3A_302 : i32
      %dma_start3A_304 = arith.constant 0 : i32
      %dma_start3A_305 = tpu.memref_slice %arg7[%add3A_303, %dma_start3A_304] : memref<8192x2048xf32, #tpu.memory_space<hbm>> -> memref<8x2048xf32, #tpu.memory_space<hbm>>
      %dma_start3A_306 = arith.constant 0 : i32
      %dma_start3A_307 = tpu.memref_slice %arg7[%add3A_303, %dma_start3A_306] : memref<8192x2048xf32, #tpu.memory_space<hbm>> -> memref<8x2048xf32, #tpu.memory_space<hbm>>
      tpu.enqueue_dma source(%arg14 : memref<8x2048xf32, #tpu.memory_space<vmem>>) target(%dma_start3A_307 : memref<8x2048xf32, #tpu.memory_space<hbm>>) target_semaphore(%arg26 : memref<!tpu.dma_semaphore, #tpu.memory_space<semaphore_mem>>)
      %add3A_308 = arith.constant 72 : i32
      %add3A_309 = arith.addi %mul3A_2, %add3A_308 : i32
      %dma_wait3A_310 = arith.constant 0 : i32
      %dma_wait3A_311 = tpu.memref_slice %arg7[%add3A_309, %dma_wait3A_310] : memref<8192x2048xf32, #tpu.memory_space<hbm>> -> memref<8x2048xf32, #tpu.memory_space<hbm>>
      %dma_wait3A_312 = arith.constant 0 : i32
      %dma_wait3A_313 = tpu.memref_slice %arg7[%add3A_309, %dma_wait3A_312] : memref<8192x2048xf32, #tpu.memory_space<hbm>> -> memref<8x2048xf32, #tpu.memory_space<hbm>>
      tpu.wait_dma2 semaphore(%arg24 : memref<!tpu.dma_semaphore, #tpu.memory_space<semaphore_mem>>) src(%arg12 : memref<8x2048xf32, #tpu.memory_space<vmem>>) dst(%dma_wait3A_313 : memref<8x2048xf32, #tpu.memory_space<hbm>>)
      %add3A_314 = arith.constant 120 : i32
      %add3A_315 = arith.addi %mul3A_2, %add3A_314 : i32
      %dma_start3A_316 = arith.constant 0 : i32
      %dma_start3A_317 = tpu.memref_slice %arg5[%add3A_315, %dma_start3A_316] : memref<8192x2048xf32, #tpu.memory_space<hbm>> -> memref<8x2048xf32, #tpu.memory_space<hbm>>
      %dma_start3A_318 = arith.constant 0 : i32
      %dma_start3A_319 = tpu.memref_slice %arg5[%add3A_315, %dma_start3A_318] : memref<8192x2048xf32, #tpu.memory_space<hbm>> -> memref<8x2048xf32, #tpu.memory_space<hbm>>
      tpu.enqueue_dma source(%dma_start3A_319 : memref<8x2048xf32, #tpu.memory_space<hbm>>) target(%arg12 : memref<8x2048xf32, #tpu.memory_space<vmem>>) target_semaphore(%arg18 : memref<!tpu.dma_semaphore, #tpu.memory_space<semaphore_mem>>)
      %add3A_320 = arith.constant 96 : i32
      %add3A_321 = arith.addi %mul3A_2, %add3A_320 : i32
      %dma_wait3A_322 = arith.constant 0 : i32
      %dma_wait3A_323 = tpu.memref_slice %arg5[%add3A_321, %dma_wait3A_322] : memref<8192x2048xf32, #tpu.memory_space<hbm>> -> memref<8x2048xf32, #tpu.memory_space<hbm>>
      %dma_wait3A_324 = arith.constant 0 : i32
      %dma_wait3A_325 = tpu.memref_slice %arg5[%add3A_321, %dma_wait3A_324] : memref<8192x2048xf32, #tpu.memory_space<hbm>> -> memref<8x2048xf32, #tpu.memory_space<hbm>>
      tpu.wait_dma2 semaphore(%arg15 : memref<!tpu.dma_semaphore, #tpu.memory_space<semaphore_mem>>) src(%dma_wait3A_325 : memref<8x2048xf32, #tpu.memory_space<hbm>>) dst(%arg9 : memref<8x2048xf32, #tpu.memory_space<vmem>>)
      %add3A_326 = arith.constant 96 : i32
      %add3A_327 = arith.addi %mul3A_2, %add3A_326 : i32
      %dma_start3A_328 = arith.constant 0 : i32
      %dma_start3A_329 = tpu.memref_slice %arg7[%add3A_327, %dma_start3A_328] : memref<8192x2048xf32, #tpu.memory_space<hbm>> -> memref<8x2048xf32, #tpu.memory_space<hbm>>
      %dma_start3A_330 = arith.constant 0 : i32
      %dma_start3A_331 = tpu.memref_slice %arg7[%add3A_327, %dma_start3A_330] : memref<8192x2048xf32, #tpu.memory_space<hbm>> -> memref<8x2048xf32, #tpu.memory_space<hbm>>
      tpu.enqueue_dma source(%arg9 : memref<8x2048xf32, #tpu.memory_space<vmem>>) target(%dma_start3A_331 : memref<8x2048xf32, #tpu.memory_space<hbm>>) target_semaphore(%arg21 : memref<!tpu.dma_semaphore, #tpu.memory_space<semaphore_mem>>)
      %add3A_332 = arith.constant 80 : i32
      %add3A_333 = arith.addi %mul3A_2, %add3A_332 : i32
      %dma_wait3A_334 = arith.constant 0 : i32
      %dma_wait3A_335 = tpu.memref_slice %arg7[%add3A_333, %dma_wait3A_334] : memref<8192x2048xf32, #tpu.memory_space<hbm>> -> memref<8x2048xf32, #tpu.memory_space<hbm>>
      %dma_wait3A_336 = arith.constant 0 : i32
      %dma_wait3A_337 = tpu.memref_slice %arg7[%add3A_333, %dma_wait3A_336] : memref<8192x2048xf32, #tpu.memory_space<hbm>> -> memref<8x2048xf32, #tpu.memory_space<hbm>>
      tpu.wait_dma2 semaphore(%arg25 : memref<!tpu.dma_semaphore, #tpu.memory_space<semaphore_mem>>) src(%arg13 : memref<8x2048xf32, #tpu.memory_space<vmem>>) dst(%dma_wait3A_337 : memref<8x2048xf32, #tpu.memory_space<hbm>>)
      %add3A_338 = arith.constant 128 : i32
      %add3A_339 = arith.addi %mul3A_2, %add3A_338 : i32
      %dma_start3A_340 = arith.constant 0 : i32
      %dma_start3A_341 = tpu.memref_slice %arg5[%add3A_339, %dma_start3A_340] : memref<8192x2048xf32, #tpu.memory_space<hbm>> -> memref<8x2048xf32, #tpu.memory_space<hbm>>
      %dma_start3A_342 = arith.constant 0 : i32
      %dma_start3A_343 = tpu.memref_slice %arg5[%add3A_339, %dma_start3A_342] : memref<8192x2048xf32, #tpu.memory_space<hbm>> -> memref<8x2048xf32, #tpu.memory_space<hbm>>
      tpu.enqueue_dma source(%dma_start3A_343 : memref<8x2048xf32, #tpu.memory_space<hbm>>) target(%arg13 : memref<8x2048xf32, #tpu.memory_space<vmem>>) target_semaphore(%arg19 : memref<!tpu.dma_semaphore, #tpu.memory_space<semaphore_mem>>)
      %add3A_344 = arith.constant 104 : i32
      %add3A_345 = arith.addi %mul3A_2, %add3A_344 : i32
      %dma_wait3A_346 = arith.constant 0 : i32
      %dma_wait3A_347 = tpu.memref_slice %arg5[%add3A_345, %dma_wait3A_346] : memref<8192x2048xf32, #tpu.memory_space<hbm>> -> memref<8x2048xf32, #tpu.memory_space<hbm>>
      %dma_wait3A_348 = arith.constant 0 : i32
      %dma_wait3A_349 = tpu.memref_slice %arg5[%add3A_345, %dma_wait3A_348] : memref<8192x2048xf32, #tpu.memory_space<hbm>> -> memref<8x2048xf32, #tpu.memory_space<hbm>>
      tpu.wait_dma2 semaphore(%arg16 : memref<!tpu.dma_semaphore, #tpu.memory_space<semaphore_mem>>) src(%dma_wait3A_349 : memref<8x2048xf32, #tpu.memory_space<hbm>>) dst(%arg10 : memref<8x2048xf32, #tpu.memory_space<vmem>>)
      %add3A_350 = arith.constant 104 : i32
      %add3A_351 = arith.addi %mul3A_2, %add3A_350 : i32
      %dma_start3A_352 = arith.constant 0 : i32
      %dma_start3A_353 = tpu.memref_slice %arg7[%add3A_351, %dma_start3A_352] : memref<8192x2048xf32, #tpu.memory_space<hbm>> -> memref<8x2048xf32, #tpu.memory_space<hbm>>
      %dma_start3A_354 = arith.constant 0 : i32
      %dma_start3A_355 = tpu.memref_slice %arg7[%add3A_351, %dma_start3A_354] : memref<8192x2048xf32, #tpu.memory_space<hbm>> -> memref<8x2048xf32, #tpu.memory_space<hbm>>
      tpu.enqueue_dma source(%arg10 : memref<8x2048xf32, #tpu.memory_space<vmem>>) target(%dma_start3A_355 : memref<8x2048xf32, #tpu.memory_space<hbm>>) target_semaphore(%arg22 : memref<!tpu.dma_semaphore, #tpu.memory_space<semaphore_mem>>)
      %add3A_356 = arith.constant 88 : i32
      %add3A_357 = arith.addi %mul3A_2, %add3A_356 : i32
      %dma_wait3A_358 = arith.constant 0 : i32
      %dma_wait3A_359 = tpu.memref_slice %arg7[%add3A_357, %dma_wait3A_358] : memref<8192x2048xf32, #tpu.memory_space<hbm>> -> memref<8x2048xf32, #tpu.memory_space<hbm>>
      %dma_wait3A_360 = arith.constant 0 : i32
      %dma_wait3A_361 = tpu.memref_slice %arg7[%add3A_357, %dma_wait3A_360] : memref<8192x2048xf32, #tpu.memory_space<hbm>> -> memref<8x2048xf32, #tpu.memory_space<hbm>>
      tpu.wait_dma2 semaphore(%arg26 : memref<!tpu.dma_semaphore, #tpu.memory_space<semaphore_mem>>) src(%arg14 : memref<8x2048xf32, #tpu.memory_space<vmem>>) dst(%dma_wait3A_361 : memref<8x2048xf32, #tpu.memory_space<hbm>>)
      %add3A_362 = arith.constant 136 : i32
      %add3A_363 = arith.addi %mul3A_2, %add3A_362 : i32
      %dma_start3A_364 = arith.constant 0 : i32
      %dma_start3A_365 = tpu.memref_slice %arg5[%add3A_363, %dma_start3A_364] : memref<8192x2048xf32, #tpu.memory_space<hbm>> -> memref<8x2048xf32, #tpu.memory_space<hbm>>
      %dma_start3A_366 = arith.constant 0 : i32
      %dma_start3A_367 = tpu.memref_slice %arg5[%add3A_363, %dma_start3A_366] : memref<8192x2048xf32, #tpu.memory_space<hbm>> -> memref<8x2048xf32, #tpu.memory_space<hbm>>
      tpu.enqueue_dma source(%dma_start3A_367 : memref<8x2048xf32, #tpu.memory_space<hbm>>) target(%arg14 : memref<8x2048xf32, #tpu.memory_space<vmem>>) target_semaphore(%arg20 : memref<!tpu.dma_semaphore, #tpu.memory_space<semaphore_mem>>)
      %add3A_368 = arith.constant 112 : i32
      %add3A_369 = arith.addi %mul3A_2, %add3A_368 : i32
      %dma_wait3A_370 = arith.constant 0 : i32
      %dma_wait3A_371 = tpu.memref_slice %arg5[%add3A_369, %dma_wait3A_370] : memref<8192x2048xf32, #tpu.memory_space<hbm>> -> memref<8x2048xf32, #tpu.memory_space<hbm>>
      %dma_wait3A_372 = arith.constant 0 : i32
      %dma_wait3A_373 = tpu.memref_slice %arg5[%add3A_369, %dma_wait3A_372] : memref<8192x2048xf32, #tpu.memory_space<hbm>> -> memref<8x2048xf32, #tpu.memory_space<hbm>>
      tpu.wait_dma2 semaphore(%arg17 : memref<!tpu.dma_semaphore, #tpu.memory_space<semaphore_mem>>) src(%dma_wait3A_373 : memref<8x2048xf32, #tpu.memory_space<hbm>>) dst(%arg11 : memref<8x2048xf32, #tpu.memory_space<vmem>>)
      %add3A_374 = arith.constant 112 : i32
      %add3A_375 = arith.addi %mul3A_2, %add3A_374 : i32
      %dma_start3A_376 = arith.constant 0 : i32
      %dma_start3A_377 = tpu.memref_slice %arg7[%add3A_375, %dma_start3A_376] : memref<8192x2048xf32, #tpu.memory_space<hbm>> -> memref<8x2048xf32, #tpu.memory_space<hbm>>
      %dma_start3A_378 = arith.constant 0 : i32
      %dma_start3A_379 = tpu.memref_slice %arg7[%add3A_375, %dma_start3A_378] : memref<8192x2048xf32, #tpu.memory_space<hbm>> -> memref<8x2048xf32, #tpu.memory_space<hbm>>
      tpu.enqueue_dma source(%arg11 : memref<8x2048xf32, #tpu.memory_space<vmem>>) target(%dma_start3A_379 : memref<8x2048xf32, #tpu.memory_space<hbm>>) target_semaphore(%arg23 : memref<!tpu.dma_semaphore, #tpu.memory_space<semaphore_mem>>)
      %add3A_380 = arith.constant 96 : i32
      %add3A_381 = arith.addi %mul3A_2, %add3A_380 : i32
      %dma_wait3A_382 = arith.constant 0 : i32
      %dma_wait3A_383 = tpu.memref_slice %arg7[%add3A_381, %dma_wait3A_382] : memref<8192x2048xf32, #tpu.memory_space<hbm>> -> memref<8x2048xf32, #tpu.memory_space<hbm>>
      %dma_wait3A_384 = arith.constant 0 : i32
      %dma_wait3A_385 = tpu.memref_slice %arg7[%add3A_381, %dma_wait3A_384] : memref<8192x2048xf32, #tpu.memory_space<hbm>> -> memref<8x2048xf32, #tpu.memory_space<hbm>>
      tpu.wait_dma2 semaphore(%arg21 : memref<!tpu.dma_semaphore, #tpu.memory_space<semaphore_mem>>) src(%arg9 : memref<8x2048xf32, #tpu.memory_space<vmem>>) dst(%dma_wait3A_385 : memref<8x2048xf32, #tpu.memory_space<hbm>>)
      %add3A_386 = arith.constant 144 : i32
      %add3A_387 = arith.addi %mul3A_2, %add3A_386 : i32
      %dma_start3A_388 = arith.constant 0 : i32
      %dma_start3A_389 = tpu.memref_slice %arg5[%add3A_387, %dma_start3A_388] : memref<8192x2048xf32, #tpu.memory_space<hbm>> -> memref<8x2048xf32, #tpu.memory_space<hbm>>
      %dma_start3A_390 = arith.constant 0 : i32
      %dma_start3A_391 = tpu.memref_slice %arg5[%add3A_387, %dma_start3A_390] : memref<8192x2048xf32, #tpu.memory_space<hbm>> -> memref<8x2048xf32, #tpu.memory_space<hbm>>
      tpu.enqueue_dma source(%dma_start3A_391 : memref<8x2048xf32, #tpu.memory_space<hbm>>) target(%arg9 : memref<8x2048xf32, #tpu.memory_space<vmem>>) target_semaphore(%arg15 : memref<!tpu.dma_semaphore, #tpu.memory_space<semaphore_mem>>)
      %add3A_392 = arith.constant 120 : i32
      %add3A_393 = arith.addi %mul3A_2, %add3A_392 : i32
      %dma_wait3A_394 = arith.constant 0 : i32
      %dma_wait3A_395 = tpu.memref_slice %arg5[%add3A_393, %dma_wait3A_394] : memref<8192x2048xf32, #tpu.memory_space<hbm>> -> memref<8x2048xf32, #tpu.memory_space<hbm>>
      %dma_wait3A_396 = arith.constant 0 : i32
      %dma_wait3A_397 = tpu.memref_slice %arg5[%add3A_393, %dma_wait3A_396] : memref<8192x2048xf32, #tpu.memory_space<hbm>> -> memref<8x2048xf32, #tpu.memory_space<hbm>>
      tpu.wait_dma2 semaphore(%arg18 : memref<!tpu.dma_semaphore, #tpu.memory_space<semaphore_mem>>) src(%dma_wait3A_397 : memref<8x2048xf32, #tpu.memory_space<hbm>>) dst(%arg12 : memref<8x2048xf32, #tpu.memory_space<vmem>>)
      %add3A_398 = arith.constant 120 : i32
      %add3A_399 = arith.addi %mul3A_2, %add3A_398 : i32
      %dma_start3A_400 = arith.constant 0 : i32
      %dma_start3A_401 = tpu.memref_slice %arg7[%add3A_399, %dma_start3A_400] : memref<8192x2048xf32, #tpu.memory_space<hbm>> -> memref<8x2048xf32, #tpu.memory_space<hbm>>
      %dma_start3A_402 = arith.constant 0 : i32
      %dma_start3A_403 = tpu.memref_slice %arg7[%add3A_399, %dma_start3A_402] : memref<8192x2048xf32, #tpu.memory_space<hbm>> -> memref<8x2048xf32, #tpu.memory_space<hbm>>
      tpu.enqueue_dma source(%arg12 : memref<8x2048xf32, #tpu.memory_space<vmem>>) target(%dma_start3A_403 : memref<8x2048xf32, #tpu.memory_space<hbm>>) target_semaphore(%arg24 : memref<!tpu.dma_semaphore, #tpu.memory_space<semaphore_mem>>)
      %add3A_404 = arith.constant 104 : i32
      %add3A_405 = arith.addi %mul3A_2, %add3A_404 : i32
      %dma_wait3A_406 = arith.constant 0 : i32
      %dma_wait3A_407 = tpu.memref_slice %arg7[%add3A_405, %dma_wait3A_406] : memref<8192x2048xf32, #tpu.memory_space<hbm>> -> memref<8x2048xf32, #tpu.memory_space<hbm>>
      %dma_wait3A_408 = arith.constant 0 : i32
      %dma_wait3A_409 = tpu.memref_slice %arg7[%add3A_405, %dma_wait3A_408] : memref<8192x2048xf32, #tpu.memory_space<hbm>> -> memref<8x2048xf32, #tpu.memory_space<hbm>>
      tpu.wait_dma2 semaphore(%arg22 : memref<!tpu.dma_semaphore, #tpu.memory_space<semaphore_mem>>) src(%arg10 : memref<8x2048xf32, #tpu.memory_space<vmem>>) dst(%dma_wait3A_409 : memref<8x2048xf32, #tpu.memory_space<hbm>>)
      %add3A_410 = arith.constant 152 : i32
      %add3A_411 = arith.addi %mul3A_2, %add3A_410 : i32
      %dma_start3A_412 = arith.constant 0 : i32
      %dma_start3A_413 = tpu.memref_slice %arg5[%add3A_411, %dma_start3A_412] : memref<8192x2048xf32, #tpu.memory_space<hbm>> -> memref<8x2048xf32, #tpu.memory_space<hbm>>
      %dma_start3A_414 = arith.constant 0 : i32
      %dma_start3A_415 = tpu.memref_slice %arg5[%add3A_411, %dma_start3A_414] : memref<8192x2048xf32, #tpu.memory_space<hbm>> -> memref<8x2048xf32, #tpu.memory_space<hbm>>
      tpu.enqueue_dma source(%dma_start3A_415 : memref<8x2048xf32, #tpu.memory_space<hbm>>) target(%arg10 : memref<8x2048xf32, #tpu.memory_space<vmem>>) target_semaphore(%arg16 : memref<!tpu.dma_semaphore, #tpu.memory_space<semaphore_mem>>)
      %add3A_416 = arith.constant 128 : i32
      %add3A_417 = arith.addi %mul3A_2, %add3A_416 : i32
      %dma_wait3A_418 = arith.constant 0 : i32
      %dma_wait3A_419 = tpu.memref_slice %arg5[%add3A_417, %dma_wait3A_418] : memref<8192x2048xf32, #tpu.memory_space<hbm>> -> memref<8x2048xf32, #tpu.memory_space<hbm>>
      %dma_wait3A_420 = arith.constant 0 : i32
      %dma_wait3A_421 = tpu.memref_slice %arg5[%add3A_417, %dma_wait3A_420] : memref<8192x2048xf32, #tpu.memory_space<hbm>> -> memref<8x2048xf32, #tpu.memory_space<hbm>>
      tpu.wait_dma2 semaphore(%arg19 : memref<!tpu.dma_semaphore, #tpu.memory_space<semaphore_mem>>) src(%dma_wait3A_421 : memref<8x2048xf32, #tpu.memory_space<hbm>>) dst(%arg13 : memref<8x2048xf32, #tpu.memory_space<vmem>>)
      %add3A_422 = arith.constant 128 : i32
      %add3A_423 = arith.addi %mul3A_2, %add3A_422 : i32
      %dma_start3A_424 = arith.constant 0 : i32
      %dma_start3A_425 = tpu.memref_slice %arg7[%add3A_423, %dma_start3A_424] : memref<8192x2048xf32, #tpu.memory_space<hbm>> -> memref<8x2048xf32, #tpu.memory_space<hbm>>
      %dma_start3A_426 = arith.constant 0 : i32
      %dma_start3A_427 = tpu.memref_slice %arg7[%add3A_423, %dma_start3A_426] : memref<8192x2048xf32, #tpu.memory_space<hbm>> -> memref<8x2048xf32, #tpu.memory_space<hbm>>
      tpu.enqueue_dma source(%arg13 : memref<8x2048xf32, #tpu.memory_space<vmem>>) target(%dma_start3A_427 : memref<8x2048xf32, #tpu.memory_space<hbm>>) target_semaphore(%arg25 : memref<!tpu.dma_semaphore, #tpu.memory_space<semaphore_mem>>)
      %add3A_428 = arith.constant 112 : i32
      %add3A_429 = arith.addi %mul3A_2, %add3A_428 : i32
      %dma_wait3A_430 = arith.constant 0 : i32
      %dma_wait3A_431 = tpu.memref_slice %arg7[%add3A_429, %dma_wait3A_430] : memref<8192x2048xf32, #tpu.memory_space<hbm>> -> memref<8x2048xf32, #tpu.memory_space<hbm>>
      %dma_wait3A_432 = arith.constant 0 : i32
      %dma_wait3A_433 = tpu.memref_slice %arg7[%add3A_429, %dma_wait3A_432] : memref<8192x2048xf32, #tpu.memory_space<hbm>> -> memref<8x2048xf32, #tpu.memory_space<hbm>>
      tpu.wait_dma2 semaphore(%arg23 : memref<!tpu.dma_semaphore, #tpu.memory_space<semaphore_mem>>) src(%arg11 : memref<8x2048xf32, #tpu.memory_space<vmem>>) dst(%dma_wait3A_433 : memref<8x2048xf32, #tpu.memory_space<hbm>>)
      %add3A_434 = arith.constant 160 : i32
      %add3A_435 = arith.addi %mul3A_2, %add3A_434 : i32
      %dma_start3A_436 = arith.constant 0 : i32
      %dma_start3A_437 = tpu.memref_slice %arg5[%add3A_435, %dma_start3A_436] : memref<8192x2048xf32, #tpu.memory_space<hbm>> -> memref<8x2048xf32, #tpu.memory_space<hbm>>
      %dma_start3A_438 = arith.constant 0 : i32
      %dma_start3A_439 = tpu.memref_slice %arg5[%add3A_435, %dma_start3A_438] : memref<8192x2048xf32, #tpu.memory_space<hbm>> -> memref<8x2048xf32, #tpu.memory_space<hbm>>
      tpu.enqueue_dma source(%dma_start3A_439 : memref<8x2048xf32, #tpu.memory_space<hbm>>) target(%arg11 : memref<8x2048xf32, #tpu.memory_space<vmem>>) target_semaphore(%arg17 : memref<!tpu.dma_semaphore, #tpu.memory_space<semaphore_mem>>)
      %add3A_440 = arith.constant 136 : i32
      %add3A_441 = arith.addi %mul3A_2, %add3A_440 : i32
      %dma_wait3A_442 = arith.constant 0 : i32
      %dma_wait3A_443 = tpu.memref_slice %arg5[%add3A_441, %dma_wait3A_442] : memref<8192x2048xf32, #tpu.memory_space<hbm>> -> memref<8x2048xf32, #tpu.memory_space<hbm>>
      %dma_wait3A_444 = arith.constant 0 : i32
      %dma_wait3A_445 = tpu.memref_slice %arg5[%add3A_441, %dma_wait3A_444] : memref<8192x2048xf32, #tpu.memory_space<hbm>> -> memref<8x2048xf32, #tpu.memory_space<hbm>>
      tpu.wait_dma2 semaphore(%arg20 : memref<!tpu.dma_semaphore, #tpu.memory_space<semaphore_mem>>) src(%dma_wait3A_445 : memref<8x2048xf32, #tpu.memory_space<hbm>>) dst(%arg14 : memref<8x2048xf32, #tpu.memory_space<vmem>>)
      %add3A_446 = arith.constant 136 : i32
      %add3A_447 = arith.addi %mul3A_2, %add3A_446 : i32
      %dma_start3A_448 = arith.constant 0 : i32
      %dma_start3A_449 = tpu.memref_slice %arg7[%add3A_447, %dma_start3A_448] : memref<8192x2048xf32, #tpu.memory_space<hbm>> -> memref<8x2048xf32, #tpu.memory_space<hbm>>
      %dma_start3A_450 = arith.constant 0 : i32
      %dma_start3A_451 = tpu.memref_slice %arg7[%add3A_447, %dma_start3A_450] : memref<8192x2048xf32, #tpu.memory_space<hbm>> -> memref<8x2048xf32, #tpu.memory_space<hbm>>
      tpu.enqueue_dma source(%arg14 : memref<8x2048xf32, #tpu.memory_space<vmem>>) target(%dma_start3A_451 : memref<8x2048xf32, #tpu.memory_space<hbm>>) target_semaphore(%arg26 : memref<!tpu.dma_semaphore, #tpu.memory_space<semaphore_mem>>)
      %add3A_452 = arith.constant 120 : i32
      %add3A_453 = arith.addi %mul3A_2, %add3A_452 : i32
      %dma_wait3A_454 = arith.constant 0 : i32
      %dma_wait3A_455 = tpu.memref_slice %arg7[%add3A_453, %dma_wait3A_454] : memref<8192x2048xf32, #tpu.memory_space<hbm>> -> memref<8x2048xf32, #tpu.memory_space<hbm>>
      %dma_wait3A_456 = arith.constant 0 : i32
      %dma_wait3A_457 = tpu.memref_slice %arg7[%add3A_453, %dma_wait3A_456] : memref<8192x2048xf32, #tpu.memory_space<hbm>> -> memref<8x2048xf32, #tpu.memory_space<hbm>>
      tpu.wait_dma2 semaphore(%arg24 : memref<!tpu.dma_semaphore, #tpu.memory_space<semaphore_mem>>) src(%arg12 : memref<8x2048xf32, #tpu.memory_space<vmem>>) dst(%dma_wait3A_457 : memref<8x2048xf32, #tpu.memory_space<hbm>>)
      %add3A_458 = arith.constant 168 : i32
      %add3A_459 = arith.addi %mul3A_2, %add3A_458 : i32
      %dma_start3A_460 = arith.constant 0 : i32
      %dma_start3A_461 = tpu.memref_slice %arg5[%add3A_459, %dma_start3A_460] : memref<8192x2048xf32, #tpu.memory_space<hbm>> -> memref<8x2048xf32, #tpu.memory_space<hbm>>
      %dma_start3A_462 = arith.constant 0 : i32
      %dma_start3A_463 = tpu.memref_slice %arg5[%add3A_459, %dma_start3A_462] : memref<8192x2048xf32, #tpu.memory_space<hbm>> -> memref<8x2048xf32, #tpu.memory_space<hbm>>
      tpu.enqueue_dma source(%dma_start3A_463 : memref<8x2048xf32, #tpu.memory_space<hbm>>) target(%arg12 : memref<8x2048xf32, #tpu.memory_space<vmem>>) target_semaphore(%arg18 : memref<!tpu.dma_semaphore, #tpu.memory_space<semaphore_mem>>)
      %add3A_464 = arith.constant 144 : i32
      %add3A_465 = arith.addi %mul3A_2, %add3A_464 : i32
      %dma_wait3A_466 = arith.constant 0 : i32
      %dma_wait3A_467 = tpu.memref_slice %arg5[%add3A_465, %dma_wait3A_466] : memref<8192x2048xf32, #tpu.memory_space<hbm>> -> memref<8x2048xf32, #tpu.memory_space<hbm>>
      %dma_wait3A_468 = arith.constant 0 : i32
      %dma_wait3A_469 = tpu.memref_slice %arg5[%add3A_465, %dma_wait3A_468] : memref<8192x2048xf32, #tpu.memory_space<hbm>> -> memref<8x2048xf32, #tpu.memory_space<hbm>>
      tpu.wait_dma2 semaphore(%arg15 : memref<!tpu.dma_semaphore, #tpu.memory_space<semaphore_mem>>) src(%dma_wait3A_469 : memref<8x2048xf32, #tpu.memory_space<hbm>>) dst(%arg9 : memref<8x2048xf32, #tpu.memory_space<vmem>>)
      %add3A_470 = arith.constant 144 : i32
      %add3A_471 = arith.addi %mul3A_2, %add3A_470 : i32
      %dma_start3A_472 = arith.constant 0 : i32
      %dma_start3A_473 = tpu.memref_slice %arg7[%add3A_471, %dma_start3A_472] : memref<8192x2048xf32, #tpu.memory_space<hbm>> -> memref<8x2048xf32, #tpu.memory_space<hbm>>
      %dma_start3A_474 = arith.constant 0 : i32
      %dma_start3A_475 = tpu.memref_slice %arg7[%add3A_471, %dma_start3A_474] : memref<8192x2048xf32, #tpu.memory_space<hbm>> -> memref<8x2048xf32, #tpu.memory_space<hbm>>
      tpu.enqueue_dma source(%arg9 : memref<8x2048xf32, #tpu.memory_space<vmem>>) target(%dma_start3A_475 : memref<8x2048xf32, #tpu.memory_space<hbm>>) target_semaphore(%arg21 : memref<!tpu.dma_semaphore, #tpu.memory_space<semaphore_mem>>)
      %add3A_476 = arith.constant 128 : i32
      %add3A_477 = arith.addi %mul3A_2, %add3A_476 : i32
      %dma_wait3A_478 = arith.constant 0 : i32
      %dma_wait3A_479 = tpu.memref_slice %arg7[%add3A_477, %dma_wait3A_478] : memref<8192x2048xf32, #tpu.memory_space<hbm>> -> memref<8x2048xf32, #tpu.memory_space<hbm>>
      %dma_wait3A_480 = arith.constant 0 : i32
      %dma_wait3A_481 = tpu.memref_slice %arg7[%add3A_477, %dma_wait3A_480] : memref<8192x2048xf32, #tpu.memory_space<hbm>> -> memref<8x2048xf32, #tpu.memory_space<hbm>>
      tpu.wait_dma2 semaphore(%arg25 : memref<!tpu.dma_semaphore, #tpu.memory_space<semaphore_mem>>) src(%arg13 : memref<8x2048xf32, #tpu.memory_space<vmem>>) dst(%dma_wait3A_481 : memref<8x2048xf32, #tpu.memory_space<hbm>>)
      %add3A_482 = arith.constant 176 : i32
      %add3A_483 = arith.addi %mul3A_2, %add3A_482 : i32
      %dma_start3A_484 = arith.constant 0 : i32
      %dma_start3A_485 = tpu.memref_slice %arg5[%add3A_483, %dma_start3A_484] : memref<8192x2048xf32, #tpu.memory_space<hbm>> -> memref<8x2048xf32, #tpu.memory_space<hbm>>
      %dma_start3A_486 = arith.constant 0 : i32
      %dma_start3A_487 = tpu.memref_slice %arg5[%add3A_483, %dma_start3A_486] : memref<8192x2048xf32, #tpu.memory_space<hbm>> -> memref<8x2048xf32, #tpu.memory_space<hbm>>
      tpu.enqueue_dma source(%dma_start3A_487 : memref<8x2048xf32, #tpu.memory_space<hbm>>) target(%arg13 : memref<8x2048xf32, #tpu.memory_space<vmem>>) target_semaphore(%arg19 : memref<!tpu.dma_semaphore, #tpu.memory_space<semaphore_mem>>)
      %add3A_488 = arith.constant 152 : i32
      %add3A_489 = arith.addi %mul3A_2, %add3A_488 : i32
      %dma_wait3A_490 = arith.constant 0 : i32
      %dma_wait3A_491 = tpu.memref_slice %arg5[%add3A_489, %dma_wait3A_490] : memref<8192x2048xf32, #tpu.memory_space<hbm>> -> memref<8x2048xf32, #tpu.memory_space<hbm>>
      %dma_wait3A_492 = arith.constant 0 : i32
      %dma_wait3A_493 = tpu.memref_slice %arg5[%add3A_489, %dma_wait3A_492] : memref<8192x2048xf32, #tpu.memory_space<hbm>> -> memref<8x2048xf32, #tpu.memory_space<hbm>>
      tpu.wait_dma2 semaphore(%arg16 : memref<!tpu.dma_semaphore, #tpu.memory_space<semaphore_mem>>) src(%dma_wait3A_493 : memref<8x2048xf32, #tpu.memory_space<hbm>>) dst(%arg10 : memref<8x2048xf32, #tpu.memory_space<vmem>>)
      %add3A_494 = arith.constant 152 : i32
      %add3A_495 = arith.addi %mul3A_2, %add3A_494 : i32
      %dma_start3A_496 = arith.constant 0 : i32
      %dma_start3A_497 = tpu.memref_slice %arg7[%add3A_495, %dma_start3A_496] : memref<8192x2048xf32, #tpu.memory_space<hbm>> -> memref<8x2048xf32, #tpu.memory_space<hbm>>
      %dma_start3A_498 = arith.constant 0 : i32
      %dma_start3A_499 = tpu.memref_slice %arg7[%add3A_495, %dma_start3A_498] : memref<8192x2048xf32, #tpu.memory_space<hbm>> -> memref<8x2048xf32, #tpu.memory_space<hbm>>
      tpu.enqueue_dma source(%arg10 : memref<8x2048xf32, #tpu.memory_space<vmem>>) target(%dma_start3A_499 : memref<8x2048xf32, #tpu.memory_space<hbm>>) target_semaphore(%arg22 : memref<!tpu.dma_semaphore, #tpu.memory_space<semaphore_mem>>)
      %add3A_500 = arith.constant 136 : i32
      %add3A_501 = arith.addi %mul3A_2, %add3A_500 : i32
      %dma_wait3A_502 = arith.constant 0 : i32
      %dma_wait3A_503 = tpu.memref_slice %arg7[%add3A_501, %dma_wait3A_502] : memref<8192x2048xf32, #tpu.memory_space<hbm>> -> memref<8x2048xf32, #tpu.memory_space<hbm>>
      %dma_wait3A_504 = arith.constant 0 : i32
      %dma_wait3A_505 = tpu.memref_slice %arg7[%add3A_501, %dma_wait3A_504] : memref<8192x2048xf32, #tpu.memory_space<hbm>> -> memref<8x2048xf32, #tpu.memory_space<hbm>>
      tpu.wait_dma2 semaphore(%arg26 : memref<!tpu.dma_semaphore, #tpu.memory_space<semaphore_mem>>) src(%arg14 : memref<8x2048xf32, #tpu.memory_space<vmem>>) dst(%dma_wait3A_505 : memref<8x2048xf32, #tpu.memory_space<hbm>>)
      %add3A_506 = arith.constant 184 : i32
      %add3A_507 = arith.addi %mul3A_2, %add3A_506 : i32
      %dma_start3A_508 = arith.constant 0 : i32
      %dma_start3A_509 = tpu.memref_slice %arg5[%add3A_507, %dma_start3A_508] : memref<8192x2048xf32, #tpu.memory_space<hbm>> -> memref<8x2048xf32, #tpu.memory_space<hbm>>
      %dma_start3A_510 = arith.constant 0 : i32
      %dma_start3A_511 = tpu.memref_slice %arg5[%add3A_507, %dma_start3A_510] : memref<8192x2048xf32, #tpu.memory_space<hbm>> -> memref<8x2048xf32, #tpu.memory_space<hbm>>
      tpu.enqueue_dma source(%dma_start3A_511 : memref<8x2048xf32, #tpu.memory_space<hbm>>) target(%arg14 : memref<8x2048xf32, #tpu.memory_space<vmem>>) target_semaphore(%arg20 : memref<!tpu.dma_semaphore, #tpu.memory_space<semaphore_mem>>)
      %add3A_512 = arith.constant 160 : i32
      %add3A_513 = arith.addi %mul3A_2, %add3A_512 : i32
      %dma_wait3A_514 = arith.constant 0 : i32
      %dma_wait3A_515 = tpu.memref_slice %arg5[%add3A_513, %dma_wait3A_514] : memref<8192x2048xf32, #tpu.memory_space<hbm>> -> memref<8x2048xf32, #tpu.memory_space<hbm>>
      %dma_wait3A_516 = arith.constant 0 : i32
      %dma_wait3A_517 = tpu.memref_slice %arg5[%add3A_513, %dma_wait3A_516] : memref<8192x2048xf32, #tpu.memory_space<hbm>> -> memref<8x2048xf32, #tpu.memory_space<hbm>>
      tpu.wait_dma2 semaphore(%arg17 : memref<!tpu.dma_semaphore, #tpu.memory_space<semaphore_mem>>) src(%dma_wait3A_517 : memref<8x2048xf32, #tpu.memory_space<hbm>>) dst(%arg11 : memref<8x2048xf32, #tpu.memory_space<vmem>>)
      %add3A_518 = arith.constant 160 : i32
      %add3A_519 = arith.addi %mul3A_2, %add3A_518 : i32
      %dma_start3A_520 = arith.constant 0 : i32
      %dma_start3A_521 = tpu.memref_slice %arg7[%add3A_519, %dma_start3A_520] : memref<8192x2048xf32, #tpu.memory_space<hbm>> -> memref<8x2048xf32, #tpu.memory_space<hbm>>
      %dma_start3A_522 = arith.constant 0 : i32
      %dma_start3A_523 = tpu.memref_slice %arg7[%add3A_519, %dma_start3A_522] : memref<8192x2048xf32, #tpu.memory_space<hbm>> -> memref<8x2048xf32, #tpu.memory_space<hbm>>
      tpu.enqueue_dma source(%arg11 : memref<8x2048xf32, #tpu.memory_space<vmem>>) target(%dma_start3A_523 : memref<8x2048xf32, #tpu.memory_space<hbm>>) target_semaphore(%arg23 : memref<!tpu.dma_semaphore, #tpu.memory_space<semaphore_mem>>)
      %add3A_524 = arith.constant 144 : i32
      %add3A_525 = arith.addi %mul3A_2, %add3A_524 : i32
      %dma_wait3A_526 = arith.constant 0 : i32
      %dma_wait3A_527 = tpu.memref_slice %arg7[%add3A_525, %dma_wait3A_526] : memref<8192x2048xf32, #tpu.memory_space<hbm>> -> memref<8x2048xf32, #tpu.memory_space<hbm>>
      %dma_wait3A_528 = arith.constant 0 : i32
      %dma_wait3A_529 = tpu.memref_slice %arg7[%add3A_525, %dma_wait3A_528] : memref<8192x2048xf32, #tpu.memory_space<hbm>> -> memref<8x2048xf32, #tpu.memory_space<hbm>>
      tpu.wait_dma2 semaphore(%arg21 : memref<!tpu.dma_semaphore, #tpu.memory_space<semaphore_mem>>) src(%arg9 : memref<8x2048xf32, #tpu.memory_space<vmem>>) dst(%dma_wait3A_529 : memref<8x2048xf32, #tpu.memory_space<hbm>>)
      %add3A_530 = arith.constant 192 : i32
      %add3A_531 = arith.addi %mul3A_2, %add3A_530 : i32
      %dma_start3A_532 = arith.constant 0 : i32
      %dma_start3A_533 = tpu.memref_slice %arg5[%add3A_531, %dma_start3A_532] : memref<8192x2048xf32, #tpu.memory_space<hbm>> -> memref<8x2048xf32, #tpu.memory_space<hbm>>
      %dma_start3A_534 = arith.constant 0 : i32
      %dma_start3A_535 = tpu.memref_slice %arg5[%add3A_531, %dma_start3A_534] : memref<8192x2048xf32, #tpu.memory_space<hbm>> -> memref<8x2048xf32, #tpu.memory_space<hbm>>
      tpu.enqueue_dma source(%dma_start3A_535 : memref<8x2048xf32, #tpu.memory_space<hbm>>) target(%arg9 : memref<8x2048xf32, #tpu.memory_space<vmem>>) target_semaphore(%arg15 : memref<!tpu.dma_semaphore, #tpu.memory_space<semaphore_mem>>)
      %add3A_536 = arith.constant 168 : i32
      %add3A_537 = arith.addi %mul3A_2, %add3A_536 : i32
      %dma_wait3A_538 = arith.constant 0 : i32
      %dma_wait3A_539 = tpu.memref_slice %arg5[%add3A_537, %dma_wait3A_538] : memref<8192x2048xf32, #tpu.memory_space<hbm>> -> memref<8x2048xf32, #tpu.memory_space<hbm>>
      %dma_wait3A_540 = arith.constant 0 : i32
      %dma_wait3A_541 = tpu.memref_slice %arg5[%add3A_537, %dma_wait3A_540] : memref<8192x2048xf32, #tpu.memory_space<hbm>> -> memref<8x2048xf32, #tpu.memory_space<hbm>>
      tpu.wait_dma2 semaphore(%arg18 : memref<!tpu.dma_semaphore, #tpu.memory_space<semaphore_mem>>) src(%dma_wait3A_541 : memref<8x2048xf32, #tpu.memory_space<hbm>>) dst(%arg12 : memref<8x2048xf32, #tpu.memory_space<vmem>>)
      %add3A_542 = arith.constant 168 : i32
      %add3A_543 = arith.addi %mul3A_2, %add3A_542 : i32
      %dma_start3A_544 = arith.constant 0 : i32
      %dma_start3A_545 = tpu.memref_slice %arg7[%add3A_543, %dma_start3A_544] : memref<8192x2048xf32, #tpu.memory_space<hbm>> -> memref<8x2048xf32, #tpu.memory_space<hbm>>
      %dma_start3A_546 = arith.constant 0 : i32
      %dma_start3A_547 = tpu.memref_slice %arg7[%add3A_543, %dma_start3A_546] : memref<8192x2048xf32, #tpu.memory_space<hbm>> -> memref<8x2048xf32, #tpu.memory_space<hbm>>
      tpu.enqueue_dma source(%arg12 : memref<8x2048xf32, #tpu.memory_space<vmem>>) target(%dma_start3A_547 : memref<8x2048xf32, #tpu.memory_space<hbm>>) target_semaphore(%arg24 : memref<!tpu.dma_semaphore, #tpu.memory_space<semaphore_mem>>)
      %add3A_548 = arith.constant 152 : i32
      %add3A_549 = arith.addi %mul3A_2, %add3A_548 : i32
      %dma_wait3A_550 = arith.constant 0 : i32
      %dma_wait3A_551 = tpu.memref_slice %arg7[%add3A_549, %dma_wait3A_550] : memref<8192x2048xf32, #tpu.memory_space<hbm>> -> memref<8x2048xf32, #tpu.memory_space<hbm>>
      %dma_wait3A_552 = arith.constant 0 : i32
      %dma_wait3A_553 = tpu.memref_slice %arg7[%add3A_549, %dma_wait3A_552] : memref<8192x2048xf32, #tpu.memory_space<hbm>> -> memref<8x2048xf32, #tpu.memory_space<hbm>>
      tpu.wait_dma2 semaphore(%arg22 : memref<!tpu.dma_semaphore, #tpu.memory_space<semaphore_mem>>) src(%arg10 : memref<8x2048xf32, #tpu.memory_space<vmem>>) dst(%dma_wait3A_553 : memref<8x2048xf32, #tpu.memory_space<hbm>>)
      %add3A_554 = arith.constant 200 : i32
      %add3A_555 = arith.addi %mul3A_2, %add3A_554 : i32
      %dma_start3A_556 = arith.constant 0 : i32
      %dma_start3A_557 = tpu.memref_slice %arg5[%add3A_555, %dma_start3A_556] : memref<8192x2048xf32, #tpu.memory_space<hbm>> -> memref<8x2048xf32, #tpu.memory_space<hbm>>
      %dma_start3A_558 = arith.constant 0 : i32
      %dma_start3A_559 = tpu.memref_slice %arg5[%add3A_555, %dma_start3A_558] : memref<8192x2048xf32, #tpu.memory_space<hbm>> -> memref<8x2048xf32, #tpu.memory_space<hbm>>
      tpu.enqueue_dma source(%dma_start3A_559 : memref<8x2048xf32, #tpu.memory_space<hbm>>) target(%arg10 : memref<8x2048xf32, #tpu.memory_space<vmem>>) target_semaphore(%arg16 : memref<!tpu.dma_semaphore, #tpu.memory_space<semaphore_mem>>)
      %add3A_560 = arith.constant 176 : i32
      %add3A_561 = arith.addi %mul3A_2, %add3A_560 : i32
      %dma_wait3A_562 = arith.constant 0 : i32
      %dma_wait3A_563 = tpu.memref_slice %arg5[%add3A_561, %dma_wait3A_562] : memref<8192x2048xf32, #tpu.memory_space<hbm>> -> memref<8x2048xf32, #tpu.memory_space<hbm>>
      %dma_wait3A_564 = arith.constant 0 : i32
      %dma_wait3A_565 = tpu.memref_slice %arg5[%add3A_561, %dma_wait3A_564] : memref<8192x2048xf32, #tpu.memory_space<hbm>> -> memref<8x2048xf32, #tpu.memory_space<hbm>>
      tpu.wait_dma2 semaphore(%arg19 : memref<!tpu.dma_semaphore, #tpu.memory_space<semaphore_mem>>) src(%dma_wait3A_565 : memref<8x2048xf32, #tpu.memory_space<hbm>>) dst(%arg13 : memref<8x2048xf32, #tpu.memory_space<vmem>>)
      %add3A_566 = arith.constant 176 : i32
      %add3A_567 = arith.addi %mul3A_2, %add3A_566 : i32
      %dma_start3A_568 = arith.constant 0 : i32
      %dma_start3A_569 = tpu.memref_slice %arg7[%add3A_567, %dma_start3A_568] : memref<8192x2048xf32, #tpu.memory_space<hbm>> -> memref<8x2048xf32, #tpu.memory_space<hbm>>
      %dma_start3A_570 = arith.constant 0 : i32
      %dma_start3A_571 = tpu.memref_slice %arg7[%add3A_567, %dma_start3A_570] : memref<8192x2048xf32, #tpu.memory_space<hbm>> -> memref<8x2048xf32, #tpu.memory_space<hbm>>
      tpu.enqueue_dma source(%arg13 : memref<8x2048xf32, #tpu.memory_space<vmem>>) target(%dma_start3A_571 : memref<8x2048xf32, #tpu.memory_space<hbm>>) target_semaphore(%arg25 : memref<!tpu.dma_semaphore, #tpu.memory_space<semaphore_mem>>)
      %add3A_572 = arith.constant 160 : i32
      %add3A_573 = arith.addi %mul3A_2, %add3A_572 : i32
      %dma_wait3A_574 = arith.constant 0 : i32
      %dma_wait3A_575 = tpu.memref_slice %arg7[%add3A_573, %dma_wait3A_574] : memref<8192x2048xf32, #tpu.memory_space<hbm>> -> memref<8x2048xf32, #tpu.memory_space<hbm>>
      %dma_wait3A_576 = arith.constant 0 : i32
      %dma_wait3A_577 = tpu.memref_slice %arg7[%add3A_573, %dma_wait3A_576] : memref<8192x2048xf32, #tpu.memory_space<hbm>> -> memref<8x2048xf32, #tpu.memory_space<hbm>>
      tpu.wait_dma2 semaphore(%arg23 : memref<!tpu.dma_semaphore, #tpu.memory_space<semaphore_mem>>) src(%arg11 : memref<8x2048xf32, #tpu.memory_space<vmem>>) dst(%dma_wait3A_577 : memref<8x2048xf32, #tpu.memory_space<hbm>>)
      %add3A_578 = arith.constant 208 : i32
      %add3A_579 = arith.addi %mul3A_2, %add3A_578 : i32
      %dma_start3A_580 = arith.constant 0 : i32
      %dma_start3A_581 = tpu.memref_slice %arg5[%add3A_579, %dma_start3A_580] : memref<8192x2048xf32, #tpu.memory_space<hbm>> -> memref<8x2048xf32, #tpu.memory_space<hbm>>
      %dma_start3A_582 = arith.constant 0 : i32
      %dma_start3A_583 = tpu.memref_slice %arg5[%add3A_579, %dma_start3A_582] : memref<8192x2048xf32, #tpu.memory_space<hbm>> -> memref<8x2048xf32, #tpu.memory_space<hbm>>
      tpu.enqueue_dma source(%dma_start3A_583 : memref<8x2048xf32, #tpu.memory_space<hbm>>) target(%arg11 : memref<8x2048xf32, #tpu.memory_space<vmem>>) target_semaphore(%arg17 : memref<!tpu.dma_semaphore, #tpu.memory_space<semaphore_mem>>)
      %add3A_584 = arith.constant 184 : i32
      %add3A_585 = arith.addi %mul3A_2, %add3A_584 : i32
      %dma_wait3A_586 = arith.constant 0 : i32
      %dma_wait3A_587 = tpu.memref_slice %arg5[%add3A_585, %dma_wait3A_586] : memref<8192x2048xf32, #tpu.memory_space<hbm>> -> memref<8x2048xf32, #tpu.memory_space<hbm>>
      %dma_wait3A_588 = arith.constant 0 : i32
      %dma_wait3A_589 = tpu.memref_slice %arg5[%add3A_585, %dma_wait3A_588] : memref<8192x2048xf32, #tpu.memory_space<hbm>> -> memref<8x2048xf32, #tpu.memory_space<hbm>>
      tpu.wait_dma2 semaphore(%arg20 : memref<!tpu.dma_semaphore, #tpu.memory_space<semaphore_mem>>) src(%dma_wait3A_589 : memref<8x2048xf32, #tpu.memory_space<hbm>>) dst(%arg14 : memref<8x2048xf32, #tpu.memory_space<vmem>>)
      %add3A_590 = arith.constant 184 : i32
      %add3A_591 = arith.addi %mul3A_2, %add3A_590 : i32
      %dma_start3A_592 = arith.constant 0 : i32
      %dma_start3A_593 = tpu.memref_slice %arg7[%add3A_591, %dma_start3A_592] : memref<8192x2048xf32, #tpu.memory_space<hbm>> -> memref<8x2048xf32, #tpu.memory_space<hbm>>
      %dma_start3A_594 = arith.constant 0 : i32
      %dma_start3A_595 = tpu.memref_slice %arg7[%add3A_591, %dma_start3A_594] : memref<8192x2048xf32, #tpu.memory_space<hbm>> -> memref<8x2048xf32, #tpu.memory_space<hbm>>
      tpu.enqueue_dma source(%arg14 : memref<8x2048xf32, #tpu.memory_space<vmem>>) target(%dma_start3A_595 : memref<8x2048xf32, #tpu.memory_space<hbm>>) target_semaphore(%arg26 : memref<!tpu.dma_semaphore, #tpu.memory_space<semaphore_mem>>)
      %add3A_596 = arith.constant 168 : i32
      %add3A_597 = arith.addi %mul3A_2, %add3A_596 : i32
      %dma_wait3A_598 = arith.constant 0 : i32
      %dma_wait3A_599 = tpu.memref_slice %arg7[%add3A_597, %dma_wait3A_598] : memref<8192x2048xf32, #tpu.memory_space<hbm>> -> memref<8x2048xf32, #tpu.memory_space<hbm>>
      %dma_wait3A_600 = arith.constant 0 : i32
      %dma_wait3A_601 = tpu.memref_slice %arg7[%add3A_597, %dma_wait3A_600] : memref<8192x2048xf32, #tpu.memory_space<hbm>> -> memref<8x2048xf32, #tpu.memory_space<hbm>>
      tpu.wait_dma2 semaphore(%arg24 : memref<!tpu.dma_semaphore, #tpu.memory_space<semaphore_mem>>) src(%arg12 : memref<8x2048xf32, #tpu.memory_space<vmem>>) dst(%dma_wait3A_601 : memref<8x2048xf32, #tpu.memory_space<hbm>>)
      %add3A_602 = arith.constant 216 : i32
      %add3A_603 = arith.addi %mul3A_2, %add3A_602 : i32
      %dma_start3A_604 = arith.constant 0 : i32
      %dma_start3A_605 = tpu.memref_slice %arg5[%add3A_603, %dma_start3A_604] : memref<8192x2048xf32, #tpu.memory_space<hbm>> -> memref<8x2048xf32, #tpu.memory_space<hbm>>
      %dma_start3A_606 = arith.constant 0 : i32
      %dma_start3A_607 = tpu.memref_slice %arg5[%add3A_603, %dma_start3A_606] : memref<8192x2048xf32, #tpu.memory_space<hbm>> -> memref<8x2048xf32, #tpu.memory_space<hbm>>
      tpu.enqueue_dma source(%dma_start3A_607 : memref<8x2048xf32, #tpu.memory_space<hbm>>) target(%arg12 : memref<8x2048xf32, #tpu.memory_space<vmem>>) target_semaphore(%arg18 : memref<!tpu.dma_semaphore, #tpu.memory_space<semaphore_mem>>)
      %add3A_608 = arith.constant 192 : i32
      %add3A_609 = arith.addi %mul3A_2, %add3A_608 : i32
      %dma_wait3A_610 = arith.constant 0 : i32
      %dma_wait3A_611 = tpu.memref_slice %arg5[%add3A_609, %dma_wait3A_610] : memref<8192x2048xf32, #tpu.memory_space<hbm>> -> memref<8x2048xf32, #tpu.memory_space<hbm>>
      %dma_wait3A_612 = arith.constant 0 : i32
      %dma_wait3A_613 = tpu.memref_slice %arg5[%add3A_609, %dma_wait3A_612] : memref<8192x2048xf32, #tpu.memory_space<hbm>> -> memref<8x2048xf32, #tpu.memory_space<hbm>>
      tpu.wait_dma2 semaphore(%arg15 : memref<!tpu.dma_semaphore, #tpu.memory_space<semaphore_mem>>) src(%dma_wait3A_613 : memref<8x2048xf32, #tpu.memory_space<hbm>>) dst(%arg9 : memref<8x2048xf32, #tpu.memory_space<vmem>>)
      %add3A_614 = arith.constant 192 : i32
      %add3A_615 = arith.addi %mul3A_2, %add3A_614 : i32
      %dma_start3A_616 = arith.constant 0 : i32
      %dma_start3A_617 = tpu.memref_slice %arg7[%add3A_615, %dma_start3A_616] : memref<8192x2048xf32, #tpu.memory_space<hbm>> -> memref<8x2048xf32, #tpu.memory_space<hbm>>
      %dma_start3A_618 = arith.constant 0 : i32
      %dma_start3A_619 = tpu.memref_slice %arg7[%add3A_615, %dma_start3A_618] : memref<8192x2048xf32, #tpu.memory_space<hbm>> -> memref<8x2048xf32, #tpu.memory_space<hbm>>
      tpu.enqueue_dma source(%arg9 : memref<8x2048xf32, #tpu.memory_space<vmem>>) target(%dma_start3A_619 : memref<8x2048xf32, #tpu.memory_space<hbm>>) target_semaphore(%arg21 : memref<!tpu.dma_semaphore, #tpu.memory_space<semaphore_mem>>)
      %add3A_620 = arith.constant 176 : i32
      %add3A_621 = arith.addi %mul3A_2, %add3A_620 : i32
      %dma_wait3A_622 = arith.constant 0 : i32
      %dma_wait3A_623 = tpu.memref_slice %arg7[%add3A_621, %dma_wait3A_622] : memref<8192x2048xf32, #tpu.memory_space<hbm>> -> memref<8x2048xf32, #tpu.memory_space<hbm>>
      %dma_wait3A_624 = arith.constant 0 : i32
      %dma_wait3A_625 = tpu.memref_slice %arg7[%add3A_621, %dma_wait3A_624] : memref<8192x2048xf32, #tpu.memory_space<hbm>> -> memref<8x2048xf32, #tpu.memory_space<hbm>>
      tpu.wait_dma2 semaphore(%arg25 : memref<!tpu.dma_semaphore, #tpu.memory_space<semaphore_mem>>) src(%arg13 : memref<8x2048xf32, #tpu.memory_space<vmem>>) dst(%dma_wait3A_625 : memref<8x2048xf32, #tpu.memory_space<hbm>>)
      %add3A_626 = arith.constant 224 : i32
      %add3A_627 = arith.addi %mul3A_2, %add3A_626 : i32
      %dma_start3A_628 = arith.constant 0 : i32
      %dma_start3A_629 = tpu.memref_slice %arg5[%add3A_627, %dma_start3A_628] : memref<8192x2048xf32, #tpu.memory_space<hbm>> -> memref<8x2048xf32, #tpu.memory_space<hbm>>
      %dma_start3A_630 = arith.constant 0 : i32
      %dma_start3A_631 = tpu.memref_slice %arg5[%add3A_627, %dma_start3A_630] : memref<8192x2048xf32, #tpu.memory_space<hbm>> -> memref<8x2048xf32, #tpu.memory_space<hbm>>
      tpu.enqueue_dma source(%dma_start3A_631 : memref<8x2048xf32, #tpu.memory_space<hbm>>) target(%arg13 : memref<8x2048xf32, #tpu.memory_space<vmem>>) target_semaphore(%arg19 : memref<!tpu.dma_semaphore, #tpu.memory_space<semaphore_mem>>)
      %add3A_632 = arith.constant 200 : i32
      %add3A_633 = arith.addi %mul3A_2, %add3A_632 : i32
      %dma_wait3A_634 = arith.constant 0 : i32
      %dma_wait3A_635 = tpu.memref_slice %arg5[%add3A_633, %dma_wait3A_634] : memref<8192x2048xf32, #tpu.memory_space<hbm>> -> memref<8x2048xf32, #tpu.memory_space<hbm>>
      %dma_wait3A_636 = arith.constant 0 : i32
      %dma_wait3A_637 = tpu.memref_slice %arg5[%add3A_633, %dma_wait3A_636] : memref<8192x2048xf32, #tpu.memory_space<hbm>> -> memref<8x2048xf32, #tpu.memory_space<hbm>>
      tpu.wait_dma2 semaphore(%arg16 : memref<!tpu.dma_semaphore, #tpu.memory_space<semaphore_mem>>) src(%dma_wait3A_637 : memref<8x2048xf32, #tpu.memory_space<hbm>>) dst(%arg10 : memref<8x2048xf32, #tpu.memory_space<vmem>>)
      %add3A_638 = arith.constant 200 : i32
      %add3A_639 = arith.addi %mul3A_2, %add3A_638 : i32
      %dma_start3A_640 = arith.constant 0 : i32
      %dma_start3A_641 = tpu.memref_slice %arg7[%add3A_639, %dma_start3A_640] : memref<8192x2048xf32, #tpu.memory_space<hbm>> -> memref<8x2048xf32, #tpu.memory_space<hbm>>
      %dma_start3A_642 = arith.constant 0 : i32
      %dma_start3A_643 = tpu.memref_slice %arg7[%add3A_639, %dma_start3A_642] : memref<8192x2048xf32, #tpu.memory_space<hbm>> -> memref<8x2048xf32, #tpu.memory_space<hbm>>
      tpu.enqueue_dma source(%arg10 : memref<8x2048xf32, #tpu.memory_space<vmem>>) target(%dma_start3A_643 : memref<8x2048xf32, #tpu.memory_space<hbm>>) target_semaphore(%arg22 : memref<!tpu.dma_semaphore, #tpu.memory_space<semaphore_mem>>)
      %add3A_644 = arith.constant 184 : i32
      %add3A_645 = arith.addi %mul3A_2, %add3A_644 : i32
      %dma_wait3A_646 = arith.constant 0 : i32
      %dma_wait3A_647 = tpu.memref_slice %arg7[%add3A_645, %dma_wait3A_646] : memref<8192x2048xf32, #tpu.memory_space<hbm>> -> memref<8x2048xf32, #tpu.memory_space<hbm>>
      %dma_wait3A_648 = arith.constant 0 : i32
      %dma_wait3A_649 = tpu.memref_slice %arg7[%add3A_645, %dma_wait3A_648] : memref<8192x2048xf32, #tpu.memory_space<hbm>> -> memref<8x2048xf32, #tpu.memory_space<hbm>>
      tpu.wait_dma2 semaphore(%arg26 : memref<!tpu.dma_semaphore, #tpu.memory_space<semaphore_mem>>) src(%arg14 : memref<8x2048xf32, #tpu.memory_space<vmem>>) dst(%dma_wait3A_649 : memref<8x2048xf32, #tpu.memory_space<hbm>>)
      %add3A_650 = arith.constant 232 : i32
      %add3A_651 = arith.addi %mul3A_2, %add3A_650 : i32
      %dma_start3A_652 = arith.constant 0 : i32
      %dma_start3A_653 = tpu.memref_slice %arg5[%add3A_651, %dma_start3A_652] : memref<8192x2048xf32, #tpu.memory_space<hbm>> -> memref<8x2048xf32, #tpu.memory_space<hbm>>
      %dma_start3A_654 = arith.constant 0 : i32
      %dma_start3A_655 = tpu.memref_slice %arg5[%add3A_651, %dma_start3A_654] : memref<8192x2048xf32, #tpu.memory_space<hbm>> -> memref<8x2048xf32, #tpu.memory_space<hbm>>
      tpu.enqueue_dma source(%dma_start3A_655 : memref<8x2048xf32, #tpu.memory_space<hbm>>) target(%arg14 : memref<8x2048xf32, #tpu.memory_space<vmem>>) target_semaphore(%arg20 : memref<!tpu.dma_semaphore, #tpu.memory_space<semaphore_mem>>)
      %add3A_656 = arith.constant 208 : i32
      %add3A_657 = arith.addi %mul3A_2, %add3A_656 : i32
      %dma_wait3A_658 = arith.constant 0 : i32
      %dma_wait3A_659 = tpu.memref_slice %arg5[%add3A_657, %dma_wait3A_658] : memref<8192x2048xf32, #tpu.memory_space<hbm>> -> memref<8x2048xf32, #tpu.memory_space<hbm>>
      %dma_wait3A_660 = arith.constant 0 : i32
      %dma_wait3A_661 = tpu.memref_slice %arg5[%add3A_657, %dma_wait3A_660] : memref<8192x2048xf32, #tpu.memory_space<hbm>> -> memref<8x2048xf32, #tpu.memory_space<hbm>>
      tpu.wait_dma2 semaphore(%arg17 : memref<!tpu.dma_semaphore, #tpu.memory_space<semaphore_mem>>) src(%dma_wait3A_661 : memref<8x2048xf32, #tpu.memory_space<hbm>>) dst(%arg11 : memref<8x2048xf32, #tpu.memory_space<vmem>>)
      %add3A_662 = arith.constant 208 : i32
      %add3A_663 = arith.addi %mul3A_2, %add3A_662 : i32
      %dma_start3A_664 = arith.constant 0 : i32
      %dma_start3A_665 = tpu.memref_slice %arg7[%add3A_663, %dma_start3A_664] : memref<8192x2048xf32, #tpu.memory_space<hbm>> -> memref<8x2048xf32, #tpu.memory_space<hbm>>
      %dma_start3A_666 = arith.constant 0 : i32
      %dma_start3A_667 = tpu.memref_slice %arg7[%add3A_663, %dma_start3A_666] : memref<8192x2048xf32, #tpu.memory_space<hbm>> -> memref<8x2048xf32, #tpu.memory_space<hbm>>
      tpu.enqueue_dma source(%arg11 : memref<8x2048xf32, #tpu.memory_space<vmem>>) target(%dma_start3A_667 : memref<8x2048xf32, #tpu.memory_space<hbm>>) target_semaphore(%arg23 : memref<!tpu.dma_semaphore, #tpu.memory_space<semaphore_mem>>)
      %add3A_668 = arith.constant 192 : i32
      %add3A_669 = arith.addi %mul3A_2, %add3A_668 : i32
      %dma_wait3A_670 = arith.constant 0 : i32
      %dma_wait3A_671 = tpu.memref_slice %arg7[%add3A_669, %dma_wait3A_670] : memref<8192x2048xf32, #tpu.memory_space<hbm>> -> memref<8x2048xf32, #tpu.memory_space<hbm>>
      %dma_wait3A_672 = arith.constant 0 : i32
      %dma_wait3A_673 = tpu.memref_slice %arg7[%add3A_669, %dma_wait3A_672] : memref<8192x2048xf32, #tpu.memory_space<hbm>> -> memref<8x2048xf32, #tpu.memory_space<hbm>>
      tpu.wait_dma2 semaphore(%arg21 : memref<!tpu.dma_semaphore, #tpu.memory_space<semaphore_mem>>) src(%arg9 : memref<8x2048xf32, #tpu.memory_space<vmem>>) dst(%dma_wait3A_673 : memref<8x2048xf32, #tpu.memory_space<hbm>>)
      %add3A_674 = arith.constant 240 : i32
      %add3A_675 = arith.addi %mul3A_2, %add3A_674 : i32
      %dma_start3A_676 = arith.constant 0 : i32
      %dma_start3A_677 = tpu.memref_slice %arg5[%add3A_675, %dma_start3A_676] : memref<8192x2048xf32, #tpu.memory_space<hbm>> -> memref<8x2048xf32, #tpu.memory_space<hbm>>
      %dma_start3A_678 = arith.constant 0 : i32
      %dma_start3A_679 = tpu.memref_slice %arg5[%add3A_675, %dma_start3A_678] : memref<8192x2048xf32, #tpu.memory_space<hbm>> -> memref<8x2048xf32, #tpu.memory_space<hbm>>
      tpu.enqueue_dma source(%dma_start3A_679 : memref<8x2048xf32, #tpu.memory_space<hbm>>) target(%arg9 : memref<8x2048xf32, #tpu.memory_space<vmem>>) target_semaphore(%arg15 : memref<!tpu.dma_semaphore, #tpu.memory_space<semaphore_mem>>)
      %add3A_680 = arith.constant 216 : i32
      %add3A_681 = arith.addi %mul3A_2, %add3A_680 : i32
      %dma_wait3A_682 = arith.constant 0 : i32
      %dma_wait3A_683 = tpu.memref_slice %arg5[%add3A_681, %dma_wait3A_682] : memref<8192x2048xf32, #tpu.memory_space<hbm>> -> memref<8x2048xf32, #tpu.memory_space<hbm>>
      %dma_wait3A_684 = arith.constant 0 : i32
      %dma_wait3A_685 = tpu.memref_slice %arg5[%add3A_681, %dma_wait3A_684] : memref<8192x2048xf32, #tpu.memory_space<hbm>> -> memref<8x2048xf32, #tpu.memory_space<hbm>>
      tpu.wait_dma2 semaphore(%arg18 : memref<!tpu.dma_semaphore, #tpu.memory_space<semaphore_mem>>) src(%dma_wait3A_685 : memref<8x2048xf32, #tpu.memory_space<hbm>>) dst(%arg12 : memref<8x2048xf32, #tpu.memory_space<vmem>>)
      %add3A_686 = arith.constant 216 : i32
      %add3A_687 = arith.addi %mul3A_2, %add3A_686 : i32
      %dma_start3A_688 = arith.constant 0 : i32
      %dma_start3A_689 = tpu.memref_slice %arg7[%add3A_687, %dma_start3A_688] : memref<8192x2048xf32, #tpu.memory_space<hbm>> -> memref<8x2048xf32, #tpu.memory_space<hbm>>
      %dma_start3A_690 = arith.constant 0 : i32
      %dma_start3A_691 = tpu.memref_slice %arg7[%add3A_687, %dma_start3A_690] : memref<8192x2048xf32, #tpu.memory_space<hbm>> -> memref<8x2048xf32, #tpu.memory_space<hbm>>
      tpu.enqueue_dma source(%arg12 : memref<8x2048xf32, #tpu.memory_space<vmem>>) target(%dma_start3A_691 : memref<8x2048xf32, #tpu.memory_space<hbm>>) target_semaphore(%arg24 : memref<!tpu.dma_semaphore, #tpu.memory_space<semaphore_mem>>)
      %add3A_692 = arith.constant 200 : i32
      %add3A_693 = arith.addi %mul3A_2, %add3A_692 : i32
      %dma_wait3A_694 = arith.constant 0 : i32
      %dma_wait3A_695 = tpu.memref_slice %arg7[%add3A_693, %dma_wait3A_694] : memref<8192x2048xf32, #tpu.memory_space<hbm>> -> memref<8x2048xf32, #tpu.memory_space<hbm>>
      %dma_wait3A_696 = arith.constant 0 : i32
      %dma_wait3A_697 = tpu.memref_slice %arg7[%add3A_693, %dma_wait3A_696] : memref<8192x2048xf32, #tpu.memory_space<hbm>> -> memref<8x2048xf32, #tpu.memory_space<hbm>>
      tpu.wait_dma2 semaphore(%arg22 : memref<!tpu.dma_semaphore, #tpu.memory_space<semaphore_mem>>) src(%arg10 : memref<8x2048xf32, #tpu.memory_space<vmem>>) dst(%dma_wait3A_697 : memref<8x2048xf32, #tpu.memory_space<hbm>>)
      %add3A_698 = arith.constant 248 : i32
      %add3A_699 = arith.addi %mul3A_2, %add3A_698 : i32
      %dma_start3A_700 = arith.constant 0 : i32
      %dma_start3A_701 = tpu.memref_slice %arg5[%add3A_699, %dma_start3A_700] : memref<8192x2048xf32, #tpu.memory_space<hbm>> -> memref<8x2048xf32, #tpu.memory_space<hbm>>
      %dma_start3A_702 = arith.constant 0 : i32
      %dma_start3A_703 = tpu.memref_slice %arg5[%add3A_699, %dma_start3A_702] : memref<8192x2048xf32, #tpu.memory_space<hbm>> -> memref<8x2048xf32, #tpu.memory_space<hbm>>
      tpu.enqueue_dma source(%dma_start3A_703 : memref<8x2048xf32, #tpu.memory_space<hbm>>) target(%arg10 : memref<8x2048xf32, #tpu.memory_space<vmem>>) target_semaphore(%arg16 : memref<!tpu.dma_semaphore, #tpu.memory_space<semaphore_mem>>)
      %add3A_704 = arith.constant 224 : i32
      %add3A_705 = arith.addi %mul3A_2, %add3A_704 : i32
      %dma_wait3A_706 = arith.constant 0 : i32
      %dma_wait3A_707 = tpu.memref_slice %arg5[%add3A_705, %dma_wait3A_706] : memref<8192x2048xf32, #tpu.memory_space<hbm>> -> memref<8x2048xf32, #tpu.memory_space<hbm>>
      %dma_wait3A_708 = arith.constant 0 : i32
      %dma_wait3A_709 = tpu.memref_slice %arg5[%add3A_705, %dma_wait3A_708] : memref<8192x2048xf32, #tpu.memory_space<hbm>> -> memref<8x2048xf32, #tpu.memory_space<hbm>>
      tpu.wait_dma2 semaphore(%arg19 : memref<!tpu.dma_semaphore, #tpu.memory_space<semaphore_mem>>) src(%dma_wait3A_709 : memref<8x2048xf32, #tpu.memory_space<hbm>>) dst(%arg13 : memref<8x2048xf32, #tpu.memory_space<vmem>>)
      %add3A_710 = arith.constant 224 : i32
      %add3A_711 = arith.addi %mul3A_2, %add3A_710 : i32
      %dma_start3A_712 = arith.constant 0 : i32
      %dma_start3A_713 = tpu.memref_slice %arg7[%add3A_711, %dma_start3A_712] : memref<8192x2048xf32, #tpu.memory_space<hbm>> -> memref<8x2048xf32, #tpu.memory_space<hbm>>
      %dma_start3A_714 = arith.constant 0 : i32
      %dma_start3A_715 = tpu.memref_slice %arg7[%add3A_711, %dma_start3A_714] : memref<8192x2048xf32, #tpu.memory_space<hbm>> -> memref<8x2048xf32, #tpu.memory_space<hbm>>
      tpu.enqueue_dma source(%arg13 : memref<8x2048xf32, #tpu.memory_space<vmem>>) target(%dma_start3A_715 : memref<8x2048xf32, #tpu.memory_space<hbm>>) target_semaphore(%arg25 : memref<!tpu.dma_semaphore, #tpu.memory_space<semaphore_mem>>)
      %add3A_716 = arith.constant 232 : i32
      %add3A_717 = arith.addi %mul3A_2, %add3A_716 : i32
      %dma_wait3A_718 = arith.constant 0 : i32
      %dma_wait3A_719 = tpu.memref_slice %arg5[%add3A_717, %dma_wait3A_718] : memref<8192x2048xf32, #tpu.memory_space<hbm>> -> memref<8x2048xf32, #tpu.memory_space<hbm>>
      %dma_wait3A_720 = arith.constant 0 : i32
      %dma_wait3A_721 = tpu.memref_slice %arg5[%add3A_717, %dma_wait3A_720] : memref<8192x2048xf32, #tpu.memory_space<hbm>> -> memref<8x2048xf32, #tpu.memory_space<hbm>>
      tpu.wait_dma2 semaphore(%arg20 : memref<!tpu.dma_semaphore, #tpu.memory_space<semaphore_mem>>) src(%dma_wait3A_721 : memref<8x2048xf32, #tpu.memory_space<hbm>>) dst(%arg14 : memref<8x2048xf32, #tpu.memory_space<vmem>>)
      %add3A_722 = arith.constant 232 : i32
      %add3A_723 = arith.addi %mul3A_2, %add3A_722 : i32
      %dma_start3A_724 = arith.constant 0 : i32
      %dma_start3A_725 = tpu.memref_slice %arg7[%add3A_723, %dma_start3A_724] : memref<8192x2048xf32, #tpu.memory_space<hbm>> -> memref<8x2048xf32, #tpu.memory_space<hbm>>
      %dma_start3A_726 = arith.constant 0 : i32
      %dma_start3A_727 = tpu.memref_slice %arg7[%add3A_723, %dma_start3A_726] : memref<8192x2048xf32, #tpu.memory_space<hbm>> -> memref<8x2048xf32, #tpu.memory_space<hbm>>
      tpu.enqueue_dma source(%arg14 : memref<8x2048xf32, #tpu.memory_space<vmem>>) target(%dma_start3A_727 : memref<8x2048xf32, #tpu.memory_space<hbm>>) target_semaphore(%arg26 : memref<!tpu.dma_semaphore, #tpu.memory_space<semaphore_mem>>)
      %add3A_728 = arith.constant 240 : i32
      %add3A_729 = arith.addi %mul3A_2, %add3A_728 : i32
      %dma_wait3A_730 = arith.constant 0 : i32
      %dma_wait3A_731 = tpu.memref_slice %arg5[%add3A_729, %dma_wait3A_730] : memref<8192x2048xf32, #tpu.memory_space<hbm>> -> memref<8x2048xf32, #tpu.memory_space<hbm>>
      %dma_wait3A_732 = arith.constant 0 : i32
      %dma_wait3A_733 = tpu.memref_slice %arg5[%add3A_729, %dma_wait3A_732] : memref<8192x2048xf32, #tpu.memory_space<hbm>> -> memref<8x2048xf32, #tpu.memory_space<hbm>>
      tpu.wait_dma2 semaphore(%arg15 : memref<!tpu.dma_semaphore, #tpu.memory_space<semaphore_mem>>) src(%dma_wait3A_733 : memref<8x2048xf32, #tpu.memory_space<hbm>>) dst(%arg9 : memref<8x2048xf32, #tpu.memory_space<vmem>>)
      %add3A_734 = arith.constant 240 : i32
      %add3A_735 = arith.addi %mul3A_2, %add3A_734 : i32
      %dma_start3A_736 = arith.constant 0 : i32
      %dma_start3A_737 = tpu.memref_slice %arg7[%add3A_735, %dma_start3A_736] : memref<8192x2048xf32, #tpu.memory_space<hbm>> -> memref<8x2048xf32, #tpu.memory_space<hbm>>
      %dma_start3A_738 = arith.constant 0 : i32
      %dma_start3A_739 = tpu.memref_slice %arg7[%add3A_735, %dma_start3A_738] : memref<8192x2048xf32, #tpu.memory_space<hbm>> -> memref<8x2048xf32, #tpu.memory_space<hbm>>
      tpu.enqueue_dma source(%arg9 : memref<8x2048xf32, #tpu.memory_space<vmem>>) target(%dma_start3A_739 : memref<8x2048xf32, #tpu.memory_space<hbm>>) target_semaphore(%arg21 : memref<!tpu.dma_semaphore, #tpu.memory_space<semaphore_mem>>)
      %add3A_740 = arith.constant 248 : i32
      %add3A_741 = arith.addi %mul3A_2, %add3A_740 : i32
      %dma_wait3A_742 = arith.constant 0 : i32
      %dma_wait3A_743 = tpu.memref_slice %arg5[%add3A_741, %dma_wait3A_742] : memref<8192x2048xf32, #tpu.memory_space<hbm>> -> memref<8x2048xf32, #tpu.memory_space<hbm>>
      %dma_wait3A_744 = arith.constant 0 : i32
      %dma_wait3A_745 = tpu.memref_slice %arg5[%add3A_741, %dma_wait3A_744] : memref<8192x2048xf32, #tpu.memory_space<hbm>> -> memref<8x2048xf32, #tpu.memory_space<hbm>>
      tpu.wait_dma2 semaphore(%arg16 : memref<!tpu.dma_semaphore, #tpu.memory_space<semaphore_mem>>) src(%dma_wait3A_745 : memref<8x2048xf32, #tpu.memory_space<hbm>>) dst(%arg10 : memref<8x2048xf32, #tpu.memory_space<vmem>>)
      %add3A_746 = arith.constant 248 : i32
      %add3A_747 = arith.addi %mul3A_2, %add3A_746 : i32
      %dma_start3A_748 = arith.constant 0 : i32
      %dma_start3A_749 = tpu.memref_slice %arg7[%add3A_747, %dma_start3A_748] : memref<8192x2048xf32, #tpu.memory_space<hbm>> -> memref<8x2048xf32, #tpu.memory_space<hbm>>
      %dma_start3A_750 = arith.constant 0 : i32
      %dma_start3A_751 = tpu.memref_slice %arg7[%add3A_747, %dma_start3A_750] : memref<8192x2048xf32, #tpu.memory_space<hbm>> -> memref<8x2048xf32, #tpu.memory_space<hbm>>
      tpu.enqueue_dma source(%arg10 : memref<8x2048xf32, #tpu.memory_space<vmem>>) target(%dma_start3A_751 : memref<8x2048xf32, #tpu.memory_space<hbm>>) target_semaphore(%arg22 : memref<!tpu.dma_semaphore, #tpu.memory_space<semaphore_mem>>)
      %add3A_752 = arith.constant 208 : i32
      %add3A_753 = arith.addi %mul3A_2, %add3A_752 : i32
      %dma_wait3A_754 = arith.constant 0 : i32
      %dma_wait3A_755 = tpu.memref_slice %arg7[%add3A_753, %dma_wait3A_754] : memref<8192x2048xf32, #tpu.memory_space<hbm>> -> memref<8x2048xf32, #tpu.memory_space<hbm>>
      %dma_wait3A_756 = arith.constant 0 : i32
      %dma_wait3A_757 = tpu.memref_slice %arg7[%add3A_753, %dma_wait3A_756] : memref<8192x2048xf32, #tpu.memory_space<hbm>> -> memref<8x2048xf32, #tpu.memory_space<hbm>>
      tpu.wait_dma2 semaphore(%arg23 : memref<!tpu.dma_semaphore, #tpu.memory_space<semaphore_mem>>) src(%arg11 : memref<8x2048xf32, #tpu.memory_space<vmem>>) dst(%dma_wait3A_757 : memref<8x2048xf32, #tpu.memory_space<hbm>>)
      %add3A_758 = arith.constant 216 : i32
      %add3A_759 = arith.addi %mul3A_2, %add3A_758 : i32
      %dma_wait3A_760 = arith.constant 0 : i32
      %dma_wait3A_761 = tpu.memref_slice %arg7[%add3A_759, %dma_wait3A_760] : memref<8192x2048xf32, #tpu.memory_space<hbm>> -> memref<8x2048xf32, #tpu.memory_space<hbm>>
      %dma_wait3A_762 = arith.constant 0 : i32
      %dma_wait3A_763 = tpu.memref_slice %arg7[%add3A_759, %dma_wait3A_762] : memref<8192x2048xf32, #tpu.memory_space<hbm>> -> memref<8x2048xf32, #tpu.memory_space<hbm>>
      tpu.wait_dma2 semaphore(%arg24 : memref<!tpu.dma_semaphore, #tpu.memory_space<semaphore_mem>>) src(%arg12 : memref<8x2048xf32, #tpu.memory_space<vmem>>) dst(%dma_wait3A_763 : memref<8x2048xf32, #tpu.memory_space<hbm>>)
      %add3A_764 = arith.constant 224 : i32
      %add3A_765 = arith.addi %mul3A_2, %add3A_764 : i32
      %dma_wait3A_766 = arith.constant 0 : i32
      %dma_wait3A_767 = tpu.memref_slice %arg7[%add3A_765, %dma_wait3A_766] : memref<8192x2048xf32, #tpu.memory_space<hbm>> -> memref<8x2048xf32, #tpu.memory_space<hbm>>
      %dma_wait3A_768 = arith.constant 0 : i32
      %dma_wait3A_769 = tpu.memref_slice %arg7[%add3A_765, %dma_wait3A_768] : memref<8192x2048xf32, #tpu.memory_space<hbm>> -> memref<8x2048xf32, #tpu.memory_space<hbm>>
      tpu.wait_dma2 semaphore(%arg25 : memref<!tpu.dma_semaphore, #tpu.memory_space<semaphore_mem>>) src(%arg13 : memref<8x2048xf32, #tpu.memory_space<vmem>>) dst(%dma_wait3A_769 : memref<8x2048xf32, #tpu.memory_space<hbm>>)
      %add3A_770 = arith.constant 232 : i32
      %add3A_771 = arith.addi %mul3A_2, %add3A_770 : i32
      %dma_wait3A_772 = arith.constant 0 : i32
      %dma_wait3A_773 = tpu.memref_slice %arg7[%add3A_771, %dma_wait3A_772] : memref<8192x2048xf32, #tpu.memory_space<hbm>> -> memref<8x2048xf32, #tpu.memory_space<hbm>>
      %dma_wait3A_774 = arith.constant 0 : i32
      %dma_wait3A_775 = tpu.memref_slice %arg7[%add3A_771, %dma_wait3A_774] : memref<8192x2048xf32, #tpu.memory_space<hbm>> -> memref<8x2048xf32, #tpu.memory_space<hbm>>
      tpu.wait_dma2 semaphore(%arg26 : memref<!tpu.dma_semaphore, #tpu.memory_space<semaphore_mem>>) src(%arg14 : memref<8x2048xf32, #tpu.memory_space<vmem>>) dst(%dma_wait3A_775 : memref<8x2048xf32, #tpu.memory_space<hbm>>)
      %add3A_776 = arith.constant 240 : i32
      %add3A_777 = arith.addi %mul3A_2, %add3A_776 : i32
      %dma_wait3A_778 = arith.constant 0 : i32
      %dma_wait3A_779 = tpu.memref_slice %arg7[%add3A_777, %dma_wait3A_778] : memref<8192x2048xf32, #tpu.memory_space<hbm>> -> memref<8x2048xf32, #tpu.memory_space<hbm>>
      %dma_wait3A_780 = arith.constant 0 : i32
      %dma_wait3A_781 = tpu.memref_slice %arg7[%add3A_777, %dma_wait3A_780] : memref<8192x2048xf32, #tpu.memory_space<hbm>> -> memref<8x2048xf32, #tpu.memory_space<hbm>>
      tpu.wait_dma2 semaphore(%arg21 : memref<!tpu.dma_semaphore, #tpu.memory_space<semaphore_mem>>) src(%arg9 : memref<8x2048xf32, #tpu.memory_space<vmem>>) dst(%dma_wait3A_781 : memref<8x2048xf32, #tpu.memory_space<hbm>>)
      %add3A_782 = arith.constant 248 : i32
      %add3A_783 = arith.addi %mul3A_2, %add3A_782 : i32
      %dma_wait3A_784 = arith.constant 0 : i32
      %dma_wait3A_785 = tpu.memref_slice %arg7[%add3A_783, %dma_wait3A_784] : memref<8192x2048xf32, #tpu.memory_space<hbm>> -> memref<8x2048xf32, #tpu.memory_space<hbm>>
      %dma_wait3A_786 = arith.constant 0 : i32
      %dma_wait3A_787 = tpu.memref_slice %arg7[%add3A_783, %dma_wait3A_786] : memref<8192x2048xf32, #tpu.memory_space<hbm>> -> memref<8x2048xf32, #tpu.memory_space<hbm>>
      tpu.wait_dma2 semaphore(%arg22 : memref<!tpu.dma_semaphore, #tpu.memory_space<semaphore_mem>>) src(%arg10 : memref<8x2048xf32, #tpu.memory_space<vmem>>) dst(%dma_wait3A_787 : memref<8x2048xf32, #tpu.memory_space<hbm>>)
    } else {
    }
    return
  }
}

</mosaic_0001>

<sc_bundles>
// kernel: kernel.3.cloned.1.call-start
scs
__scs_entry_jumppad:
0x0: {  	(pc) =	sbr.rel $0x88, $3  }
0x1: {  	(tag) =	ssettag $0x0;
	lr =	simm.s32 $0x1  }
0x2: {  	[smem:$0x3F9C] =	sst lr;
	_ =	strace $0xD0000000  }
0x3: {  	_ = 	snop  }
0x4: {  	_ = 	snop  }
0x5: {  	_ = 	snop  }
0x6: {  	_ = 	snop  }
0x7: {  	_ = 	snop  }
__scs_overlays_trampoline_lowered:
0x8: {  	[smem:$0x3FAB] =	sst s0  }
0x9: {  	[smem:$0x3FAC] =	sst s1  }
0xa: {  	[smem:$0x3FAD] =	sst s2  }
0xb: {  	[smem:$0x3FAE] =	sst s3  }
0xc: {  	[smem:$0x3FAF] =	sst s4  }
0xd: {  	[smem:$0x3FB0] =	sst s5  }
0xe: {  	[smem:$0x3FB1] =	sst s6  }
0xf: {  	[smem:$0x3FB2] =	sst s7  }
0x10: {  	[smem:$0x3FB3] =	sst s8  }
0x11: {  	[smem:$0x3FB4] =	sst s9;
	s0 =	simm.s32 @!p0 $0x0  }
0x12: {  	s1 =	sld [smem:$0x3F9A];
	s0 =	simm.s32 @p0 $0x1  }
0x13: {  	[smem:$0x3FB5] =	sst s0;
	s0 =	simm.s32 @!p1 $0x0  }
0x14: {  	s2 =	sld [smem:$0x3F99];
	s0 =	simm.s32 @p1 $0x1  }
0x15: {  	[smem:$0x3FB6] =	sst s0;
	s0 =	simm.s32 @!p2 $0x0  }
0x16: {  	s3 =	sld [smem:$0x3FDB];
	s0 =	simm.s32 @p2 $0x1  }
0x17: {  	s4 =	simm.s32 $0x1BF5;
	[smem:$0x3FB8] =	sst s0  }
0x18: {  	s0 =	sld [smem:$0x3F9B];
	_ =	swait.ge [sflag:s4], $0x0  }
0x19: {  	s7 =	sld [smem:$0x3F9C]  }
0x1a: {  	s8 =	sadd.s32 $0xFFFFE003, lr  }
0x1b: {  	s9 =	sadd.s32 $0xFFFFFEF7, lr;
	s5 =	simm.s32 $0xFFFFFFFF;
	p2 =	slt.u32 s8, $0xFFFFF086  }
0x1c: {  	p1 =	slt.u32 s9, $0xF7A;
	s5 =	simm.s32 @!p2 $0x0  }
0x1d: {  	s5 =	simm.s32 @p1 $0x1;
	p0 =	seq.s32 s7, s2  }
0x1e: {  	s7 =	smul.u32 @!p0 $0xF7A, s2;
	p2 =	seq.s32 @!p0 s5, $0x0  }
0x1f: {  	s9 =	smul.u32 $0xF7A, s1;
	s8 =	simm.s32 @!p0 $0x1BF5;
	p2 =	por !p2, p0  }
0x20: {  	[sflag:s8] =	ssyncset.s32 @!p0 $0xFFFFF086;
	s6 =	sadd.s32 @!p0 s3, s7;
	s7 =	simm.s32 @!p0 $0x108  }
0x21: {  	s3 =	sadd.s32 s3, s9;
	s6 =	sadd.s32 @!p0 $0x88, s6;
	s7 =	simm.s32 @p2 $0x1082  }
0x22: {  	[simem:s7], [sflag:s8] =	dma.local @!p0 [hbm:s6], $0xF7A  }
0x23: {  	s9 =	sor.u32 $0xD0000000, s2;
	s6 =	simm.s32 $0x108;
	_ =	swait.ge @!p0 [sflag:s8], $0x0  }
0x24: {  	s3 =	sadd.s32 $0x88, s3;
	s6 =	simm.s32 @!p1 $0x1082;
	[sflag:s4] =	ssyncset.s32 $0xFFFFF086  }
0x25: {  	[simem:s6], [sflag:s4] =	dma.local [hbm:s3], $0xF7A  }
0x26: {  	[smem:$0x3F9C] =	sst s1;
	(tag) =	ssettag s2;
	_ =	strace s9  }
0x27: {  	s1 =	sld [smem:$0x3FAC]  }
0x28: {  	s2 =	sld [smem:$0x3FAD]  }
0x29: {  	s4 =	sld [smem:$0x3FAF]  }
0x2a: {  	p0 =	seq.s32 s5, $0x0;
	s5 =	sld [smem:$0x3FB0]  }
0x2b: {  	s6 =	sld [smem:$0x3FB1]  }
0x2c: {  	s7 =	sld [smem:$0x3FB2]  }
0x2d: {  	s3 =	simm.s32 $0x108;
	s8 =	sld [smem:$0x3FB3]  }
0x2e: {  	s3 =	simm.s32 @!p0 $0x1082;
	s9 =	sld [smem:$0x3FB4]  }
0x2f: {  	lr =	sadd.s32 s0, s3;
	s0 =	sld [smem:$0x3FAB]  }
0x30: {  	s3 =	sld [smem:$0x3FAE]  }
0x31: {  	[smem:$0x3FB7] =	sst s10  }
0x32: {  	s10 =	sld [smem:$0x3FB5];
	_ =	sdelay $0x3  }
0x33: {  	p0 =	seq.s32 s10, $0x1;
	s10 =	sld [smem:$0x3FB7];
	_ =	sdelay $0x3  }
0x34: {  	[smem:$0x3FB7] =	sst s10  }
0x35: {  	s10 =	sld [smem:$0x3FB6];
	_ =	sdelay $0x3  }
0x36: {  	p1 =	seq.s32 s10, $0x1;
	s10 =	sld [smem:$0x3FB7];
	_ =	sdelay $0x3  }
0x37: {  	[smem:$0x3FB7] =	sst s10  }
0x38: {  	s10 =	sld [smem:$0x3FB8]  }
0x39: {  	_ = 	snop;
	(pc) =	sbr.ind lr, $3  }
0x3a: {  	_ = 	snop  }
0x3b: {  	_ = 	snop  }
0x3c: {  	p2 =	seq.s32 s10, $0x1;
	s10 =	sld [smem:$0x3FB7]  }
0x3d: {  	_ =	shalt  }
0x3e: {  	_ =	shalt  }
0x3f: {  	_ =	shalt  }
0x40: {  	_ =	shalt  }
0x41: {  	_ =	shalt  }
0x42: {  	_ =	shalt  }
0x43: {  	_ =	shalt  }
0x44: {  	_ =	shalt  }
0x45: {  	_ =	shalt  }
0x46: {  	_ =	shalt  }
0x47: {  	_ =	shalt  }
0x48: {  	_ =	shalt  }
0x49: {  	_ =	shalt  }
0x4a: {  	_ =	shalt  }
0x4b: {  	_ =	shalt  }
0x4c: {  	_ =	shalt  }
0x4d: {  	_ =	shalt  }
0x4e: {  	_ =	shalt  }
0x4f: {  	_ =	shalt  }
0x50: {  	_ =	shalt  }
0x51: {  	_ =	shalt  }
0x52: {  	_ =	shalt  }
0x53: {  	_ =	shalt  }
0x54: {  	_ =	shalt  }
0x55: {  	_ =	shalt  }
0x56: {  	_ =	shalt  }
0x57: {  	_ =	shalt  }
0x58: {  	_ =	shalt  }
0x59: {  	_ =	shalt  }
0x5a: {  	_ =	shalt  }
0x5b: {  	_ =	shalt  }
0x5c: {  	_ =	shalt  }
0x5d: {  	_ =	shalt  }
0x5e: {  	_ =	shalt  }
0x5f: {  	_ =	shalt  }
0x60: {  	_ =	shalt  }
0x61: {  	_ =	shalt  }
0x62: {  	_ =	shalt  }
0x63: {  	_ =	shalt  }
0x64: {  	_ =	shalt  }
0x65: {  	_ =	shalt  }
0x66: {  	_ =	shalt  }
0x67: {  	_ =	shalt  }
0x68: {  	_ =	shalt  }
0x69: {  	_ =	shalt  }
0x6a: {  	_ =	shalt  }
0x6b: {  	_ =	shalt  }
0x6c: {  	_ =	shalt  }
0x6d: {  	_ =	shalt  }
0x6e: {  	_ =	shalt  }
0x6f: {  	_ =	shalt  }
0x70: {  	_ =	shalt  }
0x71: {  	_ =	shalt  }
0x72: {  	_ =	shalt  }
0x73: {  	_ =	shalt  }
0x74: {  	_ =	shalt  }
0x75: {  	_ =	shalt  }
0x76: {  	_ =	shalt  }
0x77: {  	_ =	shalt  }
0x78: {  	_ =	shalt  }
0x79: {  	_ =	shalt  }
0x7a: {  	_ =	shalt  }
0x7b: {  	_ =	shalt  }
0x7c: {  	_ =	shalt  }
0x7d: {  	_ =	shalt  }
0x7e: {  	_ =	shalt  }
0x7f: {  	_ =	shalt  }
0x80: {  	_ =	shalt  }
0x81: {  	_ =	shalt  }
0x82: {  	_ =	shalt  }
0x83: {  	_ =	shalt  }
0x84: {  	_ =	shalt  }
0x85: {  	_ =	shalt  }
0x86: {  	_ =	shalt  }
0x87: {  	_ =	shalt  }
.Lfunc_end0:
.L_simem_size_0:
called_computation_lowered:
.L_overlay_start_0:
0x88: {  	s2 =	sld [smem:$0x3FD9]  }
0x89: {  	s3 =	sld [smem:$0x3FFE];
	_ =	sdelay $0x1  }
0x8a: {  	s1 =	srdreg.scid  }
0x8b: {  	s0 =	sand.u32 $0x1, s1  }
0x8c: {  	s17 =	sshll.u32 s0, $0xA;
	s2 =	sadd.s32 s3, s2  }
0x8d: {  	s2 =	sadd.s32 s2, s17  }
0x8e: {  	[smem:$0x3FC3] =	sst s2  }
0x8f: {  	_ = 	snop  }
0x90: {  	s2 =	sld [smem:$0x3FC9]  }
0x91: {  	s18 =	sld [smem:$0x3FC8]  }
0x92: {  	s4 =	sld [smem:$0x3FC7]  }
0x93: {  	s5 =	sld [smem:$0x3FC6]  }
0x94: {  	s6 =	sld [smem:$0x3FD0];
	(tm) =	ssettm $0x1  }
0x95: {  	s7 =	sld [smem:$0x3FFB];
	_ =	sdelay $0x3  }
0x96: {  	_ =	strace s7  }
0x97: {  	s7 =	sld [smem:$0x3FFC];
	_ =	sdelay $0x3  }
0x98: {  	_ =	strace s7  }
0x99: {  	s7 =	sld [smem:$0x3FFD];
	_ =	sdelay $0x3  }
0x9a: {  	_ =	strace s7  }
0x9b: {  	_ =	strace $0x8FFFFFFF  }
0x9c: {  	s19 =	sld [smem:$0x3FDB];
	_ =	sdelay $0x1  }
0x9d: {  	s8 =	simm.s32 $_scs_section_size  }
0x9e: {  	s9 =	simm.s32 $_size__tile_overlayer_lowered;
	s10 =	simm.s32 $_tile_overlayer_lowered  }
0x9f: {  	s22 =	simm.s32 $0x1BFF;
	s21 =	sshll.u32 s10, $0x1;
	s7 =	sadd.s32 s8, s19  }
0xa0: {  	s11 =	simm.s32 $0x0;
	s20 =	sshll.u32 s9, $0x1;
	s9 =	sadd.s32 s21, s7  }
0xa1: {  	[timem:s11], [sflag:s22] =	dma.local [hbm:s9], s20  }
0xa2: {  	_ =	swait.ge [sflag:s22], s20  }
0xa3: {  	s8 =	ssub.s32 $0x0, s20;
	[sflag:s22] =	ssyncset.done $0x0  }
0xa4: {  	[sflag:s22] =	ssyncadd.s32 s8;
	_ =	sdelay $0x1  }
0xa5: {  	s23 =	simm.s32 $0x1B8B  }
0xa6: {  	_ =	swait.ge [sflag:s23], $0x1  }
0xa7: {  	[sflag:s23] =	ssyncset.done $0x0  }
0xa8: {  	s25 =	simm.s32 $0x1B8E;
	s24 =	sld [smem:$0x3FFE];
	[sflag:s23] =	ssyncadd.s32 $0xFFFFFFFF  }
0xa9: {  	s26 =	simm.s32 $execute0_lowered;
	[smem:$0x3FD2] =	sst s25  }
0xaa: {  	s9 =	sshll.u32 s26, $0x1;
	_ =	strace $0x80000046;
	[dreg:$0x1] =	wrdreg $0xFFFFFFFF  }
0xab: {  	s28 =	simm.s32 $_size_execute0_lowered;
	s7 =	sadd.s32 s7, s9;
	[dreg:$0x0] =	wrdreg $0x0  }
0xac: {  	s9 =	sshll.u32 s28, $0x1;
	[dreg:$0x2] =	wrdreg s7  }
0xad: {  	[dreg:$0x3] =	wrdreg s9  }
0xae: {  	[dreg:$0x4] =	wrdreg $0xC0  }
0xaf: {  	_ =	task [dreg:s11], $0x5FFFF  }
0xb0: {  	[dreg:$0x1] =	wrdreg $0xFFFFFFFF  }
0xb1: {  	[dreg:$0x0] =	wrdreg $0x60  }
0xb2: {  	[dreg:$0x2] =	wrdreg s2  }
0xb3: {  	[dreg:$0x3] =	wrdreg s18  }
0xb4: {  	[dreg:$0x4] =	wrdreg s4  }
0xb5: {  	[dreg:$0x5] =	wrdreg s5  }
0xb6: {  	[dreg:$0x6] =	wrdreg s24  }
0xb7: {  	[dreg:$0x7] =	wrdreg s6  }
0xb8: {  	[dreg:$0x8] =	wrdreg $0x9  }
0xb9: {  	_ =	task.clear_ibuf [dreg:s11], $0x9FFFF;
	_ =	strace $0x90000046  }
0xba: {  	s29 =	simm.s32 $0x9;
	_ =	strace $0x80000048  }
0xbb: {  	_ =	swait.ge [sflag:s29], $0x1  }
0xbc: {  	[sflag:s29] =	ssyncadd.s32 $0xFFFFFFFF  }
0xbd: {  	_ =	strace $0x90000048  }
0xbe: {  	_ =	sfence  }
0xbf: {  	s30 =	sld [smem:$0x0];
	_ =	sdelay $0x2  }
0xc0: {  	s31 =	sshll.u32 s1, $0xD;
	s1 =	sshrl.u32 s1, $0x2  }
0xc1: {  	s3 =	sand.u32 $0x4000, s31;
	s1 =	sadd.s32 s1, s30  }
0xc2: {  	s0 =	sor.u32 s3, s0;
	s1 =	sshll.u32 s1, $0x11  }
0xc3: {  	s0 =	sor.u32 s1, s0  }
0xc4: {  	s0 =	sadd.s32 $0x8F2B, s0  }
0xc5: {  	[sflag:s0] =	ssyncadd.remote.s32 $0x1  }
0xc6: {  	_ =	sfence.sel $0xFFFF  }
0xc7: {  	[dreg:$0x0] =	wrdreg $0xFFFFFFFF;
	(pc) =	sbr.abs _section_cstart, $3  }
0xc8: {  	[dreg:$0x1] =	wrdreg $0xFFFFFFFF  }
0xc9: {  	_ =	task.clear_ibuf [dreg:s11], $0x2FFFF;
	_ =	strace $0x9FFFFFFF  }
0xca: {  	(tm) =	ssettm $0x7FFFFFFF  }
0xcb: {  	_ =	shalt  }
tec
execute0_lowered:
.L_overlay_start_1:
0x0: {  	(tag) =	ssettag $0x1  }
0x1: {  	s2 =	srdreg.scid  }
0x2: {  	s0 =	rddreg [dreg:$0x4];
	s4 =	stileid.u32;
	s2 =	sand.u32 $0x1, s2  }
0x3: {  	s4 =	sshll.u32 s4, $0x11;
	s3 =	ssub.s32 $0x2, s2;
	s2 =	sshll.u32 s2, $0x10  }
0x4: {  	s1 =	rddreg [dreg:$0x5];
	s6 =	simm.s32 $0x0;
	s8 =	sor.u32 s2, s4  }
0x5: {  	[smem:$0x7FF] =	sst s6;
	s5 =	sadd.s32 s1, s8  }
0x6: {  	_ =	strace $0x80000047;
	s12 =	sor.u32 $0x800, s8;
	[dreg:$0xa] =	wrdreg s5  }
0x7: {  	s2 =	sor.u32 $0x1000, s8;
	[dreg:$0x7] =	wrdreg s12  }
0x8: {  	s4 =	sor.u32 $0x1800, s8;
	[dreg:$0x8] =	wrdreg s2  }
0x9: {  	s13 =	sor.u32 $0x2000, s8;
	[dreg:$0x9] =	wrdreg s4  }
0xa: {  	s14 =	sor.u32 $0x2800, s8;
	[dreg:$0xb] =	wrdreg s13  }
0xb: {  	s15 =	sor.u32 $0x3000, s8;
	[dreg:$0xd] =	wrdreg s14  }
0xc: {  	s16 =	sor.u32 $0x3800, s8;
	[dreg:$0xf] =	wrdreg s15  }
0xd: {  	s17 =	sor.u32 $0x4000, s8;
	[dreg:$0x11] =	wrdreg s16  }
0xe: {  	s18 =	sor.u32 $0x4800, s8;
	[dreg:$0x13] =	wrdreg s17  }
0xf: {  	s19 =	sor.u32 $0x5000, s8;
	[dreg:$0x15] =	wrdreg s18  }
0x10: {  	s20 =	sor.u32 $0x5800, s8;
	[dreg:$0x17] =	wrdreg s19  }
0x11: {  	s21 =	sor.u32 $0x6000, s8;
	[dreg:$0x19] =	wrdreg s20  }
0x12: {  	s22 =	sor.u32 $0x6800, s8;
	[dreg:$0x1b] =	wrdreg s21  }
0x13: {  	s23 =	sor.u32 $0x7000, s8;
	[dreg:$0x1d] =	wrdreg s22  }
0x14: {  	s24 =	sor.u32 $0x7800, s8;
	[dreg:$0x1f] =	wrdreg s23  }
0x15: {  	s25 =	sor.u32 $0x8000, s8;
	[smem:$0x7E2] =	sst s24  }
0x16: {  	s26 =	sor.u32 $0x8800, s8;
	[smem:$0x7E4] =	sst s25  }
0x17: {  	s9 =	sor.u32 $0x9000, s8;
	[smem:$0x7E6] =	sst s26  }
0x18: {  	s11 =	sshrl.u32 s3, $0x1;
	s10 =	sor.u32 $0x9800, s8;
	[smem:$0x7E8] =	sst s9  }
0x19: {  	s3 =	ssub.s32 s3, s11;
	s11 =	sor.u32 $0xA000, s8;
	[smem:$0x7EA] =	sst s10  }
0x1a: {  	s7 =	sadd.s32 $0x400, s0;
	s0 =	sadd.s32 s1, s12;
	[smem:$0x7EC] =	sst s11  }
0x1b: {  	s2 =	sadd.s32 s1, s2;
	[dreg:$0xc] =	wrdreg s0  }
0x1c: {  	s4 =	sadd.s32 s1, s4;
	[dreg:$0xe] =	wrdreg s2  }
0x1d: {  	s5 =	sadd.s32 s1, s13;
	[dreg:$0x10] =	wrdreg s4  }
0x1e: {  	s12 =	sor.u32 $0xA800, s8;
	[dreg:$0x12] =	wrdreg s5  }
0x1f: {  	s13 =	sor.u32 $0xB000, s8;
	[smem:$0x7EE] =	sst s12  }
0x20: {  	s0 =	sadd.s32 s1, s14;
	[smem:$0x7F0] =	sst s13  }
0x21: {  	s2 =	sadd.s32 s1, s15;
	[dreg:$0x14] =	wrdreg s0  }
0x22: {  	s4 =	sadd.s32 s1, s16;
	[dreg:$0x16] =	wrdreg s2  }
0x23: {  	s5 =	sadd.s32 s1, s17;
	[dreg:$0x18] =	wrdreg s4  }
0x24: {  	s14 =	sor.u32 $0xB800, s8;
	[dreg:$0x1a] =	wrdreg s5  }
0x25: {  	s15 =	sor.u32 $0xC000, s8;
	[smem:$0x7F2] =	sst s14  }
0x26: {  	s16 =	sor.u32 $0xC800, s8;
	[smem:$0x7F4] =	sst s15  }
0x27: {  	s0 =	sadd.s32 s1, s18;
	[smem:$0x7F6] =	sst s16  }
0x28: {  	s2 =	sadd.s32 s1, s19;
	[dreg:$0x1c] =	wrdreg s0  }
0x29: {  	s4 =	sadd.s32 s1, s20;
	[dreg:$0x1e] =	wrdreg s2  }
0x2a: {  	s5 =	sadd.s32 s1, s21;
	[smem:$0x7DE] =	sst s4  }
0x2b: {  	s29 =	simm.s32 $0x6;
	s17 =	sadd.s32 s1, s14;
	[smem:$0x7DF] =	sst s5  }
0x2c: {  	s31 =	simm.s32 $0xC;
	s18 =	sadd.s32 s1, s15;
	[smem:$0x7F3] =	sst s17  }
0x2d: {  	s28 =	sor.u32 $0xE800, s8;
	s0 =	sadd.s32 s1, s22;
	[smem:$0x7F5] =	sst s18  }
0x2e: {  	s30 =	sor.u32 $0xF000, s8;
	s2 =	sadd.s32 s1, s23;
	[smem:$0x7E0] =	sst s0  }
0x2f: {  	s21 =	sor.u32 $0xD000, s8;
	s4 =	sadd.s32 s1, s24;
	[smem:$0x7E1] =	sst s2  }
0x30: {  	s14 =	simm.s32 $0x1;
	s5 =	sadd.s32 s1, s25;
	[smem:$0x7E3] =	sst s4  }
0x31: {  	s15 =	simm.s32 $0x9;
	s19 =	sadd.s32 s1, s21;
	[smem:$0x7E5] =	sst s5  }
0x32: {  	s23 =	sor.u32 $0xD800, s8;
	s24 =	sadd.s32 s1, s28;
	[smem:$0x7F8] =	sst s19  }
0x33: {  	s25 =	sor.u32 $0xE000, s8;
	s0 =	sadd.s32 s1, s26;
	[smem:$0x7FB] =	sst s24  }
0x34: {  	s18 =	simm.s32 $0x2;
	s2 =	sadd.s32 s1, s9;
	[smem:$0x7E7] =	sst s0  }
0x35: {  	s17 =	simm.s32 $0xA;
	s4 =	sadd.s32 s1, s10;
	[smem:$0x7E9] =	sst s2  }
0x36: {  	s5 =	sadd.s32 s1, s11;
	s20 =	sadd.s32 s1, s23;
	[smem:$0x7EB] =	sst s4  }
0x37: {  	s22 =	sadd.s32 s1, s25;
	s26 =	sadd.s32 s1, s30;
	[smem:$0x7ED] =	sst s5  }
0x38: {  	s24 =	simm.s32 $0x10080;
	s11 =	simm.s32 $0x7;
	[smem:$0x7F9] =	sst s20  }
0x39: {  	s9 =	simm.s32 $0x4;
	s10 =	simm.s32 $0x5;
	[smem:$0x7FA] =	sst s22  }
0x3a: {  	s0 =	sadd.s32 s1, s12;
	s2 =	sadd.s32 s1, s13;
	[smem:$0x7FC] =	sst s26  }
0x3b: {  	s5 =	smax.u32 s3, $0x1;
	s12 =	simm.s32 $0xD;
	s3 =	simm.s32 $0x8080  }
.Ltmp0:
0x3c: {  	s20 =	simm.s32 $0xC080;
	s26 =	simm.s32 $0x14080;
	(pc) =	sbr.rel .LBB2_1-.Ltmp0, $4  }
0x3d: {  	s22 =	simm.s32 $0x3;
	[smem:$0x7EF] =	sst s0;
	s0 =	sadd.s32 s1, s16  }
0x3e: {  	s13 =	simm.s32 $0x8;
	[smem:$0x7F7] =	sst s0;
	s0 =	sor.u32 $0xF800, s8  }
0x3f: {  	s4 =	simm.s32 $0xB;
	[smem:$0x7F1] =	sst s2;
	s1 =	sadd.s32 s1, s0  }
0x40: {  	s16 =	simm.s32 $0x4080;
	[smem:$0x7FD] =	sst s1;
	s1 =	simm.s32 $0x80  }
.LBB2_7:
0x41: {  	s2 =	sadd.s32 s19, s8  }
0x42: {  	[tilespmem:s1], [sflag:$0x1] =	stream.linear.gather [hbm4b:s2+s6], $0x4000, $0x38;
	[tilespmem:$0x18080] =	vst v63  }
0x43: {  	s2 =	rddreg [dreg:$0x7]  }
0x44: {  	s2 =	sadd.s32 s19, s2  }
0x45: {  	[tilespmem:s16], [sflag:$0x2] =	stream.linear.gather [hbm4b:s2+s6], $0x4000, $0x38;
	[tilespmem:$0x18080] =	vst v63  }
0x46: {  	s2 =	rddreg [dreg:$0x8]  }
0x47: {  	s2 =	sadd.s32 s19, s2  }
0x48: {  	[tilespmem:s3], [sflag:$0x3] =	stream.linear.gather [hbm4b:s2+s6], $0x4000, $0x38;
	[tilespmem:$0x18080] =	vst v63  }
0x49: {  	s2 =	rddreg [dreg:$0x9]  }
0x4a: {  	s2 =	sadd.s32 s19, s2  }
0x4b: {  	[tilespmem:s20], [sflag:$0x4] =	stream.linear.gather [hbm4b:s2+s6], $0x4000, $0x38;
	[tilespmem:$0x18080] =	vst v63  }
0x4c: {  	_ =	swait.ge [sflag:s14], $0x4000  }
0x4d: {  	[sflag:s14] =	ssyncset.done $0x0  }
0x4e: {  	s2 =	rddreg [dreg:$0xa];
	[sflag:s14] =	ssyncadd.s32 $0xFFFFC000  }
0x4f: {  	[hbm4b:s2+s6] =	stream.linear.scatter [tilespmem:s1], [sflag:$0x7], $0x4000, $0x38;
	[tilespmem:$0x18080] =	vst v63  }
0x50: {  	s2 =	rddreg [dreg:$0xb]  }
0x51: {  	s2 =	sadd.s32 s19, s2  }
0x52: {  	[tilespmem:s24], [sflag:$0x5] =	stream.linear.gather [hbm4b:s2+s6], $0x4000, $0x38;
	[tilespmem:$0x18080] =	vst v63  }
0x53: {  	_ =	swait.ge [sflag:s18], $0x4000  }
0x54: {  	[sflag:s18] =	ssyncset.done $0x0  }
0x55: {  	s2 =	rddreg [dreg:$0xc];
	[sflag:s18] =	ssyncadd.s32 $0xFFFFC000  }
0x56: {  	[hbm4b:s2+s6] =	stream.linear.scatter [tilespmem:s16], [sflag:$0x8], $0x4000, $0x38;
	[tilespmem:$0x18080] =	vst v63  }
0x57: {  	s2 =	rddreg [dreg:$0xd]  }
0x58: {  	s2 =	sadd.s32 s19, s2  }
0x59: {  	[tilespmem:s26], [sflag:$0x6] =	stream.linear.gather [hbm4b:s2+s6], $0x4000, $0x38;
	[tilespmem:$0x18080] =	vst v63  }
0x5a: {  	_ =	swait.ge [sflag:s22], $0x4000  }
0x5b: {  	[sflag:s22] =	ssyncset.done $0x0  }
0x5c: {  	s2 =	rddreg [dreg:$0xe];
	[sflag:s22] =	ssyncadd.s32 $0xFFFFC000  }
0x5d: {  	[hbm4b:s2+s6] =	stream.linear.scatter [tilespmem:s3], [sflag:$0x9], $0x4000, $0x38;
	[tilespmem:$0x18080] =	vst v63  }
0x5e: {  	_ =	swait.ge [sflag:s11], $0x4000  }
0x5f: {  	[sflag:s11] =	ssyncset.done $0x0;
	s2 =	rddreg [dreg:$0xf]  }
0x60: {  	s2 =	sadd.s32 s19, s2;
	[sflag:s11] =	ssyncadd.s32 $0xFFFFC000  }
0x61: {  	[tilespmem:s1], [sflag:$0x1] =	stream.linear.gather [hbm4b:s2+s6], $0x4000, $0x38;
	[tilespmem:$0x18080] =	vst v63  }
0x62: {  	_ =	swait.ge [sflag:s9], $0x4000  }
0x63: {  	[sflag:s9] =	ssyncset.done $0x0  }
0x64: {  	s2 =	rddreg [dreg:$0x10];
	[sflag:s9] =	ssyncadd.s32 $0xFFFFC000  }
0x65: {  	[hbm4b:s2+s6] =	stream.linear.scatter [tilespmem:s20], [sflag:$0xA], $0x4000, $0x38;
	[tilespmem:$0x18080] =	vst v63  }
0x66: {  	_ =	swait.ge [sflag:s13], $0x4000  }
0x67: {  	[sflag:s13] =	ssyncset.done $0x0;
	s2 =	rddreg [dreg:$0x11]  }
0x68: {  	s2 =	sadd.s32 s19, s2;
	[sflag:s13] =	ssyncadd.s32 $0xFFFFC000  }
0x69: {  	[tilespmem:s16], [sflag:$0x2] =	stream.linear.gather [hbm4b:s2+s6], $0x4000, $0x38;
	[tilespmem:$0x18080] =	vst v63  }
0x6a: {  	_ =	swait.ge [sflag:s10], $0x4000  }
0x6b: {  	[sflag:s10] =	ssyncset.done $0x0  }
0x6c: {  	s2 =	rddreg [dreg:$0x12];
	[sflag:s10] =	ssyncadd.s32 $0xFFFFC000  }
0x6d: {  	[hbm4b:s2+s6] =	stream.linear.scatter [tilespmem:s24], [sflag:$0xB], $0x4000, $0x38;
	[tilespmem:$0x18080] =	vst v63  }
0x6e: {  	_ =	swait.ge [sflag:s15], $0x4000  }
0x6f: {  	[sflag:s15] =	ssyncset.done $0x0;
	s2 =	rddreg [dreg:$0x13]  }
0x70: {  	s2 =	sadd.s32 s19, s2;
	[sflag:s15] =	ssyncadd.s32 $0xFFFFC000  }
0x71: {  	[tilespmem:s3], [sflag:$0x3] =	stream.linear.gather [hbm4b:s2+s6], $0x4000, $0x38;
	[tilespmem:$0x18080] =	vst v63  }
0x72: {  	_ =	swait.ge [sflag:s29], $0x4000  }
0x73: {  	[sflag:s29] =	ssyncset.done $0x0  }
0x74: {  	s2 =	rddreg [dreg:$0x14];
	[sflag:s29] =	ssyncadd.s32 $0xFFFFC000  }
0x75: {  	[hbm4b:s2+s6] =	stream.linear.scatter [tilespmem:s26], [sflag:$0xC], $0x4000, $0x38;
	[tilespmem:$0x18080] =	vst v63  }
0x76: {  	_ =	swait.ge [sflag:s17], $0x4000  }
0x77: {  	[sflag:s17] =	ssyncset.done $0x0;
	s2 =	rddreg [dreg:$0x15]  }
0x78: {  	s2 =	sadd.s32 s19, s2;
	[sflag:s17] =	ssyncadd.s32 $0xFFFFC000  }
0x79: {  	[tilespmem:s20], [sflag:$0x4] =	stream.linear.gather [hbm4b:s2+s6], $0x4000, $0x38;
	[tilespmem:$0x18080] =	vst v63  }
0x7a: {  	_ =	swait.ge [sflag:s14], $0x4000  }
0x7b: {  	[sflag:s14] =	ssyncset.done $0x0  }
0x7c: {  	s2 =	rddreg [dreg:$0x16];
	[sflag:s14] =	ssyncadd.s32 $0xFFFFC000  }
0x7d: {  	[hbm4b:s2+s6] =	stream.linear.scatter [tilespmem:s1], [sflag:$0x7], $0x4000, $0x38;
	[tilespmem:$0x18080] =	vst v63  }
0x7e: {  	_ =	swait.ge [sflag:s4], $0x4000  }
0x7f: {  	[sflag:s4] =	ssyncset.done $0x0;
	s2 =	rddreg [dreg:$0x17]  }
0x80: {  	s2 =	sadd.s32 s19, s2;
	[sflag:s4] =	ssyncadd.s32 $0xFFFFC000  }
0x81: {  	[tilespmem:s24], [sflag:$0x5] =	stream.linear.gather [hbm4b:s2+s6], $0x4000, $0x38;
	[tilespmem:$0x18080] =	vst v63  }
0x82: {  	_ =	swait.ge [sflag:s18], $0x4000  }
0x83: {  	[sflag:s18] =	ssyncset.done $0x0  }
0x84: {  	s2 =	rddreg [dreg:$0x18];
	[sflag:s18] =	ssyncadd.s32 $0xFFFFC000  }
0x85: {  	[hbm4b:s2+s6] =	stream.linear.scatter [tilespmem:s16], [sflag:$0x8], $0x4000, $0x38;
	[tilespmem:$0x18080] =	vst v63  }
0x86: {  	_ =	swait.ge [sflag:s31], $0x4000  }
0x87: {  	[sflag:s31] =	ssyncset.done $0x0;
	s2 =	rddreg [dreg:$0x19]  }
0x88: {  	s2 =	sadd.s32 s19, s2;
	[sflag:s31] =	ssyncadd.s32 $0xFFFFC000  }
0x89: {  	[tilespmem:s26], [sflag:$0x6] =	stream.linear.gather [hbm4b:s2+s6], $0x4000, $0x38;
	[tilespmem:$0x18080] =	vst v63  }
0x8a: {  	_ =	swait.ge [sflag:s22], $0x4000  }
0x8b: {  	[sflag:s22] =	ssyncset.done $0x0  }
0x8c: {  	s2 =	rddreg [dreg:$0x1a];
	[sflag:s22] =	ssyncadd.s32 $0xFFFFC000  }
0x8d: {  	[hbm4b:s2+s6] =	stream.linear.scatter [tilespmem:s3], [sflag:$0x9], $0x4000, $0x38;
	[tilespmem:$0x18080] =	vst v63  }
0x8e: {  	_ =	swait.ge [sflag:s11], $0x4000  }
0x8f: {  	[sflag:s11] =	ssyncset.done $0x0;
	s2 =	rddreg [dreg:$0x1b]  }
0x90: {  	s2 =	sadd.s32 s19, s2;
	[sflag:s11] =	ssyncadd.s32 $0xFFFFC000  }
0x91: {  	[tilespmem:s1], [sflag:$0x1] =	stream.linear.gather [hbm4b:s2+s6], $0x4000, $0x38;
	[tilespmem:$0x18080] =	vst v63  }
0x92: {  	_ =	swait.ge [sflag:s9], $0x4000  }
0x93: {  	[sflag:s9] =	ssyncset.done $0x0  }
0x94: {  	s2 =	rddreg [dreg:$0x1c];
	[sflag:s9] =	ssyncadd.s32 $0xFFFFC000  }
0x95: {  	[hbm4b:s2+s6] =	stream.linear.scatter [tilespmem:s20], [sflag:$0xA], $0x4000, $0x38;
	[tilespmem:$0x18080] =	vst v63  }
0x96: {  	_ =	swait.ge [sflag:s13], $0x4000  }
0x97: {  	[sflag:s13] =	ssyncset.done $0x0;
	s2 =	rddreg [dreg:$0x1d]  }
0x98: {  	s2 =	sadd.s32 s19, s2;
	[sflag:s13] =	ssyncadd.s32 $0xFFFFC000  }
0x99: {  	[tilespmem:s16], [sflag:$0x2] =	stream.linear.gather [hbm4b:s2+s6], $0x4000, $0x38;
	[tilespmem:$0x18080] =	vst v63  }
0x9a: {  	_ =	swait.ge [sflag:s10], $0x4000  }
0x9b: {  	[sflag:s10] =	ssyncset.done $0x0  }
0x9c: {  	s2 =	rddreg [dreg:$0x1e];
	[sflag:s10] =	ssyncadd.s32 $0xFFFFC000  }
0x9d: {  	[hbm4b:s2+s6] =	stream.linear.scatter [tilespmem:s24], [sflag:$0xB], $0x4000, $0x38;
	[tilespmem:$0x18080] =	vst v63  }
0x9e: {  	_ =	swait.ge [sflag:s15], $0x4000  }
0x9f: {  	[sflag:s15] =	ssyncset.done $0x0;
	s2 =	rddreg [dreg:$0x1f]  }
0xa0: {  	s2 =	sadd.s32 s19, s2;
	[sflag:s15] =	ssyncadd.s32 $0xFFFFC000  }
0xa1: {  	[tilespmem:s3], [sflag:$0x3] =	stream.linear.gather [hbm4b:s2+s6], $0x4000, $0x38;
	[tilespmem:$0x18080] =	vst v63  }
0xa2: {  	_ =	swait.ge [sflag:s29], $0x4000  }
0xa3: {  	s2 =	sld [smem:$0x7DE]  }
0xa4: {  	[sflag:s29] =	ssyncset.done $0x0  }
0xa5: {  	[sflag:s29] =	ssyncadd.s32 $0xFFFFC000  }
0xa6: {  	[hbm4b:s2+s6] =	stream.linear.scatter [tilespmem:s26], [sflag:$0xC], $0x4000, $0x38;
	[tilespmem:$0x18080] =	vst v63  }
0xa7: {  	_ =	swait.ge [sflag:s17], $0x4000  }
0xa8: {  	s2 =	sld [smem:$0x7E2];
	_ =	sdelay $0x1  }
0xa9: {  	[sflag:s17] =	ssyncset.done $0x0  }
0xaa: {  	[sflag:s17] =	ssyncadd.s32 $0xFFFFC000;
	s2 =	sadd.s32 s19, s2  }
0xab: {  	[tilespmem:s20], [sflag:$0x4] =	stream.linear.gather [hbm4b:s2+s6], $0x4000, $0x38;
	[tilespmem:$0x18080] =	vst v63  }
0xac: {  	_ =	swait.ge [sflag:s14], $0x4000  }
0xad: {  	s2 =	sld [smem:$0x7DF]  }
0xae: {  	[sflag:s14] =	ssyncset.done $0x0  }
0xaf: {  	[sflag:s14] =	ssyncadd.s32 $0xFFFFC000  }
0xb0: {  	[hbm4b:s2+s6] =	stream.linear.scatter [tilespmem:s1], [sflag:$0x7], $0x4000, $0x38;
	[tilespmem:$0x18080] =	vst v63  }
0xb1: {  	_ =	swait.ge [sflag:s4], $0x4000  }
0xb2: {  	s2 =	sld [smem:$0x7E4];
	_ =	sdelay $0x1  }
0xb3: {  	[sflag:s4] =	ssyncset.done $0x0  }
0xb4: {  	[sflag:s4] =	ssyncadd.s32 $0xFFFFC000;
	s2 =	sadd.s32 s19, s2  }
0xb5: {  	[tilespmem:s24], [sflag:$0x5] =	stream.linear.gather [hbm4b:s2+s6], $0x4000, $0x38;
	[tilespmem:$0x18080] =	vst v63  }
0xb6: {  	_ =	swait.ge [sflag:s18], $0x4000  }
0xb7: {  	s2 =	sld [smem:$0x7E0]  }
0xb8: {  	[sflag:s18] =	ssyncset.done $0x0  }
0xb9: {  	[sflag:s18] =	ssyncadd.s32 $0xFFFFC000  }
0xba: {  	[hbm4b:s2+s6] =	stream.linear.scatter [tilespmem:s16], [sflag:$0x8], $0x4000, $0x38;
	[tilespmem:$0x18080] =	vst v63  }
0xbb: {  	_ =	swait.ge [sflag:s31], $0x4000  }
0xbc: {  	s2 =	sld [smem:$0x7E6];
	_ =	sdelay $0x1  }
0xbd: {  	[sflag:s31] =	ssyncset.done $0x0  }
0xbe: {  	[sflag:s31] =	ssyncadd.s32 $0xFFFFC000;
	s2 =	sadd.s32 s19, s2  }
0xbf: {  	[tilespmem:s26], [sflag:$0x6] =	stream.linear.gather [hbm4b:s2+s6], $0x4000, $0x38;
	[tilespmem:$0x18080] =	vst v63  }
0xc0: {  	_ =	swait.ge [sflag:s22], $0x4000  }
0xc1: {  	s2 =	sld [smem:$0x7E1]  }
0xc2: {  	[sflag:s22] =	ssyncset.done $0x0  }
0xc3: {  	[sflag:s22] =	ssyncadd.s32 $0xFFFFC000  }
0xc4: {  	[hbm4b:s2+s6] =	stream.linear.scatter [tilespmem:s3], [sflag:$0x9], $0x4000, $0x38;
	[tilespmem:$0x18080] =	vst v63  }
0xc5: {  	_ =	swait.ge [sflag:s11], $0x4000  }
0xc6: {  	s2 =	sld [smem:$0x7E8];
	_ =	sdelay $0x1  }
0xc7: {  	[sflag:s11] =	ssyncset.done $0x0  }
0xc8: {  	[sflag:s11] =	ssyncadd.s32 $0xFFFFC000;
	s2 =	sadd.s32 s19, s2  }
0xc9: {  	[tilespmem:s1], [sflag:$0x1] =	stream.linear.gather [hbm4b:s2+s6], $0x4000, $0x38;
	[tilespmem:$0x18080] =	vst v63  }
0xca: {  	_ =	swait.ge [sflag:s9], $0x4000  }
0xcb: {  	s2 =	sld [smem:$0x7E3]  }
0xcc: {  	[sflag:s9] =	ssyncset.done $0x0  }
0xcd: {  	[sflag:s9] =	ssyncadd.s32 $0xFFFFC000  }
0xce: {  	[hbm4b:s2+s6] =	stream.linear.scatter [tilespmem:s20], [sflag:$0xA], $0x4000, $0x38;
	[tilespmem:$0x18080] =	vst v63  }
0xcf: {  	_ =	swait.ge [sflag:s13], $0x4000  }
0xd0: {  	s2 =	sld [smem:$0x7EA];
	_ =	sdelay $0x1  }
0xd1: {  	[sflag:s13] =	ssyncset.done $0x0  }
0xd2: {  	[sflag:s13] =	ssyncadd.s32 $0xFFFFC000;
	s2 =	sadd.s32 s19, s2  }
0xd3: {  	[tilespmem:s16], [sflag:$0x2] =	stream.linear.gather [hbm4b:s2+s6], $0x4000, $0x38;
	[tilespmem:$0x18080] =	vst v63  }
0xd4: {  	_ =	swait.ge [sflag:s10], $0x4000  }
0xd5: {  	s2 =	sld [smem:$0x7E5]  }
0xd6: {  	[sflag:s10] =	ssyncset.done $0x0  }
0xd7: {  	[sflag:s10] =	ssyncadd.s32 $0xFFFFC000  }
0xd8: {  	[hbm4b:s2+s6] =	stream.linear.scatter [tilespmem:s24], [sflag:$0xB], $0x4000, $0x38;
	[tilespmem:$0x18080] =	vst v63  }
0xd9: {  	_ =	swait.ge [sflag:s15], $0x4000  }
0xda: {  	s2 =	sld [smem:$0x7EC];
	_ =	sdelay $0x1  }
0xdb: {  	[sflag:s15] =	ssyncset.done $0x0  }
0xdc: {  	[sflag:s15] =	ssyncadd.s32 $0xFFFFC000;
	s2 =	sadd.s32 s19, s2  }
0xdd: {  	[tilespmem:s3], [sflag:$0x3] =	stream.linear.gather [hbm4b:s2+s6], $0x4000, $0x38;
	[tilespmem:$0x18080] =	vst v63  }
0xde: {  	_ =	swait.ge [sflag:s29], $0x4000  }
0xdf: {  	s2 =	sld [smem:$0x7E7]  }
0xe0: {  	[sflag:s29] =	ssyncset.done $0x0  }
0xe1: {  	[sflag:s29] =	ssyncadd.s32 $0xFFFFC000  }
0xe2: {  	[hbm4b:s2+s6] =	stream.linear.scatter [tilespmem:s26], [sflag:$0xC], $0x4000, $0x38;
	[tilespmem:$0x18080] =	vst v63  }
0xe3: {  	_ =	swait.ge [sflag:s17], $0x4000  }
0xe4: {  	s2 =	sld [smem:$0x7EE];
	_ =	sdelay $0x1  }
0xe5: {  	[sflag:s17] =	ssyncset.done $0x0  }
0xe6: {  	[sflag:s17] =	ssyncadd.s32 $0xFFFFC000;
	s2 =	sadd.s32 s19, s2  }
0xe7: {  	[tilespmem:s20], [sflag:$0x4] =	stream.linear.gather [hbm4b:s2+s6], $0x4000, $0x38;
	[tilespmem:$0x18080] =	vst v63  }
0xe8: {  	_ =	swait.ge [sflag:s14], $0x4000  }
0xe9: {  	s2 =	sld [smem:$0x7E9]  }
0xea: {  	[sflag:s14] =	ssyncset.done $0x0  }
0xeb: {  	[sflag:s14] =	ssyncadd.s32 $0xFFFFC000  }
0xec: {  	[hbm4b:s2+s6] =	stream.linear.scatter [tilespmem:s1], [sflag:$0x7], $0x4000, $0x38;
	[tilespmem:$0x18080] =	vst v63  }
0xed: {  	_ =	swait.ge [sflag:s4], $0x4000  }
0xee: {  	s2 =	sld [smem:$0x7F0];
	_ =	sdelay $0x1  }
0xef: {  	[sflag:s4] =	ssyncset.done $0x0  }
0xf0: {  	[sflag:s4] =	ssyncadd.s32 $0xFFFFC000;
	s2 =	sadd.s32 s19, s2  }
0xf1: {  	[tilespmem:s24], [sflag:$0x5] =	stream.linear.gather [hbm4b:s2+s6], $0x4000, $0x38;
	[tilespmem:$0x18080] =	vst v63  }
0xf2: {  	_ =	swait.ge [sflag:s18], $0x4000  }
0xf3: {  	s2 =	sld [smem:$0x7EB]  }
0xf4: {  	[sflag:s18] =	ssyncset.done $0x0  }
0xf5: {  	[sflag:s18] =	ssyncadd.s32 $0xFFFFC000  }
0xf6: {  	[hbm4b:s2+s6] =	stream.linear.scatter [tilespmem:s16], [sflag:$0x8], $0x4000, $0x38;
	[tilespmem:$0x18080] =	vst v63  }
0xf7: {  	_ =	swait.ge [sflag:s31], $0x4000  }
0xf8: {  	s2 =	sld [smem:$0x7F2];
	_ =	sdelay $0x1  }
0xf9: {  	[sflag:s31] =	ssyncset.done $0x0  }
0xfa: {  	[sflag:s31] =	ssyncadd.s32 $0xFFFFC000;
	s2 =	sadd.s32 s19, s2  }
0xfb: {  	[tilespmem:s26], [sflag:$0x6] =	stream.linear.gather [hbm4b:s2+s6], $0x4000, $0x38;
	[tilespmem:$0x18080] =	vst v63  }
0xfc: {  	_ =	swait.ge [sflag:s22], $0x4000  }
0xfd: {  	s2 =	sld [smem:$0x7ED]  }
0xfe: {  	[sflag:s22] =	ssyncset.done $0x0  }
0xff: {  	[sflag:s22] =	ssyncadd.s32 $0xFFFFC000  }
0x100: {  	[hbm4b:s2+s6] =	stream.linear.scatter [tilespmem:s3], [sflag:$0x9], $0x4000, $0x38;
	[tilespmem:$0x18080] =	vst v63  }
0x101: {  	_ =	swait.ge [sflag:s11], $0x4000  }
0x102: {  	s2 =	sld [smem:$0x7F4];
	_ =	sdelay $0x1  }
0x103: {  	[sflag:s11] =	ssyncset.done $0x0  }
0x104: {  	[sflag:s11] =	ssyncadd.s32 $0xFFFFC000;
	s2 =	sadd.s32 s19, s2  }
0x105: {  	[tilespmem:s1], [sflag:$0x1] =	stream.linear.gather [hbm4b:s2+s6], $0x4000, $0x38;
	[tilespmem:$0x18080] =	vst v63  }
0x106: {  	_ =	swait.ge [sflag:s9], $0x4000  }
0x107: {  	s2 =	sld [smem:$0x7EF]  }
0x108: {  	[sflag:s9] =	ssyncset.done $0x0  }
0x109: {  	[sflag:s9] =	ssyncadd.s32 $0xFFFFC000  }
0x10a: {  	[hbm4b:s2+s6] =	stream.linear.scatter [tilespmem:s20], [sflag:$0xA], $0x4000, $0x38;
	[tilespmem:$0x18080] =	vst v63  }
0x10b: {  	_ =	swait.ge [sflag:s13], $0x4000  }
0x10c: {  	s2 =	sld [smem:$0x7F6];
	_ =	sdelay $0x1  }
0x10d: {  	[sflag:s13] =	ssyncset.done $0x0  }
0x10e: {  	[sflag:s13] =	ssyncadd.s32 $0xFFFFC000;
	s2 =	sadd.s32 s19, s2  }
0x10f: {  	[tilespmem:s16], [sflag:$0x2] =	stream.linear.gather [hbm4b:s2+s6], $0x4000, $0x38;
	[tilespmem:$0x18080] =	vst v63  }
0x110: {  	_ =	swait.ge [sflag:s10], $0x4000  }
0x111: {  	s2 =	sld [smem:$0x7F1]  }
0x112: {  	[sflag:s10] =	ssyncset.done $0x0  }
0x113: {  	[sflag:s10] =	ssyncadd.s32 $0xFFFFC000  }
0x114: {  	[hbm4b:s2+s6] =	stream.linear.scatter [tilespmem:s24], [sflag:$0xB], $0x4000, $0x38;
	[tilespmem:$0x18080] =	vst v63  }
0x115: {  	_ =	swait.ge [sflag:s15], $0x4000  }
0x116: {  	[sflag:s15] =	ssyncset.done $0x0  }
0x117: {  	s2 =	sadd.s32 s19, s21;
	[sflag:s15] =	ssyncadd.s32 $0xFFFFC000  }
0x118: {  	[tilespmem:s3], [sflag:$0x3] =	stream.linear.gather [hbm4b:s2+s6], $0x4000, $0x38;
	[tilespmem:$0x18080] =	vst v63  }
0x119: {  	_ =	swait.ge [sflag:s29], $0x4000  }
0x11a: {  	s2 =	sld [smem:$0x7F3]  }
0x11b: {  	[sflag:s29] =	ssyncset.done $0x0  }
0x11c: {  	[sflag:s29] =	ssyncadd.s32 $0xFFFFC000  }
0x11d: {  	[hbm4b:s2+s6] =	stream.linear.scatter [tilespmem:s26], [sflag:$0xC], $0x4000, $0x38;
	[tilespmem:$0x18080] =	vst v63  }
0x11e: {  	_ =	swait.ge [sflag:s17], $0x4000  }
0x11f: {  	[sflag:s17] =	ssyncset.done $0x0  }
0x120: {  	s2 =	sadd.s32 s19, s23;
	[sflag:s17] =	ssyncadd.s32 $0xFFFFC000  }
0x121: {  	[tilespmem:s20], [sflag:$0x4] =	stream.linear.gather [hbm4b:s2+s6], $0x4000, $0x38;
	[tilespmem:$0x18080] =	vst v63  }
0x122: {  	_ =	swait.ge [sflag:s14], $0x4000  }
0x123: {  	s2 =	sld [smem:$0x7F5]  }
0x124: {  	[sflag:s14] =	ssyncset.done $0x0  }
0x125: {  	[sflag:s14] =	ssyncadd.s32 $0xFFFFC000  }
0x126: {  	[hbm4b:s2+s6] =	stream.linear.scatter [tilespmem:s1], [sflag:$0x7], $0x4000, $0x38;
	[tilespmem:$0x18080] =	vst v63  }
0x127: {  	_ =	swait.ge [sflag:s4], $0x4000  }
0x128: {  	[sflag:s4] =	ssyncset.done $0x0  }
0x129: {  	s2 =	sadd.s32 s19, s25;
	[sflag:s4] =	ssyncadd.s32 $0xFFFFC000  }
0x12a: {  	[tilespmem:s24], [sflag:$0x5] =	stream.linear.gather [hbm4b:s2+s6], $0x4000, $0x38;
	[tilespmem:$0x18080] =	vst v63  }
0x12b: {  	_ =	swait.ge [sflag:s18], $0x4000  }
0x12c: {  	s2 =	sld [smem:$0x7F7]  }
0x12d: {  	[sflag:s18] =	ssyncset.done $0x0  }
0x12e: {  	[sflag:s18] =	ssyncadd.s32 $0xFFFFC000  }
0x12f: {  	[hbm4b:s2+s6] =	stream.linear.scatter [tilespmem:s16], [sflag:$0x8], $0x4000, $0x38;
	[tilespmem:$0x18080] =	vst v63  }
0x130: {  	_ =	swait.ge [sflag:s31], $0x4000  }
0x131: {  	[sflag:s31] =	ssyncset.done $0x0  }
0x132: {  	s2 =	sadd.s32 s19, s28;
	[sflag:s31] =	ssyncadd.s32 $0xFFFFC000  }
0x133: {  	[tilespmem:s26], [sflag:$0x6] =	stream.linear.gather [hbm4b:s2+s6], $0x4000, $0x38;
	[tilespmem:$0x18080] =	vst v63  }
0x134: {  	_ =	swait.ge [sflag:s22], $0x4000  }
0x135: {  	s2 =	sld [smem:$0x7F8]  }
0x136: {  	[sflag:s22] =	ssyncset.done $0x0  }
0x137: {  	[sflag:s22] =	ssyncadd.s32 $0xFFFFC000  }
0x138: {  	[hbm4b:s2+s6] =	stream.linear.scatter [tilespmem:s3], [sflag:$0x9], $0x4000, $0x38;
	[tilespmem:$0x18080] =	vst v63  }
0x139: {  	_ =	swait.ge [sflag:s11], $0x4000  }
0x13a: {  	[sflag:s11] =	ssyncset.done $0x0  }
0x13b: {  	s2 =	sadd.s32 s19, s30;
	[sflag:s11] =	ssyncadd.s32 $0xFFFFC000  }
0x13c: {  	[tilespmem:s1], [sflag:$0x1] =	stream.linear.gather [hbm4b:s2+s6], $0x4000, $0x38;
	[tilespmem:$0x18080] =	vst v63  }
0x13d: {  	_ =	swait.ge [sflag:s9], $0x4000  }
0x13e: {  	s2 =	sld [smem:$0x7F9]  }
0x13f: {  	[sflag:s9] =	ssyncset.done $0x0  }
0x140: {  	[sflag:s9] =	ssyncadd.s32 $0xFFFFC000  }
0x141: {  	[hbm4b:s2+s6] =	stream.linear.scatter [tilespmem:s20], [sflag:$0xA], $0x4000, $0x38;
	[tilespmem:$0x18080] =	vst v63  }
0x142: {  	_ =	swait.ge [sflag:s13], $0x4000  }
0x143: {  	[sflag:s13] =	ssyncset.done $0x0  }
0x144: {  	s19 =	sadd.s32 s19, s0;
	[sflag:s13] =	ssyncadd.s32 $0xFFFFC000  }
0x145: {  	[tilespmem:s16], [sflag:$0x2] =	stream.linear.gather [hbm4b:s19+s6], $0x4000, $0x38;
	[tilespmem:$0x18080] =	vst v63  }
0x146: {  	_ =	swait.ge [sflag:s10], $0x4000  }
0x147: {  	s19 =	sld [smem:$0x7FA]  }
0x148: {  	[sflag:s10] =	ssyncset.done $0x0  }
0x149: {  	[sflag:s10] =	ssyncadd.s32 $0xFFFFC000  }
0x14a: {  	[hbm4b:s19+s6] =	stream.linear.scatter [tilespmem:s24], [sflag:$0xB], $0x4000, $0x38;
	[tilespmem:$0x18080] =	vst v63  }
0x14b: {  	_ =	swait.ge [sflag:s29], $0x4000  }
0x14c: {  	s19 =	sld [smem:$0x7FB]  }
0x14d: {  	[sflag:s29] =	ssyncset.done $0x0  }
0x14e: {  	[sflag:s29] =	ssyncadd.s32 $0xFFFFC000  }
0x14f: {  	[hbm4b:s19+s6] =	stream.linear.scatter [tilespmem:s26], [sflag:$0xC], $0x4000, $0x38;
	[tilespmem:$0x18080] =	vst v63  }
0x150: {  	_ =	swait.ge [sflag:s14], $0x4000  }
0x151: {  	s19 =	sld [smem:$0x7FC]  }
0x152: {  	[sflag:s14] =	ssyncset.done $0x0  }
0x153: {  	[sflag:s14] =	ssyncadd.s32 $0xFFFFC000  }
0x154: {  	[hbm4b:s19+s6] =	stream.linear.scatter [tilespmem:s1], [sflag:$0x7], $0x4000, $0x38;
	[tilespmem:$0x18080] =	vst v63  }
0x155: {  	_ =	swait.ge [sflag:s18], $0x4000  }
0x156: {  	s19 =	sld [smem:$0x7FD]  }
0x157: {  	[sflag:s18] =	ssyncset.done $0x0  }
0x158: {  	[sflag:s18] =	ssyncadd.s32 $0xFFFFC000  }
0x159: {  	[hbm4b:s19+s6] =	stream.linear.scatter [tilespmem:s16], [sflag:$0x8], $0x4000, $0x38;
	[tilespmem:$0x18080] =	vst v63  }
0x15a: {  	_ =	swait.ge [sflag:s15], $0x4000  }
0x15b: {  	[sflag:s15] =	ssyncset.done $0x0  }
0x15c: {  	[sflag:s15] =	ssyncadd.s32 $0xFFFFC000  }
0x15d: {  	_ =	swait.ge [sflag:s17], $0x4000  }
0x15e: {  	[sflag:s17] =	ssyncset.done $0x0  }
0x15f: {  	[sflag:s17] =	ssyncadd.s32 $0xFFFFC000  }
0x160: {  	_ =	swait.ge [sflag:s4], $0x4000  }
0x161: {  	[sflag:s4] =	ssyncset.done $0x0  }
0x162: {  	[sflag:s4] =	ssyncadd.s32 $0xFFFFC000  }
0x163: {  	_ =	swait.ge [sflag:s31], $0x4000  }
0x164: {  	[sflag:s31] =	ssyncset.done $0x0  }
0x165: {  	[sflag:s31] =	ssyncadd.s32 $0xFFFFC000  }
0x166: {  	_ =	swait.ge [sflag:s11], $0x4000  }
0x167: {  	[sflag:s11] =	ssyncset.done $0x0  }
0x168: {  	[sflag:s11] =	ssyncadd.s32 $0xFFFFC000  }
0x169: {  	_ =	swait.ge [sflag:s13], $0x4000  }
0x16a: {  	[sflag:s13] =	ssyncset.done $0x0  }
0x16b: {  	[sflag:s13] =	ssyncadd.s32 $0xFFFFC000  }
.LBB2_8:
0x16c: {  	s5 =	sadd.s32 $0xFFFFFFFF, s5  }
0x16d: {  	p0 =	sne.s32 s5, $0x0  }
.Ltmp1:
0x16e: {  	_ = 	snop;
	(pc) =	sbr.rel @!p0 .LBB2_9-.Ltmp1, $1  }
0x16f: {  	_ =	sdelay $0x3  }
.LBB2_1:
0x170: {  	[tilespmem:s6], [sflag:$0xD] =	stream.linear.gather [hbm4b:s7+s6], $0x80, $0x38;
	[tilespmem:$0x18080] =	vst v63  }
0x171: {  	_ =	swait.ge [sflag:s12], $0x80  }
0x172: {  	[sflag:s12] =	ssyncset.done $0x0  }
0x173: {  	[sflag:s12] =	ssyncadd.s32 $0xFFFFFF80  }
0x174: {  	v0 =	vld [tilespmem:$0x0];
	_ =	sdelay $0x4  }
0x175: {  	(v2sf) =	vpush v0, $0x0;
	_ =	sdelay $0xe  }
0x176: {  	s2 =	spop (v2sf)  }
0x177: {  	p0 =	sgt.s32 s2, $0x1  }
.Ltmp2:
0x178: {  	_ = 	snop;
	(pc) =	sbr.rel @p0 .LBB2_4-.Ltmp2, $1  }
0x179: {  	_ =	sdelay $0x3  }
0x17a: {  	p0 =	seq.s32 s2, $0x0  }
0x17b: {  	p1 =	seq.s32 @!p0 s2, $0x1  }
0x17c: {  	p1 =	por p0, p1  }
.Ltmp3:
0x17d: {  	_ = 	snop;
	(pc) =	sbr.rel @!p1 .LBB2_8-.Ltmp3, $1  }
0x17e: {  	_ =	sdelay $0x3  }
.Ltmp4:
0x17f: {  	(pc) =	sbr.rel .LBB2_7-.Ltmp4, $4  }
0x180: {  	_ = 	snop  }
0x181: {  	s19 =	rddreg [dreg:$0x1]  }
0x182: {  	s2 =	rddreg [dreg:$0x0]  }
0x183: {  	s19 =	smov.u32 @p0 s2  }
.LBB2_4:
0x184: {  	p0 =	seq.s32 s2, $0x2  }
.Ltmp5:
0x185: {  	_ = 	snop;
	(pc) =	sbr.rel @p0 .LBB2_7-.Ltmp5, $2  }
0x186: {  	_ =	sdelay $0x2  }
0x187: {  	s19 =	rddreg [dreg:$0x2]  }
0x188: {  	p0 =	seq.s32 s2, $0x3  }
.Ltmp6:
0x189: {  	_ = 	snop;
	(pc) =	sbr.rel @!p0 .LBB2_8-.Ltmp6, $1  }
0x18a: {  	_ =	sdelay $0x3  }
.Ltmp7:
0x18b: {  	(pc) =	sbr.rel .LBB2_7-.Ltmp7, $2  }
0x18c: {  	_ =	sdelay $0x2  }
0x18d: {  	s19 =	rddreg [dreg:$0x3]  }
.LBB2_9:
0x18e: {  	_ =	sfence.sel $0x180000  }
0x18f: {  	[bflag:$0x0] =	sbarrier.arrive $0xFFFF  }
0x190: {  	_ =	strace $0x90000047  }
0x191: {  	s0 =	stileid.u32;
	[bflag:$0x2] =	sbarrier.arrive $0xFFFF  }
0x192: {  	p0 =	sne.s32 s0, $0x0;
	s0 =	rddreg [dreg:$0x6]  }
0x193: {  	s0 =	sadd.s32 @!p0 $0x100000, s0  }
0x194: {  	[sflag:s0] =	ssyncadd.tile.s32 @!p0 $0x1;
	_ =	shalt  }
.Lfunc_end2:
_tile_overlayer_lowered:
.L_overlay_start_2:
0x195: {  	(tag) =	ssettag $0x2  }
0x196: {  	s0 =	rddreg [dreg:$0x0];
	s2 =	stileid.u32  }
0x197: {  	s1 =	rddreg [dreg:$0x1];
	p0 =	sne.s32 s2, $0x0  }
0x198: {  	s3 =	rddreg [dreg:$0x2];
	[bflag:$0x3] =	sbarrier.arrive $0xFFFF;
	s2 =	simm.s32 @!p0 $0x1C0D  }
0x199: {  	[timem:s3], [sflag:s2] =	dma.local @!p0 [hbm:s0], s1  }
0x19a: {  	s0 =	simm.s32 @!p0 $0xD  }
0x19b: {  	_ =	swait.ge @!p0 [sflag:s0], s1  }
0x19c: {  	s1 =	ssub.s32 @!p0 $0x0, s1;
	[sflag:s0] =	ssyncset.done @!p0 $0x0  }
0x19d: {  	[sflag:s0] =	ssyncadd.s32 @!p0 s1  }
0x19e: {  	[bflag:$0x3] =	sbarrier.arrive $0xFFFF  }
0x19f: {  	_ =	shalt  }

</sc_bundles>
